<compile_context>
chip_gen: v7x
topology: tpu7x:2x2x1
jax: 0.10.2.dev20260603
libtpu: 0.0.44.dev20260713+nightly
codegen_flags: <defaults>
</compile_context>

<pallas_src>
import functools
import jax
import jax.numpy as jnp
from jax import lax
from jax.experimental import pallas as pl
from jax.experimental.pallas import tpu as pltpu
from jax.experimental.pallas import tpu_sc as plsc

_N = 5000
_NPAD = 5120
_C = 20
_K = 200
_KPAD = 256
_IMG_H = 600.0
_IMG_W = 800.0
_SCORE_THR = 0.05
_NMS_THR = 0.3
_NEG = -1e30


def _dense_body(score_ref, prop_ref, dy_ref, dx_ref, dh_ref, dw_ref,
                m_ref, y1_ref, x1_ref, y2_ref, x2_ref):
    score = score_ref[...]
    mx = jnp.max(score, axis=0, keepdims=True)
    e = jnp.exp(score - mx)
    prob = e / jnp.sum(e, axis=0, keepdims=True)

    lane = lax.broadcasted_iota(jnp.int32, (_C, _NPAD), 1)
    valid = lane < _N
    probc = prob[1:, :]
    m_ref[...] = jnp.where((probc > _SCORE_THR) & valid, probc, -1.0)

    prop = prop_ref[...]
    h = prop[2:3] - prop[0:1]
    w = prop[3:4] - prop[1:2]
    cy = prop[0:1] + 0.5 * h
    cx = prop[1:2] + 0.5 * w

    dy = dy_ref[...] * 0.1
    dx = dx_ref[...] * 0.1
    dh = dh_ref[...] * 0.2
    dw = dw_ref[...] * 0.2
    cy2 = dy * h + cy
    cx2 = dx * w + cx
    h2 = jnp.exp(dh) * h
    w2 = jnp.exp(dw) * w
    y1_ref[...] = jnp.clip(cy2 - 0.5 * h2, 0.0, _IMG_H)
    x1_ref[...] = jnp.clip(cx2 - 0.5 * w2, 0.0, _IMG_W)
    y2_ref[...] = jnp.clip(cy2 + 0.5 * h2, 0.0, _IMG_H)
    x2_ref[...] = jnp.clip(cx2 + 0.5 * w2, 0.0, _IMG_W)


def _sc_body(m_hbm, y1_hbm, x1_hbm, y2_hbm, x2_hbm,
             ov_hbm, oy1_hbm, ox1_hbm, oy2_hbm, ox2_hbm,
             m_v, y1_v, x1_v, y2_v, x2_v, cval_v, cidx_v, vmax_v,
             gval_v, oidx_v, gy1_v, gx1_v, gy2_v, gx2_v,
             area_v, keep_v, ov_v, oy1_v, ox1_v, oy2_v, ox2_v):
    wid = lax.axis_index("s") * 2 + lax.axis_index("c")
    iota16 = lax.iota(jnp.int32, 16)

    @pl.when(wid < _C)
    def _():
        c = wid
        pltpu.sync_copy(m_hbm.at[c], m_v)
        pltpu.sync_copy(y1_hbm.at[c], y1_v)
        pltpu.sync_copy(x1_hbm.at[c], x1_v)
        pltpu.sync_copy(y2_hbm.at[c], y2_v)
        pltpu.sync_copy(x2_hbm.at[c], x2_v)

        def comp_body(j4, n):
            for u in range(4):
                idx = (j4 * 4 + u) * 16 + iota16
                v = plsc.load_gather(m_v, [idx])
                msk = v > _SCORE_THR
                ranks = n + plsc.cumsum(msk.astype(jnp.int32)) - 1
                plsc.store_scatter(cval_v, [ranks], v, mask=msk)
                plsc.store_scatter(cidx_v, [ranks], idx, mask=msk)
                cnt = plsc.all_reduce_population_count(msk)
                n = n + jnp.max(cnt)
            return n

        n = lax.fori_loop(0, _NPAD // 64, comp_body, jnp.int32(0))
        jmax = (n + 15) // 16
        qmax = (jmax + 15) // 16
        lane0 = iota16 == 0

        tail = n + iota16
        plsc.store_scatter(cval_v, [tail],
                           jnp.full((16,), _NEG, jnp.float32),
                           mask=tail < _NPAD)

        for j in range(_KPAD // 16):
            sl = pl.ds(j * 16, 16)
            gval_v[sl] = jnp.zeros((16,), jnp.float32)
            oidx_v[sl] = jnp.zeros((16,), jnp.int32)
            keep_v[sl] = jnp.ones((16,), jnp.float32)

        for q in range(_NPAD // 256):
            vmax_v[pl.ds(q * 16, 16)] = jnp.full((16,), _NEG, jnp.float32)

        def vm_body(j, x):
            v = plsc.load_gather(cval_v, [j * 16 + iota16])
            plsc.store_scatter(vmax_v, [jnp.full((16,), j, jnp.int32)],
                               jnp.full((16,), jnp.max(v), jnp.float32),
                               mask=lane0)
            return x

        lax.fori_loop(0, jmax, vm_body, jnp.int32(0))

        def sel_t(t, x):
            def scan_q(q, best):
                bv, bq = best
                w = plsc.load_gather(vmax_v, [q * 16 + iota16])
                m = jnp.max(w)
                better = m > bv
                return (jnp.where(better, m, bv), jnp.where(better, q, bq))

            bv, bq = lax.fori_loop(0, qmax, scan_q,
                                   (jnp.float32(_NEG), jnp.int32(0)))

            @pl.when(bv > _SCORE_THR)
            def _():
                w = plsc.load_gather(vmax_v, [bq * 16 + iota16])
                bj = bq * 16 + jnp.max(plsc.all_reduce_ffs(w == bv))
                v = plsc.load_gather(cval_v, [bj * 16 + iota16])
                lane = jnp.max(plsc.all_reduce_ffs(v == bv))
                pos = bj * 16 + lane
                posv = jnp.full((16,), pos, jnp.int32)
                orig = jnp.max(plsc.load_gather(cidx_v, [posv]))
                tv = jnp.full((16,), t, jnp.int32)
                plsc.store_scatter(gval_v, [tv],
                                   jnp.full((16,), bv, jnp.float32),
                                   mask=lane0)
                plsc.store_scatter(oidx_v, [tv],
                                   jnp.full((16,), orig, jnp.int32),
                                   mask=lane0)
                v2 = jnp.where(iota16 == lane, _NEG, v)
                plsc.store_scatter(cval_v, [bj * 16 + iota16], v2)
                plsc.store_scatter(vmax_v, [jnp.full((16,), bj, jnp.int32)],
                                   jnp.full((16,), jnp.max(v2), jnp.float32),
                                   mask=lane0)
            return x

        lax.fori_loop(0, _K, sel_t, jnp.int32(0))

        for j in range(13):
            sl = pl.ds(j * 16, 16)
            oi = oidx_v[sl]
            vy1 = plsc.load_gather(y1_v, [oi])
            vx1 = plsc.load_gather(x1_v, [oi])
            vy2 = plsc.load_gather(y2_v, [oi])
            vx2 = plsc.load_gather(x2_v, [oi])
            gy1_v[sl] = vy1
            gx1_v[sl] = vx1
            gy2_v[sl] = vy2
            gx2_v[sl] = vx2
            area_v[sl] = (jnp.maximum(vy2 - vy1, 0.0)
                          * jnp.maximum(vx2 - vx1, 0.0))

        def nms_i(i, x):
            iv = jnp.full((16,), i, jnp.int32)
            bk = jnp.max(plsc.load_gather(keep_v, [iv]))

            @pl.when(bk > 0.5)
            def _():
                by1 = jnp.max(plsc.load_gather(gy1_v, [iv]))
                bx1 = jnp.max(plsc.load_gather(gx1_v, [iv]))
                by2 = jnp.max(plsc.load_gather(gy2_v, [iv]))
                bx2 = jnp.max(plsc.load_gather(gx2_v, [iv]))
                ai = jnp.max(plsc.load_gather(area_v, [iv]))
                for j in range(13):
                    @pl.when(i < 16 * (j + 1))
                    def _(j=j):
                        sl = pl.ds(j * 16, 16)
                        yy1 = jnp.maximum(by1, gy1_v[sl])
                        xx1 = jnp.maximum(bx1, gx1_v[sl])
                        yy2 = jnp.minimum(by2, gy2_v[sl])
                        xx2 = jnp.minimum(bx2, gx2_v[sl])
                        inter = (jnp.maximum(yy2 - yy1, 0.0)
                                 * jnp.maximum(xx2 - xx1, 0.0))
                        iou = inter / (ai + area_v[sl] - inter + 1e-9)
                        colv = j * 16 + iota16
                        sup = (iou > _NMS_THR) & (colv > i)
                        keep_v[sl] = jnp.where(sup, 0.0, keep_v[sl])
            return x

        lax.fori_loop(0, _K, nms_i, jnp.int32(0))

        for j in range(_KPAD // 16):
            sl = pl.ds(j * 16, 16)
            if j < 13:
                fin = (keep_v[sl] > 0.5) & (gval_v[sl] > _SCORE_THR)
                ov_v[sl] = jnp.where(fin, gval_v[sl], 0.0)
                oy1_v[sl] = jnp.where(fin, gy1_v[sl], 0.0)
                ox1_v[sl] = jnp.where(fin, gx1_v[sl], 0.0)
                oy2_v[sl] = jnp.where(fin, gy2_v[sl], 0.0)
                ox2_v[sl] = jnp.where(fin, gx2_v[sl], 0.0)
            else:
                z = jnp.zeros((16,), jnp.float32)
                ov_v[sl] = z
                oy1_v[sl] = z
                ox1_v[sl] = z
                oy2_v[sl] = z
                ox2_v[sl] = z
        pltpu.sync_copy(ov_v, ov_hbm.at[c])
        pltpu.sync_copy(oy1_v, oy1_hbm.at[c])
        pltpu.sync_copy(ox1_v, ox1_hbm.at[c])
        pltpu.sync_copy(oy2_v, oy2_hbm.at[c])
        pltpu.sync_copy(ox2_v, ox2_hbm.at[c])


def _sc_stage(m, y1, x1, y2, x2):
    fo = jax.ShapeDtypeStruct((_C, _KPAD), jnp.float32)
    fN = lambda: pltpu.VMEM((_NPAD,), jnp.float32)
    fK = lambda: pltpu.VMEM((_KPAD,), jnp.float32)
    kern = pl.kernel(
        _sc_body,
        out_type=(fo, fo, fo, fo, fo),
        mesh=plsc.VectorSubcoreMesh(core_axis_name="c", subcore_axis_name="s",
                                    num_cores=2, num_subcores=16),
        compiler_params=pltpu.CompilerParams(use_tc_tiling_on_sc=False,
                                             needs_layout_passes=False),
        scratch_types=[
            fN(), fN(), fN(), fN(), fN(),
            pltpu.VMEM((_NPAD,), jnp.float32),
            pltpu.VMEM((_NPAD,), jnp.int32),
            pltpu.VMEM((_NPAD // 16,), jnp.float32),
            fK(), pltpu.VMEM((_KPAD,), jnp.int32),
            fK(), fK(), fK(), fK(),
            fK(), fK(),
            fK(), fK(), fK(), fK(), fK(),
        ],
    )
    return kern(m, y1, x1, y2, x2)


def kernel(proposed_roi_bboxes, predicted_roi_loc, predicted_roi_score):
    pad = _NPAD - _N
    scoreT = jnp.pad(predicted_roi_score.T, ((0, 0), (0, pad)))
    propT = jnp.pad(proposed_roi_bboxes.T, ((0, 0), (0, pad)))
    lr = predicted_roi_loc.reshape(_N, _C + 1, 4)[:, 1:, :]
    dyT = jnp.pad(lr[..., 0].T, ((0, 0), (0, pad)))
    dxT = jnp.pad(lr[..., 1].T, ((0, 0), (0, pad)))
    dhT = jnp.pad(lr[..., 2].T, ((0, 0), (0, pad)))
    dwT = jnp.pad(lr[..., 3].T, ((0, 0), (0, pad)))

    g = jax.ShapeDtypeStruct((_C, _NPAD), jnp.float32)
    m, y1, x1, y2, x2 = pl.pallas_call(
        _dense_body,
        out_shape=(g, g, g, g, g),
    )(scoreT, propT, dyT, dxT, dhT, dwT)

    ov, oy1, ox1, oy2, ox2 = _sc_stage(m, y1, x1, y2, x2)

    bboxes = jnp.stack([oy1, ox1, oy2, ox2], axis=-1)[:, :_K, :]
    bboxes = bboxes.reshape(_C * _K, 4)
    scores = ov[:, :_K].reshape(_C * _K)
    crow = jnp.arange(1, _C + 1, dtype=jnp.int32)[:, None]
    labels = jnp.where(ov[:, :_K] > 0.0, crow, 0).reshape(_C * _K)
    return bboxes, labels, scores

# --- scband reference (transcript-rebuilt; emitter-appended) ---
"""Pipeline reference for scband-faster-rcnn-17927193493949 (READ-ONLY COPY).

The authoritative reference and input builder live on the scoring server;
editing this copy changes nothing except your own understanding.
"""

import jax, jax.numpy as jnp
import numpy as np
from jax import lax

N_ROI = 5000
N_CLASS = 20
IMG_H = 600
IMG_W = 800
K = 200
SCORE_THR = 0.05
NMS_THR = 0.3
MEAN = jnp.array([0.0, 0.0, 0.0, 0.0], dtype=jnp.float32)
STD = jnp.array([0.1, 0.1, 0.2, 0.2], dtype=jnp.float32)


def setup_inputs(seed: int = 0) -> dict:
    key = jax.random.key(seed)
    k1, k2, k3, k4, k5, k6 = jax.random.split(key, 6)
    cy = jax.random.uniform(k1, (N_ROI,)) * IMG_H
    cx = jax.random.uniform(k2, (N_ROI,)) * IMG_W
    hh = jax.random.uniform(k3, (N_ROI,)) * 180.0 + 16.0
    ww = jax.random.uniform(k4, (N_ROI,)) * 180.0 + 16.0
    y1 = jnp.clip(cy - 0.5 * hh, 0.0, IMG_H)
    x1 = jnp.clip(cx - 0.5 * ww, 0.0, IMG_W)
    y2 = jnp.clip(cy + 0.5 * hh, 0.0, IMG_H)
    x2 = jnp.clip(cx + 0.5 * ww, 0.0, IMG_W)
    proposed = jnp.stack([y1, x1, y2, x2], axis=1).astype(jnp.float32)
    loc = (jax.random.normal(k5, (N_ROI, (N_CLASS + 1) * 4)) * 0.5).astype(jnp.float32)
    score = (jax.random.normal(k6, (N_ROI, N_CLASS + 1)) * 2.0).astype(jnp.float32)
    return {"proposed_roi_bboxes": proposed, "predicted_roi_loc": loc, "predicted_roi_score": score}


def offset2bbox(src, loc):
    # src: [N,4] (y1,x1,y2,x2); loc: [N,(C+1)*4] (dy,dx,dh,dw per class)
    h = src[:, 2] - src[:, 0]
    w = src[:, 3] - src[:, 1]
    cy = src[:, 0] + 0.5 * h
    cx = src[:, 1] + 0.5 * w
    loc = loc.reshape(loc.shape[0], -1, 4)
    dy, dx, dh, dw = loc[..., 0], loc[..., 1], loc[..., 2], loc[..., 3]
    cy2 = dy * h[:, None] + cy[:, None]
    cx2 = dx * w[:, None] + cx[:, None]
    h2 = jnp.exp(dh) * h[:, None]
    w2 = jnp.exp(dw) * w[:, None]
    y1 = cy2 - 0.5 * h2
    x1 = cx2 - 0.5 * w2
    y2 = cy2 + 0.5 * h2
    x2 = cx2 + 0.5 * w2
    return jnp.stack([y1, x1, y2, x2], axis=-1)  # [N, C+1, 4]


def nms_keep(boxes, thr):
    # boxes: [K,4] sorted by score descending; greedy NMS returning keep mask.
    n = boxes.shape[0]
    y1, x1, y2, x2 = boxes[:, 0], boxes[:, 1], boxes[:, 2], boxes[:, 3]
    area = jnp.maximum(y2 - y1, 0.0) * jnp.maximum(x2 - x1, 0.0)
    yy1 = jnp.maximum(y1[:, None], y1[None, :])
    xx1 = jnp.maximum(x1[:, None], x1[None, :])
    yy2 = jnp.minimum(y2[:, None], y2[None, :])
    xx2 = jnp.minimum(x2[:, None], x2[None, :])
    inter = jnp.maximum(yy2 - yy1, 0.0) * jnp.maximum(xx2 - xx1, 0.0)
    iou = inter / (area[:, None] + area[None, :] - inter + 1e-9)
    rng = jnp.arange(n)

    def body(i, keep):
        sup = (iou[i] > thr) & (rng > i) & keep[i]
        return keep & (~sup)

    keep = lax.fori_loop(0, n, body, jnp.ones((n,), dtype=bool))
    return keep


def _detect(prop, loc, score):
    mean = jnp.tile(MEAN, N_CLASS + 1)[None]
    std = jnp.tile(STD, N_CLASS + 1)[None]
    loc = loc * std + mean
    bb = offset2bbox(prop, loc)  # [N, C+1, 4]
    y = jnp.clip(bb[..., 0::2], 0.0, IMG_H)
    x = jnp.clip(bb[..., 1::2], 0.0, IMG_W)
    bb = jnp.stack([y[..., 0], x[..., 0], y[..., 1], x[..., 1]], axis=-1)
    prob = jax.nn.softmax(score, axis=1)
    all_b, all_l, all_s = [], [], []
    for c in range(1, N_CLASS + 1):
        cb = bb[:, c, :]
        cp = prob[:, c]
        masked = jnp.where(cp > SCORE_THR, cp, -1.0)
        vals, idx = lax.top_k(masked, K)
        sb = cb[idx]
        keep = nms_keep(lax.stop_gradient(sb), NMS_THR) & (vals > SCORE_THR)
        all_b.append(jnp.where(keep[:, None], sb, 0.0))
        all_l.append(jnp.where(keep, c, 0).astype(jnp.int32))
        all_s.append(jnp.where(keep, vals, 0.0))
    bboxes = jnp.concatenate(all_b, axis=0)
    labels = jnp.concatenate(all_l, axis=0)
    scores = jnp.concatenate(all_s, axis=0)
    return bboxes, labels, scores


def reference(proposed_roi_bboxes, predicted_roi_loc, predicted_roi_score):
    return _detect(proposed_roi_bboxes, predicted_roi_loc, predicted_roi_score)

if __name__ == "__main__":
    import jax
    _d = setup_inputs()
    print(jax.jit(kernel)(*tuple(_d.values())))

</pallas_src>

<mosaic_0001>
#map = affine_map<(d0, d1) -> (0, 0)>
module attributes {stable_mosaic.version = 14 : i64} {
  func.func @_sc_body(%arg0: i32, %arg1: i32, %arg2: memref<20x5120xf32, #tpu.memory_space<hbm>>, %arg3: memref<20x5120xf32, #tpu.memory_space<hbm>>, %arg4: memref<20x5120xf32, #tpu.memory_space<hbm>>, %arg5: memref<20x5120xf32, #tpu.memory_space<hbm>>, %arg6: memref<20x5120xf32, #tpu.memory_space<hbm>>, %arg7: memref<20x256xf32, #tpu.memory_space<hbm>>, %arg8: memref<20x256xf32, #tpu.memory_space<hbm>>, %arg9: memref<20x256xf32, #tpu.memory_space<hbm>>, %arg10: memref<20x256xf32, #tpu.memory_space<hbm>>, %arg11: memref<20x256xf32, #tpu.memory_space<hbm>>, %arg12: memref<5120xf32, #tpu.memory_space<vmem>>, %arg13: memref<5120xf32, #tpu.memory_space<vmem>>, %arg14: memref<5120xf32, #tpu.memory_space<vmem>>, %arg15: memref<5120xf32, #tpu.memory_space<vmem>>, %arg16: memref<5120xf32, #tpu.memory_space<vmem>>, %arg17: memref<5120xf32, #tpu.memory_space<vmem>>, %arg18: memref<5120xi32, #tpu.memory_space<vmem>>, %arg19: memref<320xf32, #tpu.memory_space<vmem>>, %arg20: memref<256xf32, #tpu.memory_space<vmem>>, %arg21: memref<256xi32, #tpu.memory_space<vmem>>, %arg22: memref<256xf32, #tpu.memory_space<vmem>>, %arg23: memref<256xf32, #tpu.memory_space<vmem>>, %arg24: memref<256xf32, #tpu.memory_space<vmem>>, %arg25: memref<256xf32, #tpu.memory_space<vmem>>, %arg26: memref<256xf32, #tpu.memory_space<vmem>>, %arg27: memref<256xf32, #tpu.memory_space<vmem>>, %arg28: memref<256xf32, #tpu.memory_space<vmem>>, %arg29: memref<256xf32, #tpu.memory_space<vmem>>, %arg30: memref<256xf32, #tpu.memory_space<vmem>>, %arg31: memref<256xf32, #tpu.memory_space<vmem>>, %arg32: memref<256xf32, #tpu.memory_space<vmem>>) attributes {dimension_semantics = [#tpu.dimension_semantics<core_parallel>, #tpu.dimension_semantics<subcore_parallel>], iteration_bounds = array<i64: 2, 16>, scalar_prefetch = 0 : i64, scratch_operands = 21 : i64, tpu.core_type = #tpu.core_type<sc_vector_subcore>, window_params = [{transform_indices = #map}, {transform_indices = #map}, {transform_indices = #map}, {transform_indices = #map}, {transform_indices = #map}, {transform_indices = #map}, {transform_indices = #map}, {transform_indices = #map}, {transform_indices = #map}, {transform_indices = #map}]} {
    %mul3A = arith.constant 2 : i32
    %mul3A_0 = arith.muli %arg1, %mul3A : i32
    %add3A = arith.addi %mul3A_0, %arg0 : i32
    %iota3A = tpu.iota {dimensions = array<i32: 0>} : vector<16xi32>
    %lt3A = arith.constant 20 : i32
    %lt3A_1 = arith.cmpi slt, %add3A, %lt3A : i32
    %convert_element_type3A = arith.extui %lt3A_1 : i1 to i32
    %cond3A = arith.constant 0 : i32
    %cond3A_2 = arith.cmpi ne, %convert_element_type3A, %cond3A : i32
    scf.if %cond3A_2 {
      "tpu.region"() ({
        %run_scoped3A = tpu.sem_alloc : memref<!tpu.dma_semaphore, #tpu.memory_space<semaphore_mem>>
        %dma_start3A = arith.constant 0 : i32
        %dma_start3A_1308 = tpu.memref_slice %arg2[%add3A, %dma_start3A] : memref<20x5120xf32, #tpu.memory_space<hbm>> -> memref<1x5120xf32, #tpu.memory_space<hbm>>
        %dma_start3A_1309 = tpu.memref_squeeze %dma_start3A_1308 : memref<1x5120xf32, #tpu.memory_space<hbm>> -> memref<5120xf32, #tpu.memory_space<hbm>>
        %dma_start3A_1310 = arith.constant 0 : i32
        %dma_start3A_1311 = tpu.memref_slice %arg2[%add3A, %dma_start3A_1310] : memref<20x5120xf32, #tpu.memory_space<hbm>> -> memref<1x5120xf32, #tpu.memory_space<hbm>>
        %dma_start3A_1312 = tpu.memref_squeeze %dma_start3A_1311 : memref<1x5120xf32, #tpu.memory_space<hbm>> -> memref<5120xf32, #tpu.memory_space<hbm>>
        tpu.enqueue_dma source(%dma_start3A_1312 : memref<5120xf32, #tpu.memory_space<hbm>>) target(%arg12 : memref<5120xf32, #tpu.memory_space<vmem>>) target_semaphore(%run_scoped3A : memref<!tpu.dma_semaphore, #tpu.memory_space<semaphore_mem>>)
        %dma_wait3A = arith.constant 0 : i32
        %dma_wait3A_1313 = tpu.memref_slice %arg2[%add3A, %dma_wait3A] : memref<20x5120xf32, #tpu.memory_space<hbm>> -> memref<1x5120xf32, #tpu.memory_space<hbm>>
        %dma_wait3A_1314 = tpu.memref_squeeze %dma_wait3A_1313 : memref<1x5120xf32, #tpu.memory_space<hbm>> -> memref<5120xf32, #tpu.memory_space<hbm>>
        %dma_wait3A_1315 = arith.constant 0 : i32
        %dma_wait3A_1316 = tpu.memref_slice %arg2[%add3A, %dma_wait3A_1315] : memref<20x5120xf32, #tpu.memory_space<hbm>> -> memref<1x5120xf32, #tpu.memory_space<hbm>>
        %dma_wait3A_1317 = tpu.memref_squeeze %dma_wait3A_1316 : memref<1x5120xf32, #tpu.memory_space<hbm>> -> memref<5120xf32, #tpu.memory_space<hbm>>
        tpu.wait_dma2 semaphore(%run_scoped3A : memref<!tpu.dma_semaphore, #tpu.memory_space<semaphore_mem>>) src(%dma_wait3A_1317 : memref<5120xf32, #tpu.memory_space<hbm>>) dst(%arg12 : memref<5120xf32, #tpu.memory_space<vmem>>)
        tpu.yield
      }) : () -> ()
      "tpu.region"() ({
        %run_scoped3A = tpu.sem_alloc : memref<!tpu.dma_semaphore, #tpu.memory_space<semaphore_mem>>
        %dma_start3A = arith.constant 0 : i32
        %dma_start3A_1308 = tpu.memref_slice %arg3[%add3A, %dma_start3A] : memref<20x5120xf32, #tpu.memory_space<hbm>> -> memref<1x5120xf32, #tpu.memory_space<hbm>>
        %dma_start3A_1309 = tpu.memref_squeeze %dma_start3A_1308 : memref<1x5120xf32, #tpu.memory_space<hbm>> -> memref<5120xf32, #tpu.memory_space<hbm>>
        %dma_start3A_1310 = arith.constant 0 : i32
        %dma_start3A_1311 = tpu.memref_slice %arg3[%add3A, %dma_start3A_1310] : memref<20x5120xf32, #tpu.memory_space<hbm>> -> memref<1x5120xf32, #tpu.memory_space<hbm>>
        %dma_start3A_1312 = tpu.memref_squeeze %dma_start3A_1311 : memref<1x5120xf32, #tpu.memory_space<hbm>> -> memref<5120xf32, #tpu.memory_space<hbm>>
        tpu.enqueue_dma source(%dma_start3A_1312 : memref<5120xf32, #tpu.memory_space<hbm>>) target(%arg13 : memref<5120xf32, #tpu.memory_space<vmem>>) target_semaphore(%run_scoped3A : memref<!tpu.dma_semaphore, #tpu.memory_space<semaphore_mem>>)
        %dma_wait3A = arith.constant 0 : i32
        %dma_wait3A_1313 = tpu.memref_slice %arg3[%add3A, %dma_wait3A] : memref<20x5120xf32, #tpu.memory_space<hbm>> -> memref<1x5120xf32, #tpu.memory_space<hbm>>
        %dma_wait3A_1314 = tpu.memref_squeeze %dma_wait3A_1313 : memref<1x5120xf32, #tpu.memory_space<hbm>> -> memref<5120xf32, #tpu.memory_space<hbm>>
        %dma_wait3A_1315 = arith.constant 0 : i32
        %dma_wait3A_1316 = tpu.memref_slice %arg3[%add3A, %dma_wait3A_1315] : memref<20x5120xf32, #tpu.memory_space<hbm>> -> memref<1x5120xf32, #tpu.memory_space<hbm>>
        %dma_wait3A_1317 = tpu.memref_squeeze %dma_wait3A_1316 : memref<1x5120xf32, #tpu.memory_space<hbm>> -> memref<5120xf32, #tpu.memory_space<hbm>>
        tpu.wait_dma2 semaphore(%run_scoped3A : memref<!tpu.dma_semaphore, #tpu.memory_space<semaphore_mem>>) src(%dma_wait3A_1317 : memref<5120xf32, #tpu.memory_space<hbm>>) dst(%arg13 : memref<5120xf32, #tpu.memory_space<vmem>>)
        tpu.yield
      }) : () -> ()
      "tpu.region"() ({
        %run_scoped3A = tpu.sem_alloc : memref<!tpu.dma_semaphore, #tpu.memory_space<semaphore_mem>>
        %dma_start3A = arith.constant 0 : i32
        %dma_start3A_1308 = tpu.memref_slice %arg4[%add3A, %dma_start3A] : memref<20x5120xf32, #tpu.memory_space<hbm>> -> memref<1x5120xf32, #tpu.memory_space<hbm>>
        %dma_start3A_1309 = tpu.memref_squeeze %dma_start3A_1308 : memref<1x5120xf32, #tpu.memory_space<hbm>> -> memref<5120xf32, #tpu.memory_space<hbm>>
        %dma_start3A_1310 = arith.constant 0 : i32
        %dma_start3A_1311 = tpu.memref_slice %arg4[%add3A, %dma_start3A_1310] : memref<20x5120xf32, #tpu.memory_space<hbm>> -> memref<1x5120xf32, #tpu.memory_space<hbm>>
        %dma_start3A_1312 = tpu.memref_squeeze %dma_start3A_1311 : memref<1x5120xf32, #tpu.memory_space<hbm>> -> memref<5120xf32, #tpu.memory_space<hbm>>
        tpu.enqueue_dma source(%dma_start3A_1312 : memref<5120xf32, #tpu.memory_space<hbm>>) target(%arg14 : memref<5120xf32, #tpu.memory_space<vmem>>) target_semaphore(%run_scoped3A : memref<!tpu.dma_semaphore, #tpu.memory_space<semaphore_mem>>)
        %dma_wait3A = arith.constant 0 : i32
        %dma_wait3A_1313 = tpu.memref_slice %arg4[%add3A, %dma_wait3A] : memref<20x5120xf32, #tpu.memory_space<hbm>> -> memref<1x5120xf32, #tpu.memory_space<hbm>>
        %dma_wait3A_1314 = tpu.memref_squeeze %dma_wait3A_1313 : memref<1x5120xf32, #tpu.memory_space<hbm>> -> memref<5120xf32, #tpu.memory_space<hbm>>
        %dma_wait3A_1315 = arith.constant 0 : i32
        %dma_wait3A_1316 = tpu.memref_slice %arg4[%add3A, %dma_wait3A_1315] : memref<20x5120xf32, #tpu.memory_space<hbm>> -> memref<1x5120xf32, #tpu.memory_space<hbm>>
        %dma_wait3A_1317 = tpu.memref_squeeze %dma_wait3A_1316 : memref<1x5120xf32, #tpu.memory_space<hbm>> -> memref<5120xf32, #tpu.memory_space<hbm>>
        tpu.wait_dma2 semaphore(%run_scoped3A : memref<!tpu.dma_semaphore, #tpu.memory_space<semaphore_mem>>) src(%dma_wait3A_1317 : memref<5120xf32, #tpu.memory_space<hbm>>) dst(%arg14 : memref<5120xf32, #tpu.memory_space<vmem>>)
        tpu.yield
      }) : () -> ()
      "tpu.region"() ({
        %run_scoped3A = tpu.sem_alloc : memref<!tpu.dma_semaphore, #tpu.memory_space<semaphore_mem>>
        %dma_start3A = arith.constant 0 : i32
        %dma_start3A_1308 = tpu.memref_slice %arg5[%add3A, %dma_start3A] : memref<20x5120xf32, #tpu.memory_space<hbm>> -> memref<1x5120xf32, #tpu.memory_space<hbm>>
        %dma_start3A_1309 = tpu.memref_squeeze %dma_start3A_1308 : memref<1x5120xf32, #tpu.memory_space<hbm>> -> memref<5120xf32, #tpu.memory_space<hbm>>
        %dma_start3A_1310 = arith.constant 0 : i32
        %dma_start3A_1311 = tpu.memref_slice %arg5[%add3A, %dma_start3A_1310] : memref<20x5120xf32, #tpu.memory_space<hbm>> -> memref<1x5120xf32, #tpu.memory_space<hbm>>
        %dma_start3A_1312 = tpu.memref_squeeze %dma_start3A_1311 : memref<1x5120xf32, #tpu.memory_space<hbm>> -> memref<5120xf32, #tpu.memory_space<hbm>>
        tpu.enqueue_dma source(%dma_start3A_1312 : memref<5120xf32, #tpu.memory_space<hbm>>) target(%arg15 : memref<5120xf32, #tpu.memory_space<vmem>>) target_semaphore(%run_scoped3A : memref<!tpu.dma_semaphore, #tpu.memory_space<semaphore_mem>>)
        %dma_wait3A = arith.constant 0 : i32
        %dma_wait3A_1313 = tpu.memref_slice %arg5[%add3A, %dma_wait3A] : memref<20x5120xf32, #tpu.memory_space<hbm>> -> memref<1x5120xf32, #tpu.memory_space<hbm>>
        %dma_wait3A_1314 = tpu.memref_squeeze %dma_wait3A_1313 : memref<1x5120xf32, #tpu.memory_space<hbm>> -> memref<5120xf32, #tpu.memory_space<hbm>>
        %dma_wait3A_1315 = arith.constant 0 : i32
        %dma_wait3A_1316 = tpu.memref_slice %arg5[%add3A, %dma_wait3A_1315] : memref<20x5120xf32, #tpu.memory_space<hbm>> -> memref<1x5120xf32, #tpu.memory_space<hbm>>
        %dma_wait3A_1317 = tpu.memref_squeeze %dma_wait3A_1316 : memref<1x5120xf32, #tpu.memory_space<hbm>> -> memref<5120xf32, #tpu.memory_space<hbm>>
        tpu.wait_dma2 semaphore(%run_scoped3A : memref<!tpu.dma_semaphore, #tpu.memory_space<semaphore_mem>>) src(%dma_wait3A_1317 : memref<5120xf32, #tpu.memory_space<hbm>>) dst(%arg15 : memref<5120xf32, #tpu.memory_space<vmem>>)
        tpu.yield
      }) : () -> ()
      "tpu.region"() ({
        %run_scoped3A = tpu.sem_alloc : memref<!tpu.dma_semaphore, #tpu.memory_space<semaphore_mem>>
        %dma_start3A = arith.constant 0 : i32
        %dma_start3A_1308 = tpu.memref_slice %arg6[%add3A, %dma_start3A] : memref<20x5120xf32, #tpu.memory_space<hbm>> -> memref<1x5120xf32, #tpu.memory_space<hbm>>
        %dma_start3A_1309 = tpu.memref_squeeze %dma_start3A_1308 : memref<1x5120xf32, #tpu.memory_space<hbm>> -> memref<5120xf32, #tpu.memory_space<hbm>>
        %dma_start3A_1310 = arith.constant 0 : i32
        %dma_start3A_1311 = tpu.memref_slice %arg6[%add3A, %dma_start3A_1310] : memref<20x5120xf32, #tpu.memory_space<hbm>> -> memref<1x5120xf32, #tpu.memory_space<hbm>>
        %dma_start3A_1312 = tpu.memref_squeeze %dma_start3A_1311 : memref<1x5120xf32, #tpu.memory_space<hbm>> -> memref<5120xf32, #tpu.memory_space<hbm>>
        tpu.enqueue_dma source(%dma_start3A_1312 : memref<5120xf32, #tpu.memory_space<hbm>>) target(%arg16 : memref<5120xf32, #tpu.memory_space<vmem>>) target_semaphore(%run_scoped3A : memref<!tpu.dma_semaphore, #tpu.memory_space<semaphore_mem>>)
        %dma_wait3A = arith.constant 0 : i32
        %dma_wait3A_1313 = tpu.memref_slice %arg6[%add3A, %dma_wait3A] : memref<20x5120xf32, #tpu.memory_space<hbm>> -> memref<1x5120xf32, #tpu.memory_space<hbm>>
        %dma_wait3A_1314 = tpu.memref_squeeze %dma_wait3A_1313 : memref<1x5120xf32, #tpu.memory_space<hbm>> -> memref<5120xf32, #tpu.memory_space<hbm>>
        %dma_wait3A_1315 = arith.constant 0 : i32
        %dma_wait3A_1316 = tpu.memref_slice %arg6[%add3A, %dma_wait3A_1315] : memref<20x5120xf32, #tpu.memory_space<hbm>> -> memref<1x5120xf32, #tpu.memory_space<hbm>>
        %dma_wait3A_1317 = tpu.memref_squeeze %dma_wait3A_1316 : memref<1x5120xf32, #tpu.memory_space<hbm>> -> memref<5120xf32, #tpu.memory_space<hbm>>
        tpu.wait_dma2 semaphore(%run_scoped3A : memref<!tpu.dma_semaphore, #tpu.memory_space<semaphore_mem>>) src(%dma_wait3A_1317 : memref<5120xf32, #tpu.memory_space<hbm>>) dst(%arg16 : memref<5120xf32, #tpu.memory_space<vmem>>)
        tpu.yield
      }) : () -> ()
      %scan3A = arith.constant 0 : i32
      %scan3A_3 = arith.constant 0 : i32
      %scan3A_4 = arith.constant 80 : i32
      %scan3A_5 = arith.addi %scan3A_3, %scan3A_4 : i32
      %scan3A_6 = arith.constant 1 : i32
      %scan3A_7 = scf.for %scan3A_1308 = %scan3A_3 to %scan3A_5 step %scan3A_6 iter_args(%scan3A_1309 = %scan3A) -> (i32)  : i32 {
        %mul3A_1310 = arith.constant 4 : i32
        %mul3A_1311 = arith.muli %scan3A_1308, %mul3A_1310 : i32
        %add3A_1312 = arith.constant 0 : i32
        %add3A_1313 = arith.addi %mul3A_1311, %add3A_1312 : i32
        %mul3A_1314 = arith.constant 16 : i32
        %mul3A_1315 = arith.muli %add3A_1313, %mul3A_1314 : i32
        %add3A_1316 = vector.broadcast %mul3A_1315 : i32 to vector<16xi32>
        %add3A_1317 = arith.addi %add3A_1316, %iota3A : vector<16xi32>
        %gather3A_1318 = tpu.vector_load_idx %arg12[%add3A_1317] : memref<5120xf32, #tpu.memory_space<vmem>>[vector<16xi32>], vector<16xf32>,
        %gt3A_1319 = arith.constant 5.000000e-02 : f32
        %gt3A_1320 = vector.broadcast %gt3A_1319 : f32 to vector<16xf32>
        %gt3A_1321 = arith.cmpf ogt, %gather3A_1318, %gt3A_1320 : vector<16xf32>
        %convert_element_type3A_1322 = arith.extui %gt3A_1321 : vector<16xi1> to vector<16xi32>
        %broadcast_in_dim3A_1323 = arith.constant true
        %broadcast_in_dim3A_1324 = vector.broadcast %broadcast_in_dim3A_1323 : i1 to vector<16xi1>
        %masked_cumsum3A = tpu.scan <sum>, %convert_element_type3A_1322 masked %broadcast_in_dim3A_1324 : vector<16xi32>, vector<16xi1> -> vector<16xi32>
        %add3A_1325 = vector.broadcast %scan3A_1309 : i32 to vector<16xi32>
        %add3A_1326 = arith.addi %add3A_1325, %masked_cumsum3A : vector<16xi32>
        %sub3A_1327 = arith.constant 1 : i32
        %sub3A_1328 = vector.broadcast %sub3A_1327 : i32 to vector<16xi32>
        %sub3A_1329 = arith.subi %add3A_1326, %sub3A_1328 : vector<16xi32>
        tpu.vector_store_idx %arg17[%sub3A_1329], %gather3A_1318 masked %gt3A_1321 : memref<5120xf32, #tpu.memory_space<vmem>>[vector<16xi32>], vector<16xf32>, vector<16xi1>
        tpu.vector_store_idx %arg18[%sub3A_1329], %add3A_1317 masked %gt3A_1321 : memref<5120xi32, #tpu.memory_space<vmem>>[vector<16xi32>], vector<16xi32>, vector<16xi1>
        %all_reduce_population_count3A = tpu.all_reduce %gt3A_1321 {dim = 0 : i64, kind = #tpu.reduction_kind<sum>} : vector<16xi1> -> vector<16xi32>
        %reduce_max3A = arith.constant true
        %reduce_max3A_1330 = vector.broadcast %reduce_max3A : i1 to vector<16xi1>
        %reduce_max3A_1331 = arith.constant -2147483648 : i32
        %reduce_max3A_1332 = vector.broadcast %reduce_max3A_1331 : i32 to vector<16xi32>
        %reduce_max3A_1333 = arith.xori %all_reduce_population_count3A, %reduce_max3A_1332 : vector<16xi32>
        %reduce_max3A_1334 = tpu.scan <max>, %reduce_max3A_1333 masked %reduce_max3A_1330 : vector<16xi32>, vector<16xi1> -> vector<16xi32>
        %reduce_max3A_1335 = arith.xori %reduce_max3A_1334, %reduce_max3A_1332 : vector<16xi32>
        %reduce_max3A_1336 = vector.extract %reduce_max3A_1335[15] : i32 from vector<16xi32>
        %add3A_1337 = arith.addi %scan3A_1309, %reduce_max3A_1336 : i32
        %mul3A_1338 = arith.constant 4 : i32
        %mul3A_1339 = arith.muli %scan3A_1308, %mul3A_1338 : i32
        %add3A_1340 = arith.constant 1 : i32
        %add3A_1341 = arith.addi %mul3A_1339, %add3A_1340 : i32
        %mul3A_1342 = arith.constant 16 : i32
        %mul3A_1343 = arith.muli %add3A_1341, %mul3A_1342 : i32
        %add3A_1344 = vector.broadcast %mul3A_1343 : i32 to vector<16xi32>
        %add3A_1345 = arith.addi %add3A_1344, %iota3A : vector<16xi32>
        %gather3A_1346 = tpu.vector_load_idx %arg12[%add3A_1345] : memref<5120xf32, #tpu.memory_space<vmem>>[vector<16xi32>], vector<16xf32>,
        %gt3A_1347 = arith.constant 5.000000e-02 : f32
        %gt3A_1348 = vector.broadcast %gt3A_1347 : f32 to vector<16xf32>
        %gt3A_1349 = arith.cmpf ogt, %gather3A_1346, %gt3A_1348 : vector<16xf32>
        %convert_element_type3A_1350 = arith.extui %gt3A_1349 : vector<16xi1> to vector<16xi32>
        %broadcast_in_dim3A_1351 = arith.constant true
        %broadcast_in_dim3A_1352 = vector.broadcast %broadcast_in_dim3A_1351 : i1 to vector<16xi1>
        %masked_cumsum3A_1353 = tpu.scan <sum>, %convert_element_type3A_1350 masked %broadcast_in_dim3A_1352 : vector<16xi32>, vector<16xi1> -> vector<16xi32>
        %add3A_1354 = vector.broadcast %add3A_1337 : i32 to vector<16xi32>
        %add3A_1355 = arith.addi %add3A_1354, %masked_cumsum3A_1353 : vector<16xi32>
        %sub3A_1356 = arith.constant 1 : i32
        %sub3A_1357 = vector.broadcast %sub3A_1356 : i32 to vector<16xi32>
        %sub3A_1358 = arith.subi %add3A_1355, %sub3A_1357 : vector<16xi32>
        tpu.vector_store_idx %arg17[%sub3A_1358], %gather3A_1346 masked %gt3A_1349 : memref<5120xf32, #tpu.memory_space<vmem>>[vector<16xi32>], vector<16xf32>, vector<16xi1>
        tpu.vector_store_idx %arg18[%sub3A_1358], %add3A_1345 masked %gt3A_1349 : memref<5120xi32, #tpu.memory_space<vmem>>[vector<16xi32>], vector<16xi32>, vector<16xi1>
        %all_reduce_population_count3A_1359 = tpu.all_reduce %gt3A_1349 {dim = 0 : i64, kind = #tpu.reduction_kind<sum>} : vector<16xi1> -> vector<16xi32>
        %reduce_max3A_1360 = arith.constant true
        %reduce_max3A_1361 = vector.broadcast %reduce_max3A_1360 : i1 to vector<16xi1>
        %reduce_max3A_1362 = arith.constant -2147483648 : i32
        %reduce_max3A_1363 = vector.broadcast %reduce_max3A_1362 : i32 to vector<16xi32>
        %reduce_max3A_1364 = arith.xori %all_reduce_population_count3A_1359, %reduce_max3A_1363 : vector<16xi32>
        %reduce_max3A_1365 = tpu.scan <max>, %reduce_max3A_1364 masked %reduce_max3A_1361 : vector<16xi32>, vector<16xi1> -> vector<16xi32>
        %reduce_max3A_1366 = arith.xori %reduce_max3A_1365, %reduce_max3A_1363 : vector<16xi32>
        %reduce_max3A_1367 = vector.extract %reduce_max3A_1366[15] : i32 from vector<16xi32>
        %add3A_1368 = arith.addi %add3A_1337, %reduce_max3A_1367 : i32
        %mul3A_1369 = arith.constant 4 : i32
        %mul3A_1370 = arith.muli %scan3A_1308, %mul3A_1369 : i32
        %add3A_1371 = arith.constant 2 : i32
        %add3A_1372 = arith.addi %mul3A_1370, %add3A_1371 : i32
        %mul3A_1373 = arith.constant 16 : i32
        %mul3A_1374 = arith.muli %add3A_1372, %mul3A_1373 : i32
        %add3A_1375 = vector.broadcast %mul3A_1374 : i32 to vector<16xi32>
        %add3A_1376 = arith.addi %add3A_1375, %iota3A : vector<16xi32>
        %gather3A_1377 = tpu.vector_load_idx %arg12[%add3A_1376] : memref<5120xf32, #tpu.memory_space<vmem>>[vector<16xi32>], vector<16xf32>,
        %gt3A_1378 = arith.constant 5.000000e-02 : f32
        %gt3A_1379 = vector.broadcast %gt3A_1378 : f32 to vector<16xf32>
        %gt3A_1380 = arith.cmpf ogt, %gather3A_1377, %gt3A_1379 : vector<16xf32>
        %convert_element_type3A_1381 = arith.extui %gt3A_1380 : vector<16xi1> to vector<16xi32>
        %broadcast_in_dim3A_1382 = arith.constant true
        %broadcast_in_dim3A_1383 = vector.broadcast %broadcast_in_dim3A_1382 : i1 to vector<16xi1>
        %masked_cumsum3A_1384 = tpu.scan <sum>, %convert_element_type3A_1381 masked %broadcast_in_dim3A_1383 : vector<16xi32>, vector<16xi1> -> vector<16xi32>
        %add3A_1385 = vector.broadcast %add3A_1368 : i32 to vector<16xi32>
        %add3A_1386 = arith.addi %add3A_1385, %masked_cumsum3A_1384 : vector<16xi32>
        %sub3A_1387 = arith.constant 1 : i32
        %sub3A_1388 = vector.broadcast %sub3A_1387 : i32 to vector<16xi32>
        %sub3A_1389 = arith.subi %add3A_1386, %sub3A_1388 : vector<16xi32>
        tpu.vector_store_idx %arg17[%sub3A_1389], %gather3A_1377 masked %gt3A_1380 : memref<5120xf32, #tpu.memory_space<vmem>>[vector<16xi32>], vector<16xf32>, vector<16xi1>
        tpu.vector_store_idx %arg18[%sub3A_1389], %add3A_1376 masked %gt3A_1380 : memref<5120xi32, #tpu.memory_space<vmem>>[vector<16xi32>], vector<16xi32>, vector<16xi1>
        %all_reduce_population_count3A_1390 = tpu.all_reduce %gt3A_1380 {dim = 0 : i64, kind = #tpu.reduction_kind<sum>} : vector<16xi1> -> vector<16xi32>
        %reduce_max3A_1391 = arith.constant true
        %reduce_max3A_1392 = vector.broadcast %reduce_max3A_1391 : i1 to vector<16xi1>
        %reduce_max3A_1393 = arith.constant -2147483648 : i32
        %reduce_max3A_1394 = vector.broadcast %reduce_max3A_1393 : i32 to vector<16xi32>
        %reduce_max3A_1395 = arith.xori %all_reduce_population_count3A_1390, %reduce_max3A_1394 : vector<16xi32>
        %reduce_max3A_1396 = tpu.scan <max>, %reduce_max3A_1395 masked %reduce_max3A_1392 : vector<16xi32>, vector<16xi1> -> vector<16xi32>
        %reduce_max3A_1397 = arith.xori %reduce_max3A_1396, %reduce_max3A_1394 : vector<16xi32>
        %reduce_max3A_1398 = vector.extract %reduce_max3A_1397[15] : i32 from vector<16xi32>
        %add3A_1399 = arith.addi %add3A_1368, %reduce_max3A_1398 : i32
        %mul3A_1400 = arith.constant 4 : i32
        %mul3A_1401 = arith.muli %scan3A_1308, %mul3A_1400 : i32
        %add3A_1402 = arith.constant 3 : i32
        %add3A_1403 = arith.addi %mul3A_1401, %add3A_1402 : i32
        %mul3A_1404 = arith.constant 16 : i32
        %mul3A_1405 = arith.muli %add3A_1403, %mul3A_1404 : i32
        %add3A_1406 = vector.broadcast %mul3A_1405 : i32 to vector<16xi32>
        %add3A_1407 = arith.addi %add3A_1406, %iota3A : vector<16xi32>
        %gather3A_1408 = tpu.vector_load_idx %arg12[%add3A_1407] : memref<5120xf32, #tpu.memory_space<vmem>>[vector<16xi32>], vector<16xf32>,
        %gt3A_1409 = arith.constant 5.000000e-02 : f32
        %gt3A_1410 = vector.broadcast %gt3A_1409 : f32 to vector<16xf32>
        %gt3A_1411 = arith.cmpf ogt, %gather3A_1408, %gt3A_1410 : vector<16xf32>
        %convert_element_type3A_1412 = arith.extui %gt3A_1411 : vector<16xi1> to vector<16xi32>
        %broadcast_in_dim3A_1413 = arith.constant true
        %broadcast_in_dim3A_1414 = vector.broadcast %broadcast_in_dim3A_1413 : i1 to vector<16xi1>
        %masked_cumsum3A_1415 = tpu.scan <sum>, %convert_element_type3A_1412 masked %broadcast_in_dim3A_1414 : vector<16xi32>, vector<16xi1> -> vector<16xi32>
        %add3A_1416 = vector.broadcast %add3A_1399 : i32 to vector<16xi32>
        %add3A_1417 = arith.addi %add3A_1416, %masked_cumsum3A_1415 : vector<16xi32>
        %sub3A_1418 = arith.constant 1 : i32
        %sub3A_1419 = vector.broadcast %sub3A_1418 : i32 to vector<16xi32>
        %sub3A_1420 = arith.subi %add3A_1417, %sub3A_1419 : vector<16xi32>
        tpu.vector_store_idx %arg17[%sub3A_1420], %gather3A_1408 masked %gt3A_1411 : memref<5120xf32, #tpu.memory_space<vmem>>[vector<16xi32>], vector<16xf32>, vector<16xi1>
        tpu.vector_store_idx %arg18[%sub3A_1420], %add3A_1407 masked %gt3A_1411 : memref<5120xi32, #tpu.memory_space<vmem>>[vector<16xi32>], vector<16xi32>, vector<16xi1>
        %all_reduce_population_count3A_1421 = tpu.all_reduce %gt3A_1411 {dim = 0 : i64, kind = #tpu.reduction_kind<sum>} : vector<16xi1> -> vector<16xi32>
        %reduce_max3A_1422 = arith.constant true
        %reduce_max3A_1423 = vector.broadcast %reduce_max3A_1422 : i1 to vector<16xi1>
        %reduce_max3A_1424 = arith.constant -2147483648 : i32
        %reduce_max3A_1425 = vector.broadcast %reduce_max3A_1424 : i32 to vector<16xi32>
        %reduce_max3A_1426 = arith.xori %all_reduce_population_count3A_1421, %reduce_max3A_1425 : vector<16xi32>
        %reduce_max3A_1427 = tpu.scan <max>, %reduce_max3A_1426 masked %reduce_max3A_1423 : vector<16xi32>, vector<16xi1> -> vector<16xi32>
        %reduce_max3A_1428 = arith.xori %reduce_max3A_1427, %reduce_max3A_1425 : vector<16xi32>
        %reduce_max3A_1429 = vector.extract %reduce_max3A_1428[15] : i32 from vector<16xi32>
        %add3A_1430 = arith.addi %add3A_1399, %reduce_max3A_1429 : i32
        scf.yield %add3A_1430 : i32
      }
      %scan3A_8 = arith.constant 80 : i32
      %add3A_9 = arith.constant 15 : i32
      %add3A_10 = arith.addi %scan3A_7, %add3A_9 : i32
      %jit3A = arith.constant 16 : i32
      %div3A = arith.divsi %add3A_10, %jit3A : i32
      %sign3A = arith.constant 0 : i32
      %sign3A_11 = arith.cmpi sgt, %add3A_10, %sign3A : i32
      %sign3A_12 = arith.extui %sign3A_11 : i1 to i32
      %sign3A_13 = arith.constant 0 : i32
      %sign3A_14 = arith.cmpi slt, %add3A_10, %sign3A_13 : i32
      %sign3A_15 = arith.extui %sign3A_14 : i1 to i32
      %sign3A_16 = arith.subi %sign3A_12, %sign3A_15 : i32
      %sign3A_17 = arith.constant 0 : i32
      %sign3A_18 = arith.cmpi sgt, %jit3A, %sign3A_17 : i32
      %sign3A_19 = arith.extui %sign3A_18 : i1 to i32
      %sign3A_20 = arith.constant 0 : i32
      %sign3A_21 = arith.cmpi slt, %jit3A, %sign3A_20 : i32
      %sign3A_22 = arith.extui %sign3A_21 : i1 to i32
      %sign3A_23 = arith.subi %sign3A_19, %sign3A_22 : i32
      %ne3A = arith.cmpi ne, %sign3A_16, %sign3A_23 : i32
      %rem3A = arith.remsi %add3A_10, %jit3A : i32
      %ne3A_24 = arith.constant 0 : i32
      %ne3A_25 = arith.cmpi ne, %rem3A, %ne3A_24 : i32
      %and3A = arith.andi %ne3A, %ne3A_25 : i1
      %sub3A = arith.constant 1 : i32
      %sub3A_26 = arith.subi %div3A, %sub3A : i32
      %select_n3A = arith.select %and3A, %sub3A_26, %div3A : i32
      %add3A_27 = arith.constant 15 : i32
      %add3A_28 = arith.addi %select_n3A, %add3A_27 : i32
      %jit3A_29 = arith.constant 16 : i32
      %div3A_30 = arith.divsi %add3A_28, %jit3A_29 : i32
      %sign3A_31 = arith.constant 0 : i32
      %sign3A_32 = arith.cmpi sgt, %add3A_28, %sign3A_31 : i32
      %sign3A_33 = arith.extui %sign3A_32 : i1 to i32
      %sign3A_34 = arith.constant 0 : i32
      %sign3A_35 = arith.cmpi slt, %add3A_28, %sign3A_34 : i32
      %sign3A_36 = arith.extui %sign3A_35 : i1 to i32
      %sign3A_37 = arith.subi %sign3A_33, %sign3A_36 : i32
      %sign3A_38 = arith.constant 0 : i32
      %sign3A_39 = arith.cmpi sgt, %jit3A_29, %sign3A_38 : i32
      %sign3A_40 = arith.extui %sign3A_39 : i1 to i32
      %sign3A_41 = arith.constant 0 : i32
      %sign3A_42 = arith.cmpi slt, %jit3A_29, %sign3A_41 : i32
      %sign3A_43 = arith.extui %sign3A_42 : i1 to i32
      %sign3A_44 = arith.subi %sign3A_40, %sign3A_43 : i32
      %ne3A_45 = arith.cmpi ne, %sign3A_37, %sign3A_44 : i32
      %rem3A_46 = arith.remsi %add3A_28, %jit3A_29 : i32
      %ne3A_47 = arith.constant 0 : i32
      %ne3A_48 = arith.cmpi ne, %rem3A_46, %ne3A_47 : i32
      %and3A_49 = arith.andi %ne3A_45, %ne3A_48 : i1
      %sub3A_50 = arith.constant 1 : i32
      %sub3A_51 = arith.subi %div3A_30, %sub3A_50 : i32
      %select_n3A_52 = arith.select %and3A_49, %sub3A_51, %div3A_30 : i32
      %eq3A = arith.constant 0 : i32
      %eq3A_53 = vector.broadcast %eq3A : i32 to vector<16xi32>
      %eq3A_54 = arith.cmpi eq, %iota3A, %eq3A_53 : vector<16xi32>
      %add3A_55 = vector.broadcast %scan3A_7 : i32 to vector<16xi32>
      %add3A_56 = arith.addi %add3A_55, %iota3A : vector<16xi32>
      %broadcast_in_dim3A = arith.constant -1.000000e+30 : f32
      %broadcast_in_dim3A_57 = vector.broadcast %broadcast_in_dim3A : f32 to vector<16xf32>
      %lt3A_58 = arith.constant 5120 : i32
      %lt3A_59 = vector.broadcast %lt3A_58 : i32 to vector<16xi32>
      %lt3A_60 = arith.cmpi slt, %add3A_56, %lt3A_59 : vector<16xi32>
      tpu.vector_store_idx %arg17[%add3A_56], %broadcast_in_dim3A_57 masked %lt3A_60 : memref<5120xf32, #tpu.memory_space<vmem>>[vector<16xi32>], vector<16xf32>, vector<16xi1>
      %broadcast_in_dim3A_61 = arith.constant 0.000000e+00 : f32
      %broadcast_in_dim3A_62 = vector.broadcast %broadcast_in_dim3A_61 : f32 to vector<16xf32>
      %swap3A = arith.constant 0 : index
      %swap3A_63 = tpu.vector_load %arg20[%swap3A] {strides = array<i32>} : memref<256xf32, #tpu.memory_space<vmem>>, vector<16xf32>,
      tpu.vector_store %arg20[%swap3A], %broadcast_in_dim3A_62 {strides = array<i32>} : memref<256xf32, #tpu.memory_space<vmem>>, vector<16xf32>,
      %broadcast_in_dim3A_64 = arith.constant 0 : i32
      %broadcast_in_dim3A_65 = vector.broadcast %broadcast_in_dim3A_64 : i32 to vector<16xi32>
      %swap3A_66 = arith.constant 0 : index
      %swap3A_67 = tpu.vector_load %arg21[%swap3A_66] {strides = array<i32>} : memref<256xi32, #tpu.memory_space<vmem>>, vector<16xi32>,
      tpu.vector_store %arg21[%swap3A_66], %broadcast_in_dim3A_65 {strides = array<i32>} : memref<256xi32, #tpu.memory_space<vmem>>, vector<16xi32>,
      %broadcast_in_dim3A_68 = arith.constant 1.000000e+00 : f32
      %broadcast_in_dim3A_69 = vector.broadcast %broadcast_in_dim3A_68 : f32 to vector<16xf32>
      %swap3A_70 = arith.constant 0 : index
      %swap3A_71 = tpu.vector_load %arg27[%swap3A_70] {strides = array<i32>} : memref<256xf32, #tpu.memory_space<vmem>>, vector<16xf32>,
      tpu.vector_store %arg27[%swap3A_70], %broadcast_in_dim3A_69 {strides = array<i32>} : memref<256xf32, #tpu.memory_space<vmem>>, vector<16xf32>,
      %broadcast_in_dim3A_72 = arith.constant 0.000000e+00 : f32
      %broadcast_in_dim3A_73 = vector.broadcast %broadcast_in_dim3A_72 : f32 to vector<16xf32>
      %swap3A_74 = arith.constant 16 : index
      %swap3A_75 = tpu.vector_load %arg20[%swap3A_74] {strides = array<i32>} : memref<256xf32, #tpu.memory_space<vmem>>, vector<16xf32>,
      tpu.vector_store %arg20[%swap3A_74], %broadcast_in_dim3A_73 {strides = array<i32>} : memref<256xf32, #tpu.memory_space<vmem>>, vector<16xf32>,
      %broadcast_in_dim3A_76 = arith.constant 0 : i32
      %broadcast_in_dim3A_77 = vector.broadcast %broadcast_in_dim3A_76 : i32 to vector<16xi32>
      %swap3A_78 = arith.constant 16 : index
      %swap3A_79 = tpu.vector_load %arg21[%swap3A_78] {strides = array<i32>} : memref<256xi32, #tpu.memory_space<vmem>>, vector<16xi32>,
      tpu.vector_store %arg21[%swap3A_78], %broadcast_in_dim3A_77 {strides = array<i32>} : memref<256xi32, #tpu.memory_space<vmem>>, vector<16xi32>,
      %broadcast_in_dim3A_80 = arith.constant 1.000000e+00 : f32
      %broadcast_in_dim3A_81 = vector.broadcast %broadcast_in_dim3A_80 : f32 to vector<16xf32>
      %swap3A_82 = arith.constant 16 : index
      %swap3A_83 = tpu.vector_load %arg27[%swap3A_82] {strides = array<i32>} : memref<256xf32, #tpu.memory_space<vmem>>, vector<16xf32>,
      tpu.vector_store %arg27[%swap3A_82], %broadcast_in_dim3A_81 {strides = array<i32>} : memref<256xf32, #tpu.memory_space<vmem>>, vector<16xf32>,
      %broadcast_in_dim3A_84 = arith.constant 0.000000e+00 : f32
      %broadcast_in_dim3A_85 = vector.broadcast %broadcast_in_dim3A_84 : f32 to vector<16xf32>
      %swap3A_86 = arith.constant 32 : index
      %swap3A_87 = tpu.vector_load %arg20[%swap3A_86] {strides = array<i32>} : memref<256xf32, #tpu.memory_space<vmem>>, vector<16xf32>,
      tpu.vector_store %arg20[%swap3A_86], %broadcast_in_dim3A_85 {strides = array<i32>} : memref<256xf32, #tpu.memory_space<vmem>>, vector<16xf32>,
      %broadcast_in_dim3A_88 = arith.constant 0 : i32
      %broadcast_in_dim3A_89 = vector.broadcast %broadcast_in_dim3A_88 : i32 to vector<16xi32>
      %swap3A_90 = arith.constant 32 : index
      %swap3A_91 = tpu.vector_load %arg21[%swap3A_90] {strides = array<i32>} : memref<256xi32, #tpu.memory_space<vmem>>, vector<16xi32>,
      tpu.vector_store %arg21[%swap3A_90], %broadcast_in_dim3A_89 {strides = array<i32>} : memref<256xi32, #tpu.memory_space<vmem>>, vector<16xi32>,
      %broadcast_in_dim3A_92 = arith.constant 1.000000e+00 : f32
      %broadcast_in_dim3A_93 = vector.broadcast %broadcast_in_dim3A_92 : f32 to vector<16xf32>
      %swap3A_94 = arith.constant 32 : index
      %swap3A_95 = tpu.vector_load %arg27[%swap3A_94] {strides = array<i32>} : memref<256xf32, #tpu.memory_space<vmem>>, vector<16xf32>,
      tpu.vector_store %arg27[%swap3A_94], %broadcast_in_dim3A_93 {strides = array<i32>} : memref<256xf32, #tpu.memory_space<vmem>>, vector<16xf32>,
      %broadcast_in_dim3A_96 = arith.constant 0.000000e+00 : f32
      %broadcast_in_dim3A_97 = vector.broadcast %broadcast_in_dim3A_96 : f32 to vector<16xf32>
      %swap3A_98 = arith.constant 48 : index
      %swap3A_99 = tpu.vector_load %arg20[%swap3A_98] {strides = array<i32>} : memref<256xf32, #tpu.memory_space<vmem>>, vector<16xf32>,
      tpu.vector_store %arg20[%swap3A_98], %broadcast_in_dim3A_97 {strides = array<i32>} : memref<256xf32, #tpu.memory_space<vmem>>, vector<16xf32>,
      %broadcast_in_dim3A_100 = arith.constant 0 : i32
      %broadcast_in_dim3A_101 = vector.broadcast %broadcast_in_dim3A_100 : i32 to vector<16xi32>
      %swap3A_102 = arith.constant 48 : index
      %swap3A_103 = tpu.vector_load %arg21[%swap3A_102] {strides = array<i32>} : memref<256xi32, #tpu.memory_space<vmem>>, vector<16xi32>,
      tpu.vector_store %arg21[%swap3A_102], %broadcast_in_dim3A_101 {strides = array<i32>} : memref<256xi32, #tpu.memory_space<vmem>>, vector<16xi32>,
      %broadcast_in_dim3A_104 = arith.constant 1.000000e+00 : f32
      %broadcast_in_dim3A_105 = vector.broadcast %broadcast_in_dim3A_104 : f32 to vector<16xf32>
      %swap3A_106 = arith.constant 48 : index
      %swap3A_107 = tpu.vector_load %arg27[%swap3A_106] {strides = array<i32>} : memref<256xf32, #tpu.memory_space<vmem>>, vector<16xf32>,
      tpu.vector_store %arg27[%swap3A_106], %broadcast_in_dim3A_105 {strides = array<i32>} : memref<256xf32, #tpu.memory_space<vmem>>, vector<16xf32>,
      %broadcast_in_dim3A_108 = arith.constant 0.000000e+00 : f32
      %broadcast_in_dim3A_109 = vector.broadcast %broadcast_in_dim3A_108 : f32 to vector<16xf32>
      %swap3A_110 = arith.constant 64 : index
      %swap3A_111 = tpu.vector_load %arg20[%swap3A_110] {strides = array<i32>} : memref<256xf32, #tpu.memory_space<vmem>>, vector<16xf32>,
      tpu.vector_store %arg20[%swap3A_110], %broadcast_in_dim3A_109 {strides = array<i32>} : memref<256xf32, #tpu.memory_space<vmem>>, vector<16xf32>,
      %broadcast_in_dim3A_112 = arith.constant 0 : i32
      %broadcast_in_dim3A_113 = vector.broadcast %broadcast_in_dim3A_112 : i32 to vector<16xi32>
      %swap3A_114 = arith.constant 64 : index
      %swap3A_115 = tpu.vector_load %arg21[%swap3A_114] {strides = array<i32>} : memref<256xi32, #tpu.memory_space<vmem>>, vector<16xi32>,
      tpu.vector_store %arg21[%swap3A_114], %broadcast_in_dim3A_113 {strides = array<i32>} : memref<256xi32, #tpu.memory_space<vmem>>, vector<16xi32>,
      %broadcast_in_dim3A_116 = arith.constant 1.000000e+00 : f32
      %broadcast_in_dim3A_117 = vector.broadcast %broadcast_in_dim3A_116 : f32 to vector<16xf32>
      %swap3A_118 = arith.constant 64 : index
      %swap3A_119 = tpu.vector_load %arg27[%swap3A_118] {strides = array<i32>} : memref<256xf32, #tpu.memory_space<vmem>>, vector<16xf32>,
      tpu.vector_store %arg27[%swap3A_118], %broadcast_in_dim3A_117 {strides = array<i32>} : memref<256xf32, #tpu.memory_space<vmem>>, vector<16xf32>,
      %broadcast_in_dim3A_120 = arith.constant 0.000000e+00 : f32
      %broadcast_in_dim3A_121 = vector.broadcast %broadcast_in_dim3A_120 : f32 to vector<16xf32>
      %swap3A_122 = arith.constant 80 : index
      %swap3A_123 = tpu.vector_load %arg20[%swap3A_122] {strides = array<i32>} : memref<256xf32, #tpu.memory_space<vmem>>, vector<16xf32>,
      tpu.vector_store %arg20[%swap3A_122], %broadcast_in_dim3A_121 {strides = array<i32>} : memref<256xf32, #tpu.memory_space<vmem>>, vector<16xf32>,
      %broadcast_in_dim3A_124 = arith.constant 0 : i32
      %broadcast_in_dim3A_125 = vector.broadcast %broadcast_in_dim3A_124 : i32 to vector<16xi32>
      %swap3A_126 = arith.constant 80 : index
      %swap3A_127 = tpu.vector_load %arg21[%swap3A_126] {strides = array<i32>} : memref<256xi32, #tpu.memory_space<vmem>>, vector<16xi32>,
      tpu.vector_store %arg21[%swap3A_126], %broadcast_in_dim3A_125 {strides = array<i32>} : memref<256xi32, #tpu.memory_space<vmem>>, vector<16xi32>,
      %broadcast_in_dim3A_128 = arith.constant 1.000000e+00 : f32
      %broadcast_in_dim3A_129 = vector.broadcast %broadcast_in_dim3A_128 : f32 to vector<16xf32>
      %swap3A_130 = arith.constant 80 : index
      %swap3A_131 = tpu.vector_load %arg27[%swap3A_130] {strides = array<i32>} : memref<256xf32, #tpu.memory_space<vmem>>, vector<16xf32>,
      tpu.vector_store %arg27[%swap3A_130], %broadcast_in_dim3A_129 {strides = array<i32>} : memref<256xf32, #tpu.memory_space<vmem>>, vector<16xf32>,
      %broadcast_in_dim3A_132 = arith.constant 0.000000e+00 : f32
      %broadcast_in_dim3A_133 = vector.broadcast %broadcast_in_dim3A_132 : f32 to vector<16xf32>
      %swap3A_134 = arith.constant 96 : index
      %swap3A_135 = tpu.vector_load %arg20[%swap3A_134] {strides = array<i32>} : memref<256xf32, #tpu.memory_space<vmem>>, vector<16xf32>,
      tpu.vector_store %arg20[%swap3A_134], %broadcast_in_dim3A_133 {strides = array<i32>} : memref<256xf32, #tpu.memory_space<vmem>>, vector<16xf32>,
      %broadcast_in_dim3A_136 = arith.constant 0 : i32
      %broadcast_in_dim3A_137 = vector.broadcast %broadcast_in_dim3A_136 : i32 to vector<16xi32>
      %swap3A_138 = arith.constant 96 : index
      %swap3A_139 = tpu.vector_load %arg21[%swap3A_138] {strides = array<i32>} : memref<256xi32, #tpu.memory_space<vmem>>, vector<16xi32>,
      tpu.vector_store %arg21[%swap3A_138], %broadcast_in_dim3A_137 {strides = array<i32>} : memref<256xi32, #tpu.memory_space<vmem>>, vector<16xi32>,
      %broadcast_in_dim3A_140 = arith.constant 1.000000e+00 : f32
      %broadcast_in_dim3A_141 = vector.broadcast %broadcast_in_dim3A_140 : f32 to vector<16xf32>
      %swap3A_142 = arith.constant 96 : index
      %swap3A_143 = tpu.vector_load %arg27[%swap3A_142] {strides = array<i32>} : memref<256xf32, #tpu.memory_space<vmem>>, vector<16xf32>,
      tpu.vector_store %arg27[%swap3A_142], %broadcast_in_dim3A_141 {strides = array<i32>} : memref<256xf32, #tpu.memory_space<vmem>>, vector<16xf32>,
      %broadcast_in_dim3A_144 = arith.constant 0.000000e+00 : f32
      %broadcast_in_dim3A_145 = vector.broadcast %broadcast_in_dim3A_144 : f32 to vector<16xf32>
      %swap3A_146 = arith.constant 112 : index
      %swap3A_147 = tpu.vector_load %arg20[%swap3A_146] {strides = array<i32>} : memref<256xf32, #tpu.memory_space<vmem>>, vector<16xf32>,
      tpu.vector_store %arg20[%swap3A_146], %broadcast_in_dim3A_145 {strides = array<i32>} : memref<256xf32, #tpu.memory_space<vmem>>, vector<16xf32>,
      %broadcast_in_dim3A_148 = arith.constant 0 : i32
      %broadcast_in_dim3A_149 = vector.broadcast %broadcast_in_dim3A_148 : i32 to vector<16xi32>
      %swap3A_150 = arith.constant 112 : index
      %swap3A_151 = tpu.vector_load %arg21[%swap3A_150] {strides = array<i32>} : memref<256xi32, #tpu.memory_space<vmem>>, vector<16xi32>,
      tpu.vector_store %arg21[%swap3A_150], %broadcast_in_dim3A_149 {strides = array<i32>} : memref<256xi32, #tpu.memory_space<vmem>>, vector<16xi32>,
      %broadcast_in_dim3A_152 = arith.constant 1.000000e+00 : f32
      %broadcast_in_dim3A_153 = vector.broadcast %broadcast_in_dim3A_152 : f32 to vector<16xf32>
      %swap3A_154 = arith.constant 112 : index
      %swap3A_155 = tpu.vector_load %arg27[%swap3A_154] {strides = array<i32>} : memref<256xf32, #tpu.memory_space<vmem>>, vector<16xf32>,
      tpu.vector_store %arg27[%swap3A_154], %broadcast_in_dim3A_153 {strides = array<i32>} : memref<256xf32, #tpu.memory_space<vmem>>, vector<16xf32>,
      %broadcast_in_dim3A_156 = arith.constant 0.000000e+00 : f32
      %broadcast_in_dim3A_157 = vector.broadcast %broadcast_in_dim3A_156 : f32 to vector<16xf32>
      %swap3A_158 = arith.constant 128 : index
      %swap3A_159 = tpu.vector_load %arg20[%swap3A_158] {strides = array<i32>} : memref<256xf32, #tpu.memory_space<vmem>>, vector<16xf32>,
      tpu.vector_store %arg20[%swap3A_158], %broadcast_in_dim3A_157 {strides = array<i32>} : memref<256xf32, #tpu.memory_space<vmem>>, vector<16xf32>,
      %broadcast_in_dim3A_160 = arith.constant 0 : i32
      %broadcast_in_dim3A_161 = vector.broadcast %broadcast_in_dim3A_160 : i32 to vector<16xi32>
      %swap3A_162 = arith.constant 128 : index
      %swap3A_163 = tpu.vector_load %arg21[%swap3A_162] {strides = array<i32>} : memref<256xi32, #tpu.memory_space<vmem>>, vector<16xi32>,
      tpu.vector_store %arg21[%swap3A_162], %broadcast_in_dim3A_161 {strides = array<i32>} : memref<256xi32, #tpu.memory_space<vmem>>, vector<16xi32>,
      %broadcast_in_dim3A_164 = arith.constant 1.000000e+00 : f32
      %broadcast_in_dim3A_165 = vector.broadcast %broadcast_in_dim3A_164 : f32 to vector<16xf32>
      %swap3A_166 = arith.constant 128 : index
      %swap3A_167 = tpu.vector_load %arg27[%swap3A_166] {strides = array<i32>} : memref<256xf32, #tpu.memory_space<vmem>>, vector<16xf32>,
      tpu.vector_store %arg27[%swap3A_166], %broadcast_in_dim3A_165 {strides = array<i32>} : memref<256xf32, #tpu.memory_space<vmem>>, vector<16xf32>,
      %broadcast_in_dim3A_168 = arith.constant 0.000000e+00 : f32
      %broadcast_in_dim3A_169 = vector.broadcast %broadcast_in_dim3A_168 : f32 to vector<16xf32>
      %swap3A_170 = arith.constant 144 : index
      %swap3A_171 = tpu.vector_load %arg20[%swap3A_170] {strides = array<i32>} : memref<256xf32, #tpu.memory_space<vmem>>, vector<16xf32>,
      tpu.vector_store %arg20[%swap3A_170], %broadcast_in_dim3A_169 {strides = array<i32>} : memref<256xf32, #tpu.memory_space<vmem>>, vector<16xf32>,
      %broadcast_in_dim3A_172 = arith.constant 0 : i32
      %broadcast_in_dim3A_173 = vector.broadcast %broadcast_in_dim3A_172 : i32 to vector<16xi32>
      %swap3A_174 = arith.constant 144 : index
      %swap3A_175 = tpu.vector_load %arg21[%swap3A_174] {strides = array<i32>} : memref<256xi32, #tpu.memory_space<vmem>>, vector<16xi32>,
      tpu.vector_store %arg21[%swap3A_174], %broadcast_in_dim3A_173 {strides = array<i32>} : memref<256xi32, #tpu.memory_space<vmem>>, vector<16xi32>,
      %broadcast_in_dim3A_176 = arith.constant 1.000000e+00 : f32
      %broadcast_in_dim3A_177 = vector.broadcast %broadcast_in_dim3A_176 : f32 to vector<16xf32>
      %swap3A_178 = arith.constant 144 : index
      %swap3A_179 = tpu.vector_load %arg27[%swap3A_178] {strides = array<i32>} : memref<256xf32, #tpu.memory_space<vmem>>, vector<16xf32>,
      tpu.vector_store %arg27[%swap3A_178], %broadcast_in_dim3A_177 {strides = array<i32>} : memref<256xf32, #tpu.memory_space<vmem>>, vector<16xf32>,
      %broadcast_in_dim3A_180 = arith.constant 0.000000e+00 : f32
      %broadcast_in_dim3A_181 = vector.broadcast %broadcast_in_dim3A_180 : f32 to vector<16xf32>
      %swap3A_182 = arith.constant 160 : index
      %swap3A_183 = tpu.vector_load %arg20[%swap3A_182] {strides = array<i32>} : memref<256xf32, #tpu.memory_space<vmem>>, vector<16xf32>,
      tpu.vector_store %arg20[%swap3A_182], %broadcast_in_dim3A_181 {strides = array<i32>} : memref<256xf32, #tpu.memory_space<vmem>>, vector<16xf32>,
      %broadcast_in_dim3A_184 = arith.constant 0 : i32
      %broadcast_in_dim3A_185 = vector.broadcast %broadcast_in_dim3A_184 : i32 to vector<16xi32>
      %swap3A_186 = arith.constant 160 : index
      %swap3A_187 = tpu.vector_load %arg21[%swap3A_186] {strides = array<i32>} : memref<256xi32, #tpu.memory_space<vmem>>, vector<16xi32>,
      tpu.vector_store %arg21[%swap3A_186], %broadcast_in_dim3A_185 {strides = array<i32>} : memref<256xi32, #tpu.memory_space<vmem>>, vector<16xi32>,
      %broadcast_in_dim3A_188 = arith.constant 1.000000e+00 : f32
      %broadcast_in_dim3A_189 = vector.broadcast %broadcast_in_dim3A_188 : f32 to vector<16xf32>
      %swap3A_190 = arith.constant 160 : index
      %swap3A_191 = tpu.vector_load %arg27[%swap3A_190] {strides = array<i32>} : memref<256xf32, #tpu.memory_space<vmem>>, vector<16xf32>,
      tpu.vector_store %arg27[%swap3A_190], %broadcast_in_dim3A_189 {strides = array<i32>} : memref<256xf32, #tpu.memory_space<vmem>>, vector<16xf32>,
      %broadcast_in_dim3A_192 = arith.constant 0.000000e+00 : f32
      %broadcast_in_dim3A_193 = vector.broadcast %broadcast_in_dim3A_192 : f32 to vector<16xf32>
      %swap3A_194 = arith.constant 176 : index
      %swap3A_195 = tpu.vector_load %arg20[%swap3A_194] {strides = array<i32>} : memref<256xf32, #tpu.memory_space<vmem>>, vector<16xf32>,
      tpu.vector_store %arg20[%swap3A_194], %broadcast_in_dim3A_193 {strides = array<i32>} : memref<256xf32, #tpu.memory_space<vmem>>, vector<16xf32>,
      %broadcast_in_dim3A_196 = arith.constant 0 : i32
      %broadcast_in_dim3A_197 = vector.broadcast %broadcast_in_dim3A_196 : i32 to vector<16xi32>
      %swap3A_198 = arith.constant 176 : index
      %swap3A_199 = tpu.vector_load %arg21[%swap3A_198] {strides = array<i32>} : memref<256xi32, #tpu.memory_space<vmem>>, vector<16xi32>,
      tpu.vector_store %arg21[%swap3A_198], %broadcast_in_dim3A_197 {strides = array<i32>} : memref<256xi32, #tpu.memory_space<vmem>>, vector<16xi32>,
      %broadcast_in_dim3A_200 = arith.constant 1.000000e+00 : f32
      %broadcast_in_dim3A_201 = vector.broadcast %broadcast_in_dim3A_200 : f32 to vector<16xf32>
      %swap3A_202 = arith.constant 176 : index
      %swap3A_203 = tpu.vector_load %arg27[%swap3A_202] {strides = array<i32>} : memref<256xf32, #tpu.memory_space<vmem>>, vector<16xf32>,
      tpu.vector_store %arg27[%swap3A_202], %broadcast_in_dim3A_201 {strides = array<i32>} : memref<256xf32, #tpu.memory_space<vmem>>, vector<16xf32>,
      %broadcast_in_dim3A_204 = arith.constant 0.000000e+00 : f32
      %broadcast_in_dim3A_205 = vector.broadcast %broadcast_in_dim3A_204 : f32 to vector<16xf32>
      %swap3A_206 = arith.constant 192 : index
      %swap3A_207 = tpu.vector_load %arg20[%swap3A_206] {strides = array<i32>} : memref<256xf32, #tpu.memory_space<vmem>>, vector<16xf32>,
      tpu.vector_store %arg20[%swap3A_206], %broadcast_in_dim3A_205 {strides = array<i32>} : memref<256xf32, #tpu.memory_space<vmem>>, vector<16xf32>,
      %broadcast_in_dim3A_208 = arith.constant 0 : i32
      %broadcast_in_dim3A_209 = vector.broadcast %broadcast_in_dim3A_208 : i32 to vector<16xi32>
      %swap3A_210 = arith.constant 192 : index
      %swap3A_211 = tpu.vector_load %arg21[%swap3A_210] {strides = array<i32>} : memref<256xi32, #tpu.memory_space<vmem>>, vector<16xi32>,
      tpu.vector_store %arg21[%swap3A_210], %broadcast_in_dim3A_209 {strides = array<i32>} : memref<256xi32, #tpu.memory_space<vmem>>, vector<16xi32>,
      %broadcast_in_dim3A_212 = arith.constant 1.000000e+00 : f32
      %broadcast_in_dim3A_213 = vector.broadcast %broadcast_in_dim3A_212 : f32 to vector<16xf32>
      %swap3A_214 = arith.constant 192 : index
      %swap3A_215 = tpu.vector_load %arg27[%swap3A_214] {strides = array<i32>} : memref<256xf32, #tpu.memory_space<vmem>>, vector<16xf32>,
      tpu.vector_store %arg27[%swap3A_214], %broadcast_in_dim3A_213 {strides = array<i32>} : memref<256xf32, #tpu.memory_space<vmem>>, vector<16xf32>,
      %broadcast_in_dim3A_216 = arith.constant 0.000000e+00 : f32
      %broadcast_in_dim3A_217 = vector.broadcast %broadcast_in_dim3A_216 : f32 to vector<16xf32>
      %swap3A_218 = arith.constant 208 : index
      %swap3A_219 = tpu.vector_load %arg20[%swap3A_218] {strides = array<i32>} : memref<256xf32, #tpu.memory_space<vmem>>, vector<16xf32>,
      tpu.vector_store %arg20[%swap3A_218], %broadcast_in_dim3A_217 {strides = array<i32>} : memref<256xf32, #tpu.memory_space<vmem>>, vector<16xf32>,
      %broadcast_in_dim3A_220 = arith.constant 0 : i32
      %broadcast_in_dim3A_221 = vector.broadcast %broadcast_in_dim3A_220 : i32 to vector<16xi32>
      %swap3A_222 = arith.constant 208 : index
      %swap3A_223 = tpu.vector_load %arg21[%swap3A_222] {strides = array<i32>} : memref<256xi32, #tpu.memory_space<vmem>>, vector<16xi32>,
      tpu.vector_store %arg21[%swap3A_222], %broadcast_in_dim3A_221 {strides = array<i32>} : memref<256xi32, #tpu.memory_space<vmem>>, vector<16xi32>,
      %broadcast_in_dim3A_224 = arith.constant 1.000000e+00 : f32
      %broadcast_in_dim3A_225 = vector.broadcast %broadcast_in_dim3A_224 : f32 to vector<16xf32>
      %swap3A_226 = arith.constant 208 : index
      %swap3A_227 = tpu.vector_load %arg27[%swap3A_226] {strides = array<i32>} : memref<256xf32, #tpu.memory_space<vmem>>, vector<16xf32>,
      tpu.vector_store %arg27[%swap3A_226], %broadcast_in_dim3A_225 {strides = array<i32>} : memref<256xf32, #tpu.memory_space<vmem>>, vector<16xf32>,
      %broadcast_in_dim3A_228 = arith.constant 0.000000e+00 : f32
      %broadcast_in_dim3A_229 = vector.broadcast %broadcast_in_dim3A_228 : f32 to vector<16xf32>
      %swap3A_230 = arith.constant 224 : index
      %swap3A_231 = tpu.vector_load %arg20[%swap3A_230] {strides = array<i32>} : memref<256xf32, #tpu.memory_space<vmem>>, vector<16xf32>,
      tpu.vector_store %arg20[%swap3A_230], %broadcast_in_dim3A_229 {strides = array<i32>} : memref<256xf32, #tpu.memory_space<vmem>>, vector<16xf32>,
      %broadcast_in_dim3A_232 = arith.constant 0 : i32
      %broadcast_in_dim3A_233 = vector.broadcast %broadcast_in_dim3A_232 : i32 to vector<16xi32>
      %swap3A_234 = arith.constant 224 : index
      %swap3A_235 = tpu.vector_load %arg21[%swap3A_234] {strides = array<i32>} : memref<256xi32, #tpu.memory_space<vmem>>, vector<16xi32>,
      tpu.vector_store %arg21[%swap3A_234], %broadcast_in_dim3A_233 {strides = array<i32>} : memref<256xi32, #tpu.memory_space<vmem>>, vector<16xi32>,
      %broadcast_in_dim3A_236 = arith.constant 1.000000e+00 : f32
      %broadcast_in_dim3A_237 = vector.broadcast %broadcast_in_dim3A_236 : f32 to vector<16xf32>
      %swap3A_238 = arith.constant 224 : index
      %swap3A_239 = tpu.vector_load %arg27[%swap3A_238] {strides = array<i32>} : memref<256xf32, #tpu.memory_space<vmem>>, vector<16xf32>,
      tpu.vector_store %arg27[%swap3A_238], %broadcast_in_dim3A_237 {strides = array<i32>} : memref<256xf32, #tpu.memory_space<vmem>>, vector<16xf32>,
      %broadcast_in_dim3A_240 = arith.constant 0.000000e+00 : f32
      %broadcast_in_dim3A_241 = vector.broadcast %broadcast_in_dim3A_240 : f32 to vector<16xf32>
      %swap3A_242 = arith.constant 240 : index
      %swap3A_243 = tpu.vector_load %arg20[%swap3A_242] {strides = array<i32>} : memref<256xf32, #tpu.memory_space<vmem>>, vector<16xf32>,
      tpu.vector_store %arg20[%swap3A_242], %broadcast_in_dim3A_241 {strides = array<i32>} : memref<256xf32, #tpu.memory_space<vmem>>, vector<16xf32>,
      %broadcast_in_dim3A_244 = arith.constant 0 : i32
      %broadcast_in_dim3A_245 = vector.broadcast %broadcast_in_dim3A_244 : i32 to vector<16xi32>
      %swap3A_246 = arith.constant 240 : index
      %swap3A_247 = tpu.vector_load %arg21[%swap3A_246] {strides = array<i32>} : memref<256xi32, #tpu.memory_space<vmem>>, vector<16xi32>,
      tpu.vector_store %arg21[%swap3A_246], %broadcast_in_dim3A_245 {strides = array<i32>} : memref<256xi32, #tpu.memory_space<vmem>>, vector<16xi32>,
      %broadcast_in_dim3A_248 = arith.constant 1.000000e+00 : f32
      %broadcast_in_dim3A_249 = vector.broadcast %broadcast_in_dim3A_248 : f32 to vector<16xf32>
      %swap3A_250 = arith.constant 240 : index
      %swap3A_251 = tpu.vector_load %arg27[%swap3A_250] {strides = array<i32>} : memref<256xf32, #tpu.memory_space<vmem>>, vector<16xf32>,
      tpu.vector_store %arg27[%swap3A_250], %broadcast_in_dim3A_249 {strides = array<i32>} : memref<256xf32, #tpu.memory_space<vmem>>, vector<16xf32>,
      %broadcast_in_dim3A_252 = arith.constant -1.000000e+30 : f32
      %broadcast_in_dim3A_253 = vector.broadcast %broadcast_in_dim3A_252 : f32 to vector<16xf32>
      %swap3A_254 = arith.constant 0 : index
      %swap3A_255 = tpu.vector_load %arg19[%swap3A_254] {strides = array<i32>} : memref<320xf32, #tpu.memory_space<vmem>>, vector<16xf32>,
      tpu.vector_store %arg19[%swap3A_254], %broadcast_in_dim3A_253 {strides = array<i32>} : memref<320xf32, #tpu.memory_space<vmem>>, vector<16xf32>,
      %broadcast_in_dim3A_256 = arith.constant -1.000000e+30 : f32
      %broadcast_in_dim3A_257 = vector.broadcast %broadcast_in_dim3A_256 : f32 to vector<16xf32>
      %swap3A_258 = arith.constant 16 : index
      %swap3A_259 = tpu.vector_load %arg19[%swap3A_258] {strides = array<i32>} : memref<320xf32, #tpu.memory_space<vmem>>, vector<16xf32>,
      tpu.vector_store %arg19[%swap3A_258], %broadcast_in_dim3A_257 {strides = array<i32>} : memref<320xf32, #tpu.memory_space<vmem>>, vector<16xf32>,
      %broadcast_in_dim3A_260 = arith.constant -1.000000e+30 : f32
      %broadcast_in_dim3A_261 = vector.broadcast %broadcast_in_dim3A_260 : f32 to vector<16xf32>
      %swap3A_262 = arith.constant 32 : index
      %swap3A_263 = tpu.vector_load %arg19[%swap3A_262] {strides = array<i32>} : memref<320xf32, #tpu.memory_space<vmem>>, vector<16xf32>,
      tpu.vector_store %arg19[%swap3A_262], %broadcast_in_dim3A_261 {strides = array<i32>} : memref<320xf32, #tpu.memory_space<vmem>>, vector<16xf32>,
      %broadcast_in_dim3A_264 = arith.constant -1.000000e+30 : f32
      %broadcast_in_dim3A_265 = vector.broadcast %broadcast_in_dim3A_264 : f32 to vector<16xf32>
      %swap3A_266 = arith.constant 48 : index
      %swap3A_267 = tpu.vector_load %arg19[%swap3A_266] {strides = array<i32>} : memref<320xf32, #tpu.memory_space<vmem>>, vector<16xf32>,
      tpu.vector_store %arg19[%swap3A_266], %broadcast_in_dim3A_265 {strides = array<i32>} : memref<320xf32, #tpu.memory_space<vmem>>, vector<16xf32>,
      %broadcast_in_dim3A_268 = arith.constant -1.000000e+30 : f32
      %broadcast_in_dim3A_269 = vector.broadcast %broadcast_in_dim3A_268 : f32 to vector<16xf32>
      %swap3A_270 = arith.constant 64 : index
      %swap3A_271 = tpu.vector_load %arg19[%swap3A_270] {strides = array<i32>} : memref<320xf32, #tpu.memory_space<vmem>>, vector<16xf32>,
      tpu.vector_store %arg19[%swap3A_270], %broadcast_in_dim3A_269 {strides = array<i32>} : memref<320xf32, #tpu.memory_space<vmem>>, vector<16xf32>,
      %broadcast_in_dim3A_272 = arith.constant -1.000000e+30 : f32
      %broadcast_in_dim3A_273 = vector.broadcast %broadcast_in_dim3A_272 : f32 to vector<16xf32>
      %swap3A_274 = arith.constant 80 : index
      %swap3A_275 = tpu.vector_load %arg19[%swap3A_274] {strides = array<i32>} : memref<320xf32, #tpu.memory_space<vmem>>, vector<16xf32>,
      tpu.vector_store %arg19[%swap3A_274], %broadcast_in_dim3A_273 {strides = array<i32>} : memref<320xf32, #tpu.memory_space<vmem>>, vector<16xf32>,
      %broadcast_in_dim3A_276 = arith.constant -1.000000e+30 : f32
      %broadcast_in_dim3A_277 = vector.broadcast %broadcast_in_dim3A_276 : f32 to vector<16xf32>
      %swap3A_278 = arith.constant 96 : index
      %swap3A_279 = tpu.vector_load %arg19[%swap3A_278] {strides = array<i32>} : memref<320xf32, #tpu.memory_space<vmem>>, vector<16xf32>,
      tpu.vector_store %arg19[%swap3A_278], %broadcast_in_dim3A_277 {strides = array<i32>} : memref<320xf32, #tpu.memory_space<vmem>>, vector<16xf32>,
      %broadcast_in_dim3A_280 = arith.constant -1.000000e+30 : f32
      %broadcast_in_dim3A_281 = vector.broadcast %broadcast_in_dim3A_280 : f32 to vector<16xf32>
      %swap3A_282 = arith.constant 112 : index
      %swap3A_283 = tpu.vector_load %arg19[%swap3A_282] {strides = array<i32>} : memref<320xf32, #tpu.memory_space<vmem>>, vector<16xf32>,
      tpu.vector_store %arg19[%swap3A_282], %broadcast_in_dim3A_281 {strides = array<i32>} : memref<320xf32, #tpu.memory_space<vmem>>, vector<16xf32>,
      %broadcast_in_dim3A_284 = arith.constant -1.000000e+30 : f32
      %broadcast_in_dim3A_285 = vector.broadcast %broadcast_in_dim3A_284 : f32 to vector<16xf32>
      %swap3A_286 = arith.constant 128 : index
      %swap3A_287 = tpu.vector_load %arg19[%swap3A_286] {strides = array<i32>} : memref<320xf32, #tpu.memory_space<vmem>>, vector<16xf32>,
      tpu.vector_store %arg19[%swap3A_286], %broadcast_in_dim3A_285 {strides = array<i32>} : memref<320xf32, #tpu.memory_space<vmem>>, vector<16xf32>,
      %broadcast_in_dim3A_288 = arith.constant -1.000000e+30 : f32
      %broadcast_in_dim3A_289 = vector.broadcast %broadcast_in_dim3A_288 : f32 to vector<16xf32>
      %swap3A_290 = arith.constant 144 : index
      %swap3A_291 = tpu.vector_load %arg19[%swap3A_290] {strides = array<i32>} : memref<320xf32, #tpu.memory_space<vmem>>, vector<16xf32>,
      tpu.vector_store %arg19[%swap3A_290], %broadcast_in_dim3A_289 {strides = array<i32>} : memref<320xf32, #tpu.memory_space<vmem>>, vector<16xf32>,
      %broadcast_in_dim3A_292 = arith.constant -1.000000e+30 : f32
      %broadcast_in_dim3A_293 = vector.broadcast %broadcast_in_dim3A_292 : f32 to vector<16xf32>
      %swap3A_294 = arith.constant 160 : index
      %swap3A_295 = tpu.vector_load %arg19[%swap3A_294] {strides = array<i32>} : memref<320xf32, #tpu.memory_space<vmem>>, vector<16xf32>,
      tpu.vector_store %arg19[%swap3A_294], %broadcast_in_dim3A_293 {strides = array<i32>} : memref<320xf32, #tpu.memory_space<vmem>>, vector<16xf32>,
      %broadcast_in_dim3A_296 = arith.constant -1.000000e+30 : f32
      %broadcast_in_dim3A_297 = vector.broadcast %broadcast_in_dim3A_296 : f32 to vector<16xf32>
      %swap3A_298 = arith.constant 176 : index
      %swap3A_299 = tpu.vector_load %arg19[%swap3A_298] {strides = array<i32>} : memref<320xf32, #tpu.memory_space<vmem>>, vector<16xf32>,
      tpu.vector_store %arg19[%swap3A_298], %broadcast_in_dim3A_297 {strides = array<i32>} : memref<320xf32, #tpu.memory_space<vmem>>, vector<16xf32>,
      %broadcast_in_dim3A_300 = arith.constant -1.000000e+30 : f32
      %broadcast_in_dim3A_301 = vector.broadcast %broadcast_in_dim3A_300 : f32 to vector<16xf32>
      %swap3A_302 = arith.constant 192 : index
      %swap3A_303 = tpu.vector_load %arg19[%swap3A_302] {strides = array<i32>} : memref<320xf32, #tpu.memory_space<vmem>>, vector<16xf32>,
      tpu.vector_store %arg19[%swap3A_302], %broadcast_in_dim3A_301 {strides = array<i32>} : memref<320xf32, #tpu.memory_space<vmem>>, vector<16xf32>,
      %broadcast_in_dim3A_304 = arith.constant -1.000000e+30 : f32
      %broadcast_in_dim3A_305 = vector.broadcast %broadcast_in_dim3A_304 : f32 to vector<16xf32>
      %swap3A_306 = arith.constant 208 : index
      %swap3A_307 = tpu.vector_load %arg19[%swap3A_306] {strides = array<i32>} : memref<320xf32, #tpu.memory_space<vmem>>, vector<16xf32>,
      tpu.vector_store %arg19[%swap3A_306], %broadcast_in_dim3A_305 {strides = array<i32>} : memref<320xf32, #tpu.memory_space<vmem>>, vector<16xf32>,
      %broadcast_in_dim3A_308 = arith.constant -1.000000e+30 : f32
      %broadcast_in_dim3A_309 = vector.broadcast %broadcast_in_dim3A_308 : f32 to vector<16xf32>
      %swap3A_310 = arith.constant 224 : index
      %swap3A_311 = tpu.vector_load %arg19[%swap3A_310] {strides = array<i32>} : memref<320xf32, #tpu.memory_space<vmem>>, vector<16xf32>,
      tpu.vector_store %arg19[%swap3A_310], %broadcast_in_dim3A_309 {strides = array<i32>} : memref<320xf32, #tpu.memory_space<vmem>>, vector<16xf32>,
      %broadcast_in_dim3A_312 = arith.constant -1.000000e+30 : f32
      %broadcast_in_dim3A_313 = vector.broadcast %broadcast_in_dim3A_312 : f32 to vector<16xf32>
      %swap3A_314 = arith.constant 240 : index
      %swap3A_315 = tpu.vector_load %arg19[%swap3A_314] {strides = array<i32>} : memref<320xf32, #tpu.memory_space<vmem>>, vector<16xf32>,
      tpu.vector_store %arg19[%swap3A_314], %broadcast_in_dim3A_313 {strides = array<i32>} : memref<320xf32, #tpu.memory_space<vmem>>, vector<16xf32>,
      %broadcast_in_dim3A_316 = arith.constant -1.000000e+30 : f32
      %broadcast_in_dim3A_317 = vector.broadcast %broadcast_in_dim3A_316 : f32 to vector<16xf32>
      %swap3A_318 = arith.constant 256 : index
      %swap3A_319 = tpu.vector_load %arg19[%swap3A_318] {strides = array<i32>} : memref<320xf32, #tpu.memory_space<vmem>>, vector<16xf32>,
      tpu.vector_store %arg19[%swap3A_318], %broadcast_in_dim3A_317 {strides = array<i32>} : memref<320xf32, #tpu.memory_space<vmem>>, vector<16xf32>,
      %broadcast_in_dim3A_320 = arith.constant -1.000000e+30 : f32
      %broadcast_in_dim3A_321 = vector.broadcast %broadcast_in_dim3A_320 : f32 to vector<16xf32>
      %swap3A_322 = arith.constant 272 : index
      %swap3A_323 = tpu.vector_load %arg19[%swap3A_322] {strides = array<i32>} : memref<320xf32, #tpu.memory_space<vmem>>, vector<16xf32>,
      tpu.vector_store %arg19[%swap3A_322], %broadcast_in_dim3A_321 {strides = array<i32>} : memref<320xf32, #tpu.memory_space<vmem>>, vector<16xf32>,
      %broadcast_in_dim3A_324 = arith.constant -1.000000e+30 : f32
      %broadcast_in_dim3A_325 = vector.broadcast %broadcast_in_dim3A_324 : f32 to vector<16xf32>
      %swap3A_326 = arith.constant 288 : index
      %swap3A_327 = tpu.vector_load %arg19[%swap3A_326] {strides = array<i32>} : memref<320xf32, #tpu.memory_space<vmem>>, vector<16xf32>,
      tpu.vector_store %arg19[%swap3A_326], %broadcast_in_dim3A_325 {strides = array<i32>} : memref<320xf32, #tpu.memory_space<vmem>>, vector<16xf32>,
      %broadcast_in_dim3A_328 = arith.constant -1.000000e+30 : f32
      %broadcast_in_dim3A_329 = vector.broadcast %broadcast_in_dim3A_328 : f32 to vector<16xf32>
      %swap3A_330 = arith.constant 304 : index
      %swap3A_331 = tpu.vector_load %arg19[%swap3A_330] {strides = array<i32>} : memref<320xf32, #tpu.memory_space<vmem>>, vector<16xf32>,
      tpu.vector_store %arg19[%swap3A_330], %broadcast_in_dim3A_329 {strides = array<i32>} : memref<320xf32, #tpu.memory_space<vmem>>, vector<16xf32>,
      %while3A = arith.constant 0 : i32
      %while3A_332 = arith.constant 0 : i32
      %while3A_333 = arith.subi %select_n3A, %while3A_332 : i32
      %while3A_334 = arith.addi %while3A_332, %while3A_333 : i32
      %while3A_335 = arith.constant 1 : i32
      %while3A_336 = arith.divsi %while3A_333, %while3A_335 : i32
      %while3A_337 = arith.muli %while3A_336, %while3A_335 : i32
      %while3A_338 = arith.addi %while3A_332, %while3A_337 : i32
      %while3A_339 = arith.constant 1 : i32
      scf.for %while3A_1308 = %while3A_332 to %while3A_338 step %while3A_339  : i32 {
        %mul3A_1309 = arith.constant 16 : i32
        %mul3A_1310 = arith.muli %while3A_1308, %mul3A_1309 : i32
        %add3A_1311 = vector.broadcast %mul3A_1310 : i32 to vector<16xi32>
        %add3A_1312 = arith.addi %add3A_1311, %iota3A : vector<16xi32>
        %gather3A_1313 = tpu.vector_load_idx %arg17[%add3A_1312] : memref<5120xf32, #tpu.memory_space<vmem>>[vector<16xi32>], vector<16xf32>,
        %broadcast_in_dim3A_1314 = vector.broadcast %while3A_1308 : i32 to vector<16xi32>
        %reduce_max3A = arith.constant true
        %reduce_max3A_1315 = vector.broadcast %reduce_max3A : i1 to vector<16xi1>
        %reduce_max3A_1316 = tpu.scan <max>, %gather3A_1313 masked %reduce_max3A_1315 : vector<16xf32>, vector<16xi1> -> vector<16xf32>
        %reduce_max3A_1317 = vector.extract %reduce_max3A_1316[15] : f32 from vector<16xf32>
        %broadcast_in_dim3A_1318 = vector.broadcast %reduce_max3A_1317 : f32 to vector<16xf32>
        tpu.vector_store_idx %arg19[%broadcast_in_dim3A_1314], %broadcast_in_dim3A_1318 masked %eq3A_54 : memref<320xf32, #tpu.memory_space<vmem>>[vector<16xi32>], vector<16xf32>, vector<16xi1>
      }
      %while3A_340 = arith.constant 1 : i32
      scf.for %while3A_1308 = %while3A_338 to %while3A_334 step %while3A_340  : i32 {
        %mul3A_1309 = arith.constant 16 : i32
        %mul3A_1310 = arith.muli %while3A_1308, %mul3A_1309 : i32
        %add3A_1311 = vector.broadcast %mul3A_1310 : i32 to vector<16xi32>
        %add3A_1312 = arith.addi %add3A_1311, %iota3A : vector<16xi32>
        %gather3A_1313 = tpu.vector_load_idx %arg17[%add3A_1312] : memref<5120xf32, #tpu.memory_space<vmem>>[vector<16xi32>], vector<16xf32>,
        %broadcast_in_dim3A_1314 = vector.broadcast %while3A_1308 : i32 to vector<16xi32>
        %reduce_max3A = arith.constant true
        %reduce_max3A_1315 = vector.broadcast %reduce_max3A : i1 to vector<16xi1>
        %reduce_max3A_1316 = tpu.scan <max>, %gather3A_1313 masked %reduce_max3A_1315 : vector<16xf32>, vector<16xi1> -> vector<16xf32>
        %reduce_max3A_1317 = vector.extract %reduce_max3A_1316[15] : f32 from vector<16xf32>
        %broadcast_in_dim3A_1318 = vector.broadcast %reduce_max3A_1317 : f32 to vector<16xf32>
        tpu.vector_store_idx %arg19[%broadcast_in_dim3A_1314], %broadcast_in_dim3A_1318 masked %eq3A_54 : memref<320xf32, #tpu.memory_space<vmem>>[vector<16xi32>], vector<16xf32>, vector<16xi1>
      }
      %scan3A_341 = arith.constant 0 : i32
      %scan3A_342 = arith.constant 0 : i32
      %scan3A_343 = arith.constant 200 : i32
      %scan3A_344 = arith.addi %scan3A_342, %scan3A_343 : i32
      %scan3A_345 = arith.constant 1 : i32
      scf.for %scan3A_1308 = %scan3A_342 to %scan3A_344 step %scan3A_345  : i32 {
        %while3A_1309 = arith.constant 0 : i32
        %while3A_1310 = arith.constant -1.000000e+30 : f32
        %while3A_1311 = arith.constant 0 : i32
        %while3A_1312 = arith.subi %select_n3A_52, %while3A_1309 : i32
        %while3A_1313 = arith.addi %while3A_1309, %while3A_1312 : i32
        %while3A_1314 = arith.constant 1 : i32
        %while3A_1315 = arith.divsi %while3A_1312, %while3A_1314 : i32
        %while3A_1316 = arith.muli %while3A_1315, %while3A_1314 : i32
        %while3A_1317 = arith.addi %while3A_1309, %while3A_1316 : i32
        %while3A_1318 = arith.constant 1 : i32
        %while3A_1319:2 = scf.for %while3A_1327 = %while3A_1309 to %while3A_1317 step %while3A_1318 iter_args(%while3A_1328 = %while3A_1310, %while3A_1329 = %while3A_1311) -> (f32, i32)  : i32 {
          %mul3A_1330 = arith.constant 16 : i32
          %mul3A_1331 = arith.muli %while3A_1327, %mul3A_1330 : i32
          %add3A_1332 = vector.broadcast %mul3A_1331 : i32 to vector<16xi32>
          %add3A_1333 = arith.addi %add3A_1332, %iota3A : vector<16xi32>
          %gather3A_1334 = tpu.vector_load_idx %arg19[%add3A_1333] : memref<320xf32, #tpu.memory_space<vmem>>[vector<16xi32>], vector<16xf32>,
          %reduce_max3A = arith.constant true
          %reduce_max3A_1335 = vector.broadcast %reduce_max3A : i1 to vector<16xi1>
          %reduce_max3A_1336 = tpu.scan <max>, %gather3A_1334 masked %reduce_max3A_1335 : vector<16xf32>, vector<16xi1> -> vector<16xf32>
          %reduce_max3A_1337 = vector.extract %reduce_max3A_1336[15] : f32 from vector<16xf32>
          %gt3A_1338 = arith.cmpf ogt, %reduce_max3A_1337, %while3A_1328 : f32
          %select_n3A_1339 = arith.select %gt3A_1338, %reduce_max3A_1337, %while3A_1328 : f32
          %select_n3A_1340 = arith.select %gt3A_1338, %while3A_1327, %while3A_1329 : i32
          scf.yield %select_n3A_1339, %select_n3A_1340 : f32, i32
        }
        %while3A_1320 = arith.constant 1 : i32
        %while3A_1321:2 = scf.for %while3A_1327 = %while3A_1317 to %while3A_1313 step %while3A_1320 iter_args(%while3A_1328 = %while3A_1319#0, %while3A_1329 = %while3A_1319#1) -> (f32, i32)  : i32 {
          %mul3A_1330 = arith.constant 16 : i32
          %mul3A_1331 = arith.muli %while3A_1327, %mul3A_1330 : i32
          %add3A_1332 = vector.broadcast %mul3A_1331 : i32 to vector<16xi32>
          %add3A_1333 = arith.addi %add3A_1332, %iota3A : vector<16xi32>
          %gather3A_1334 = tpu.vector_load_idx %arg19[%add3A_1333] : memref<320xf32, #tpu.memory_space<vmem>>[vector<16xi32>], vector<16xf32>,
          %reduce_max3A = arith.constant true
          %reduce_max3A_1335 = vector.broadcast %reduce_max3A : i1 to vector<16xi1>
          %reduce_max3A_1336 = tpu.scan <max>, %gather3A_1334 masked %reduce_max3A_1335 : vector<16xf32>, vector<16xi1> -> vector<16xf32>
          %reduce_max3A_1337 = vector.extract %reduce_max3A_1336[15] : f32 from vector<16xf32>
          %gt3A_1338 = arith.cmpf ogt, %reduce_max3A_1337, %while3A_1328 : f32
          %select_n3A_1339 = arith.select %gt3A_1338, %reduce_max3A_1337, %while3A_1328 : f32
          %select_n3A_1340 = arith.select %gt3A_1338, %while3A_1327, %while3A_1329 : i32
          scf.yield %select_n3A_1339, %select_n3A_1340 : f32, i32
        }
        %gt3A_1322 = arith.constant 5.000000e-02 : f32
        %gt3A_1323 = arith.cmpf ogt, %while3A_1321#0, %gt3A_1322 : f32
        %convert_element_type3A_1324 = arith.extui %gt3A_1323 : i1 to i32
        %cond3A_1325 = arith.constant 0 : i32
        %cond3A_1326 = arith.cmpi ne, %convert_element_type3A_1324, %cond3A_1325 : i32
        scf.if %cond3A_1326 {
          %mul3A_1327 = arith.constant 16 : i32
          %mul3A_1328 = arith.muli %while3A_1321#1, %mul3A_1327 : i32
          %add3A_1329 = vector.broadcast %mul3A_1328 : i32 to vector<16xi32>
          %add3A_1330 = arith.addi %add3A_1329, %iota3A : vector<16xi32>
          %gather3A_1331 = tpu.vector_load_idx %arg19[%add3A_1330] : memref<320xf32, #tpu.memory_space<vmem>>[vector<16xi32>], vector<16xf32>,
          %mul3A_1332 = arith.constant 16 : i32
          %mul3A_1333 = arith.muli %while3A_1321#1, %mul3A_1332 : i32
          %eq3A_1334 = vector.broadcast %while3A_1321#0 : f32 to vector<16xf32>
          %eq3A_1335 = arith.cmpf oeq, %gather3A_1331, %eq3A_1334 : vector<16xf32>
          %all_reduce_ffs3A = tpu.all_reduce %eq3A_1335 {dim = 0 : i64, kind = #tpu.reduction_kind<find_first_set>} : vector<16xi1> -> vector<16xi32>
          %reduce_max3A = arith.constant true
          %reduce_max3A_1336 = vector.broadcast %reduce_max3A : i1 to vector<16xi1>
          %reduce_max3A_1337 = arith.constant -2147483648 : i32
          %reduce_max3A_1338 = vector.broadcast %reduce_max3A_1337 : i32 to vector<16xi32>
          %reduce_max3A_1339 = arith.xori %all_reduce_ffs3A, %reduce_max3A_1338 : vector<16xi32>
          %reduce_max3A_1340 = tpu.scan <max>, %reduce_max3A_1339 masked %reduce_max3A_1336 : vector<16xi32>, vector<16xi1> -> vector<16xi32>
          %reduce_max3A_1341 = arith.xori %reduce_max3A_1340, %reduce_max3A_1338 : vector<16xi32>
          %reduce_max3A_1342 = vector.extract %reduce_max3A_1341[15] : i32 from vector<16xi32>
          %add3A_1343 = arith.addi %mul3A_1333, %reduce_max3A_1342 : i32
          %mul3A_1344 = arith.constant 16 : i32
          %mul3A_1345 = arith.muli %add3A_1343, %mul3A_1344 : i32
          %add3A_1346 = vector.broadcast %mul3A_1345 : i32 to vector<16xi32>
          %add3A_1347 = arith.addi %add3A_1346, %iota3A : vector<16xi32>
          %gather3A_1348 = tpu.vector_load_idx %arg17[%add3A_1347] : memref<5120xf32, #tpu.memory_space<vmem>>[vector<16xi32>], vector<16xf32>,
          %eq3A_1349 = vector.broadcast %while3A_1321#0 : f32 to vector<16xf32>
          %eq3A_1350 = arith.cmpf oeq, %gather3A_1348, %eq3A_1349 : vector<16xf32>
          %all_reduce_ffs3A_1351 = tpu.all_reduce %eq3A_1350 {dim = 0 : i64, kind = #tpu.reduction_kind<find_first_set>} : vector<16xi1> -> vector<16xi32>
          %reduce_max3A_1352 = arith.constant true
          %reduce_max3A_1353 = vector.broadcast %reduce_max3A_1352 : i1 to vector<16xi1>
          %reduce_max3A_1354 = arith.constant -2147483648 : i32
          %reduce_max3A_1355 = vector.broadcast %reduce_max3A_1354 : i32 to vector<16xi32>
          %reduce_max3A_1356 = arith.xori %all_reduce_ffs3A_1351, %reduce_max3A_1355 : vector<16xi32>
          %reduce_max3A_1357 = tpu.scan <max>, %reduce_max3A_1356 masked %reduce_max3A_1353 : vector<16xi32>, vector<16xi1> -> vector<16xi32>
          %reduce_max3A_1358 = arith.xori %reduce_max3A_1357, %reduce_max3A_1355 : vector<16xi32>
          %reduce_max3A_1359 = vector.extract %reduce_max3A_1358[15] : i32 from vector<16xi32>
          %mul3A_1360 = arith.constant 16 : i32
          %mul3A_1361 = arith.muli %add3A_1343, %mul3A_1360 : i32
          %add3A_1362 = arith.addi %mul3A_1361, %reduce_max3A_1359 : i32
          %broadcast_in_dim3A_1363 = vector.broadcast %add3A_1362 : i32 to vector<16xi32>
          %gather3A_1364 = tpu.vector_load_idx %arg18[%broadcast_in_dim3A_1363] : memref<5120xi32, #tpu.memory_space<vmem>>[vector<16xi32>], vector<16xi32>,
          %reduce_max3A_1365 = arith.constant true
          %reduce_max3A_1366 = vector.broadcast %reduce_max3A_1365 : i1 to vector<16xi1>
          %reduce_max3A_1367 = arith.constant -2147483648 : i32
          %reduce_max3A_1368 = vector.broadcast %reduce_max3A_1367 : i32 to vector<16xi32>
          %reduce_max3A_1369 = arith.xori %gather3A_1364, %reduce_max3A_1368 : vector<16xi32>
          %reduce_max3A_1370 = tpu.scan <max>, %reduce_max3A_1369 masked %reduce_max3A_1366 : vector<16xi32>, vector<16xi1> -> vector<16xi32>
          %reduce_max3A_1371 = arith.xori %reduce_max3A_1370, %reduce_max3A_1368 : vector<16xi32>
          %reduce_max3A_1372 = vector.extract %reduce_max3A_1371[15] : i32 from vector<16xi32>
          %broadcast_in_dim3A_1373 = vector.broadcast %scan3A_1308 : i32 to vector<16xi32>
          %broadcast_in_dim3A_1374 = vector.broadcast %while3A_1321#0 : f32 to vector<16xf32>
          tpu.vector_store_idx %arg20[%broadcast_in_dim3A_1373], %broadcast_in_dim3A_1374 masked %eq3A_54 : memref<256xf32, #tpu.memory_space<vmem>>[vector<16xi32>], vector<16xf32>, vector<16xi1>
          %broadcast_in_dim3A_1375 = vector.broadcast %reduce_max3A_1372 : i32 to vector<16xi32>
          tpu.vector_store_idx %arg21[%broadcast_in_dim3A_1373], %broadcast_in_dim3A_1375 masked %eq3A_54 : memref<256xi32, #tpu.memory_space<vmem>>[vector<16xi32>], vector<16xi32>, vector<16xi1>
          %eq3A_1376 = vector.broadcast %reduce_max3A_1359 : i32 to vector<16xi32>
          %eq3A_1377 = arith.cmpi eq, %iota3A, %eq3A_1376 : vector<16xi32>
          %jit3A_1378 = arith.constant -1.000000e+30 : f32
          %broadcast_in_dim3A_1379 = vector.broadcast %jit3A_1378 : f32 to vector<16xf32>
          %select_n3A_1380 = arith.select %eq3A_1377, %broadcast_in_dim3A_1379, %gather3A_1348 : vector<16xi1>, vector<16xf32>
          %mul3A_1381 = arith.constant 16 : i32
          %mul3A_1382 = arith.muli %add3A_1343, %mul3A_1381 : i32
          %add3A_1383 = vector.broadcast %mul3A_1382 : i32 to vector<16xi32>
          %add3A_1384 = arith.addi %add3A_1383, %iota3A : vector<16xi32>
          tpu.vector_store_idx %arg17[%add3A_1384], %select_n3A_1380 : memref<5120xf32, #tpu.memory_space<vmem>>[vector<16xi32>], vector<16xf32>,
          %broadcast_in_dim3A_1385 = vector.broadcast %add3A_1343 : i32 to vector<16xi32>
          %reduce_max3A_1386 = arith.constant true
          %reduce_max3A_1387 = vector.broadcast %reduce_max3A_1386 : i1 to vector<16xi1>
          %reduce_max3A_1388 = tpu.scan <max>, %select_n3A_1380 masked %reduce_max3A_1387 : vector<16xf32>, vector<16xi1> -> vector<16xf32>
          %reduce_max3A_1389 = vector.extract %reduce_max3A_1388[15] : f32 from vector<16xf32>
          %broadcast_in_dim3A_1390 = vector.broadcast %reduce_max3A_1389 : f32 to vector<16xf32>
          tpu.vector_store_idx %arg19[%broadcast_in_dim3A_1385], %broadcast_in_dim3A_1390 masked %eq3A_54 : memref<320xf32, #tpu.memory_space<vmem>>[vector<16xi32>], vector<16xf32>, vector<16xi1>
        } else {
        }
      }
      %scan3A_346 = arith.constant 200 : i32
      %get3A = arith.constant 0 : index
      %get3A_347 = tpu.vector_load %arg21[%get3A] {strides = array<i32>} : memref<256xi32, #tpu.memory_space<vmem>>, vector<16xi32>,
      %gather3A = tpu.vector_load_idx %arg13[%get3A_347] : memref<5120xf32, #tpu.memory_space<vmem>>[vector<16xi32>], vector<16xf32>,
      %gather3A_348 = tpu.vector_load_idx %arg14[%get3A_347] : memref<5120xf32, #tpu.memory_space<vmem>>[vector<16xi32>], vector<16xf32>,
      %gather3A_349 = tpu.vector_load_idx %arg15[%get3A_347] : memref<5120xf32, #tpu.memory_space<vmem>>[vector<16xi32>], vector<16xf32>,
      %gather3A_350 = tpu.vector_load_idx %arg16[%get3A_347] : memref<5120xf32, #tpu.memory_space<vmem>>[vector<16xi32>], vector<16xf32>,
      %swap3A_351 = arith.constant 0 : index
      %swap3A_352 = tpu.vector_load %arg22[%swap3A_351] {strides = array<i32>} : memref<256xf32, #tpu.memory_space<vmem>>, vector<16xf32>,
      tpu.vector_store %arg22[%swap3A_351], %gather3A {strides = array<i32>} : memref<256xf32, #tpu.memory_space<vmem>>, vector<16xf32>,
      %swap3A_353 = arith.constant 0 : index
      %swap3A_354 = tpu.vector_load %arg23[%swap3A_353] {strides = array<i32>} : memref<256xf32, #tpu.memory_space<vmem>>, vector<16xf32>,
      tpu.vector_store %arg23[%swap3A_353], %gather3A_348 {strides = array<i32>} : memref<256xf32, #tpu.memory_space<vmem>>, vector<16xf32>,
      %swap3A_355 = arith.constant 0 : index
      %swap3A_356 = tpu.vector_load %arg24[%swap3A_355] {strides = array<i32>} : memref<256xf32, #tpu.memory_space<vmem>>, vector<16xf32>,
      tpu.vector_store %arg24[%swap3A_355], %gather3A_349 {strides = array<i32>} : memref<256xf32, #tpu.memory_space<vmem>>, vector<16xf32>,
      %swap3A_357 = arith.constant 0 : index
      %swap3A_358 = tpu.vector_load %arg25[%swap3A_357] {strides = array<i32>} : memref<256xf32, #tpu.memory_space<vmem>>, vector<16xf32>,
      tpu.vector_store %arg25[%swap3A_357], %gather3A_350 {strides = array<i32>} : memref<256xf32, #tpu.memory_space<vmem>>, vector<16xf32>,
      %sub3A_359 = arith.subf %gather3A_349, %gather3A : vector<16xf32>
      %max3A = arith.constant 0.000000e+00 : f32
      %max3A_360 = vector.broadcast %max3A : f32 to vector<16xf32>
      %max3A_361 = arith.maximumf %sub3A_359, %max3A_360 : vector<16xf32>
      %sub3A_362 = arith.subf %gather3A_350, %gather3A_348 : vector<16xf32>
      %max3A_363 = arith.constant 0.000000e+00 : f32
      %max3A_364 = vector.broadcast %max3A_363 : f32 to vector<16xf32>
      %max3A_365 = arith.maximumf %sub3A_362, %max3A_364 : vector<16xf32>
      %mul3A_366 = arith.mulf %max3A_361, %max3A_365 : vector<16xf32>
      %swap3A_367 = arith.constant 0 : index
      %swap3A_368 = tpu.vector_load %arg26[%swap3A_367] {strides = array<i32>} : memref<256xf32, #tpu.memory_space<vmem>>, vector<16xf32>,
      tpu.vector_store %arg26[%swap3A_367], %mul3A_366 {strides = array<i32>} : memref<256xf32, #tpu.memory_space<vmem>>, vector<16xf32>,
      %get3A_369 = arith.constant 16 : index
      %get3A_370 = tpu.vector_load %arg21[%get3A_369] {strides = array<i32>} : memref<256xi32, #tpu.memory_space<vmem>>, vector<16xi32>,
      %gather3A_371 = tpu.vector_load_idx %arg13[%get3A_370] : memref<5120xf32, #tpu.memory_space<vmem>>[vector<16xi32>], vector<16xf32>,
      %gather3A_372 = tpu.vector_load_idx %arg14[%get3A_370] : memref<5120xf32, #tpu.memory_space<vmem>>[vector<16xi32>], vector<16xf32>,
      %gather3A_373 = tpu.vector_load_idx %arg15[%get3A_370] : memref<5120xf32, #tpu.memory_space<vmem>>[vector<16xi32>], vector<16xf32>,
      %gather3A_374 = tpu.vector_load_idx %arg16[%get3A_370] : memref<5120xf32, #tpu.memory_space<vmem>>[vector<16xi32>], vector<16xf32>,
      %swap3A_375 = arith.constant 16 : index
      %swap3A_376 = tpu.vector_load %arg22[%swap3A_375] {strides = array<i32>} : memref<256xf32, #tpu.memory_space<vmem>>, vector<16xf32>,
      tpu.vector_store %arg22[%swap3A_375], %gather3A_371 {strides = array<i32>} : memref<256xf32, #tpu.memory_space<vmem>>, vector<16xf32>,
      %swap3A_377 = arith.constant 16 : index
      %swap3A_378 = tpu.vector_load %arg23[%swap3A_377] {strides = array<i32>} : memref<256xf32, #tpu.memory_space<vmem>>, vector<16xf32>,
      tpu.vector_store %arg23[%swap3A_377], %gather3A_372 {strides = array<i32>} : memref<256xf32, #tpu.memory_space<vmem>>, vector<16xf32>,
      %swap3A_379 = arith.constant 16 : index
      %swap3A_380 = tpu.vector_load %arg24[%swap3A_379] {strides = array<i32>} : memref<256xf32, #tpu.memory_space<vmem>>, vector<16xf32>,
      tpu.vector_store %arg24[%swap3A_379], %gather3A_373 {strides = array<i32>} : memref<256xf32, #tpu.memory_space<vmem>>, vector<16xf32>,
      %swap3A_381 = arith.constant 16 : index
      %swap3A_382 = tpu.vector_load %arg25[%swap3A_381] {strides = array<i32>} : memref<256xf32, #tpu.memory_space<vmem>>, vector<16xf32>,
      tpu.vector_store %arg25[%swap3A_381], %gather3A_374 {strides = array<i32>} : memref<256xf32, #tpu.memory_space<vmem>>, vector<16xf32>,
      %sub3A_383 = arith.subf %gather3A_373, %gather3A_371 : vector<16xf32>
      %max3A_384 = arith.constant 0.000000e+00 : f32
      %max3A_385 = vector.broadcast %max3A_384 : f32 to vector<16xf32>
      %max3A_386 = arith.maximumf %sub3A_383, %max3A_385 : vector<16xf32>
      %sub3A_387 = arith.subf %gather3A_374, %gather3A_372 : vector<16xf32>
      %max3A_388 = arith.constant 0.000000e+00 : f32
      %max3A_389 = vector.broadcast %max3A_388 : f32 to vector<16xf32>
      %max3A_390 = arith.maximumf %sub3A_387, %max3A_389 : vector<16xf32>
      %mul3A_391 = arith.mulf %max3A_386, %max3A_390 : vector<16xf32>
      %swap3A_392 = arith.constant 16 : index
      %swap3A_393 = tpu.vector_load %arg26[%swap3A_392] {strides = array<i32>} : memref<256xf32, #tpu.memory_space<vmem>>, vector<16xf32>,
      tpu.vector_store %arg26[%swap3A_392], %mul3A_391 {strides = array<i32>} : memref<256xf32, #tpu.memory_space<vmem>>, vector<16xf32>,
      %get3A_394 = arith.constant 32 : index
      %get3A_395 = tpu.vector_load %arg21[%get3A_394] {strides = array<i32>} : memref<256xi32, #tpu.memory_space<vmem>>, vector<16xi32>,
      %gather3A_396 = tpu.vector_load_idx %arg13[%get3A_395] : memref<5120xf32, #tpu.memory_space<vmem>>[vector<16xi32>], vector<16xf32>,
      %gather3A_397 = tpu.vector_load_idx %arg14[%get3A_395] : memref<5120xf32, #tpu.memory_space<vmem>>[vector<16xi32>], vector<16xf32>,
      %gather3A_398 = tpu.vector_load_idx %arg15[%get3A_395] : memref<5120xf32, #tpu.memory_space<vmem>>[vector<16xi32>], vector<16xf32>,
      %gather3A_399 = tpu.vector_load_idx %arg16[%get3A_395] : memref<5120xf32, #tpu.memory_space<vmem>>[vector<16xi32>], vector<16xf32>,
      %swap3A_400 = arith.constant 32 : index
      %swap3A_401 = tpu.vector_load %arg22[%swap3A_400] {strides = array<i32>} : memref<256xf32, #tpu.memory_space<vmem>>, vector<16xf32>,
      tpu.vector_store %arg22[%swap3A_400], %gather3A_396 {strides = array<i32>} : memref<256xf32, #tpu.memory_space<vmem>>, vector<16xf32>,
      %swap3A_402 = arith.constant 32 : index
      %swap3A_403 = tpu.vector_load %arg23[%swap3A_402] {strides = array<i32>} : memref<256xf32, #tpu.memory_space<vmem>>, vector<16xf32>,
      tpu.vector_store %arg23[%swap3A_402], %gather3A_397 {strides = array<i32>} : memref<256xf32, #tpu.memory_space<vmem>>, vector<16xf32>,
      %swap3A_404 = arith.constant 32 : index
      %swap3A_405 = tpu.vector_load %arg24[%swap3A_404] {strides = array<i32>} : memref<256xf32, #tpu.memory_space<vmem>>, vector<16xf32>,
      tpu.vector_store %arg24[%swap3A_404], %gather3A_398 {strides = array<i32>} : memref<256xf32, #tpu.memory_space<vmem>>, vector<16xf32>,
      %swap3A_406 = arith.constant 32 : index
      %swap3A_407 = tpu.vector_load %arg25[%swap3A_406] {strides = array<i32>} : memref<256xf32, #tpu.memory_space<vmem>>, vector<16xf32>,
      tpu.vector_store %arg25[%swap3A_406], %gather3A_399 {strides = array<i32>} : memref<256xf32, #tpu.memory_space<vmem>>, vector<16xf32>,
      %sub3A_408 = arith.subf %gather3A_398, %gather3A_396 : vector<16xf32>
      %max3A_409 = arith.constant 0.000000e+00 : f32
      %max3A_410 = vector.broadcast %max3A_409 : f32 to vector<16xf32>
      %max3A_411 = arith.maximumf %sub3A_408, %max3A_410 : vector<16xf32>
      %sub3A_412 = arith.subf %gather3A_399, %gather3A_397 : vector<16xf32>
      %max3A_413 = arith.constant 0.000000e+00 : f32
      %max3A_414 = vector.broadcast %max3A_413 : f32 to vector<16xf32>
      %max3A_415 = arith.maximumf %sub3A_412, %max3A_414 : vector<16xf32>
      %mul3A_416 = arith.mulf %max3A_411, %max3A_415 : vector<16xf32>
      %swap3A_417 = arith.constant 32 : index
      %swap3A_418 = tpu.vector_load %arg26[%swap3A_417] {strides = array<i32>} : memref<256xf32, #tpu.memory_space<vmem>>, vector<16xf32>,
      tpu.vector_store %arg26[%swap3A_417], %mul3A_416 {strides = array<i32>} : memref<256xf32, #tpu.memory_space<vmem>>, vector<16xf32>,
      %get3A_419 = arith.constant 48 : index
      %get3A_420 = tpu.vector_load %arg21[%get3A_419] {strides = array<i32>} : memref<256xi32, #tpu.memory_space<vmem>>, vector<16xi32>,
      %gather3A_421 = tpu.vector_load_idx %arg13[%get3A_420] : memref<5120xf32, #tpu.memory_space<vmem>>[vector<16xi32>], vector<16xf32>,
      %gather3A_422 = tpu.vector_load_idx %arg14[%get3A_420] : memref<5120xf32, #tpu.memory_space<vmem>>[vector<16xi32>], vector<16xf32>,
      %gather3A_423 = tpu.vector_load_idx %arg15[%get3A_420] : memref<5120xf32, #tpu.memory_space<vmem>>[vector<16xi32>], vector<16xf32>,
      %gather3A_424 = tpu.vector_load_idx %arg16[%get3A_420] : memref<5120xf32, #tpu.memory_space<vmem>>[vector<16xi32>], vector<16xf32>,
      %swap3A_425 = arith.constant 48 : index
      %swap3A_426 = tpu.vector_load %arg22[%swap3A_425] {strides = array<i32>} : memref<256xf32, #tpu.memory_space<vmem>>, vector<16xf32>,
      tpu.vector_store %arg22[%swap3A_425], %gather3A_421 {strides = array<i32>} : memref<256xf32, #tpu.memory_space<vmem>>, vector<16xf32>,
      %swap3A_427 = arith.constant 48 : index
      %swap3A_428 = tpu.vector_load %arg23[%swap3A_427] {strides = array<i32>} : memref<256xf32, #tpu.memory_space<vmem>>, vector<16xf32>,
      tpu.vector_store %arg23[%swap3A_427], %gather3A_422 {strides = array<i32>} : memref<256xf32, #tpu.memory_space<vmem>>, vector<16xf32>,
      %swap3A_429 = arith.constant 48 : index
      %swap3A_430 = tpu.vector_load %arg24[%swap3A_429] {strides = array<i32>} : memref<256xf32, #tpu.memory_space<vmem>>, vector<16xf32>,
      tpu.vector_store %arg24[%swap3A_429], %gather3A_423 {strides = array<i32>} : memref<256xf32, #tpu.memory_space<vmem>>, vector<16xf32>,
      %swap3A_431 = arith.constant 48 : index
      %swap3A_432 = tpu.vector_load %arg25[%swap3A_431] {strides = array<i32>} : memref<256xf32, #tpu.memory_space<vmem>>, vector<16xf32>,
      tpu.vector_store %arg25[%swap3A_431], %gather3A_424 {strides = array<i32>} : memref<256xf32, #tpu.memory_space<vmem>>, vector<16xf32>,
      %sub3A_433 = arith.subf %gather3A_423, %gather3A_421 : vector<16xf32>
      %max3A_434 = arith.constant 0.000000e+00 : f32
      %max3A_435 = vector.broadcast %max3A_434 : f32 to vector<16xf32>
      %max3A_436 = arith.maximumf %sub3A_433, %max3A_435 : vector<16xf32>
      %sub3A_437 = arith.subf %gather3A_424, %gather3A_422 : vector<16xf32>
      %max3A_438 = arith.constant 0.000000e+00 : f32
      %max3A_439 = vector.broadcast %max3A_438 : f32 to vector<16xf32>
      %max3A_440 = arith.maximumf %sub3A_437, %max3A_439 : vector<16xf32>
      %mul3A_441 = arith.mulf %max3A_436, %max3A_440 : vector<16xf32>
      %swap3A_442 = arith.constant 48 : index
      %swap3A_443 = tpu.vector_load %arg26[%swap3A_442] {strides = array<i32>} : memref<256xf32, #tpu.memory_space<vmem>>, vector<16xf32>,
      tpu.vector_store %arg26[%swap3A_442], %mul3A_441 {strides = array<i32>} : memref<256xf32, #tpu.memory_space<vmem>>, vector<16xf32>,
      %get3A_444 = arith.constant 64 : index
      %get3A_445 = tpu.vector_load %arg21[%get3A_444] {strides = array<i32>} : memref<256xi32, #tpu.memory_space<vmem>>, vector<16xi32>,
      %gather3A_446 = tpu.vector_load_idx %arg13[%get3A_445] : memref<5120xf32, #tpu.memory_space<vmem>>[vector<16xi32>], vector<16xf32>,
      %gather3A_447 = tpu.vector_load_idx %arg14[%get3A_445] : memref<5120xf32, #tpu.memory_space<vmem>>[vector<16xi32>], vector<16xf32>,
      %gather3A_448 = tpu.vector_load_idx %arg15[%get3A_445] : memref<5120xf32, #tpu.memory_space<vmem>>[vector<16xi32>], vector<16xf32>,
      %gather3A_449 = tpu.vector_load_idx %arg16[%get3A_445] : memref<5120xf32, #tpu.memory_space<vmem>>[vector<16xi32>], vector<16xf32>,
      %swap3A_450 = arith.constant 64 : index
      %swap3A_451 = tpu.vector_load %arg22[%swap3A_450] {strides = array<i32>} : memref<256xf32, #tpu.memory_space<vmem>>, vector<16xf32>,
      tpu.vector_store %arg22[%swap3A_450], %gather3A_446 {strides = array<i32>} : memref<256xf32, #tpu.memory_space<vmem>>, vector<16xf32>,
      %swap3A_452 = arith.constant 64 : index
      %swap3A_453 = tpu.vector_load %arg23[%swap3A_452] {strides = array<i32>} : memref<256xf32, #tpu.memory_space<vmem>>, vector<16xf32>,
      tpu.vector_store %arg23[%swap3A_452], %gather3A_447 {strides = array<i32>} : memref<256xf32, #tpu.memory_space<vmem>>, vector<16xf32>,
      %swap3A_454 = arith.constant 64 : index
      %swap3A_455 = tpu.vector_load %arg24[%swap3A_454] {strides = array<i32>} : memref<256xf32, #tpu.memory_space<vmem>>, vector<16xf32>,
      tpu.vector_store %arg24[%swap3A_454], %gather3A_448 {strides = array<i32>} : memref<256xf32, #tpu.memory_space<vmem>>, vector<16xf32>,
      %swap3A_456 = arith.constant 64 : index
      %swap3A_457 = tpu.vector_load %arg25[%swap3A_456] {strides = array<i32>} : memref<256xf32, #tpu.memory_space<vmem>>, vector<16xf32>,
      tpu.vector_store %arg25[%swap3A_456], %gather3A_449 {strides = array<i32>} : memref<256xf32, #tpu.memory_space<vmem>>, vector<16xf32>,
      %sub3A_458 = arith.subf %gather3A_448, %gather3A_446 : vector<16xf32>
      %max3A_459 = arith.constant 0.000000e+00 : f32
      %max3A_460 = vector.broadcast %max3A_459 : f32 to vector<16xf32>
      %max3A_461 = arith.maximumf %sub3A_458, %max3A_460 : vector<16xf32>
      %sub3A_462 = arith.subf %gather3A_449, %gather3A_447 : vector<16xf32>
      %max3A_463 = arith.constant 0.000000e+00 : f32
      %max3A_464 = vector.broadcast %max3A_463 : f32 to vector<16xf32>
      %max3A_465 = arith.maximumf %sub3A_462, %max3A_464 : vector<16xf32>
      %mul3A_466 = arith.mulf %max3A_461, %max3A_465 : vector<16xf32>
      %swap3A_467 = arith.constant 64 : index
      %swap3A_468 = tpu.vector_load %arg26[%swap3A_467] {strides = array<i32>} : memref<256xf32, #tpu.memory_space<vmem>>, vector<16xf32>,
      tpu.vector_store %arg26[%swap3A_467], %mul3A_466 {strides = array<i32>} : memref<256xf32, #tpu.memory_space<vmem>>, vector<16xf32>,
      %get3A_469 = arith.constant 80 : index
      %get3A_470 = tpu.vector_load %arg21[%get3A_469] {strides = array<i32>} : memref<256xi32, #tpu.memory_space<vmem>>, vector<16xi32>,
      %gather3A_471 = tpu.vector_load_idx %arg13[%get3A_470] : memref<5120xf32, #tpu.memory_space<vmem>>[vector<16xi32>], vector<16xf32>,
      %gather3A_472 = tpu.vector_load_idx %arg14[%get3A_470] : memref<5120xf32, #tpu.memory_space<vmem>>[vector<16xi32>], vector<16xf32>,
      %gather3A_473 = tpu.vector_load_idx %arg15[%get3A_470] : memref<5120xf32, #tpu.memory_space<vmem>>[vector<16xi32>], vector<16xf32>,
      %gather3A_474 = tpu.vector_load_idx %arg16[%get3A_470] : memref<5120xf32, #tpu.memory_space<vmem>>[vector<16xi32>], vector<16xf32>,
      %swap3A_475 = arith.constant 80 : index
      %swap3A_476 = tpu.vector_load %arg22[%swap3A_475] {strides = array<i32>} : memref<256xf32, #tpu.memory_space<vmem>>, vector<16xf32>,
      tpu.vector_store %arg22[%swap3A_475], %gather3A_471 {strides = array<i32>} : memref<256xf32, #tpu.memory_space<vmem>>, vector<16xf32>,
      %swap3A_477 = arith.constant 80 : index
      %swap3A_478 = tpu.vector_load %arg23[%swap3A_477] {strides = array<i32>} : memref<256xf32, #tpu.memory_space<vmem>>, vector<16xf32>,
      tpu.vector_store %arg23[%swap3A_477], %gather3A_472 {strides = array<i32>} : memref<256xf32, #tpu.memory_space<vmem>>, vector<16xf32>,
      %swap3A_479 = arith.constant 80 : index
      %swap3A_480 = tpu.vector_load %arg24[%swap3A_479] {strides = array<i32>} : memref<256xf32, #tpu.memory_space<vmem>>, vector<16xf32>,
      tpu.vector_store %arg24[%swap3A_479], %gather3A_473 {strides = array<i32>} : memref<256xf32, #tpu.memory_space<vmem>>, vector<16xf32>,
      %swap3A_481 = arith.constant 80 : index
      %swap3A_482 = tpu.vector_load %arg25[%swap3A_481] {strides = array<i32>} : memref<256xf32, #tpu.memory_space<vmem>>, vector<16xf32>,
      tpu.vector_store %arg25[%swap3A_481], %gather3A_474 {strides = array<i32>} : memref<256xf32, #tpu.memory_space<vmem>>, vector<16xf32>,
      %sub3A_483 = arith.subf %gather3A_473, %gather3A_471 : vector<16xf32>
      %max3A_484 = arith.constant 0.000000e+00 : f32
      %max3A_485 = vector.broadcast %max3A_484 : f32 to vector<16xf32>
      %max3A_486 = arith.maximumf %sub3A_483, %max3A_485 : vector<16xf32>
      %sub3A_487 = arith.subf %gather3A_474, %gather3A_472 : vector<16xf32>
      %max3A_488 = arith.constant 0.000000e+00 : f32
      %max3A_489 = vector.broadcast %max3A_488 : f32 to vector<16xf32>
      %max3A_490 = arith.maximumf %sub3A_487, %max3A_489 : vector<16xf32>
      %mul3A_491 = arith.mulf %max3A_486, %max3A_490 : vector<16xf32>
      %swap3A_492 = arith.constant 80 : index
      %swap3A_493 = tpu.vector_load %arg26[%swap3A_492] {strides = array<i32>} : memref<256xf32, #tpu.memory_space<vmem>>, vector<16xf32>,
      tpu.vector_store %arg26[%swap3A_492], %mul3A_491 {strides = array<i32>} : memref<256xf32, #tpu.memory_space<vmem>>, vector<16xf32>,
      %get3A_494 = arith.constant 96 : index
      %get3A_495 = tpu.vector_load %arg21[%get3A_494] {strides = array<i32>} : memref<256xi32, #tpu.memory_space<vmem>>, vector<16xi32>,
      %gather3A_496 = tpu.vector_load_idx %arg13[%get3A_495] : memref<5120xf32, #tpu.memory_space<vmem>>[vector<16xi32>], vector<16xf32>,
      %gather3A_497 = tpu.vector_load_idx %arg14[%get3A_495] : memref<5120xf32, #tpu.memory_space<vmem>>[vector<16xi32>], vector<16xf32>,
      %gather3A_498 = tpu.vector_load_idx %arg15[%get3A_495] : memref<5120xf32, #tpu.memory_space<vmem>>[vector<16xi32>], vector<16xf32>,
      %gather3A_499 = tpu.vector_load_idx %arg16[%get3A_495] : memref<5120xf32, #tpu.memory_space<vmem>>[vector<16xi32>], vector<16xf32>,
      %swap3A_500 = arith.constant 96 : index
      %swap3A_501 = tpu.vector_load %arg22[%swap3A_500] {strides = array<i32>} : memref<256xf32, #tpu.memory_space<vmem>>, vector<16xf32>,
      tpu.vector_store %arg22[%swap3A_500], %gather3A_496 {strides = array<i32>} : memref<256xf32, #tpu.memory_space<vmem>>, vector<16xf32>,
      %swap3A_502 = arith.constant 96 : index
      %swap3A_503 = tpu.vector_load %arg23[%swap3A_502] {strides = array<i32>} : memref<256xf32, #tpu.memory_space<vmem>>, vector<16xf32>,
      tpu.vector_store %arg23[%swap3A_502], %gather3A_497 {strides = array<i32>} : memref<256xf32, #tpu.memory_space<vmem>>, vector<16xf32>,
      %swap3A_504 = arith.constant 96 : index
      %swap3A_505 = tpu.vector_load %arg24[%swap3A_504] {strides = array<i32>} : memref<256xf32, #tpu.memory_space<vmem>>, vector<16xf32>,
      tpu.vector_store %arg24[%swap3A_504], %gather3A_498 {strides = array<i32>} : memref<256xf32, #tpu.memory_space<vmem>>, vector<16xf32>,
      %swap3A_506 = arith.constant 96 : index
      %swap3A_507 = tpu.vector_load %arg25[%swap3A_506] {strides = array<i32>} : memref<256xf32, #tpu.memory_space<vmem>>, vector<16xf32>,
      tpu.vector_store %arg25[%swap3A_506], %gather3A_499 {strides = array<i32>} : memref<256xf32, #tpu.memory_space<vmem>>, vector<16xf32>,
      %sub3A_508 = arith.subf %gather3A_498, %gather3A_496 : vector<16xf32>
      %max3A_509 = arith.constant 0.000000e+00 : f32
      %max3A_510 = vector.broadcast %max3A_509 : f32 to vector<16xf32>
      %max3A_511 = arith.maximumf %sub3A_508, %max3A_510 : vector<16xf32>
      %sub3A_512 = arith.subf %gather3A_499, %gather3A_497 : vector<16xf32>
      %max3A_513 = arith.constant 0.000000e+00 : f32
      %max3A_514 = vector.broadcast %max3A_513 : f32 to vector<16xf32>
      %max3A_515 = arith.maximumf %sub3A_512, %max3A_514 : vector<16xf32>
      %mul3A_516 = arith.mulf %max3A_511, %max3A_515 : vector<16xf32>
      %swap3A_517 = arith.constant 96 : index
      %swap3A_518 = tpu.vector_load %arg26[%swap3A_517] {strides = array<i32>} : memref<256xf32, #tpu.memory_space<vmem>>, vector<16xf32>,
      tpu.vector_store %arg26[%swap3A_517], %mul3A_516 {strides = array<i32>} : memref<256xf32, #tpu.memory_space<vmem>>, vector<16xf32>,
      %get3A_519 = arith.constant 112 : index
      %get3A_520 = tpu.vector_load %arg21[%get3A_519] {strides = array<i32>} : memref<256xi32, #tpu.memory_space<vmem>>, vector<16xi32>,
      %gather3A_521 = tpu.vector_load_idx %arg13[%get3A_520] : memref<5120xf32, #tpu.memory_space<vmem>>[vector<16xi32>], vector<16xf32>,
      %gather3A_522 = tpu.vector_load_idx %arg14[%get3A_520] : memref<5120xf32, #tpu.memory_space<vmem>>[vector<16xi32>], vector<16xf32>,
      %gather3A_523 = tpu.vector_load_idx %arg15[%get3A_520] : memref<5120xf32, #tpu.memory_space<vmem>>[vector<16xi32>], vector<16xf32>,
      %gather3A_524 = tpu.vector_load_idx %arg16[%get3A_520] : memref<5120xf32, #tpu.memory_space<vmem>>[vector<16xi32>], vector<16xf32>,
      %swap3A_525 = arith.constant 112 : index
      %swap3A_526 = tpu.vector_load %arg22[%swap3A_525] {strides = array<i32>} : memref<256xf32, #tpu.memory_space<vmem>>, vector<16xf32>,
      tpu.vector_store %arg22[%swap3A_525], %gather3A_521 {strides = array<i32>} : memref<256xf32, #tpu.memory_space<vmem>>, vector<16xf32>,
      %swap3A_527 = arith.constant 112 : index
      %swap3A_528 = tpu.vector_load %arg23[%swap3A_527] {strides = array<i32>} : memref<256xf32, #tpu.memory_space<vmem>>, vector<16xf32>,
      tpu.vector_store %arg23[%swap3A_527], %gather3A_522 {strides = array<i32>} : memref<256xf32, #tpu.memory_space<vmem>>, vector<16xf32>,
      %swap3A_529 = arith.constant 112 : index
      %swap3A_530 = tpu.vector_load %arg24[%swap3A_529] {strides = array<i32>} : memref<256xf32, #tpu.memory_space<vmem>>, vector<16xf32>,
      tpu.vector_store %arg24[%swap3A_529], %gather3A_523 {strides = array<i32>} : memref<256xf32, #tpu.memory_space<vmem>>, vector<16xf32>,
      %swap3A_531 = arith.constant 112 : index
      %swap3A_532 = tpu.vector_load %arg25[%swap3A_531] {strides = array<i32>} : memref<256xf32, #tpu.memory_space<vmem>>, vector<16xf32>,
      tpu.vector_store %arg25[%swap3A_531], %gather3A_524 {strides = array<i32>} : memref<256xf32, #tpu.memory_space<vmem>>, vector<16xf32>,
      %sub3A_533 = arith.subf %gather3A_523, %gather3A_521 : vector<16xf32>
      %max3A_534 = arith.constant 0.000000e+00 : f32
      %max3A_535 = vector.broadcast %max3A_534 : f32 to vector<16xf32>
      %max3A_536 = arith.maximumf %sub3A_533, %max3A_535 : vector<16xf32>
      %sub3A_537 = arith.subf %gather3A_524, %gather3A_522 : vector<16xf32>
      %max3A_538 = arith.constant 0.000000e+00 : f32
      %max3A_539 = vector.broadcast %max3A_538 : f32 to vector<16xf32>
      %max3A_540 = arith.maximumf %sub3A_537, %max3A_539 : vector<16xf32>
      %mul3A_541 = arith.mulf %max3A_536, %max3A_540 : vector<16xf32>
      %swap3A_542 = arith.constant 112 : index
      %swap3A_543 = tpu.vector_load %arg26[%swap3A_542] {strides = array<i32>} : memref<256xf32, #tpu.memory_space<vmem>>, vector<16xf32>,
      tpu.vector_store %arg26[%swap3A_542], %mul3A_541 {strides = array<i32>} : memref<256xf32, #tpu.memory_space<vmem>>, vector<16xf32>,
      %get3A_544 = arith.constant 128 : index
      %get3A_545 = tpu.vector_load %arg21[%get3A_544] {strides = array<i32>} : memref<256xi32, #tpu.memory_space<vmem>>, vector<16xi32>,
      %gather3A_546 = tpu.vector_load_idx %arg13[%get3A_545] : memref<5120xf32, #tpu.memory_space<vmem>>[vector<16xi32>], vector<16xf32>,
      %gather3A_547 = tpu.vector_load_idx %arg14[%get3A_545] : memref<5120xf32, #tpu.memory_space<vmem>>[vector<16xi32>], vector<16xf32>,
      %gather3A_548 = tpu.vector_load_idx %arg15[%get3A_545] : memref<5120xf32, #tpu.memory_space<vmem>>[vector<16xi32>], vector<16xf32>,
      %gather3A_549 = tpu.vector_load_idx %arg16[%get3A_545] : memref<5120xf32, #tpu.memory_space<vmem>>[vector<16xi32>], vector<16xf32>,
      %swap3A_550 = arith.constant 128 : index
      %swap3A_551 = tpu.vector_load %arg22[%swap3A_550] {strides = array<i32>} : memref<256xf32, #tpu.memory_space<vmem>>, vector<16xf32>,
      tpu.vector_store %arg22[%swap3A_550], %gather3A_546 {strides = array<i32>} : memref<256xf32, #tpu.memory_space<vmem>>, vector<16xf32>,
      %swap3A_552 = arith.constant 128 : index
      %swap3A_553 = tpu.vector_load %arg23[%swap3A_552] {strides = array<i32>} : memref<256xf32, #tpu.memory_space<vmem>>, vector<16xf32>,
      tpu.vector_store %arg23[%swap3A_552], %gather3A_547 {strides = array<i32>} : memref<256xf32, #tpu.memory_space<vmem>>, vector<16xf32>,
      %swap3A_554 = arith.constant 128 : index
      %swap3A_555 = tpu.vector_load %arg24[%swap3A_554] {strides = array<i32>} : memref<256xf32, #tpu.memory_space<vmem>>, vector<16xf32>,
      tpu.vector_store %arg24[%swap3A_554], %gather3A_548 {strides = array<i32>} : memref<256xf32, #tpu.memory_space<vmem>>, vector<16xf32>,
      %swap3A_556 = arith.constant 128 : index
      %swap3A_557 = tpu.vector_load %arg25[%swap3A_556] {strides = array<i32>} : memref<256xf32, #tpu.memory_space<vmem>>, vector<16xf32>,
      tpu.vector_store %arg25[%swap3A_556], %gather3A_549 {strides = array<i32>} : memref<256xf32, #tpu.memory_space<vmem>>, vector<16xf32>,
      %sub3A_558 = arith.subf %gather3A_548, %gather3A_546 : vector<16xf32>
      %max3A_559 = arith.constant 0.000000e+00 : f32
      %max3A_560 = vector.broadcast %max3A_559 : f32 to vector<16xf32>
      %max3A_561 = arith.maximumf %sub3A_558, %max3A_560 : vector<16xf32>
      %sub3A_562 = arith.subf %gather3A_549, %gather3A_547 : vector<16xf32>
      %max3A_563 = arith.constant 0.000000e+00 : f32
      %max3A_564 = vector.broadcast %max3A_563 : f32 to vector<16xf32>
      %max3A_565 = arith.maximumf %sub3A_562, %max3A_564 : vector<16xf32>
      %mul3A_566 = arith.mulf %max3A_561, %max3A_565 : vector<16xf32>
      %swap3A_567 = arith.constant 128 : index
      %swap3A_568 = tpu.vector_load %arg26[%swap3A_567] {strides = array<i32>} : memref<256xf32, #tpu.memory_space<vmem>>, vector<16xf32>,
      tpu.vector_store %arg26[%swap3A_567], %mul3A_566 {strides = array<i32>} : memref<256xf32, #tpu.memory_space<vmem>>, vector<16xf32>,
      %get3A_569 = arith.constant 144 : index
      %get3A_570 = tpu.vector_load %arg21[%get3A_569] {strides = array<i32>} : memref<256xi32, #tpu.memory_space<vmem>>, vector<16xi32>,
      %gather3A_571 = tpu.vector_load_idx %arg13[%get3A_570] : memref<5120xf32, #tpu.memory_space<vmem>>[vector<16xi32>], vector<16xf32>,
      %gather3A_572 = tpu.vector_load_idx %arg14[%get3A_570] : memref<5120xf32, #tpu.memory_space<vmem>>[vector<16xi32>], vector<16xf32>,
      %gather3A_573 = tpu.vector_load_idx %arg15[%get3A_570] : memref<5120xf32, #tpu.memory_space<vmem>>[vector<16xi32>], vector<16xf32>,
      %gather3A_574 = tpu.vector_load_idx %arg16[%get3A_570] : memref<5120xf32, #tpu.memory_space<vmem>>[vector<16xi32>], vector<16xf32>,
      %swap3A_575 = arith.constant 144 : index
      %swap3A_576 = tpu.vector_load %arg22[%swap3A_575] {strides = array<i32>} : memref<256xf32, #tpu.memory_space<vmem>>, vector<16xf32>,
      tpu.vector_store %arg22[%swap3A_575], %gather3A_571 {strides = array<i32>} : memref<256xf32, #tpu.memory_space<vmem>>, vector<16xf32>,
      %swap3A_577 = arith.constant 144 : index
      %swap3A_578 = tpu.vector_load %arg23[%swap3A_577] {strides = array<i32>} : memref<256xf32, #tpu.memory_space<vmem>>, vector<16xf32>,
      tpu.vector_store %arg23[%swap3A_577], %gather3A_572 {strides = array<i32>} : memref<256xf32, #tpu.memory_space<vmem>>, vector<16xf32>,
      %swap3A_579 = arith.constant 144 : index
      %swap3A_580 = tpu.vector_load %arg24[%swap3A_579] {strides = array<i32>} : memref<256xf32, #tpu.memory_space<vmem>>, vector<16xf32>,
      tpu.vector_store %arg24[%swap3A_579], %gather3A_573 {strides = array<i32>} : memref<256xf32, #tpu.memory_space<vmem>>, vector<16xf32>,
      %swap3A_581 = arith.constant 144 : index
      %swap3A_582 = tpu.vector_load %arg25[%swap3A_581] {strides = array<i32>} : memref<256xf32, #tpu.memory_space<vmem>>, vector<16xf32>,
      tpu.vector_store %arg25[%swap3A_581], %gather3A_574 {strides = array<i32>} : memref<256xf32, #tpu.memory_space<vmem>>, vector<16xf32>,
      %sub3A_583 = arith.subf %gather3A_573, %gather3A_571 : vector<16xf32>
      %max3A_584 = arith.constant 0.000000e+00 : f32
      %max3A_585 = vector.broadcast %max3A_584 : f32 to vector<16xf32>
      %max3A_586 = arith.maximumf %sub3A_583, %max3A_585 : vector<16xf32>
      %sub3A_587 = arith.subf %gather3A_574, %gather3A_572 : vector<16xf32>
      %max3A_588 = arith.constant 0.000000e+00 : f32
      %max3A_589 = vector.broadcast %max3A_588 : f32 to vector<16xf32>
      %max3A_590 = arith.maximumf %sub3A_587, %max3A_589 : vector<16xf32>
      %mul3A_591 = arith.mulf %max3A_586, %max3A_590 : vector<16xf32>
      %swap3A_592 = arith.constant 144 : index
      %swap3A_593 = tpu.vector_load %arg26[%swap3A_592] {strides = array<i32>} : memref<256xf32, #tpu.memory_space<vmem>>, vector<16xf32>,
      tpu.vector_store %arg26[%swap3A_592], %mul3A_591 {strides = array<i32>} : memref<256xf32, #tpu.memory_space<vmem>>, vector<16xf32>,
      %get3A_594 = arith.constant 160 : index
      %get3A_595 = tpu.vector_load %arg21[%get3A_594] {strides = array<i32>} : memref<256xi32, #tpu.memory_space<vmem>>, vector<16xi32>,
      %gather3A_596 = tpu.vector_load_idx %arg13[%get3A_595] : memref<5120xf32, #tpu.memory_space<vmem>>[vector<16xi32>], vector<16xf32>,
      %gather3A_597 = tpu.vector_load_idx %arg14[%get3A_595] : memref<5120xf32, #tpu.memory_space<vmem>>[vector<16xi32>], vector<16xf32>,
      %gather3A_598 = tpu.vector_load_idx %arg15[%get3A_595] : memref<5120xf32, #tpu.memory_space<vmem>>[vector<16xi32>], vector<16xf32>,
      %gather3A_599 = tpu.vector_load_idx %arg16[%get3A_595] : memref<5120xf32, #tpu.memory_space<vmem>>[vector<16xi32>], vector<16xf32>,
      %swap3A_600 = arith.constant 160 : index
      %swap3A_601 = tpu.vector_load %arg22[%swap3A_600] {strides = array<i32>} : memref<256xf32, #tpu.memory_space<vmem>>, vector<16xf32>,
      tpu.vector_store %arg22[%swap3A_600], %gather3A_596 {strides = array<i32>} : memref<256xf32, #tpu.memory_space<vmem>>, vector<16xf32>,
      %swap3A_602 = arith.constant 160 : index
      %swap3A_603 = tpu.vector_load %arg23[%swap3A_602] {strides = array<i32>} : memref<256xf32, #tpu.memory_space<vmem>>, vector<16xf32>,
      tpu.vector_store %arg23[%swap3A_602], %gather3A_597 {strides = array<i32>} : memref<256xf32, #tpu.memory_space<vmem>>, vector<16xf32>,
      %swap3A_604 = arith.constant 160 : index
      %swap3A_605 = tpu.vector_load %arg24[%swap3A_604] {strides = array<i32>} : memref<256xf32, #tpu.memory_space<vmem>>, vector<16xf32>,
      tpu.vector_store %arg24[%swap3A_604], %gather3A_598 {strides = array<i32>} : memref<256xf32, #tpu.memory_space<vmem>>, vector<16xf32>,
      %swap3A_606 = arith.constant 160 : index
      %swap3A_607 = tpu.vector_load %arg25[%swap3A_606] {strides = array<i32>} : memref<256xf32, #tpu.memory_space<vmem>>, vector<16xf32>,
      tpu.vector_store %arg25[%swap3A_606], %gather3A_599 {strides = array<i32>} : memref<256xf32, #tpu.memory_space<vmem>>, vector<16xf32>,
      %sub3A_608 = arith.subf %gather3A_598, %gather3A_596 : vector<16xf32>
      %max3A_609 = arith.constant 0.000000e+00 : f32
      %max3A_610 = vector.broadcast %max3A_609 : f32 to vector<16xf32>
      %max3A_611 = arith.maximumf %sub3A_608, %max3A_610 : vector<16xf32>
      %sub3A_612 = arith.subf %gather3A_599, %gather3A_597 : vector<16xf32>
      %max3A_613 = arith.constant 0.000000e+00 : f32
      %max3A_614 = vector.broadcast %max3A_613 : f32 to vector<16xf32>
      %max3A_615 = arith.maximumf %sub3A_612, %max3A_614 : vector<16xf32>
      %mul3A_616 = arith.mulf %max3A_611, %max3A_615 : vector<16xf32>
      %swap3A_617 = arith.constant 160 : index
      %swap3A_618 = tpu.vector_load %arg26[%swap3A_617] {strides = array<i32>} : memref<256xf32, #tpu.memory_space<vmem>>, vector<16xf32>,
      tpu.vector_store %arg26[%swap3A_617], %mul3A_616 {strides = array<i32>} : memref<256xf32, #tpu.memory_space<vmem>>, vector<16xf32>,
      %get3A_619 = arith.constant 176 : index
      %get3A_620 = tpu.vector_load %arg21[%get3A_619] {strides = array<i32>} : memref<256xi32, #tpu.memory_space<vmem>>, vector<16xi32>,
      %gather3A_621 = tpu.vector_load_idx %arg13[%get3A_620] : memref<5120xf32, #tpu.memory_space<vmem>>[vector<16xi32>], vector<16xf32>,
      %gather3A_622 = tpu.vector_load_idx %arg14[%get3A_620] : memref<5120xf32, #tpu.memory_space<vmem>>[vector<16xi32>], vector<16xf32>,
      %gather3A_623 = tpu.vector_load_idx %arg15[%get3A_620] : memref<5120xf32, #tpu.memory_space<vmem>>[vector<16xi32>], vector<16xf32>,
      %gather3A_624 = tpu.vector_load_idx %arg16[%get3A_620] : memref<5120xf32, #tpu.memory_space<vmem>>[vector<16xi32>], vector<16xf32>,
      %swap3A_625 = arith.constant 176 : index
      %swap3A_626 = tpu.vector_load %arg22[%swap3A_625] {strides = array<i32>} : memref<256xf32, #tpu.memory_space<vmem>>, vector<16xf32>,
      tpu.vector_store %arg22[%swap3A_625], %gather3A_621 {strides = array<i32>} : memref<256xf32, #tpu.memory_space<vmem>>, vector<16xf32>,
      %swap3A_627 = arith.constant 176 : index
      %swap3A_628 = tpu.vector_load %arg23[%swap3A_627] {strides = array<i32>} : memref<256xf32, #tpu.memory_space<vmem>>, vector<16xf32>,
      tpu.vector_store %arg23[%swap3A_627], %gather3A_622 {strides = array<i32>} : memref<256xf32, #tpu.memory_space<vmem>>, vector<16xf32>,
      %swap3A_629 = arith.constant 176 : index
      %swap3A_630 = tpu.vector_load %arg24[%swap3A_629] {strides = array<i32>} : memref<256xf32, #tpu.memory_space<vmem>>, vector<16xf32>,
      tpu.vector_store %arg24[%swap3A_629], %gather3A_623 {strides = array<i32>} : memref<256xf32, #tpu.memory_space<vmem>>, vector<16xf32>,
      %swap3A_631 = arith.constant 176 : index
      %swap3A_632 = tpu.vector_load %arg25[%swap3A_631] {strides = array<i32>} : memref<256xf32, #tpu.memory_space<vmem>>, vector<16xf32>,
      tpu.vector_store %arg25[%swap3A_631], %gather3A_624 {strides = array<i32>} : memref<256xf32, #tpu.memory_space<vmem>>, vector<16xf32>,
      %sub3A_633 = arith.subf %gather3A_623, %gather3A_621 : vector<16xf32>
      %max3A_634 = arith.constant 0.000000e+00 : f32
      %max3A_635 = vector.broadcast %max3A_634 : f32 to vector<16xf32>
      %max3A_636 = arith.maximumf %sub3A_633, %max3A_635 : vector<16xf32>
      %sub3A_637 = arith.subf %gather3A_624, %gather3A_622 : vector<16xf32>
      %max3A_638 = arith.constant 0.000000e+00 : f32
      %max3A_639 = vector.broadcast %max3A_638 : f32 to vector<16xf32>
      %max3A_640 = arith.maximumf %sub3A_637, %max3A_639 : vector<16xf32>
      %mul3A_641 = arith.mulf %max3A_636, %max3A_640 : vector<16xf32>
      %swap3A_642 = arith.constant 176 : index
      %swap3A_643 = tpu.vector_load %arg26[%swap3A_642] {strides = array<i32>} : memref<256xf32, #tpu.memory_space<vmem>>, vector<16xf32>,
      tpu.vector_store %arg26[%swap3A_642], %mul3A_641 {strides = array<i32>} : memref<256xf32, #tpu.memory_space<vmem>>, vector<16xf32>,
      %get3A_644 = arith.constant 192 : index
      %get3A_645 = tpu.vector_load %arg21[%get3A_644] {strides = array<i32>} : memref<256xi32, #tpu.memory_space<vmem>>, vector<16xi32>,
      %gather3A_646 = tpu.vector_load_idx %arg13[%get3A_645] : memref<5120xf32, #tpu.memory_space<vmem>>[vector<16xi32>], vector<16xf32>,
      %gather3A_647 = tpu.vector_load_idx %arg14[%get3A_645] : memref<5120xf32, #tpu.memory_space<vmem>>[vector<16xi32>], vector<16xf32>,
      %gather3A_648 = tpu.vector_load_idx %arg15[%get3A_645] : memref<5120xf32, #tpu.memory_space<vmem>>[vector<16xi32>], vector<16xf32>,
      %gather3A_649 = tpu.vector_load_idx %arg16[%get3A_645] : memref<5120xf32, #tpu.memory_space<vmem>>[vector<16xi32>], vector<16xf32>,
      %swap3A_650 = arith.constant 192 : index
      %swap3A_651 = tpu.vector_load %arg22[%swap3A_650] {strides = array<i32>} : memref<256xf32, #tpu.memory_space<vmem>>, vector<16xf32>,
      tpu.vector_store %arg22[%swap3A_650], %gather3A_646 {strides = array<i32>} : memref<256xf32, #tpu.memory_space<vmem>>, vector<16xf32>,
      %swap3A_652 = arith.constant 192 : index
      %swap3A_653 = tpu.vector_load %arg23[%swap3A_652] {strides = array<i32>} : memref<256xf32, #tpu.memory_space<vmem>>, vector<16xf32>,
      tpu.vector_store %arg23[%swap3A_652], %gather3A_647 {strides = array<i32>} : memref<256xf32, #tpu.memory_space<vmem>>, vector<16xf32>,
      %swap3A_654 = arith.constant 192 : index
      %swap3A_655 = tpu.vector_load %arg24[%swap3A_654] {strides = array<i32>} : memref<256xf32, #tpu.memory_space<vmem>>, vector<16xf32>,
      tpu.vector_store %arg24[%swap3A_654], %gather3A_648 {strides = array<i32>} : memref<256xf32, #tpu.memory_space<vmem>>, vector<16xf32>,
      %swap3A_656 = arith.constant 192 : index
      %swap3A_657 = tpu.vector_load %arg25[%swap3A_656] {strides = array<i32>} : memref<256xf32, #tpu.memory_space<vmem>>, vector<16xf32>,
      tpu.vector_store %arg25[%swap3A_656], %gather3A_649 {strides = array<i32>} : memref<256xf32, #tpu.memory_space<vmem>>, vector<16xf32>,
      %sub3A_658 = arith.subf %gather3A_648, %gather3A_646 : vector<16xf32>
      %max3A_659 = arith.constant 0.000000e+00 : f32
      %max3A_660 = vector.broadcast %max3A_659 : f32 to vector<16xf32>
      %max3A_661 = arith.maximumf %sub3A_658, %max3A_660 : vector<16xf32>
      %sub3A_662 = arith.subf %gather3A_649, %gather3A_647 : vector<16xf32>
      %max3A_663 = arith.constant 0.000000e+00 : f32
      %max3A_664 = vector.broadcast %max3A_663 : f32 to vector<16xf32>
      %max3A_665 = arith.maximumf %sub3A_662, %max3A_664 : vector<16xf32>
      %mul3A_666 = arith.mulf %max3A_661, %max3A_665 : vector<16xf32>
      %swap3A_667 = arith.constant 192 : index
      %swap3A_668 = tpu.vector_load %arg26[%swap3A_667] {strides = array<i32>} : memref<256xf32, #tpu.memory_space<vmem>>, vector<16xf32>,
      tpu.vector_store %arg26[%swap3A_667], %mul3A_666 {strides = array<i32>} : memref<256xf32, #tpu.memory_space<vmem>>, vector<16xf32>,
      %scan3A_669 = arith.constant 0 : i32
      %scan3A_670 = arith.constant 0 : i32
      %scan3A_671 = arith.constant 200 : i32
      %scan3A_672 = arith.addi %scan3A_670, %scan3A_671 : i32
      %scan3A_673 = arith.constant 1 : i32
      scf.for %scan3A_1308 = %scan3A_670 to %scan3A_672 step %scan3A_673  : i32 {
        %broadcast_in_dim3A_1309 = vector.broadcast %scan3A_1308 : i32 to vector<16xi32>
        %gather3A_1310 = tpu.vector_load_idx %arg27[%broadcast_in_dim3A_1309] : memref<256xf32, #tpu.memory_space<vmem>>[vector<16xi32>], vector<16xf32>,
        %reduce_max3A = arith.constant true
        %reduce_max3A_1311 = vector.broadcast %reduce_max3A : i1 to vector<16xi1>
        %reduce_max3A_1312 = tpu.scan <max>, %gather3A_1310 masked %reduce_max3A_1311 : vector<16xf32>, vector<16xi1> -> vector<16xf32>
        %reduce_max3A_1313 = vector.extract %reduce_max3A_1312[15] : f32 from vector<16xf32>
        %gt3A_1314 = arith.constant 5.000000e-01 : f32
        %gt3A_1315 = arith.cmpf ogt, %reduce_max3A_1313, %gt3A_1314 : f32
        %convert_element_type3A_1316 = arith.extui %gt3A_1315 : i1 to i32
        %cond3A_1317 = arith.constant 0 : i32
        %cond3A_1318 = arith.cmpi ne, %convert_element_type3A_1316, %cond3A_1317 : i32
        scf.if %cond3A_1318 {
          %gather3A_1319 = tpu.vector_load_idx %arg22[%broadcast_in_dim3A_1309] : memref<256xf32, #tpu.memory_space<vmem>>[vector<16xi32>], vector<16xf32>,
          %reduce_max3A_1320 = arith.constant true
          %reduce_max3A_1321 = vector.broadcast %reduce_max3A_1320 : i1 to vector<16xi1>
          %reduce_max3A_1322 = tpu.scan <max>, %gather3A_1319 masked %reduce_max3A_1321 : vector<16xf32>, vector<16xi1> -> vector<16xf32>
          %reduce_max3A_1323 = vector.extract %reduce_max3A_1322[15] : f32 from vector<16xf32>
          %gather3A_1324 = tpu.vector_load_idx %arg23[%broadcast_in_dim3A_1309] : memref<256xf32, #tpu.memory_space<vmem>>[vector<16xi32>], vector<16xf32>,
          %reduce_max3A_1325 = arith.constant true
          %reduce_max3A_1326 = vector.broadcast %reduce_max3A_1325 : i1 to vector<16xi1>
          %reduce_max3A_1327 = tpu.scan <max>, %gather3A_1324 masked %reduce_max3A_1326 : vector<16xf32>, vector<16xi1> -> vector<16xf32>
          %reduce_max3A_1328 = vector.extract %reduce_max3A_1327[15] : f32 from vector<16xf32>
          %gather3A_1329 = tpu.vector_load_idx %arg24[%broadcast_in_dim3A_1309] : memref<256xf32, #tpu.memory_space<vmem>>[vector<16xi32>], vector<16xf32>,
          %reduce_max3A_1330 = arith.constant true
          %reduce_max3A_1331 = vector.broadcast %reduce_max3A_1330 : i1 to vector<16xi1>
          %reduce_max3A_1332 = tpu.scan <max>, %gather3A_1329 masked %reduce_max3A_1331 : vector<16xf32>, vector<16xi1> -> vector<16xf32>
          %reduce_max3A_1333 = vector.extract %reduce_max3A_1332[15] : f32 from vector<16xf32>
          %gather3A_1334 = tpu.vector_load_idx %arg25[%broadcast_in_dim3A_1309] : memref<256xf32, #tpu.memory_space<vmem>>[vector<16xi32>], vector<16xf32>,
          %reduce_max3A_1335 = arith.constant true
          %reduce_max3A_1336 = vector.broadcast %reduce_max3A_1335 : i1 to vector<16xi1>
          %reduce_max3A_1337 = tpu.scan <max>, %gather3A_1334 masked %reduce_max3A_1336 : vector<16xf32>, vector<16xi1> -> vector<16xf32>
          %reduce_max3A_1338 = vector.extract %reduce_max3A_1337[15] : f32 from vector<16xf32>
          %gather3A_1339 = tpu.vector_load_idx %arg26[%broadcast_in_dim3A_1309] : memref<256xf32, #tpu.memory_space<vmem>>[vector<16xi32>], vector<16xf32>,
          %reduce_max3A_1340 = arith.constant true
          %reduce_max3A_1341 = vector.broadcast %reduce_max3A_1340 : i1 to vector<16xi1>
          %reduce_max3A_1342 = tpu.scan <max>, %gather3A_1339 masked %reduce_max3A_1341 : vector<16xf32>, vector<16xi1> -> vector<16xf32>
          %reduce_max3A_1343 = vector.extract %reduce_max3A_1342[15] : f32 from vector<16xf32>
          %lt3A_1344 = arith.constant 16 : i32
          %lt3A_1345 = arith.cmpi slt, %scan3A_1308, %lt3A_1344 : i32
          %convert_element_type3A_1346 = arith.extui %lt3A_1345 : i1 to i32
          %cond3A_1347 = arith.constant 0 : i32
          %cond3A_1348 = arith.cmpi ne, %convert_element_type3A_1346, %cond3A_1347 : i32
          scf.if %cond3A_1348 {
            %get3A_1409 = arith.constant 0 : index
            %get3A_1410 = tpu.vector_load %arg22[%get3A_1409] {strides = array<i32>} : memref<256xf32, #tpu.memory_space<vmem>>, vector<16xf32>,
            %max3A_1411 = vector.broadcast %reduce_max3A_1323 : f32 to vector<16xf32>
            %max3A_1412 = arith.maximumf %max3A_1411, %get3A_1410 : vector<16xf32>
            %get3A_1413 = arith.constant 0 : index
            %get3A_1414 = tpu.vector_load %arg23[%get3A_1413] {strides = array<i32>} : memref<256xf32, #tpu.memory_space<vmem>>, vector<16xf32>,
            %max3A_1415 = vector.broadcast %reduce_max3A_1328 : f32 to vector<16xf32>
            %max3A_1416 = arith.maximumf %max3A_1415, %get3A_1414 : vector<16xf32>
            %get3A_1417 = arith.constant 0 : index
            %get3A_1418 = tpu.vector_load %arg24[%get3A_1417] {strides = array<i32>} : memref<256xf32, #tpu.memory_space<vmem>>, vector<16xf32>,
            %min3A = vector.broadcast %reduce_max3A_1333 : f32 to vector<16xf32>
            %min3A_1419 = arith.minimumf %min3A, %get3A_1418 : vector<16xf32>
            %get3A_1420 = arith.constant 0 : index
            %get3A_1421 = tpu.vector_load %arg25[%get3A_1420] {strides = array<i32>} : memref<256xf32, #tpu.memory_space<vmem>>, vector<16xf32>,
            %min3A_1422 = vector.broadcast %reduce_max3A_1338 : f32 to vector<16xf32>
            %min3A_1423 = arith.minimumf %min3A_1422, %get3A_1421 : vector<16xf32>
            %sub3A_1424 = arith.subf %min3A_1419, %max3A_1412 : vector<16xf32>
            %max3A_1425 = arith.constant 0.000000e+00 : f32
            %max3A_1426 = vector.broadcast %max3A_1425 : f32 to vector<16xf32>
            %max3A_1427 = arith.maximumf %sub3A_1424, %max3A_1426 : vector<16xf32>
            %sub3A_1428 = arith.subf %min3A_1423, %max3A_1416 : vector<16xf32>
            %max3A_1429 = arith.constant 0.000000e+00 : f32
            %max3A_1430 = vector.broadcast %max3A_1429 : f32 to vector<16xf32>
            %max3A_1431 = arith.maximumf %sub3A_1428, %max3A_1430 : vector<16xf32>
            %mul3A_1432 = arith.mulf %max3A_1427, %max3A_1431 : vector<16xf32>
            %get3A_1433 = arith.constant 0 : index
            %get3A_1434 = tpu.vector_load %arg26[%get3A_1433] {strides = array<i32>} : memref<256xf32, #tpu.memory_space<vmem>>, vector<16xf32>,
            %add3A_1435 = vector.broadcast %reduce_max3A_1343 : f32 to vector<16xf32>
            %add3A_1436 = arith.addf %add3A_1435, %get3A_1434 : vector<16xf32>
            %sub3A_1437 = arith.subf %add3A_1436, %mul3A_1432 : vector<16xf32>
            %add3A_1438 = arith.constant 9.99999971E-10 : f32
            %add3A_1439 = vector.broadcast %add3A_1438 : f32 to vector<16xf32>
            %add3A_1440 = arith.addf %sub3A_1437, %add3A_1439 : vector<16xf32>
            %div3A_1441 = arith.divf %mul3A_1432, %add3A_1440 : vector<16xf32>
            %add3A_1442 = arith.constant 0 : i32
            %add3A_1443 = vector.broadcast %add3A_1442 : i32 to vector<16xi32>
            %add3A_1444 = arith.addi %add3A_1443, %iota3A : vector<16xi32>
            %gt3A_1445 = arith.constant 3.000000e-01 : f32
            %gt3A_1446 = vector.broadcast %gt3A_1445 : f32 to vector<16xf32>
            %gt3A_1447 = arith.cmpf ogt, %div3A_1441, %gt3A_1446 : vector<16xf32>
            %gt3A_1448 = vector.broadcast %scan3A_1308 : i32 to vector<16xi32>
            %gt3A_1449 = arith.cmpi sgt, %add3A_1444, %gt3A_1448 : vector<16xi32>
            %and3A_1450 = arith.andi %gt3A_1447, %gt3A_1449 : vector<16xi1>
            %get3A_1451 = arith.constant 0 : index
            %get3A_1452 = tpu.vector_load %arg27[%get3A_1451] {strides = array<i32>} : memref<256xf32, #tpu.memory_space<vmem>>, vector<16xf32>,
            %jit3A_1453 = arith.constant 0.000000e+00 : f32
            %broadcast_in_dim3A_1454 = vector.broadcast %jit3A_1453 : f32 to vector<16xf32>
            %select_n3A_1455 = arith.select %and3A_1450, %broadcast_in_dim3A_1454, %get3A_1452 : vector<16xi1>, vector<16xf32>
            %swap3A_1456 = arith.constant 0 : index
            %swap3A_1457 = tpu.vector_load %arg27[%swap3A_1456] {strides = array<i32>} : memref<256xf32, #tpu.memory_space<vmem>>, vector<16xf32>,
            tpu.vector_store %arg27[%swap3A_1456], %select_n3A_1455 {strides = array<i32>} : memref<256xf32, #tpu.memory_space<vmem>>, vector<16xf32>,
          } else {
          }
          %lt3A_1349 = arith.constant 32 : i32
          %lt3A_1350 = arith.cmpi slt, %scan3A_1308, %lt3A_1349 : i32
          %convert_element_type3A_1351 = arith.extui %lt3A_1350 : i1 to i32
          %cond3A_1352 = arith.constant 0 : i32
          %cond3A_1353 = arith.cmpi ne, %convert_element_type3A_1351, %cond3A_1352 : i32
          scf.if %cond3A_1353 {
            %get3A_1409 = arith.constant 16 : index
            %get3A_1410 = tpu.vector_load %arg22[%get3A_1409] {strides = array<i32>} : memref<256xf32, #tpu.memory_space<vmem>>, vector<16xf32>,
            %max3A_1411 = vector.broadcast %reduce_max3A_1323 : f32 to vector<16xf32>
            %max3A_1412 = arith.maximumf %max3A_1411, %get3A_1410 : vector<16xf32>
            %get3A_1413 = arith.constant 16 : index
            %get3A_1414 = tpu.vector_load %arg23[%get3A_1413] {strides = array<i32>} : memref<256xf32, #tpu.memory_space<vmem>>, vector<16xf32>,
            %max3A_1415 = vector.broadcast %reduce_max3A_1328 : f32 to vector<16xf32>
            %max3A_1416 = arith.maximumf %max3A_1415, %get3A_1414 : vector<16xf32>
            %get3A_1417 = arith.constant 16 : index
            %get3A_1418 = tpu.vector_load %arg24[%get3A_1417] {strides = array<i32>} : memref<256xf32, #tpu.memory_space<vmem>>, vector<16xf32>,
            %min3A = vector.broadcast %reduce_max3A_1333 : f32 to vector<16xf32>
            %min3A_1419 = arith.minimumf %min3A, %get3A_1418 : vector<16xf32>
            %get3A_1420 = arith.constant 16 : index
            %get3A_1421 = tpu.vector_load %arg25[%get3A_1420] {strides = array<i32>} : memref<256xf32, #tpu.memory_space<vmem>>, vector<16xf32>,
            %min3A_1422 = vector.broadcast %reduce_max3A_1338 : f32 to vector<16xf32>
            %min3A_1423 = arith.minimumf %min3A_1422, %get3A_1421 : vector<16xf32>
            %sub3A_1424 = arith.subf %min3A_1419, %max3A_1412 : vector<16xf32>
            %max3A_1425 = arith.constant 0.000000e+00 : f32
            %max3A_1426 = vector.broadcast %max3A_1425 : f32 to vector<16xf32>
            %max3A_1427 = arith.maximumf %sub3A_1424, %max3A_1426 : vector<16xf32>
            %sub3A_1428 = arith.subf %min3A_1423, %max3A_1416 : vector<16xf32>
            %max3A_1429 = arith.constant 0.000000e+00 : f32
            %max3A_1430 = vector.broadcast %max3A_1429 : f32 to vector<16xf32>
            %max3A_1431 = arith.maximumf %sub3A_1428, %max3A_1430 : vector<16xf32>
            %mul3A_1432 = arith.mulf %max3A_1427, %max3A_1431 : vector<16xf32>
            %get3A_1433 = arith.constant 16 : index
            %get3A_1434 = tpu.vector_load %arg26[%get3A_1433] {strides = array<i32>} : memref<256xf32, #tpu.memory_space<vmem>>, vector<16xf32>,
            %add3A_1435 = vector.broadcast %reduce_max3A_1343 : f32 to vector<16xf32>
            %add3A_1436 = arith.addf %add3A_1435, %get3A_1434 : vector<16xf32>
            %sub3A_1437 = arith.subf %add3A_1436, %mul3A_1432 : vector<16xf32>
            %add3A_1438 = arith.constant 9.99999971E-10 : f32
            %add3A_1439 = vector.broadcast %add3A_1438 : f32 to vector<16xf32>
            %add3A_1440 = arith.addf %sub3A_1437, %add3A_1439 : vector<16xf32>
            %div3A_1441 = arith.divf %mul3A_1432, %add3A_1440 : vector<16xf32>
            %add3A_1442 = arith.constant 16 : i32
            %add3A_1443 = vector.broadcast %add3A_1442 : i32 to vector<16xi32>
            %add3A_1444 = arith.addi %add3A_1443, %iota3A : vector<16xi32>
            %gt3A_1445 = arith.constant 3.000000e-01 : f32
            %gt3A_1446 = vector.broadcast %gt3A_1445 : f32 to vector<16xf32>
            %gt3A_1447 = arith.cmpf ogt, %div3A_1441, %gt3A_1446 : vector<16xf32>
            %gt3A_1448 = vector.broadcast %scan3A_1308 : i32 to vector<16xi32>
            %gt3A_1449 = arith.cmpi sgt, %add3A_1444, %gt3A_1448 : vector<16xi32>
            %and3A_1450 = arith.andi %gt3A_1447, %gt3A_1449 : vector<16xi1>
            %get3A_1451 = arith.constant 16 : index
            %get3A_1452 = tpu.vector_load %arg27[%get3A_1451] {strides = array<i32>} : memref<256xf32, #tpu.memory_space<vmem>>, vector<16xf32>,
            %jit3A_1453 = arith.constant 0.000000e+00 : f32
            %broadcast_in_dim3A_1454 = vector.broadcast %jit3A_1453 : f32 to vector<16xf32>
            %select_n3A_1455 = arith.select %and3A_1450, %broadcast_in_dim3A_1454, %get3A_1452 : vector<16xi1>, vector<16xf32>
            %swap3A_1456 = arith.constant 16 : index
            %swap3A_1457 = tpu.vector_load %arg27[%swap3A_1456] {strides = array<i32>} : memref<256xf32, #tpu.memory_space<vmem>>, vector<16xf32>,
            tpu.vector_store %arg27[%swap3A_1456], %select_n3A_1455 {strides = array<i32>} : memref<256xf32, #tpu.memory_space<vmem>>, vector<16xf32>,
          } else {
          }
          %lt3A_1354 = arith.constant 48 : i32
          %lt3A_1355 = arith.cmpi slt, %scan3A_1308, %lt3A_1354 : i32
          %convert_element_type3A_1356 = arith.extui %lt3A_1355 : i1 to i32
          %cond3A_1357 = arith.constant 0 : i32
          %cond3A_1358 = arith.cmpi ne, %convert_element_type3A_1356, %cond3A_1357 : i32
          scf.if %cond3A_1358 {
            %get3A_1409 = arith.constant 32 : index
            %get3A_1410 = tpu.vector_load %arg22[%get3A_1409] {strides = array<i32>} : memref<256xf32, #tpu.memory_space<vmem>>, vector<16xf32>,
            %max3A_1411 = vector.broadcast %reduce_max3A_1323 : f32 to vector<16xf32>
            %max3A_1412 = arith.maximumf %max3A_1411, %get3A_1410 : vector<16xf32>
            %get3A_1413 = arith.constant 32 : index
            %get3A_1414 = tpu.vector_load %arg23[%get3A_1413] {strides = array<i32>} : memref<256xf32, #tpu.memory_space<vmem>>, vector<16xf32>,
            %max3A_1415 = vector.broadcast %reduce_max3A_1328 : f32 to vector<16xf32>
            %max3A_1416 = arith.maximumf %max3A_1415, %get3A_1414 : vector<16xf32>
            %get3A_1417 = arith.constant 32 : index
            %get3A_1418 = tpu.vector_load %arg24[%get3A_1417] {strides = array<i32>} : memref<256xf32, #tpu.memory_space<vmem>>, vector<16xf32>,
            %min3A = vector.broadcast %reduce_max3A_1333 : f32 to vector<16xf32>
            %min3A_1419 = arith.minimumf %min3A, %get3A_1418 : vector<16xf32>
            %get3A_1420 = arith.constant 32 : index
            %get3A_1421 = tpu.vector_load %arg25[%get3A_1420] {strides = array<i32>} : memref<256xf32, #tpu.memory_space<vmem>>, vector<16xf32>,
            %min3A_1422 = vector.broadcast %reduce_max3A_1338 : f32 to vector<16xf32>
            %min3A_1423 = arith.minimumf %min3A_1422, %get3A_1421 : vector<16xf32>
            %sub3A_1424 = arith.subf %min3A_1419, %max3A_1412 : vector<16xf32>
            %max3A_1425 = arith.constant 0.000000e+00 : f32
            %max3A_1426 = vector.broadcast %max3A_1425 : f32 to vector<16xf32>
            %max3A_1427 = arith.maximumf %sub3A_1424, %max3A_1426 : vector<16xf32>
            %sub3A_1428 = arith.subf %min3A_1423, %max3A_1416 : vector<16xf32>
            %max3A_1429 = arith.constant 0.000000e+00 : f32
            %max3A_1430 = vector.broadcast %max3A_1429 : f32 to vector<16xf32>
            %max3A_1431 = arith.maximumf %sub3A_1428, %max3A_1430 : vector<16xf32>
            %mul3A_1432 = arith.mulf %max3A_1427, %max3A_1431 : vector<16xf32>
            %get3A_1433 = arith.constant 32 : index
            %get3A_1434 = tpu.vector_load %arg26[%get3A_1433] {strides = array<i32>} : memref<256xf32, #tpu.memory_space<vmem>>, vector<16xf32>,
            %add3A_1435 = vector.broadcast %reduce_max3A_1343 : f32 to vector<16xf32>
            %add3A_1436 = arith.addf %add3A_1435, %get3A_1434 : vector<16xf32>
            %sub3A_1437 = arith.subf %add3A_1436, %mul3A_1432 : vector<16xf32>
            %add3A_1438 = arith.constant 9.99999971E-10 : f32
            %add3A_1439 = vector.broadcast %add3A_1438 : f32 to vector<16xf32>
            %add3A_1440 = arith.addf %sub3A_1437, %add3A_1439 : vector<16xf32>
            %div3A_1441 = arith.divf %mul3A_1432, %add3A_1440 : vector<16xf32>
            %add3A_1442 = arith.constant 32 : i32
            %add3A_1443 = vector.broadcast %add3A_1442 : i32 to vector<16xi32>
            %add3A_1444 = arith.addi %add3A_1443, %iota3A : vector<16xi32>
            %gt3A_1445 = arith.constant 3.000000e-01 : f32
            %gt3A_1446 = vector.broadcast %gt3A_1445 : f32 to vector<16xf32>
            %gt3A_1447 = arith.cmpf ogt, %div3A_1441, %gt3A_1446 : vector<16xf32>
            %gt3A_1448 = vector.broadcast %scan3A_1308 : i32 to vector<16xi32>
            %gt3A_1449 = arith.cmpi sgt, %add3A_1444, %gt3A_1448 : vector<16xi32>
            %and3A_1450 = arith.andi %gt3A_1447, %gt3A_1449 : vector<16xi1>
            %get3A_1451 = arith.constant 32 : index
            %get3A_1452 = tpu.vector_load %arg27[%get3A_1451] {strides = array<i32>} : memref<256xf32, #tpu.memory_space<vmem>>, vector<16xf32>,
            %jit3A_1453 = arith.constant 0.000000e+00 : f32
            %broadcast_in_dim3A_1454 = vector.broadcast %jit3A_1453 : f32 to vector<16xf32>
            %select_n3A_1455 = arith.select %and3A_1450, %broadcast_in_dim3A_1454, %get3A_1452 : vector<16xi1>, vector<16xf32>
            %swap3A_1456 = arith.constant 32 : index
            %swap3A_1457 = tpu.vector_load %arg27[%swap3A_1456] {strides = array<i32>} : memref<256xf32, #tpu.memory_space<vmem>>, vector<16xf32>,
            tpu.vector_store %arg27[%swap3A_1456], %select_n3A_1455 {strides = array<i32>} : memref<256xf32, #tpu.memory_space<vmem>>, vector<16xf32>,
          } else {
          }
          %lt3A_1359 = arith.constant 64 : i32
          %lt3A_1360 = arith.cmpi slt, %scan3A_1308, %lt3A_1359 : i32
          %convert_element_type3A_1361 = arith.extui %lt3A_1360 : i1 to i32
          %cond3A_1362 = arith.constant 0 : i32
          %cond3A_1363 = arith.cmpi ne, %convert_element_type3A_1361, %cond3A_1362 : i32
          scf.if %cond3A_1363 {
            %get3A_1409 = arith.constant 48 : index
            %get3A_1410 = tpu.vector_load %arg22[%get3A_1409] {strides = array<i32>} : memref<256xf32, #tpu.memory_space<vmem>>, vector<16xf32>,
            %max3A_1411 = vector.broadcast %reduce_max3A_1323 : f32 to vector<16xf32>
            %max3A_1412 = arith.maximumf %max3A_1411, %get3A_1410 : vector<16xf32>
            %get3A_1413 = arith.constant 48 : index
            %get3A_1414 = tpu.vector_load %arg23[%get3A_1413] {strides = array<i32>} : memref<256xf32, #tpu.memory_space<vmem>>, vector<16xf32>,
            %max3A_1415 = vector.broadcast %reduce_max3A_1328 : f32 to vector<16xf32>
            %max3A_1416 = arith.maximumf %max3A_1415, %get3A_1414 : vector<16xf32>
            %get3A_1417 = arith.constant 48 : index
            %get3A_1418 = tpu.vector_load %arg24[%get3A_1417] {strides = array<i32>} : memref<256xf32, #tpu.memory_space<vmem>>, vector<16xf32>,
            %min3A = vector.broadcast %reduce_max3A_1333 : f32 to vector<16xf32>
            %min3A_1419 = arith.minimumf %min3A, %get3A_1418 : vector<16xf32>
            %get3A_1420 = arith.constant 48 : index
            %get3A_1421 = tpu.vector_load %arg25[%get3A_1420] {strides = array<i32>} : memref<256xf32, #tpu.memory_space<vmem>>, vector<16xf32>,
            %min3A_1422 = vector.broadcast %reduce_max3A_1338 : f32 to vector<16xf32>
            %min3A_1423 = arith.minimumf %min3A_1422, %get3A_1421 : vector<16xf32>
            %sub3A_1424 = arith.subf %min3A_1419, %max3A_1412 : vector<16xf32>
            %max3A_1425 = arith.constant 0.000000e+00 : f32
            %max3A_1426 = vector.broadcast %max3A_1425 : f32 to vector<16xf32>
            %max3A_1427 = arith.maximumf %sub3A_1424, %max3A_1426 : vector<16xf32>
            %sub3A_1428 = arith.subf %min3A_1423, %max3A_1416 : vector<16xf32>
            %max3A_1429 = arith.constant 0.000000e+00 : f32
            %max3A_1430 = vector.broadcast %max3A_1429 : f32 to vector<16xf32>
            %max3A_1431 = arith.maximumf %sub3A_1428, %max3A_1430 : vector<16xf32>
            %mul3A_1432 = arith.mulf %max3A_1427, %max3A_1431 : vector<16xf32>
            %get3A_1433 = arith.constant 48 : index
            %get3A_1434 = tpu.vector_load %arg26[%get3A_1433] {strides = array<i32>} : memref<256xf32, #tpu.memory_space<vmem>>, vector<16xf32>,
            %add3A_1435 = vector.broadcast %reduce_max3A_1343 : f32 to vector<16xf32>
            %add3A_1436 = arith.addf %add3A_1435, %get3A_1434 : vector<16xf32>
            %sub3A_1437 = arith.subf %add3A_1436, %mul3A_1432 : vector<16xf32>
            %add3A_1438 = arith.constant 9.99999971E-10 : f32
            %add3A_1439 = vector.broadcast %add3A_1438 : f32 to vector<16xf32>
            %add3A_1440 = arith.addf %sub3A_1437, %add3A_1439 : vector<16xf32>
            %div3A_1441 = arith.divf %mul3A_1432, %add3A_1440 : vector<16xf32>
            %add3A_1442 = arith.constant 48 : i32
            %add3A_1443 = vector.broadcast %add3A_1442 : i32 to vector<16xi32>
            %add3A_1444 = arith.addi %add3A_1443, %iota3A : vector<16xi32>
            %gt3A_1445 = arith.constant 3.000000e-01 : f32
            %gt3A_1446 = vector.broadcast %gt3A_1445 : f32 to vector<16xf32>
            %gt3A_1447 = arith.cmpf ogt, %div3A_1441, %gt3A_1446 : vector<16xf32>
            %gt3A_1448 = vector.broadcast %scan3A_1308 : i32 to vector<16xi32>
            %gt3A_1449 = arith.cmpi sgt, %add3A_1444, %gt3A_1448 : vector<16xi32>
            %and3A_1450 = arith.andi %gt3A_1447, %gt3A_1449 : vector<16xi1>
            %get3A_1451 = arith.constant 48 : index
            %get3A_1452 = tpu.vector_load %arg27[%get3A_1451] {strides = array<i32>} : memref<256xf32, #tpu.memory_space<vmem>>, vector<16xf32>,
            %jit3A_1453 = arith.constant 0.000000e+00 : f32
            %broadcast_in_dim3A_1454 = vector.broadcast %jit3A_1453 : f32 to vector<16xf32>
            %select_n3A_1455 = arith.select %and3A_1450, %broadcast_in_dim3A_1454, %get3A_1452 : vector<16xi1>, vector<16xf32>
            %swap3A_1456 = arith.constant 48 : index
            %swap3A_1457 = tpu.vector_load %arg27[%swap3A_1456] {strides = array<i32>} : memref<256xf32, #tpu.memory_space<vmem>>, vector<16xf32>,
            tpu.vector_store %arg27[%swap3A_1456], %select_n3A_1455 {strides = array<i32>} : memref<256xf32, #tpu.memory_space<vmem>>, vector<16xf32>,
          } else {
          }
          %lt3A_1364 = arith.constant 80 : i32
          %lt3A_1365 = arith.cmpi slt, %scan3A_1308, %lt3A_1364 : i32
          %convert_element_type3A_1366 = arith.extui %lt3A_1365 : i1 to i32
          %cond3A_1367 = arith.constant 0 : i32
          %cond3A_1368 = arith.cmpi ne, %convert_element_type3A_1366, %cond3A_1367 : i32
          scf.if %cond3A_1368 {
            %get3A_1409 = arith.constant 64 : index
            %get3A_1410 = tpu.vector_load %arg22[%get3A_1409] {strides = array<i32>} : memref<256xf32, #tpu.memory_space<vmem>>, vector<16xf32>,
            %max3A_1411 = vector.broadcast %reduce_max3A_1323 : f32 to vector<16xf32>
            %max3A_1412 = arith.maximumf %max3A_1411, %get3A_1410 : vector<16xf32>
            %get3A_1413 = arith.constant 64 : index
            %get3A_1414 = tpu.vector_load %arg23[%get3A_1413] {strides = array<i32>} : memref<256xf32, #tpu.memory_space<vmem>>, vector<16xf32>,
            %max3A_1415 = vector.broadcast %reduce_max3A_1328 : f32 to vector<16xf32>
            %max3A_1416 = arith.maximumf %max3A_1415, %get3A_1414 : vector<16xf32>
            %get3A_1417 = arith.constant 64 : index
            %get3A_1418 = tpu.vector_load %arg24[%get3A_1417] {strides = array<i32>} : memref<256xf32, #tpu.memory_space<vmem>>, vector<16xf32>,
            %min3A = vector.broadcast %reduce_max3A_1333 : f32 to vector<16xf32>
            %min3A_1419 = arith.minimumf %min3A, %get3A_1418 : vector<16xf32>
            %get3A_1420 = arith.constant 64 : index
            %get3A_1421 = tpu.vector_load %arg25[%get3A_1420] {strides = array<i32>} : memref<256xf32, #tpu.memory_space<vmem>>, vector<16xf32>,
            %min3A_1422 = vector.broadcast %reduce_max3A_1338 : f32 to vector<16xf32>
            %min3A_1423 = arith.minimumf %min3A_1422, %get3A_1421 : vector<16xf32>
            %sub3A_1424 = arith.subf %min3A_1419, %max3A_1412 : vector<16xf32>
            %max3A_1425 = arith.constant 0.000000e+00 : f32
            %max3A_1426 = vector.broadcast %max3A_1425 : f32 to vector<16xf32>
            %max3A_1427 = arith.maximumf %sub3A_1424, %max3A_1426 : vector<16xf32>
            %sub3A_1428 = arith.subf %min3A_1423, %max3A_1416 : vector<16xf32>
            %max3A_1429 = arith.constant 0.000000e+00 : f32
            %max3A_1430 = vector.broadcast %max3A_1429 : f32 to vector<16xf32>
            %max3A_1431 = arith.maximumf %sub3A_1428, %max3A_1430 : vector<16xf32>
            %mul3A_1432 = arith.mulf %max3A_1427, %max3A_1431 : vector<16xf32>
            %get3A_1433 = arith.constant 64 : index
            %get3A_1434 = tpu.vector_load %arg26[%get3A_1433] {strides = array<i32>} : memref<256xf32, #tpu.memory_space<vmem>>, vector<16xf32>,
            %add3A_1435 = vector.broadcast %reduce_max3A_1343 : f32 to vector<16xf32>
            %add3A_1436 = arith.addf %add3A_1435, %get3A_1434 : vector<16xf32>
            %sub3A_1437 = arith.subf %add3A_1436, %mul3A_1432 : vector<16xf32>
            %add3A_1438 = arith.constant 9.99999971E-10 : f32
            %add3A_1439 = vector.broadcast %add3A_1438 : f32 to vector<16xf32>
            %add3A_1440 = arith.addf %sub3A_1437, %add3A_1439 : vector<16xf32>
            %div3A_1441 = arith.divf %mul3A_1432, %add3A_1440 : vector<16xf32>
            %add3A_1442 = arith.constant 64 : i32
            %add3A_1443 = vector.broadcast %add3A_1442 : i32 to vector<16xi32>
            %add3A_1444 = arith.addi %add3A_1443, %iota3A : vector<16xi32>
            %gt3A_1445 = arith.constant 3.000000e-01 : f32
            %gt3A_1446 = vector.broadcast %gt3A_1445 : f32 to vector<16xf32>
            %gt3A_1447 = arith.cmpf ogt, %div3A_1441, %gt3A_1446 : vector<16xf32>
            %gt3A_1448 = vector.broadcast %scan3A_1308 : i32 to vector<16xi32>
            %gt3A_1449 = arith.cmpi sgt, %add3A_1444, %gt3A_1448 : vector<16xi32>
            %and3A_1450 = arith.andi %gt3A_1447, %gt3A_1449 : vector<16xi1>
            %get3A_1451 = arith.constant 64 : index
            %get3A_1452 = tpu.vector_load %arg27[%get3A_1451] {strides = array<i32>} : memref<256xf32, #tpu.memory_space<vmem>>, vector<16xf32>,
            %jit3A_1453 = arith.constant 0.000000e+00 : f32
            %broadcast_in_dim3A_1454 = vector.broadcast %jit3A_1453 : f32 to vector<16xf32>
            %select_n3A_1455 = arith.select %and3A_1450, %broadcast_in_dim3A_1454, %get3A_1452 : vector<16xi1>, vector<16xf32>
            %swap3A_1456 = arith.constant 64 : index
            %swap3A_1457 = tpu.vector_load %arg27[%swap3A_1456] {strides = array<i32>} : memref<256xf32, #tpu.memory_space<vmem>>, vector<16xf32>,
            tpu.vector_store %arg27[%swap3A_1456], %select_n3A_1455 {strides = array<i32>} : memref<256xf32, #tpu.memory_space<vmem>>, vector<16xf32>,
          } else {
          }
          %lt3A_1369 = arith.constant 96 : i32
          %lt3A_1370 = arith.cmpi slt, %scan3A_1308, %lt3A_1369 : i32
          %convert_element_type3A_1371 = arith.extui %lt3A_1370 : i1 to i32
          %cond3A_1372 = arith.constant 0 : i32
          %cond3A_1373 = arith.cmpi ne, %convert_element_type3A_1371, %cond3A_1372 : i32
          scf.if %cond3A_1373 {
            %get3A_1409 = arith.constant 80 : index
            %get3A_1410 = tpu.vector_load %arg22[%get3A_1409] {strides = array<i32>} : memref<256xf32, #tpu.memory_space<vmem>>, vector<16xf32>,
            %max3A_1411 = vector.broadcast %reduce_max3A_1323 : f32 to vector<16xf32>
            %max3A_1412 = arith.maximumf %max3A_1411, %get3A_1410 : vector<16xf32>
            %get3A_1413 = arith.constant 80 : index
            %get3A_1414 = tpu.vector_load %arg23[%get3A_1413] {strides = array<i32>} : memref<256xf32, #tpu.memory_space<vmem>>, vector<16xf32>,
            %max3A_1415 = vector.broadcast %reduce_max3A_1328 : f32 to vector<16xf32>
            %max3A_1416 = arith.maximumf %max3A_1415, %get3A_1414 : vector<16xf32>
            %get3A_1417 = arith.constant 80 : index
            %get3A_1418 = tpu.vector_load %arg24[%get3A_1417] {strides = array<i32>} : memref<256xf32, #tpu.memory_space<vmem>>, vector<16xf32>,
            %min3A = vector.broadcast %reduce_max3A_1333 : f32 to vector<16xf32>
            %min3A_1419 = arith.minimumf %min3A, %get3A_1418 : vector<16xf32>
            %get3A_1420 = arith.constant 80 : index
            %get3A_1421 = tpu.vector_load %arg25[%get3A_1420] {strides = array<i32>} : memref<256xf32, #tpu.memory_space<vmem>>, vector<16xf32>,
            %min3A_1422 = vector.broadcast %reduce_max3A_1338 : f32 to vector<16xf32>
            %min3A_1423 = arith.minimumf %min3A_1422, %get3A_1421 : vector<16xf32>
            %sub3A_1424 = arith.subf %min3A_1419, %max3A_1412 : vector<16xf32>
            %max3A_1425 = arith.constant 0.000000e+00 : f32
            %max3A_1426 = vector.broadcast %max3A_1425 : f32 to vector<16xf32>
            %max3A_1427 = arith.maximumf %sub3A_1424, %max3A_1426 : vector<16xf32>
            %sub3A_1428 = arith.subf %min3A_1423, %max3A_1416 : vector<16xf32>
            %max3A_1429 = arith.constant 0.000000e+00 : f32
            %max3A_1430 = vector.broadcast %max3A_1429 : f32 to vector<16xf32>
            %max3A_1431 = arith.maximumf %sub3A_1428, %max3A_1430 : vector<16xf32>
            %mul3A_1432 = arith.mulf %max3A_1427, %max3A_1431 : vector<16xf32>
            %get3A_1433 = arith.constant 80 : index
            %get3A_1434 = tpu.vector_load %arg26[%get3A_1433] {strides = array<i32>} : memref<256xf32, #tpu.memory_space<vmem>>, vector<16xf32>,
            %add3A_1435 = vector.broadcast %reduce_max3A_1343 : f32 to vector<16xf32>
            %add3A_1436 = arith.addf %add3A_1435, %get3A_1434 : vector<16xf32>
            %sub3A_1437 = arith.subf %add3A_1436, %mul3A_1432 : vector<16xf32>
            %add3A_1438 = arith.constant 9.99999971E-10 : f32
            %add3A_1439 = vector.broadcast %add3A_1438 : f32 to vector<16xf32>
            %add3A_1440 = arith.addf %sub3A_1437, %add3A_1439 : vector<16xf32>
            %div3A_1441 = arith.divf %mul3A_1432, %add3A_1440 : vector<16xf32>
            %add3A_1442 = arith.constant 80 : i32
            %add3A_1443 = vector.broadcast %add3A_1442 : i32 to vector<16xi32>
            %add3A_1444 = arith.addi %add3A_1443, %iota3A : vector<16xi32>
            %gt3A_1445 = arith.constant 3.000000e-01 : f32
            %gt3A_1446 = vector.broadcast %gt3A_1445 : f32 to vector<16xf32>
            %gt3A_1447 = arith.cmpf ogt, %div3A_1441, %gt3A_1446 : vector<16xf32>
            %gt3A_1448 = vector.broadcast %scan3A_1308 : i32 to vector<16xi32>
            %gt3A_1449 = arith.cmpi sgt, %add3A_1444, %gt3A_1448 : vector<16xi32>
            %and3A_1450 = arith.andi %gt3A_1447, %gt3A_1449 : vector<16xi1>
            %get3A_1451 = arith.constant 80 : index
            %get3A_1452 = tpu.vector_load %arg27[%get3A_1451] {strides = array<i32>} : memref<256xf32, #tpu.memory_space<vmem>>, vector<16xf32>,
            %jit3A_1453 = arith.constant 0.000000e+00 : f32
            %broadcast_in_dim3A_1454 = vector.broadcast %jit3A_1453 : f32 to vector<16xf32>
            %select_n3A_1455 = arith.select %and3A_1450, %broadcast_in_dim3A_1454, %get3A_1452 : vector<16xi1>, vector<16xf32>
            %swap3A_1456 = arith.constant 80 : index
            %swap3A_1457 = tpu.vector_load %arg27[%swap3A_1456] {strides = array<i32>} : memref<256xf32, #tpu.memory_space<vmem>>, vector<16xf32>,
            tpu.vector_store %arg27[%swap3A_1456], %select_n3A_1455 {strides = array<i32>} : memref<256xf32, #tpu.memory_space<vmem>>, vector<16xf32>,
          } else {
          }
          %lt3A_1374 = arith.constant 112 : i32
          %lt3A_1375 = arith.cmpi slt, %scan3A_1308, %lt3A_1374 : i32
          %convert_element_type3A_1376 = arith.extui %lt3A_1375 : i1 to i32
          %cond3A_1377 = arith.constant 0 : i32
          %cond3A_1378 = arith.cmpi ne, %convert_element_type3A_1376, %cond3A_1377 : i32
          scf.if %cond3A_1378 {
            %get3A_1409 = arith.constant 96 : index
            %get3A_1410 = tpu.vector_load %arg22[%get3A_1409] {strides = array<i32>} : memref<256xf32, #tpu.memory_space<vmem>>, vector<16xf32>,
            %max3A_1411 = vector.broadcast %reduce_max3A_1323 : f32 to vector<16xf32>
            %max3A_1412 = arith.maximumf %max3A_1411, %get3A_1410 : vector<16xf32>
            %get3A_1413 = arith.constant 96 : index
            %get3A_1414 = tpu.vector_load %arg23[%get3A_1413] {strides = array<i32>} : memref<256xf32, #tpu.memory_space<vmem>>, vector<16xf32>,
            %max3A_1415 = vector.broadcast %reduce_max3A_1328 : f32 to vector<16xf32>
            %max3A_1416 = arith.maximumf %max3A_1415, %get3A_1414 : vector<16xf32>
            %get3A_1417 = arith.constant 96 : index
            %get3A_1418 = tpu.vector_load %arg24[%get3A_1417] {strides = array<i32>} : memref<256xf32, #tpu.memory_space<vmem>>, vector<16xf32>,
            %min3A = vector.broadcast %reduce_max3A_1333 : f32 to vector<16xf32>
            %min3A_1419 = arith.minimumf %min3A, %get3A_1418 : vector<16xf32>
            %get3A_1420 = arith.constant 96 : index
            %get3A_1421 = tpu.vector_load %arg25[%get3A_1420] {strides = array<i32>} : memref<256xf32, #tpu.memory_space<vmem>>, vector<16xf32>,
            %min3A_1422 = vector.broadcast %reduce_max3A_1338 : f32 to vector<16xf32>
            %min3A_1423 = arith.minimumf %min3A_1422, %get3A_1421 : vector<16xf32>
            %sub3A_1424 = arith.subf %min3A_1419, %max3A_1412 : vector<16xf32>
            %max3A_1425 = arith.constant 0.000000e+00 : f32
            %max3A_1426 = vector.broadcast %max3A_1425 : f32 to vector<16xf32>
            %max3A_1427 = arith.maximumf %sub3A_1424, %max3A_1426 : vector<16xf32>
            %sub3A_1428 = arith.subf %min3A_1423, %max3A_1416 : vector<16xf32>
            %max3A_1429 = arith.constant 0.000000e+00 : f32
            %max3A_1430 = vector.broadcast %max3A_1429 : f32 to vector<16xf32>
            %max3A_1431 = arith.maximumf %sub3A_1428, %max3A_1430 : vector<16xf32>
            %mul3A_1432 = arith.mulf %max3A_1427, %max3A_1431 : vector<16xf32>
            %get3A_1433 = arith.constant 96 : index
            %get3A_1434 = tpu.vector_load %arg26[%get3A_1433] {strides = array<i32>} : memref<256xf32, #tpu.memory_space<vmem>>, vector<16xf32>,
            %add3A_1435 = vector.broadcast %reduce_max3A_1343 : f32 to vector<16xf32>
            %add3A_1436 = arith.addf %add3A_1435, %get3A_1434 : vector<16xf32>
            %sub3A_1437 = arith.subf %add3A_1436, %mul3A_1432 : vector<16xf32>
            %add3A_1438 = arith.constant 9.99999971E-10 : f32
            %add3A_1439 = vector.broadcast %add3A_1438 : f32 to vector<16xf32>
            %add3A_1440 = arith.addf %sub3A_1437, %add3A_1439 : vector<16xf32>
            %div3A_1441 = arith.divf %mul3A_1432, %add3A_1440 : vector<16xf32>
            %add3A_1442 = arith.constant 96 : i32
            %add3A_1443 = vector.broadcast %add3A_1442 : i32 to vector<16xi32>
            %add3A_1444 = arith.addi %add3A_1443, %iota3A : vector<16xi32>
            %gt3A_1445 = arith.constant 3.000000e-01 : f32
            %gt3A_1446 = vector.broadcast %gt3A_1445 : f32 to vector<16xf32>
            %gt3A_1447 = arith.cmpf ogt, %div3A_1441, %gt3A_1446 : vector<16xf32>
            %gt3A_1448 = vector.broadcast %scan3A_1308 : i32 to vector<16xi32>
            %gt3A_1449 = arith.cmpi sgt, %add3A_1444, %gt3A_1448 : vector<16xi32>
            %and3A_1450 = arith.andi %gt3A_1447, %gt3A_1449 : vector<16xi1>
            %get3A_1451 = arith.constant 96 : index
            %get3A_1452 = tpu.vector_load %arg27[%get3A_1451] {strides = array<i32>} : memref<256xf32, #tpu.memory_space<vmem>>, vector<16xf32>,
            %jit3A_1453 = arith.constant 0.000000e+00 : f32
            %broadcast_in_dim3A_1454 = vector.broadcast %jit3A_1453 : f32 to vector<16xf32>
            %select_n3A_1455 = arith.select %and3A_1450, %broadcast_in_dim3A_1454, %get3A_1452 : vector<16xi1>, vector<16xf32>
            %swap3A_1456 = arith.constant 96 : index
            %swap3A_1457 = tpu.vector_load %arg27[%swap3A_1456] {strides = array<i32>} : memref<256xf32, #tpu.memory_space<vmem>>, vector<16xf32>,
            tpu.vector_store %arg27[%swap3A_1456], %select_n3A_1455 {strides = array<i32>} : memref<256xf32, #tpu.memory_space<vmem>>, vector<16xf32>,
          } else {
          }
          %lt3A_1379 = arith.constant 128 : i32
          %lt3A_1380 = arith.cmpi slt, %scan3A_1308, %lt3A_1379 : i32
          %convert_element_type3A_1381 = arith.extui %lt3A_1380 : i1 to i32
          %cond3A_1382 = arith.constant 0 : i32
          %cond3A_1383 = arith.cmpi ne, %convert_element_type3A_1381, %cond3A_1382 : i32
          scf.if %cond3A_1383 {
            %get3A_1409 = arith.constant 112 : index
            %get3A_1410 = tpu.vector_load %arg22[%get3A_1409] {strides = array<i32>} : memref<256xf32, #tpu.memory_space<vmem>>, vector<16xf32>,
            %max3A_1411 = vector.broadcast %reduce_max3A_1323 : f32 to vector<16xf32>
            %max3A_1412 = arith.maximumf %max3A_1411, %get3A_1410 : vector<16xf32>
            %get3A_1413 = arith.constant 112 : index
            %get3A_1414 = tpu.vector_load %arg23[%get3A_1413] {strides = array<i32>} : memref<256xf32, #tpu.memory_space<vmem>>, vector<16xf32>,
            %max3A_1415 = vector.broadcast %reduce_max3A_1328 : f32 to vector<16xf32>
            %max3A_1416 = arith.maximumf %max3A_1415, %get3A_1414 : vector<16xf32>
            %get3A_1417 = arith.constant 112 : index
            %get3A_1418 = tpu.vector_load %arg24[%get3A_1417] {strides = array<i32>} : memref<256xf32, #tpu.memory_space<vmem>>, vector<16xf32>,
            %min3A = vector.broadcast %reduce_max3A_1333 : f32 to vector<16xf32>
            %min3A_1419 = arith.minimumf %min3A, %get3A_1418 : vector<16xf32>
            %get3A_1420 = arith.constant 112 : index
            %get3A_1421 = tpu.vector_load %arg25[%get3A_1420] {strides = array<i32>} : memref<256xf32, #tpu.memory_space<vmem>>, vector<16xf32>,
            %min3A_1422 = vector.broadcast %reduce_max3A_1338 : f32 to vector<16xf32>
            %min3A_1423 = arith.minimumf %min3A_1422, %get3A_1421 : vector<16xf32>
            %sub3A_1424 = arith.subf %min3A_1419, %max3A_1412 : vector<16xf32>
            %max3A_1425 = arith.constant 0.000000e+00 : f32
            %max3A_1426 = vector.broadcast %max3A_1425 : f32 to vector<16xf32>
            %max3A_1427 = arith.maximumf %sub3A_1424, %max3A_1426 : vector<16xf32>
            %sub3A_1428 = arith.subf %min3A_1423, %max3A_1416 : vector<16xf32>
            %max3A_1429 = arith.constant 0.000000e+00 : f32
            %max3A_1430 = vector.broadcast %max3A_1429 : f32 to vector<16xf32>
            %max3A_1431 = arith.maximumf %sub3A_1428, %max3A_1430 : vector<16xf32>
            %mul3A_1432 = arith.mulf %max3A_1427, %max3A_1431 : vector<16xf32>
            %get3A_1433 = arith.constant 112 : index
            %get3A_1434 = tpu.vector_load %arg26[%get3A_1433] {strides = array<i32>} : memref<256xf32, #tpu.memory_space<vmem>>, vector<16xf32>,
            %add3A_1435 = vector.broadcast %reduce_max3A_1343 : f32 to vector<16xf32>
            %add3A_1436 = arith.addf %add3A_1435, %get3A_1434 : vector<16xf32>
            %sub3A_1437 = arith.subf %add3A_1436, %mul3A_1432 : vector<16xf32>
            %add3A_1438 = arith.constant 9.99999971E-10 : f32
            %add3A_1439 = vector.broadcast %add3A_1438 : f32 to vector<16xf32>
            %add3A_1440 = arith.addf %sub3A_1437, %add3A_1439 : vector<16xf32>
            %div3A_1441 = arith.divf %mul3A_1432, %add3A_1440 : vector<16xf32>
            %add3A_1442 = arith.constant 112 : i32
            %add3A_1443 = vector.broadcast %add3A_1442 : i32 to vector<16xi32>
            %add3A_1444 = arith.addi %add3A_1443, %iota3A : vector<16xi32>
            %gt3A_1445 = arith.constant 3.000000e-01 : f32
            %gt3A_1446 = vector.broadcast %gt3A_1445 : f32 to vector<16xf32>
            %gt3A_1447 = arith.cmpf ogt, %div3A_1441, %gt3A_1446 : vector<16xf32>
            %gt3A_1448 = vector.broadcast %scan3A_1308 : i32 to vector<16xi32>
            %gt3A_1449 = arith.cmpi sgt, %add3A_1444, %gt3A_1448 : vector<16xi32>
            %and3A_1450 = arith.andi %gt3A_1447, %gt3A_1449 : vector<16xi1>
            %get3A_1451 = arith.constant 112 : index
            %get3A_1452 = tpu.vector_load %arg27[%get3A_1451] {strides = array<i32>} : memref<256xf32, #tpu.memory_space<vmem>>, vector<16xf32>,
            %jit3A_1453 = arith.constant 0.000000e+00 : f32
            %broadcast_in_dim3A_1454 = vector.broadcast %jit3A_1453 : f32 to vector<16xf32>
            %select_n3A_1455 = arith.select %and3A_1450, %broadcast_in_dim3A_1454, %get3A_1452 : vector<16xi1>, vector<16xf32>
            %swap3A_1456 = arith.constant 112 : index
            %swap3A_1457 = tpu.vector_load %arg27[%swap3A_1456] {strides = array<i32>} : memref<256xf32, #tpu.memory_space<vmem>>, vector<16xf32>,
            tpu.vector_store %arg27[%swap3A_1456], %select_n3A_1455 {strides = array<i32>} : memref<256xf32, #tpu.memory_space<vmem>>, vector<16xf32>,
          } else {
          }
          %lt3A_1384 = arith.constant 144 : i32
          %lt3A_1385 = arith.cmpi slt, %scan3A_1308, %lt3A_1384 : i32
          %convert_element_type3A_1386 = arith.extui %lt3A_1385 : i1 to i32
          %cond3A_1387 = arith.constant 0 : i32
          %cond3A_1388 = arith.cmpi ne, %convert_element_type3A_1386, %cond3A_1387 : i32
          scf.if %cond3A_1388 {
            %get3A_1409 = arith.constant 128 : index
            %get3A_1410 = tpu.vector_load %arg22[%get3A_1409] {strides = array<i32>} : memref<256xf32, #tpu.memory_space<vmem>>, vector<16xf32>,
            %max3A_1411 = vector.broadcast %reduce_max3A_1323 : f32 to vector<16xf32>
            %max3A_1412 = arith.maximumf %max3A_1411, %get3A_1410 : vector<16xf32>
            %get3A_1413 = arith.constant 128 : index
            %get3A_1414 = tpu.vector_load %arg23[%get3A_1413] {strides = array<i32>} : memref<256xf32, #tpu.memory_space<vmem>>, vector<16xf32>,
            %max3A_1415 = vector.broadcast %reduce_max3A_1328 : f32 to vector<16xf32>
            %max3A_1416 = arith.maximumf %max3A_1415, %get3A_1414 : vector<16xf32>
            %get3A_1417 = arith.constant 128 : index
            %get3A_1418 = tpu.vector_load %arg24[%get3A_1417] {strides = array<i32>} : memref<256xf32, #tpu.memory_space<vmem>>, vector<16xf32>,
            %min3A = vector.broadcast %reduce_max3A_1333 : f32 to vector<16xf32>
            %min3A_1419 = arith.minimumf %min3A, %get3A_1418 : vector<16xf32>
            %get3A_1420 = arith.constant 128 : index
            %get3A_1421 = tpu.vector_load %arg25[%get3A_1420] {strides = array<i32>} : memref<256xf32, #tpu.memory_space<vmem>>, vector<16xf32>,
            %min3A_1422 = vector.broadcast %reduce_max3A_1338 : f32 to vector<16xf32>
            %min3A_1423 = arith.minimumf %min3A_1422, %get3A_1421 : vector<16xf32>
            %sub3A_1424 = arith.subf %min3A_1419, %max3A_1412 : vector<16xf32>
            %max3A_1425 = arith.constant 0.000000e+00 : f32
            %max3A_1426 = vector.broadcast %max3A_1425 : f32 to vector<16xf32>
            %max3A_1427 = arith.maximumf %sub3A_1424, %max3A_1426 : vector<16xf32>
            %sub3A_1428 = arith.subf %min3A_1423, %max3A_1416 : vector<16xf32>
            %max3A_1429 = arith.constant 0.000000e+00 : f32
            %max3A_1430 = vector.broadcast %max3A_1429 : f32 to vector<16xf32>
            %max3A_1431 = arith.maximumf %sub3A_1428, %max3A_1430 : vector<16xf32>
            %mul3A_1432 = arith.mulf %max3A_1427, %max3A_1431 : vector<16xf32>
            %get3A_1433 = arith.constant 128 : index
            %get3A_1434 = tpu.vector_load %arg26[%get3A_1433] {strides = array<i32>} : memref<256xf32, #tpu.memory_space<vmem>>, vector<16xf32>,
            %add3A_1435 = vector.broadcast %reduce_max3A_1343 : f32 to vector<16xf32>
            %add3A_1436 = arith.addf %add3A_1435, %get3A_1434 : vector<16xf32>
            %sub3A_1437 = arith.subf %add3A_1436, %mul3A_1432 : vector<16xf32>
            %add3A_1438 = arith.constant 9.99999971E-10 : f32
            %add3A_1439 = vector.broadcast %add3A_1438 : f32 to vector<16xf32>
            %add3A_1440 = arith.addf %sub3A_1437, %add3A_1439 : vector<16xf32>
            %div3A_1441 = arith.divf %mul3A_1432, %add3A_1440 : vector<16xf32>
            %add3A_1442 = arith.constant 128 : i32
            %add3A_1443 = vector.broadcast %add3A_1442 : i32 to vector<16xi32>
            %add3A_1444 = arith.addi %add3A_1443, %iota3A : vector<16xi32>
            %gt3A_1445 = arith.constant 3.000000e-01 : f32
            %gt3A_1446 = vector.broadcast %gt3A_1445 : f32 to vector<16xf32>
            %gt3A_1447 = arith.cmpf ogt, %div3A_1441, %gt3A_1446 : vector<16xf32>
            %gt3A_1448 = vector.broadcast %scan3A_1308 : i32 to vector<16xi32>
            %gt3A_1449 = arith.cmpi sgt, %add3A_1444, %gt3A_1448 : vector<16xi32>
            %and3A_1450 = arith.andi %gt3A_1447, %gt3A_1449 : vector<16xi1>
            %get3A_1451 = arith.constant 128 : index
            %get3A_1452 = tpu.vector_load %arg27[%get3A_1451] {strides = array<i32>} : memref<256xf32, #tpu.memory_space<vmem>>, vector<16xf32>,
            %jit3A_1453 = arith.constant 0.000000e+00 : f32
            %broadcast_in_dim3A_1454 = vector.broadcast %jit3A_1453 : f32 to vector<16xf32>
            %select_n3A_1455 = arith.select %and3A_1450, %broadcast_in_dim3A_1454, %get3A_1452 : vector<16xi1>, vector<16xf32>
            %swap3A_1456 = arith.constant 128 : index
            %swap3A_1457 = tpu.vector_load %arg27[%swap3A_1456] {strides = array<i32>} : memref<256xf32, #tpu.memory_space<vmem>>, vector<16xf32>,
            tpu.vector_store %arg27[%swap3A_1456], %select_n3A_1455 {strides = array<i32>} : memref<256xf32, #tpu.memory_space<vmem>>, vector<16xf32>,
          } else {
          }
          %lt3A_1389 = arith.constant 160 : i32
          %lt3A_1390 = arith.cmpi slt, %scan3A_1308, %lt3A_1389 : i32
          %convert_element_type3A_1391 = arith.extui %lt3A_1390 : i1 to i32
          %cond3A_1392 = arith.constant 0 : i32
          %cond3A_1393 = arith.cmpi ne, %convert_element_type3A_1391, %cond3A_1392 : i32
          scf.if %cond3A_1393 {
            %get3A_1409 = arith.constant 144 : index
            %get3A_1410 = tpu.vector_load %arg22[%get3A_1409] {strides = array<i32>} : memref<256xf32, #tpu.memory_space<vmem>>, vector<16xf32>,
            %max3A_1411 = vector.broadcast %reduce_max3A_1323 : f32 to vector<16xf32>
            %max3A_1412 = arith.maximumf %max3A_1411, %get3A_1410 : vector<16xf32>
            %get3A_1413 = arith.constant 144 : index
            %get3A_1414 = tpu.vector_load %arg23[%get3A_1413] {strides = array<i32>} : memref<256xf32, #tpu.memory_space<vmem>>, vector<16xf32>,
            %max3A_1415 = vector.broadcast %reduce_max3A_1328 : f32 to vector<16xf32>
            %max3A_1416 = arith.maximumf %max3A_1415, %get3A_1414 : vector<16xf32>
            %get3A_1417 = arith.constant 144 : index
            %get3A_1418 = tpu.vector_load %arg24[%get3A_1417] {strides = array<i32>} : memref<256xf32, #tpu.memory_space<vmem>>, vector<16xf32>,
            %min3A = vector.broadcast %reduce_max3A_1333 : f32 to vector<16xf32>
            %min3A_1419 = arith.minimumf %min3A, %get3A_1418 : vector<16xf32>
            %get3A_1420 = arith.constant 144 : index
            %get3A_1421 = tpu.vector_load %arg25[%get3A_1420] {strides = array<i32>} : memref<256xf32, #tpu.memory_space<vmem>>, vector<16xf32>,
            %min3A_1422 = vector.broadcast %reduce_max3A_1338 : f32 to vector<16xf32>
            %min3A_1423 = arith.minimumf %min3A_1422, %get3A_1421 : vector<16xf32>
            %sub3A_1424 = arith.subf %min3A_1419, %max3A_1412 : vector<16xf32>
            %max3A_1425 = arith.constant 0.000000e+00 : f32
            %max3A_1426 = vector.broadcast %max3A_1425 : f32 to vector<16xf32>
            %max3A_1427 = arith.maximumf %sub3A_1424, %max3A_1426 : vector<16xf32>
            %sub3A_1428 = arith.subf %min3A_1423, %max3A_1416 : vector<16xf32>
            %max3A_1429 = arith.constant 0.000000e+00 : f32
            %max3A_1430 = vector.broadcast %max3A_1429 : f32 to vector<16xf32>
            %max3A_1431 = arith.maximumf %sub3A_1428, %max3A_1430 : vector<16xf32>
            %mul3A_1432 = arith.mulf %max3A_1427, %max3A_1431 : vector<16xf32>
            %get3A_1433 = arith.constant 144 : index
            %get3A_1434 = tpu.vector_load %arg26[%get3A_1433] {strides = array<i32>} : memref<256xf32, #tpu.memory_space<vmem>>, vector<16xf32>,
            %add3A_1435 = vector.broadcast %reduce_max3A_1343 : f32 to vector<16xf32>
            %add3A_1436 = arith.addf %add3A_1435, %get3A_1434 : vector<16xf32>
            %sub3A_1437 = arith.subf %add3A_1436, %mul3A_1432 : vector<16xf32>
            %add3A_1438 = arith.constant 9.99999971E-10 : f32
            %add3A_1439 = vector.broadcast %add3A_1438 : f32 to vector<16xf32>
            %add3A_1440 = arith.addf %sub3A_1437, %add3A_1439 : vector<16xf32>
            %div3A_1441 = arith.divf %mul3A_1432, %add3A_1440 : vector<16xf32>
            %add3A_1442 = arith.constant 144 : i32
            %add3A_1443 = vector.broadcast %add3A_1442 : i32 to vector<16xi32>
            %add3A_1444 = arith.addi %add3A_1443, %iota3A : vector<16xi32>
            %gt3A_1445 = arith.constant 3.000000e-01 : f32
            %gt3A_1446 = vector.broadcast %gt3A_1445 : f32 to vector<16xf32>
            %gt3A_1447 = arith.cmpf ogt, %div3A_1441, %gt3A_1446 : vector<16xf32>
            %gt3A_1448 = vector.broadcast %scan3A_1308 : i32 to vector<16xi32>
            %gt3A_1449 = arith.cmpi sgt, %add3A_1444, %gt3A_1448 : vector<16xi32>
            %and3A_1450 = arith.andi %gt3A_1447, %gt3A_1449 : vector<16xi1>
            %get3A_1451 = arith.constant 144 : index
            %get3A_1452 = tpu.vector_load %arg27[%get3A_1451] {strides = array<i32>} : memref<256xf32, #tpu.memory_space<vmem>>, vector<16xf32>,
            %jit3A_1453 = arith.constant 0.000000e+00 : f32
            %broadcast_in_dim3A_1454 = vector.broadcast %jit3A_1453 : f32 to vector<16xf32>
            %select_n3A_1455 = arith.select %and3A_1450, %broadcast_in_dim3A_1454, %get3A_1452 : vector<16xi1>, vector<16xf32>
            %swap3A_1456 = arith.constant 144 : index
            %swap3A_1457 = tpu.vector_load %arg27[%swap3A_1456] {strides = array<i32>} : memref<256xf32, #tpu.memory_space<vmem>>, vector<16xf32>,
            tpu.vector_store %arg27[%swap3A_1456], %select_n3A_1455 {strides = array<i32>} : memref<256xf32, #tpu.memory_space<vmem>>, vector<16xf32>,
          } else {
          }
          %lt3A_1394 = arith.constant 176 : i32
          %lt3A_1395 = arith.cmpi slt, %scan3A_1308, %lt3A_1394 : i32
          %convert_element_type3A_1396 = arith.extui %lt3A_1395 : i1 to i32
          %cond3A_1397 = arith.constant 0 : i32
          %cond3A_1398 = arith.cmpi ne, %convert_element_type3A_1396, %cond3A_1397 : i32
          scf.if %cond3A_1398 {
            %get3A_1409 = arith.constant 160 : index
            %get3A_1410 = tpu.vector_load %arg22[%get3A_1409] {strides = array<i32>} : memref<256xf32, #tpu.memory_space<vmem>>, vector<16xf32>,
            %max3A_1411 = vector.broadcast %reduce_max3A_1323 : f32 to vector<16xf32>
            %max3A_1412 = arith.maximumf %max3A_1411, %get3A_1410 : vector<16xf32>
            %get3A_1413 = arith.constant 160 : index
            %get3A_1414 = tpu.vector_load %arg23[%get3A_1413] {strides = array<i32>} : memref<256xf32, #tpu.memory_space<vmem>>, vector<16xf32>,
            %max3A_1415 = vector.broadcast %reduce_max3A_1328 : f32 to vector<16xf32>
            %max3A_1416 = arith.maximumf %max3A_1415, %get3A_1414 : vector<16xf32>
            %get3A_1417 = arith.constant 160 : index
            %get3A_1418 = tpu.vector_load %arg24[%get3A_1417] {strides = array<i32>} : memref<256xf32, #tpu.memory_space<vmem>>, vector<16xf32>,
            %min3A = vector.broadcast %reduce_max3A_1333 : f32 to vector<16xf32>
            %min3A_1419 = arith.minimumf %min3A, %get3A_1418 : vector<16xf32>
            %get3A_1420 = arith.constant 160 : index
            %get3A_1421 = tpu.vector_load %arg25[%get3A_1420] {strides = array<i32>} : memref<256xf32, #tpu.memory_space<vmem>>, vector<16xf32>,
            %min3A_1422 = vector.broadcast %reduce_max3A_1338 : f32 to vector<16xf32>
            %min3A_1423 = arith.minimumf %min3A_1422, %get3A_1421 : vector<16xf32>
            %sub3A_1424 = arith.subf %min3A_1419, %max3A_1412 : vector<16xf32>
            %max3A_1425 = arith.constant 0.000000e+00 : f32
            %max3A_1426 = vector.broadcast %max3A_1425 : f32 to vector<16xf32>
            %max3A_1427 = arith.maximumf %sub3A_1424, %max3A_1426 : vector<16xf32>
            %sub3A_1428 = arith.subf %min3A_1423, %max3A_1416 : vector<16xf32>
            %max3A_1429 = arith.constant 0.000000e+00 : f32
            %max3A_1430 = vector.broadcast %max3A_1429 : f32 to vector<16xf32>
            %max3A_1431 = arith.maximumf %sub3A_1428, %max3A_1430 : vector<16xf32>
            %mul3A_1432 = arith.mulf %max3A_1427, %max3A_1431 : vector<16xf32>
            %get3A_1433 = arith.constant 160 : index
            %get3A_1434 = tpu.vector_load %arg26[%get3A_1433] {strides = array<i32>} : memref<256xf32, #tpu.memory_space<vmem>>, vector<16xf32>,
            %add3A_1435 = vector.broadcast %reduce_max3A_1343 : f32 to vector<16xf32>
            %add3A_1436 = arith.addf %add3A_1435, %get3A_1434 : vector<16xf32>
            %sub3A_1437 = arith.subf %add3A_1436, %mul3A_1432 : vector<16xf32>
            %add3A_1438 = arith.constant 9.99999971E-10 : f32
            %add3A_1439 = vector.broadcast %add3A_1438 : f32 to vector<16xf32>
            %add3A_1440 = arith.addf %sub3A_1437, %add3A_1439 : vector<16xf32>
            %div3A_1441 = arith.divf %mul3A_1432, %add3A_1440 : vector<16xf32>
            %add3A_1442 = arith.constant 160 : i32
            %add3A_1443 = vector.broadcast %add3A_1442 : i32 to vector<16xi32>
            %add3A_1444 = arith.addi %add3A_1443, %iota3A : vector<16xi32>
            %gt3A_1445 = arith.constant 3.000000e-01 : f32
            %gt3A_1446 = vector.broadcast %gt3A_1445 : f32 to vector<16xf32>
            %gt3A_1447 = arith.cmpf ogt, %div3A_1441, %gt3A_1446 : vector<16xf32>
            %gt3A_1448 = vector.broadcast %scan3A_1308 : i32 to vector<16xi32>
            %gt3A_1449 = arith.cmpi sgt, %add3A_1444, %gt3A_1448 : vector<16xi32>
            %and3A_1450 = arith.andi %gt3A_1447, %gt3A_1449 : vector<16xi1>
            %get3A_1451 = arith.constant 160 : index
            %get3A_1452 = tpu.vector_load %arg27[%get3A_1451] {strides = array<i32>} : memref<256xf32, #tpu.memory_space<vmem>>, vector<16xf32>,
            %jit3A_1453 = arith.constant 0.000000e+00 : f32
            %broadcast_in_dim3A_1454 = vector.broadcast %jit3A_1453 : f32 to vector<16xf32>
            %select_n3A_1455 = arith.select %and3A_1450, %broadcast_in_dim3A_1454, %get3A_1452 : vector<16xi1>, vector<16xf32>
            %swap3A_1456 = arith.constant 160 : index
            %swap3A_1457 = tpu.vector_load %arg27[%swap3A_1456] {strides = array<i32>} : memref<256xf32, #tpu.memory_space<vmem>>, vector<16xf32>,
            tpu.vector_store %arg27[%swap3A_1456], %select_n3A_1455 {strides = array<i32>} : memref<256xf32, #tpu.memory_space<vmem>>, vector<16xf32>,
          } else {
          }
          %lt3A_1399 = arith.constant 192 : i32
          %lt3A_1400 = arith.cmpi slt, %scan3A_1308, %lt3A_1399 : i32
          %convert_element_type3A_1401 = arith.extui %lt3A_1400 : i1 to i32
          %cond3A_1402 = arith.constant 0 : i32
          %cond3A_1403 = arith.cmpi ne, %convert_element_type3A_1401, %cond3A_1402 : i32
          scf.if %cond3A_1403 {
            %get3A_1409 = arith.constant 176 : index
            %get3A_1410 = tpu.vector_load %arg22[%get3A_1409] {strides = array<i32>} : memref<256xf32, #tpu.memory_space<vmem>>, vector<16xf32>,
            %max3A_1411 = vector.broadcast %reduce_max3A_1323 : f32 to vector<16xf32>
            %max3A_1412 = arith.maximumf %max3A_1411, %get3A_1410 : vector<16xf32>
            %get3A_1413 = arith.constant 176 : index
            %get3A_1414 = tpu.vector_load %arg23[%get3A_1413] {strides = array<i32>} : memref<256xf32, #tpu.memory_space<vmem>>, vector<16xf32>,
            %max3A_1415 = vector.broadcast %reduce_max3A_1328 : f32 to vector<16xf32>
            %max3A_1416 = arith.maximumf %max3A_1415, %get3A_1414 : vector<16xf32>
            %get3A_1417 = arith.constant 176 : index
            %get3A_1418 = tpu.vector_load %arg24[%get3A_1417] {strides = array<i32>} : memref<256xf32, #tpu.memory_space<vmem>>, vector<16xf32>,
            %min3A = vector.broadcast %reduce_max3A_1333 : f32 to vector<16xf32>
            %min3A_1419 = arith.minimumf %min3A, %get3A_1418 : vector<16xf32>
            %get3A_1420 = arith.constant 176 : index
            %get3A_1421 = tpu.vector_load %arg25[%get3A_1420] {strides = array<i32>} : memref<256xf32, #tpu.memory_space<vmem>>, vector<16xf32>,
            %min3A_1422 = vector.broadcast %reduce_max3A_1338 : f32 to vector<16xf32>
            %min3A_1423 = arith.minimumf %min3A_1422, %get3A_1421 : vector<16xf32>
            %sub3A_1424 = arith.subf %min3A_1419, %max3A_1412 : vector<16xf32>
            %max3A_1425 = arith.constant 0.000000e+00 : f32
            %max3A_1426 = vector.broadcast %max3A_1425 : f32 to vector<16xf32>
            %max3A_1427 = arith.maximumf %sub3A_1424, %max3A_1426 : vector<16xf32>
            %sub3A_1428 = arith.subf %min3A_1423, %max3A_1416 : vector<16xf32>
            %max3A_1429 = arith.constant 0.000000e+00 : f32
            %max3A_1430 = vector.broadcast %max3A_1429 : f32 to vector<16xf32>
            %max3A_1431 = arith.maximumf %sub3A_1428, %max3A_1430 : vector<16xf32>
            %mul3A_1432 = arith.mulf %max3A_1427, %max3A_1431 : vector<16xf32>
            %get3A_1433 = arith.constant 176 : index
            %get3A_1434 = tpu.vector_load %arg26[%get3A_1433] {strides = array<i32>} : memref<256xf32, #tpu.memory_space<vmem>>, vector<16xf32>,
            %add3A_1435 = vector.broadcast %reduce_max3A_1343 : f32 to vector<16xf32>
            %add3A_1436 = arith.addf %add3A_1435, %get3A_1434 : vector<16xf32>
            %sub3A_1437 = arith.subf %add3A_1436, %mul3A_1432 : vector<16xf32>
            %add3A_1438 = arith.constant 9.99999971E-10 : f32
            %add3A_1439 = vector.broadcast %add3A_1438 : f32 to vector<16xf32>
            %add3A_1440 = arith.addf %sub3A_1437, %add3A_1439 : vector<16xf32>
            %div3A_1441 = arith.divf %mul3A_1432, %add3A_1440 : vector<16xf32>
            %add3A_1442 = arith.constant 176 : i32
            %add3A_1443 = vector.broadcast %add3A_1442 : i32 to vector<16xi32>
            %add3A_1444 = arith.addi %add3A_1443, %iota3A : vector<16xi32>
            %gt3A_1445 = arith.constant 3.000000e-01 : f32
            %gt3A_1446 = vector.broadcast %gt3A_1445 : f32 to vector<16xf32>
            %gt3A_1447 = arith.cmpf ogt, %div3A_1441, %gt3A_1446 : vector<16xf32>
            %gt3A_1448 = vector.broadcast %scan3A_1308 : i32 to vector<16xi32>
            %gt3A_1449 = arith.cmpi sgt, %add3A_1444, %gt3A_1448 : vector<16xi32>
            %and3A_1450 = arith.andi %gt3A_1447, %gt3A_1449 : vector<16xi1>
            %get3A_1451 = arith.constant 176 : index
            %get3A_1452 = tpu.vector_load %arg27[%get3A_1451] {strides = array<i32>} : memref<256xf32, #tpu.memory_space<vmem>>, vector<16xf32>,
            %jit3A_1453 = arith.constant 0.000000e+00 : f32
            %broadcast_in_dim3A_1454 = vector.broadcast %jit3A_1453 : f32 to vector<16xf32>
            %select_n3A_1455 = arith.select %and3A_1450, %broadcast_in_dim3A_1454, %get3A_1452 : vector<16xi1>, vector<16xf32>
            %swap3A_1456 = arith.constant 176 : index
            %swap3A_1457 = tpu.vector_load %arg27[%swap3A_1456] {strides = array<i32>} : memref<256xf32, #tpu.memory_space<vmem>>, vector<16xf32>,
            tpu.vector_store %arg27[%swap3A_1456], %select_n3A_1455 {strides = array<i32>} : memref<256xf32, #tpu.memory_space<vmem>>, vector<16xf32>,
          } else {
          }
          %lt3A_1404 = arith.constant 208 : i32
          %lt3A_1405 = arith.cmpi slt, %scan3A_1308, %lt3A_1404 : i32
          %convert_element_type3A_1406 = arith.extui %lt3A_1405 : i1 to i32
          %cond3A_1407 = arith.constant 0 : i32
          %cond3A_1408 = arith.cmpi ne, %convert_element_type3A_1406, %cond3A_1407 : i32
          scf.if %cond3A_1408 {
            %get3A_1409 = arith.constant 192 : index
            %get3A_1410 = tpu.vector_load %arg22[%get3A_1409] {strides = array<i32>} : memref<256xf32, #tpu.memory_space<vmem>>, vector<16xf32>,
            %max3A_1411 = vector.broadcast %reduce_max3A_1323 : f32 to vector<16xf32>
            %max3A_1412 = arith.maximumf %max3A_1411, %get3A_1410 : vector<16xf32>
            %get3A_1413 = arith.constant 192 : index
            %get3A_1414 = tpu.vector_load %arg23[%get3A_1413] {strides = array<i32>} : memref<256xf32, #tpu.memory_space<vmem>>, vector<16xf32>,
            %max3A_1415 = vector.broadcast %reduce_max3A_1328 : f32 to vector<16xf32>
            %max3A_1416 = arith.maximumf %max3A_1415, %get3A_1414 : vector<16xf32>
            %get3A_1417 = arith.constant 192 : index
            %get3A_1418 = tpu.vector_load %arg24[%get3A_1417] {strides = array<i32>} : memref<256xf32, #tpu.memory_space<vmem>>, vector<16xf32>,
            %min3A = vector.broadcast %reduce_max3A_1333 : f32 to vector<16xf32>
            %min3A_1419 = arith.minimumf %min3A, %get3A_1418 : vector<16xf32>
            %get3A_1420 = arith.constant 192 : index
            %get3A_1421 = tpu.vector_load %arg25[%get3A_1420] {strides = array<i32>} : memref<256xf32, #tpu.memory_space<vmem>>, vector<16xf32>,
            %min3A_1422 = vector.broadcast %reduce_max3A_1338 : f32 to vector<16xf32>
            %min3A_1423 = arith.minimumf %min3A_1422, %get3A_1421 : vector<16xf32>
            %sub3A_1424 = arith.subf %min3A_1419, %max3A_1412 : vector<16xf32>
            %max3A_1425 = arith.constant 0.000000e+00 : f32
            %max3A_1426 = vector.broadcast %max3A_1425 : f32 to vector<16xf32>
            %max3A_1427 = arith.maximumf %sub3A_1424, %max3A_1426 : vector<16xf32>
            %sub3A_1428 = arith.subf %min3A_1423, %max3A_1416 : vector<16xf32>
            %max3A_1429 = arith.constant 0.000000e+00 : f32
            %max3A_1430 = vector.broadcast %max3A_1429 : f32 to vector<16xf32>
            %max3A_1431 = arith.maximumf %sub3A_1428, %max3A_1430 : vector<16xf32>
            %mul3A_1432 = arith.mulf %max3A_1427, %max3A_1431 : vector<16xf32>
            %get3A_1433 = arith.constant 192 : index
            %get3A_1434 = tpu.vector_load %arg26[%get3A_1433] {strides = array<i32>} : memref<256xf32, #tpu.memory_space<vmem>>, vector<16xf32>,
            %add3A_1435 = vector.broadcast %reduce_max3A_1343 : f32 to vector<16xf32>
            %add3A_1436 = arith.addf %add3A_1435, %get3A_1434 : vector<16xf32>
            %sub3A_1437 = arith.subf %add3A_1436, %mul3A_1432 : vector<16xf32>
            %add3A_1438 = arith.constant 9.99999971E-10 : f32
            %add3A_1439 = vector.broadcast %add3A_1438 : f32 to vector<16xf32>
            %add3A_1440 = arith.addf %sub3A_1437, %add3A_1439 : vector<16xf32>
            %div3A_1441 = arith.divf %mul3A_1432, %add3A_1440 : vector<16xf32>
            %add3A_1442 = arith.constant 192 : i32
            %add3A_1443 = vector.broadcast %add3A_1442 : i32 to vector<16xi32>
            %add3A_1444 = arith.addi %add3A_1443, %iota3A : vector<16xi32>
            %gt3A_1445 = arith.constant 3.000000e-01 : f32
            %gt3A_1446 = vector.broadcast %gt3A_1445 : f32 to vector<16xf32>
            %gt3A_1447 = arith.cmpf ogt, %div3A_1441, %gt3A_1446 : vector<16xf32>
            %gt3A_1448 = vector.broadcast %scan3A_1308 : i32 to vector<16xi32>
            %gt3A_1449 = arith.cmpi sgt, %add3A_1444, %gt3A_1448 : vector<16xi32>
            %and3A_1450 = arith.andi %gt3A_1447, %gt3A_1449 : vector<16xi1>
            %get3A_1451 = arith.constant 192 : index
            %get3A_1452 = tpu.vector_load %arg27[%get3A_1451] {strides = array<i32>} : memref<256xf32, #tpu.memory_space<vmem>>, vector<16xf32>,
            %jit3A_1453 = arith.constant 0.000000e+00 : f32
            %broadcast_in_dim3A_1454 = vector.broadcast %jit3A_1453 : f32 to vector<16xf32>
            %select_n3A_1455 = arith.select %and3A_1450, %broadcast_in_dim3A_1454, %get3A_1452 : vector<16xi1>, vector<16xf32>
            %swap3A_1456 = arith.constant 192 : index
            %swap3A_1457 = tpu.vector_load %arg27[%swap3A_1456] {strides = array<i32>} : memref<256xf32, #tpu.memory_space<vmem>>, vector<16xf32>,
            tpu.vector_store %arg27[%swap3A_1456], %select_n3A_1455 {strides = array<i32>} : memref<256xf32, #tpu.memory_space<vmem>>, vector<16xf32>,
          } else {
          }
        } else {
        }
      }
      %scan3A_674 = arith.constant 200 : i32
      %get3A_675 = arith.constant 0 : index
      %get3A_676 = tpu.vector_load %arg27[%get3A_675] {strides = array<i32>} : memref<256xf32, #tpu.memory_space<vmem>>, vector<16xf32>,
      %gt3A = arith.constant 5.000000e-01 : f32
      %gt3A_677 = vector.broadcast %gt3A : f32 to vector<16xf32>
      %gt3A_678 = arith.cmpf ogt, %get3A_676, %gt3A_677 : vector<16xf32>
      %get3A_679 = arith.constant 0 : index
      %get3A_680 = tpu.vector_load %arg20[%get3A_679] {strides = array<i32>} : memref<256xf32, #tpu.memory_space<vmem>>, vector<16xf32>,
      %gt3A_681 = arith.constant 5.000000e-02 : f32
      %gt3A_682 = vector.broadcast %gt3A_681 : f32 to vector<16xf32>
      %gt3A_683 = arith.cmpf ogt, %get3A_680, %gt3A_682 : vector<16xf32>
      %and3A_684 = arith.andi %gt3A_678, %gt3A_683 : vector<16xi1>
      %get3A_685 = arith.constant 0 : index
      %get3A_686 = tpu.vector_load %arg20[%get3A_685] {strides = array<i32>} : memref<256xf32, #tpu.memory_space<vmem>>, vector<16xf32>,
      %jit3A_687 = arith.constant 0.000000e+00 : f32
      %broadcast_in_dim3A_688 = vector.broadcast %jit3A_687 : f32 to vector<16xf32>
      %select_n3A_689 = arith.select %and3A_684, %get3A_686, %broadcast_in_dim3A_688 : vector<16xi1>, vector<16xf32>
      %swap3A_690 = arith.constant 0 : index
      %swap3A_691 = tpu.vector_load %arg28[%swap3A_690] {strides = array<i32>} : memref<256xf32, #tpu.memory_space<vmem>>, vector<16xf32>,
      tpu.vector_store %arg28[%swap3A_690], %select_n3A_689 {strides = array<i32>} : memref<256xf32, #tpu.memory_space<vmem>>, vector<16xf32>,
      %get3A_692 = arith.constant 0 : index
      %get3A_693 = tpu.vector_load %arg22[%get3A_692] {strides = array<i32>} : memref<256xf32, #tpu.memory_space<vmem>>, vector<16xf32>,
      %jit3A_694 = arith.constant 0.000000e+00 : f32
      %broadcast_in_dim3A_695 = vector.broadcast %jit3A_694 : f32 to vector<16xf32>
      %select_n3A_696 = arith.select %and3A_684, %get3A_693, %broadcast_in_dim3A_695 : vector<16xi1>, vector<16xf32>
      %swap3A_697 = arith.constant 0 : index
      %swap3A_698 = tpu.vector_load %arg29[%swap3A_697] {strides = array<i32>} : memref<256xf32, #tpu.memory_space<vmem>>, vector<16xf32>,
      tpu.vector_store %arg29[%swap3A_697], %select_n3A_696 {strides = array<i32>} : memref<256xf32, #tpu.memory_space<vmem>>, vector<16xf32>,
      %get3A_699 = arith.constant 0 : index
      %get3A_700 = tpu.vector_load %arg23[%get3A_699] {strides = array<i32>} : memref<256xf32, #tpu.memory_space<vmem>>, vector<16xf32>,
      %jit3A_701 = arith.constant 0.000000e+00 : f32
      %broadcast_in_dim3A_702 = vector.broadcast %jit3A_701 : f32 to vector<16xf32>
      %select_n3A_703 = arith.select %and3A_684, %get3A_700, %broadcast_in_dim3A_702 : vector<16xi1>, vector<16xf32>
      %swap3A_704 = arith.constant 0 : index
      %swap3A_705 = tpu.vector_load %arg30[%swap3A_704] {strides = array<i32>} : memref<256xf32, #tpu.memory_space<vmem>>, vector<16xf32>,
      tpu.vector_store %arg30[%swap3A_704], %select_n3A_703 {strides = array<i32>} : memref<256xf32, #tpu.memory_space<vmem>>, vector<16xf32>,
      %get3A_706 = arith.constant 0 : index
      %get3A_707 = tpu.vector_load %arg24[%get3A_706] {strides = array<i32>} : memref<256xf32, #tpu.memory_space<vmem>>, vector<16xf32>,
      %jit3A_708 = arith.constant 0.000000e+00 : f32
      %broadcast_in_dim3A_709 = vector.broadcast %jit3A_708 : f32 to vector<16xf32>
      %select_n3A_710 = arith.select %and3A_684, %get3A_707, %broadcast_in_dim3A_709 : vector<16xi1>, vector<16xf32>
      %swap3A_711 = arith.constant 0 : index
      %swap3A_712 = tpu.vector_load %arg31[%swap3A_711] {strides = array<i32>} : memref<256xf32, #tpu.memory_space<vmem>>, vector<16xf32>,
      tpu.vector_store %arg31[%swap3A_711], %select_n3A_710 {strides = array<i32>} : memref<256xf32, #tpu.memory_space<vmem>>, vector<16xf32>,
      %get3A_713 = arith.constant 0 : index
      %get3A_714 = tpu.vector_load %arg25[%get3A_713] {strides = array<i32>} : memref<256xf32, #tpu.memory_space<vmem>>, vector<16xf32>,
      %jit3A_715 = arith.constant 0.000000e+00 : f32
      %broadcast_in_dim3A_716 = vector.broadcast %jit3A_715 : f32 to vector<16xf32>
      %select_n3A_717 = arith.select %and3A_684, %get3A_714, %broadcast_in_dim3A_716 : vector<16xi1>, vector<16xf32>
      %swap3A_718 = arith.constant 0 : index
      %swap3A_719 = tpu.vector_load %arg32[%swap3A_718] {strides = array<i32>} : memref<256xf32, #tpu.memory_space<vmem>>, vector<16xf32>,
      tpu.vector_store %arg32[%swap3A_718], %select_n3A_717 {strides = array<i32>} : memref<256xf32, #tpu.memory_space<vmem>>, vector<16xf32>,
      %get3A_720 = arith.constant 16 : index
      %get3A_721 = tpu.vector_load %arg27[%get3A_720] {strides = array<i32>} : memref<256xf32, #tpu.memory_space<vmem>>, vector<16xf32>,
      %gt3A_722 = arith.constant 5.000000e-01 : f32
      %gt3A_723 = vector.broadcast %gt3A_722 : f32 to vector<16xf32>
      %gt3A_724 = arith.cmpf ogt, %get3A_721, %gt3A_723 : vector<16xf32>
      %get3A_725 = arith.constant 16 : index
      %get3A_726 = tpu.vector_load %arg20[%get3A_725] {strides = array<i32>} : memref<256xf32, #tpu.memory_space<vmem>>, vector<16xf32>,
      %gt3A_727 = arith.constant 5.000000e-02 : f32
      %gt3A_728 = vector.broadcast %gt3A_727 : f32 to vector<16xf32>
      %gt3A_729 = arith.cmpf ogt, %get3A_726, %gt3A_728 : vector<16xf32>
      %and3A_730 = arith.andi %gt3A_724, %gt3A_729 : vector<16xi1>
      %get3A_731 = arith.constant 16 : index
      %get3A_732 = tpu.vector_load %arg20[%get3A_731] {strides = array<i32>} : memref<256xf32, #tpu.memory_space<vmem>>, vector<16xf32>,
      %jit3A_733 = arith.constant 0.000000e+00 : f32
      %broadcast_in_dim3A_734 = vector.broadcast %jit3A_733 : f32 to vector<16xf32>
      %select_n3A_735 = arith.select %and3A_730, %get3A_732, %broadcast_in_dim3A_734 : vector<16xi1>, vector<16xf32>
      %swap3A_736 = arith.constant 16 : index
      %swap3A_737 = tpu.vector_load %arg28[%swap3A_736] {strides = array<i32>} : memref<256xf32, #tpu.memory_space<vmem>>, vector<16xf32>,
      tpu.vector_store %arg28[%swap3A_736], %select_n3A_735 {strides = array<i32>} : memref<256xf32, #tpu.memory_space<vmem>>, vector<16xf32>,
      %get3A_738 = arith.constant 16 : index
      %get3A_739 = tpu.vector_load %arg22[%get3A_738] {strides = array<i32>} : memref<256xf32, #tpu.memory_space<vmem>>, vector<16xf32>,
      %jit3A_740 = arith.constant 0.000000e+00 : f32
      %broadcast_in_dim3A_741 = vector.broadcast %jit3A_740 : f32 to vector<16xf32>
      %select_n3A_742 = arith.select %and3A_730, %get3A_739, %broadcast_in_dim3A_741 : vector<16xi1>, vector<16xf32>
      %swap3A_743 = arith.constant 16 : index
      %swap3A_744 = tpu.vector_load %arg29[%swap3A_743] {strides = array<i32>} : memref<256xf32, #tpu.memory_space<vmem>>, vector<16xf32>,
      tpu.vector_store %arg29[%swap3A_743], %select_n3A_742 {strides = array<i32>} : memref<256xf32, #tpu.memory_space<vmem>>, vector<16xf32>,
      %get3A_745 = arith.constant 16 : index
      %get3A_746 = tpu.vector_load %arg23[%get3A_745] {strides = array<i32>} : memref<256xf32, #tpu.memory_space<vmem>>, vector<16xf32>,
      %jit3A_747 = arith.constant 0.000000e+00 : f32
      %broadcast_in_dim3A_748 = vector.broadcast %jit3A_747 : f32 to vector<16xf32>
      %select_n3A_749 = arith.select %and3A_730, %get3A_746, %broadcast_in_dim3A_748 : vector<16xi1>, vector<16xf32>
      %swap3A_750 = arith.constant 16 : index
      %swap3A_751 = tpu.vector_load %arg30[%swap3A_750] {strides = array<i32>} : memref<256xf32, #tpu.memory_space<vmem>>, vector<16xf32>,
      tpu.vector_store %arg30[%swap3A_750], %select_n3A_749 {strides = array<i32>} : memref<256xf32, #tpu.memory_space<vmem>>, vector<16xf32>,
      %get3A_752 = arith.constant 16 : index
      %get3A_753 = tpu.vector_load %arg24[%get3A_752] {strides = array<i32>} : memref<256xf32, #tpu.memory_space<vmem>>, vector<16xf32>,
      %jit3A_754 = arith.constant 0.000000e+00 : f32
      %broadcast_in_dim3A_755 = vector.broadcast %jit3A_754 : f32 to vector<16xf32>
      %select_n3A_756 = arith.select %and3A_730, %get3A_753, %broadcast_in_dim3A_755 : vector<16xi1>, vector<16xf32>
      %swap3A_757 = arith.constant 16 : index
      %swap3A_758 = tpu.vector_load %arg31[%swap3A_757] {strides = array<i32>} : memref<256xf32, #tpu.memory_space<vmem>>, vector<16xf32>,
      tpu.vector_store %arg31[%swap3A_757], %select_n3A_756 {strides = array<i32>} : memref<256xf32, #tpu.memory_space<vmem>>, vector<16xf32>,
      %get3A_759 = arith.constant 16 : index
      %get3A_760 = tpu.vector_load %arg25[%get3A_759] {strides = array<i32>} : memref<256xf32, #tpu.memory_space<vmem>>, vector<16xf32>,
      %jit3A_761 = arith.constant 0.000000e+00 : f32
      %broadcast_in_dim3A_762 = vector.broadcast %jit3A_761 : f32 to vector<16xf32>
      %select_n3A_763 = arith.select %and3A_730, %get3A_760, %broadcast_in_dim3A_762 : vector<16xi1>, vector<16xf32>
      %swap3A_764 = arith.constant 16 : index
      %swap3A_765 = tpu.vector_load %arg32[%swap3A_764] {strides = array<i32>} : memref<256xf32, #tpu.memory_space<vmem>>, vector<16xf32>,
      tpu.vector_store %arg32[%swap3A_764], %select_n3A_763 {strides = array<i32>} : memref<256xf32, #tpu.memory_space<vmem>>, vector<16xf32>,
      %get3A_766 = arith.constant 32 : index
      %get3A_767 = tpu.vector_load %arg27[%get3A_766] {strides = array<i32>} : memref<256xf32, #tpu.memory_space<vmem>>, vector<16xf32>,
      %gt3A_768 = arith.constant 5.000000e-01 : f32
      %gt3A_769 = vector.broadcast %gt3A_768 : f32 to vector<16xf32>
      %gt3A_770 = arith.cmpf ogt, %get3A_767, %gt3A_769 : vector<16xf32>
      %get3A_771 = arith.constant 32 : index
      %get3A_772 = tpu.vector_load %arg20[%get3A_771] {strides = array<i32>} : memref<256xf32, #tpu.memory_space<vmem>>, vector<16xf32>,
      %gt3A_773 = arith.constant 5.000000e-02 : f32
      %gt3A_774 = vector.broadcast %gt3A_773 : f32 to vector<16xf32>
      %gt3A_775 = arith.cmpf ogt, %get3A_772, %gt3A_774 : vector<16xf32>
      %and3A_776 = arith.andi %gt3A_770, %gt3A_775 : vector<16xi1>
      %get3A_777 = arith.constant 32 : index
      %get3A_778 = tpu.vector_load %arg20[%get3A_777] {strides = array<i32>} : memref<256xf32, #tpu.memory_space<vmem>>, vector<16xf32>,
      %jit3A_779 = arith.constant 0.000000e+00 : f32
      %broadcast_in_dim3A_780 = vector.broadcast %jit3A_779 : f32 to vector<16xf32>
      %select_n3A_781 = arith.select %and3A_776, %get3A_778, %broadcast_in_dim3A_780 : vector<16xi1>, vector<16xf32>
      %swap3A_782 = arith.constant 32 : index
      %swap3A_783 = tpu.vector_load %arg28[%swap3A_782] {strides = array<i32>} : memref<256xf32, #tpu.memory_space<vmem>>, vector<16xf32>,
      tpu.vector_store %arg28[%swap3A_782], %select_n3A_781 {strides = array<i32>} : memref<256xf32, #tpu.memory_space<vmem>>, vector<16xf32>,
      %get3A_784 = arith.constant 32 : index
      %get3A_785 = tpu.vector_load %arg22[%get3A_784] {strides = array<i32>} : memref<256xf32, #tpu.memory_space<vmem>>, vector<16xf32>,
      %jit3A_786 = arith.constant 0.000000e+00 : f32
      %broadcast_in_dim3A_787 = vector.broadcast %jit3A_786 : f32 to vector<16xf32>
      %select_n3A_788 = arith.select %and3A_776, %get3A_785, %broadcast_in_dim3A_787 : vector<16xi1>, vector<16xf32>
      %swap3A_789 = arith.constant 32 : index
      %swap3A_790 = tpu.vector_load %arg29[%swap3A_789] {strides = array<i32>} : memref<256xf32, #tpu.memory_space<vmem>>, vector<16xf32>,
      tpu.vector_store %arg29[%swap3A_789], %select_n3A_788 {strides = array<i32>} : memref<256xf32, #tpu.memory_space<vmem>>, vector<16xf32>,
      %get3A_791 = arith.constant 32 : index
      %get3A_792 = tpu.vector_load %arg23[%get3A_791] {strides = array<i32>} : memref<256xf32, #tpu.memory_space<vmem>>, vector<16xf32>,
      %jit3A_793 = arith.constant 0.000000e+00 : f32
      %broadcast_in_dim3A_794 = vector.broadcast %jit3A_793 : f32 to vector<16xf32>
      %select_n3A_795 = arith.select %and3A_776, %get3A_792, %broadcast_in_dim3A_794 : vector<16xi1>, vector<16xf32>
      %swap3A_796 = arith.constant 32 : index
      %swap3A_797 = tpu.vector_load %arg30[%swap3A_796] {strides = array<i32>} : memref<256xf32, #tpu.memory_space<vmem>>, vector<16xf32>,
      tpu.vector_store %arg30[%swap3A_796], %select_n3A_795 {strides = array<i32>} : memref<256xf32, #tpu.memory_space<vmem>>, vector<16xf32>,
      %get3A_798 = arith.constant 32 : index
      %get3A_799 = tpu.vector_load %arg24[%get3A_798] {strides = array<i32>} : memref<256xf32, #tpu.memory_space<vmem>>, vector<16xf32>,
      %jit3A_800 = arith.constant 0.000000e+00 : f32
      %broadcast_in_dim3A_801 = vector.broadcast %jit3A_800 : f32 to vector<16xf32>
      %select_n3A_802 = arith.select %and3A_776, %get3A_799, %broadcast_in_dim3A_801 : vector<16xi1>, vector<16xf32>
      %swap3A_803 = arith.constant 32 : index
      %swap3A_804 = tpu.vector_load %arg31[%swap3A_803] {strides = array<i32>} : memref<256xf32, #tpu.memory_space<vmem>>, vector<16xf32>,
      tpu.vector_store %arg31[%swap3A_803], %select_n3A_802 {strides = array<i32>} : memref<256xf32, #tpu.memory_space<vmem>>, vector<16xf32>,
      %get3A_805 = arith.constant 32 : index
      %get3A_806 = tpu.vector_load %arg25[%get3A_805] {strides = array<i32>} : memref<256xf32, #tpu.memory_space<vmem>>, vector<16xf32>,
      %jit3A_807 = arith.constant 0.000000e+00 : f32
      %broadcast_in_dim3A_808 = vector.broadcast %jit3A_807 : f32 to vector<16xf32>
      %select_n3A_809 = arith.select %and3A_776, %get3A_806, %broadcast_in_dim3A_808 : vector<16xi1>, vector<16xf32>
      %swap3A_810 = arith.constant 32 : index
      %swap3A_811 = tpu.vector_load %arg32[%swap3A_810] {strides = array<i32>} : memref<256xf32, #tpu.memory_space<vmem>>, vector<16xf32>,
      tpu.vector_store %arg32[%swap3A_810], %select_n3A_809 {strides = array<i32>} : memref<256xf32, #tpu.memory_space<vmem>>, vector<16xf32>,
      %get3A_812 = arith.constant 48 : index
      %get3A_813 = tpu.vector_load %arg27[%get3A_812] {strides = array<i32>} : memref<256xf32, #tpu.memory_space<vmem>>, vector<16xf32>,
      %gt3A_814 = arith.constant 5.000000e-01 : f32
      %gt3A_815 = vector.broadcast %gt3A_814 : f32 to vector<16xf32>
      %gt3A_816 = arith.cmpf ogt, %get3A_813, %gt3A_815 : vector<16xf32>
      %get3A_817 = arith.constant 48 : index
      %get3A_818 = tpu.vector_load %arg20[%get3A_817] {strides = array<i32>} : memref<256xf32, #tpu.memory_space<vmem>>, vector<16xf32>,
      %gt3A_819 = arith.constant 5.000000e-02 : f32
      %gt3A_820 = vector.broadcast %gt3A_819 : f32 to vector<16xf32>
      %gt3A_821 = arith.cmpf ogt, %get3A_818, %gt3A_820 : vector<16xf32>
      %and3A_822 = arith.andi %gt3A_816, %gt3A_821 : vector<16xi1>
      %get3A_823 = arith.constant 48 : index
      %get3A_824 = tpu.vector_load %arg20[%get3A_823] {strides = array<i32>} : memref<256xf32, #tpu.memory_space<vmem>>, vector<16xf32>,
      %jit3A_825 = arith.constant 0.000000e+00 : f32
      %broadcast_in_dim3A_826 = vector.broadcast %jit3A_825 : f32 to vector<16xf32>
      %select_n3A_827 = arith.select %and3A_822, %get3A_824, %broadcast_in_dim3A_826 : vector<16xi1>, vector<16xf32>
      %swap3A_828 = arith.constant 48 : index
      %swap3A_829 = tpu.vector_load %arg28[%swap3A_828] {strides = array<i32>} : memref<256xf32, #tpu.memory_space<vmem>>, vector<16xf32>,
      tpu.vector_store %arg28[%swap3A_828], %select_n3A_827 {strides = array<i32>} : memref<256xf32, #tpu.memory_space<vmem>>, vector<16xf32>,
      %get3A_830 = arith.constant 48 : index
      %get3A_831 = tpu.vector_load %arg22[%get3A_830] {strides = array<i32>} : memref<256xf32, #tpu.memory_space<vmem>>, vector<16xf32>,
      %jit3A_832 = arith.constant 0.000000e+00 : f32
      %broadcast_in_dim3A_833 = vector.broadcast %jit3A_832 : f32 to vector<16xf32>
      %select_n3A_834 = arith.select %and3A_822, %get3A_831, %broadcast_in_dim3A_833 : vector<16xi1>, vector<16xf32>
      %swap3A_835 = arith.constant 48 : index
      %swap3A_836 = tpu.vector_load %arg29[%swap3A_835] {strides = array<i32>} : memref<256xf32, #tpu.memory_space<vmem>>, vector<16xf32>,
      tpu.vector_store %arg29[%swap3A_835], %select_n3A_834 {strides = array<i32>} : memref<256xf32, #tpu.memory_space<vmem>>, vector<16xf32>,
      %get3A_837 = arith.constant 48 : index
      %get3A_838 = tpu.vector_load %arg23[%get3A_837] {strides = array<i32>} : memref<256xf32, #tpu.memory_space<vmem>>, vector<16xf32>,
      %jit3A_839 = arith.constant 0.000000e+00 : f32
      %broadcast_in_dim3A_840 = vector.broadcast %jit3A_839 : f32 to vector<16xf32>
      %select_n3A_841 = arith.select %and3A_822, %get3A_838, %broadcast_in_dim3A_840 : vector<16xi1>, vector<16xf32>
      %swap3A_842 = arith.constant 48 : index
      %swap3A_843 = tpu.vector_load %arg30[%swap3A_842] {strides = array<i32>} : memref<256xf32, #tpu.memory_space<vmem>>, vector<16xf32>,
      tpu.vector_store %arg30[%swap3A_842], %select_n3A_841 {strides = array<i32>} : memref<256xf32, #tpu.memory_space<vmem>>, vector<16xf32>,
      %get3A_844 = arith.constant 48 : index
      %get3A_845 = tpu.vector_load %arg24[%get3A_844] {strides = array<i32>} : memref<256xf32, #tpu.memory_space<vmem>>, vector<16xf32>,
      %jit3A_846 = arith.constant 0.000000e+00 : f32
      %broadcast_in_dim3A_847 = vector.broadcast %jit3A_846 : f32 to vector<16xf32>
      %select_n3A_848 = arith.select %and3A_822, %get3A_845, %broadcast_in_dim3A_847 : vector<16xi1>, vector<16xf32>
      %swap3A_849 = arith.constant 48 : index
      %swap3A_850 = tpu.vector_load %arg31[%swap3A_849] {strides = array<i32>} : memref<256xf32, #tpu.memory_space<vmem>>, vector<16xf32>,
      tpu.vector_store %arg31[%swap3A_849], %select_n3A_848 {strides = array<i32>} : memref<256xf32, #tpu.memory_space<vmem>>, vector<16xf32>,
      %get3A_851 = arith.constant 48 : index
      %get3A_852 = tpu.vector_load %arg25[%get3A_851] {strides = array<i32>} : memref<256xf32, #tpu.memory_space<vmem>>, vector<16xf32>,
      %jit3A_853 = arith.constant 0.000000e+00 : f32
      %broadcast_in_dim3A_854 = vector.broadcast %jit3A_853 : f32 to vector<16xf32>
      %select_n3A_855 = arith.select %and3A_822, %get3A_852, %broadcast_in_dim3A_854 : vector<16xi1>, vector<16xf32>
      %swap3A_856 = arith.constant 48 : index
      %swap3A_857 = tpu.vector_load %arg32[%swap3A_856] {strides = array<i32>} : memref<256xf32, #tpu.memory_space<vmem>>, vector<16xf32>,
      tpu.vector_store %arg32[%swap3A_856], %select_n3A_855 {strides = array<i32>} : memref<256xf32, #tpu.memory_space<vmem>>, vector<16xf32>,
      %get3A_858 = arith.constant 64 : index
      %get3A_859 = tpu.vector_load %arg27[%get3A_858] {strides = array<i32>} : memref<256xf32, #tpu.memory_space<vmem>>, vector<16xf32>,
      %gt3A_860 = arith.constant 5.000000e-01 : f32
      %gt3A_861 = vector.broadcast %gt3A_860 : f32 to vector<16xf32>
      %gt3A_862 = arith.cmpf ogt, %get3A_859, %gt3A_861 : vector<16xf32>
      %get3A_863 = arith.constant 64 : index
      %get3A_864 = tpu.vector_load %arg20[%get3A_863] {strides = array<i32>} : memref<256xf32, #tpu.memory_space<vmem>>, vector<16xf32>,
      %gt3A_865 = arith.constant 5.000000e-02 : f32
      %gt3A_866 = vector.broadcast %gt3A_865 : f32 to vector<16xf32>
      %gt3A_867 = arith.cmpf ogt, %get3A_864, %gt3A_866 : vector<16xf32>
      %and3A_868 = arith.andi %gt3A_862, %gt3A_867 : vector<16xi1>
      %get3A_869 = arith.constant 64 : index
      %get3A_870 = tpu.vector_load %arg20[%get3A_869] {strides = array<i32>} : memref<256xf32, #tpu.memory_space<vmem>>, vector<16xf32>,
      %jit3A_871 = arith.constant 0.000000e+00 : f32
      %broadcast_in_dim3A_872 = vector.broadcast %jit3A_871 : f32 to vector<16xf32>
      %select_n3A_873 = arith.select %and3A_868, %get3A_870, %broadcast_in_dim3A_872 : vector<16xi1>, vector<16xf32>
      %swap3A_874 = arith.constant 64 : index
      %swap3A_875 = tpu.vector_load %arg28[%swap3A_874] {strides = array<i32>} : memref<256xf32, #tpu.memory_space<vmem>>, vector<16xf32>,
      tpu.vector_store %arg28[%swap3A_874], %select_n3A_873 {strides = array<i32>} : memref<256xf32, #tpu.memory_space<vmem>>, vector<16xf32>,
      %get3A_876 = arith.constant 64 : index
      %get3A_877 = tpu.vector_load %arg22[%get3A_876] {strides = array<i32>} : memref<256xf32, #tpu.memory_space<vmem>>, vector<16xf32>,
      %jit3A_878 = arith.constant 0.000000e+00 : f32
      %broadcast_in_dim3A_879 = vector.broadcast %jit3A_878 : f32 to vector<16xf32>
      %select_n3A_880 = arith.select %and3A_868, %get3A_877, %broadcast_in_dim3A_879 : vector<16xi1>, vector<16xf32>
      %swap3A_881 = arith.constant 64 : index
      %swap3A_882 = tpu.vector_load %arg29[%swap3A_881] {strides = array<i32>} : memref<256xf32, #tpu.memory_space<vmem>>, vector<16xf32>,
      tpu.vector_store %arg29[%swap3A_881], %select_n3A_880 {strides = array<i32>} : memref<256xf32, #tpu.memory_space<vmem>>, vector<16xf32>,
      %get3A_883 = arith.constant 64 : index
      %get3A_884 = tpu.vector_load %arg23[%get3A_883] {strides = array<i32>} : memref<256xf32, #tpu.memory_space<vmem>>, vector<16xf32>,
      %jit3A_885 = arith.constant 0.000000e+00 : f32
      %broadcast_in_dim3A_886 = vector.broadcast %jit3A_885 : f32 to vector<16xf32>
      %select_n3A_887 = arith.select %and3A_868, %get3A_884, %broadcast_in_dim3A_886 : vector<16xi1>, vector<16xf32>
      %swap3A_888 = arith.constant 64 : index
      %swap3A_889 = tpu.vector_load %arg30[%swap3A_888] {strides = array<i32>} : memref<256xf32, #tpu.memory_space<vmem>>, vector<16xf32>,
      tpu.vector_store %arg30[%swap3A_888], %select_n3A_887 {strides = array<i32>} : memref<256xf32, #tpu.memory_space<vmem>>, vector<16xf32>,
      %get3A_890 = arith.constant 64 : index
      %get3A_891 = tpu.vector_load %arg24[%get3A_890] {strides = array<i32>} : memref<256xf32, #tpu.memory_space<vmem>>, vector<16xf32>,
      %jit3A_892 = arith.constant 0.000000e+00 : f32
      %broadcast_in_dim3A_893 = vector.broadcast %jit3A_892 : f32 to vector<16xf32>
      %select_n3A_894 = arith.select %and3A_868, %get3A_891, %broadcast_in_dim3A_893 : vector<16xi1>, vector<16xf32>
      %swap3A_895 = arith.constant 64 : index
      %swap3A_896 = tpu.vector_load %arg31[%swap3A_895] {strides = array<i32>} : memref<256xf32, #tpu.memory_space<vmem>>, vector<16xf32>,
      tpu.vector_store %arg31[%swap3A_895], %select_n3A_894 {strides = array<i32>} : memref<256xf32, #tpu.memory_space<vmem>>, vector<16xf32>,
      %get3A_897 = arith.constant 64 : index
      %get3A_898 = tpu.vector_load %arg25[%get3A_897] {strides = array<i32>} : memref<256xf32, #tpu.memory_space<vmem>>, vector<16xf32>,
      %jit3A_899 = arith.constant 0.000000e+00 : f32
      %broadcast_in_dim3A_900 = vector.broadcast %jit3A_899 : f32 to vector<16xf32>
      %select_n3A_901 = arith.select %and3A_868, %get3A_898, %broadcast_in_dim3A_900 : vector<16xi1>, vector<16xf32>
      %swap3A_902 = arith.constant 64 : index
      %swap3A_903 = tpu.vector_load %arg32[%swap3A_902] {strides = array<i32>} : memref<256xf32, #tpu.memory_space<vmem>>, vector<16xf32>,
      tpu.vector_store %arg32[%swap3A_902], %select_n3A_901 {strides = array<i32>} : memref<256xf32, #tpu.memory_space<vmem>>, vector<16xf32>,
      %get3A_904 = arith.constant 80 : index
      %get3A_905 = tpu.vector_load %arg27[%get3A_904] {strides = array<i32>} : memref<256xf32, #tpu.memory_space<vmem>>, vector<16xf32>,
      %gt3A_906 = arith.constant 5.000000e-01 : f32
      %gt3A_907 = vector.broadcast %gt3A_906 : f32 to vector<16xf32>
      %gt3A_908 = arith.cmpf ogt, %get3A_905, %gt3A_907 : vector<16xf32>
      %get3A_909 = arith.constant 80 : index
      %get3A_910 = tpu.vector_load %arg20[%get3A_909] {strides = array<i32>} : memref<256xf32, #tpu.memory_space<vmem>>, vector<16xf32>,
      %gt3A_911 = arith.constant 5.000000e-02 : f32
      %gt3A_912 = vector.broadcast %gt3A_911 : f32 to vector<16xf32>
      %gt3A_913 = arith.cmpf ogt, %get3A_910, %gt3A_912 : vector<16xf32>
      %and3A_914 = arith.andi %gt3A_908, %gt3A_913 : vector<16xi1>
      %get3A_915 = arith.constant 80 : index
      %get3A_916 = tpu.vector_load %arg20[%get3A_915] {strides = array<i32>} : memref<256xf32, #tpu.memory_space<vmem>>, vector<16xf32>,
      %jit3A_917 = arith.constant 0.000000e+00 : f32
      %broadcast_in_dim3A_918 = vector.broadcast %jit3A_917 : f32 to vector<16xf32>
      %select_n3A_919 = arith.select %and3A_914, %get3A_916, %broadcast_in_dim3A_918 : vector<16xi1>, vector<16xf32>
      %swap3A_920 = arith.constant 80 : index
      %swap3A_921 = tpu.vector_load %arg28[%swap3A_920] {strides = array<i32>} : memref<256xf32, #tpu.memory_space<vmem>>, vector<16xf32>,
      tpu.vector_store %arg28[%swap3A_920], %select_n3A_919 {strides = array<i32>} : memref<256xf32, #tpu.memory_space<vmem>>, vector<16xf32>,
      %get3A_922 = arith.constant 80 : index
      %get3A_923 = tpu.vector_load %arg22[%get3A_922] {strides = array<i32>} : memref<256xf32, #tpu.memory_space<vmem>>, vector<16xf32>,
      %jit3A_924 = arith.constant 0.000000e+00 : f32
      %broadcast_in_dim3A_925 = vector.broadcast %jit3A_924 : f32 to vector<16xf32>
      %select_n3A_926 = arith.select %and3A_914, %get3A_923, %broadcast_in_dim3A_925 : vector<16xi1>, vector<16xf32>
      %swap3A_927 = arith.constant 80 : index
      %swap3A_928 = tpu.vector_load %arg29[%swap3A_927] {strides = array<i32>} : memref<256xf32, #tpu.memory_space<vmem>>, vector<16xf32>,
      tpu.vector_store %arg29[%swap3A_927], %select_n3A_926 {strides = array<i32>} : memref<256xf32, #tpu.memory_space<vmem>>, vector<16xf32>,
      %get3A_929 = arith.constant 80 : index
      %get3A_930 = tpu.vector_load %arg23[%get3A_929] {strides = array<i32>} : memref<256xf32, #tpu.memory_space<vmem>>, vector<16xf32>,
      %jit3A_931 = arith.constant 0.000000e+00 : f32
      %broadcast_in_dim3A_932 = vector.broadcast %jit3A_931 : f32 to vector<16xf32>
      %select_n3A_933 = arith.select %and3A_914, %get3A_930, %broadcast_in_dim3A_932 : vector<16xi1>, vector<16xf32>
      %swap3A_934 = arith.constant 80 : index
      %swap3A_935 = tpu.vector_load %arg30[%swap3A_934] {strides = array<i32>} : memref<256xf32, #tpu.memory_space<vmem>>, vector<16xf32>,
      tpu.vector_store %arg30[%swap3A_934], %select_n3A_933 {strides = array<i32>} : memref<256xf32, #tpu.memory_space<vmem>>, vector<16xf32>,
      %get3A_936 = arith.constant 80 : index
      %get3A_937 = tpu.vector_load %arg24[%get3A_936] {strides = array<i32>} : memref<256xf32, #tpu.memory_space<vmem>>, vector<16xf32>,
      %jit3A_938 = arith.constant 0.000000e+00 : f32
      %broadcast_in_dim3A_939 = vector.broadcast %jit3A_938 : f32 to vector<16xf32>
      %select_n3A_940 = arith.select %and3A_914, %get3A_937, %broadcast_in_dim3A_939 : vector<16xi1>, vector<16xf32>
      %swap3A_941 = arith.constant 80 : index
      %swap3A_942 = tpu.vector_load %arg31[%swap3A_941] {strides = array<i32>} : memref<256xf32, #tpu.memory_space<vmem>>, vector<16xf32>,
      tpu.vector_store %arg31[%swap3A_941], %select_n3A_940 {strides = array<i32>} : memref<256xf32, #tpu.memory_space<vmem>>, vector<16xf32>,
      %get3A_943 = arith.constant 80 : index
      %get3A_944 = tpu.vector_load %arg25[%get3A_943] {strides = array<i32>} : memref<256xf32, #tpu.memory_space<vmem>>, vector<16xf32>,
      %jit3A_945 = arith.constant 0.000000e+00 : f32
      %broadcast_in_dim3A_946 = vector.broadcast %jit3A_945 : f32 to vector<16xf32>
      %select_n3A_947 = arith.select %and3A_914, %get3A_944, %broadcast_in_dim3A_946 : vector<16xi1>, vector<16xf32>
      %swap3A_948 = arith.constant 80 : index
      %swap3A_949 = tpu.vector_load %arg32[%swap3A_948] {strides = array<i32>} : memref<256xf32, #tpu.memory_space<vmem>>, vector<16xf32>,
      tpu.vector_store %arg32[%swap3A_948], %select_n3A_947 {strides = array<i32>} : memref<256xf32, #tpu.memory_space<vmem>>, vector<16xf32>,
      %get3A_950 = arith.constant 96 : index
      %get3A_951 = tpu.vector_load %arg27[%get3A_950] {strides = array<i32>} : memref<256xf32, #tpu.memory_space<vmem>>, vector<16xf32>,
      %gt3A_952 = arith.constant 5.000000e-01 : f32
      %gt3A_953 = vector.broadcast %gt3A_952 : f32 to vector<16xf32>
      %gt3A_954 = arith.cmpf ogt, %get3A_951, %gt3A_953 : vector<16xf32>
      %get3A_955 = arith.constant 96 : index
      %get3A_956 = tpu.vector_load %arg20[%get3A_955] {strides = array<i32>} : memref<256xf32, #tpu.memory_space<vmem>>, vector<16xf32>,
      %gt3A_957 = arith.constant 5.000000e-02 : f32
      %gt3A_958 = vector.broadcast %gt3A_957 : f32 to vector<16xf32>
      %gt3A_959 = arith.cmpf ogt, %get3A_956, %gt3A_958 : vector<16xf32>
      %and3A_960 = arith.andi %gt3A_954, %gt3A_959 : vector<16xi1>
      %get3A_961 = arith.constant 96 : index
      %get3A_962 = tpu.vector_load %arg20[%get3A_961] {strides = array<i32>} : memref<256xf32, #tpu.memory_space<vmem>>, vector<16xf32>,
      %jit3A_963 = arith.constant 0.000000e+00 : f32
      %broadcast_in_dim3A_964 = vector.broadcast %jit3A_963 : f32 to vector<16xf32>
      %select_n3A_965 = arith.select %and3A_960, %get3A_962, %broadcast_in_dim3A_964 : vector<16xi1>, vector<16xf32>
      %swap3A_966 = arith.constant 96 : index
      %swap3A_967 = tpu.vector_load %arg28[%swap3A_966] {strides = array<i32>} : memref<256xf32, #tpu.memory_space<vmem>>, vector<16xf32>,
      tpu.vector_store %arg28[%swap3A_966], %select_n3A_965 {strides = array<i32>} : memref<256xf32, #tpu.memory_space<vmem>>, vector<16xf32>,
      %get3A_968 = arith.constant 96 : index
      %get3A_969 = tpu.vector_load %arg22[%get3A_968] {strides = array<i32>} : memref<256xf32, #tpu.memory_space<vmem>>, vector<16xf32>,
      %jit3A_970 = arith.constant 0.000000e+00 : f32
      %broadcast_in_dim3A_971 = vector.broadcast %jit3A_970 : f32 to vector<16xf32>
      %select_n3A_972 = arith.select %and3A_960, %get3A_969, %broadcast_in_dim3A_971 : vector<16xi1>, vector<16xf32>
      %swap3A_973 = arith.constant 96 : index
      %swap3A_974 = tpu.vector_load %arg29[%swap3A_973] {strides = array<i32>} : memref<256xf32, #tpu.memory_space<vmem>>, vector<16xf32>,
      tpu.vector_store %arg29[%swap3A_973], %select_n3A_972 {strides = array<i32>} : memref<256xf32, #tpu.memory_space<vmem>>, vector<16xf32>,
      %get3A_975 = arith.constant 96 : index
      %get3A_976 = tpu.vector_load %arg23[%get3A_975] {strides = array<i32>} : memref<256xf32, #tpu.memory_space<vmem>>, vector<16xf32>,
      %jit3A_977 = arith.constant 0.000000e+00 : f32
      %broadcast_in_dim3A_978 = vector.broadcast %jit3A_977 : f32 to vector<16xf32>
      %select_n3A_979 = arith.select %and3A_960, %get3A_976, %broadcast_in_dim3A_978 : vector<16xi1>, vector<16xf32>
      %swap3A_980 = arith.constant 96 : index
      %swap3A_981 = tpu.vector_load %arg30[%swap3A_980] {strides = array<i32>} : memref<256xf32, #tpu.memory_space<vmem>>, vector<16xf32>,
      tpu.vector_store %arg30[%swap3A_980], %select_n3A_979 {strides = array<i32>} : memref<256xf32, #tpu.memory_space<vmem>>, vector<16xf32>,
      %get3A_982 = arith.constant 96 : index
      %get3A_983 = tpu.vector_load %arg24[%get3A_982] {strides = array<i32>} : memref<256xf32, #tpu.memory_space<vmem>>, vector<16xf32>,
      %jit3A_984 = arith.constant 0.000000e+00 : f32
      %broadcast_in_dim3A_985 = vector.broadcast %jit3A_984 : f32 to vector<16xf32>
      %select_n3A_986 = arith.select %and3A_960, %get3A_983, %broadcast_in_dim3A_985 : vector<16xi1>, vector<16xf32>
      %swap3A_987 = arith.constant 96 : index
      %swap3A_988 = tpu.vector_load %arg31[%swap3A_987] {strides = array<i32>} : memref<256xf32, #tpu.memory_space<vmem>>, vector<16xf32>,
      tpu.vector_store %arg31[%swap3A_987], %select_n3A_986 {strides = array<i32>} : memref<256xf32, #tpu.memory_space<vmem>>, vector<16xf32>,
      %get3A_989 = arith.constant 96 : index
      %get3A_990 = tpu.vector_load %arg25[%get3A_989] {strides = array<i32>} : memref<256xf32, #tpu.memory_space<vmem>>, vector<16xf32>,
      %jit3A_991 = arith.constant 0.000000e+00 : f32
      %broadcast_in_dim3A_992 = vector.broadcast %jit3A_991 : f32 to vector<16xf32>
      %select_n3A_993 = arith.select %and3A_960, %get3A_990, %broadcast_in_dim3A_992 : vector<16xi1>, vector<16xf32>
      %swap3A_994 = arith.constant 96 : index
      %swap3A_995 = tpu.vector_load %arg32[%swap3A_994] {strides = array<i32>} : memref<256xf32, #tpu.memory_space<vmem>>, vector<16xf32>,
      tpu.vector_store %arg32[%swap3A_994], %select_n3A_993 {strides = array<i32>} : memref<256xf32, #tpu.memory_space<vmem>>, vector<16xf32>,
      %get3A_996 = arith.constant 112 : index
      %get3A_997 = tpu.vector_load %arg27[%get3A_996] {strides = array<i32>} : memref<256xf32, #tpu.memory_space<vmem>>, vector<16xf32>,
      %gt3A_998 = arith.constant 5.000000e-01 : f32
      %gt3A_999 = vector.broadcast %gt3A_998 : f32 to vector<16xf32>
      %gt3A_1000 = arith.cmpf ogt, %get3A_997, %gt3A_999 : vector<16xf32>
      %get3A_1001 = arith.constant 112 : index
      %get3A_1002 = tpu.vector_load %arg20[%get3A_1001] {strides = array<i32>} : memref<256xf32, #tpu.memory_space<vmem>>, vector<16xf32>,
      %gt3A_1003 = arith.constant 5.000000e-02 : f32
      %gt3A_1004 = vector.broadcast %gt3A_1003 : f32 to vector<16xf32>
      %gt3A_1005 = arith.cmpf ogt, %get3A_1002, %gt3A_1004 : vector<16xf32>
      %and3A_1006 = arith.andi %gt3A_1000, %gt3A_1005 : vector<16xi1>
      %get3A_1007 = arith.constant 112 : index
      %get3A_1008 = tpu.vector_load %arg20[%get3A_1007] {strides = array<i32>} : memref<256xf32, #tpu.memory_space<vmem>>, vector<16xf32>,
      %jit3A_1009 = arith.constant 0.000000e+00 : f32
      %broadcast_in_dim3A_1010 = vector.broadcast %jit3A_1009 : f32 to vector<16xf32>
      %select_n3A_1011 = arith.select %and3A_1006, %get3A_1008, %broadcast_in_dim3A_1010 : vector<16xi1>, vector<16xf32>
      %swap3A_1012 = arith.constant 112 : index
      %swap3A_1013 = tpu.vector_load %arg28[%swap3A_1012] {strides = array<i32>} : memref<256xf32, #tpu.memory_space<vmem>>, vector<16xf32>,
      tpu.vector_store %arg28[%swap3A_1012], %select_n3A_1011 {strides = array<i32>} : memref<256xf32, #tpu.memory_space<vmem>>, vector<16xf32>,
      %get3A_1014 = arith.constant 112 : index
      %get3A_1015 = tpu.vector_load %arg22[%get3A_1014] {strides = array<i32>} : memref<256xf32, #tpu.memory_space<vmem>>, vector<16xf32>,
      %jit3A_1016 = arith.constant 0.000000e+00 : f32
      %broadcast_in_dim3A_1017 = vector.broadcast %jit3A_1016 : f32 to vector<16xf32>
      %select_n3A_1018 = arith.select %and3A_1006, %get3A_1015, %broadcast_in_dim3A_1017 : vector<16xi1>, vector<16xf32>
      %swap3A_1019 = arith.constant 112 : index
      %swap3A_1020 = tpu.vector_load %arg29[%swap3A_1019] {strides = array<i32>} : memref<256xf32, #tpu.memory_space<vmem>>, vector<16xf32>,
      tpu.vector_store %arg29[%swap3A_1019], %select_n3A_1018 {strides = array<i32>} : memref<256xf32, #tpu.memory_space<vmem>>, vector<16xf32>,
      %get3A_1021 = arith.constant 112 : index
      %get3A_1022 = tpu.vector_load %arg23[%get3A_1021] {strides = array<i32>} : memref<256xf32, #tpu.memory_space<vmem>>, vector<16xf32>,
      %jit3A_1023 = arith.constant 0.000000e+00 : f32
      %broadcast_in_dim3A_1024 = vector.broadcast %jit3A_1023 : f32 to vector<16xf32>
      %select_n3A_1025 = arith.select %and3A_1006, %get3A_1022, %broadcast_in_dim3A_1024 : vector<16xi1>, vector<16xf32>
      %swap3A_1026 = arith.constant 112 : index
      %swap3A_1027 = tpu.vector_load %arg30[%swap3A_1026] {strides = array<i32>} : memref<256xf32, #tpu.memory_space<vmem>>, vector<16xf32>,
      tpu.vector_store %arg30[%swap3A_1026], %select_n3A_1025 {strides = array<i32>} : memref<256xf32, #tpu.memory_space<vmem>>, vector<16xf32>,
      %get3A_1028 = arith.constant 112 : index
      %get3A_1029 = tpu.vector_load %arg24[%get3A_1028] {strides = array<i32>} : memref<256xf32, #tpu.memory_space<vmem>>, vector<16xf32>,
      %jit3A_1030 = arith.constant 0.000000e+00 : f32
      %broadcast_in_dim3A_1031 = vector.broadcast %jit3A_1030 : f32 to vector<16xf32>
      %select_n3A_1032 = arith.select %and3A_1006, %get3A_1029, %broadcast_in_dim3A_1031 : vector<16xi1>, vector<16xf32>
      %swap3A_1033 = arith.constant 112 : index
      %swap3A_1034 = tpu.vector_load %arg31[%swap3A_1033] {strides = array<i32>} : memref<256xf32, #tpu.memory_space<vmem>>, vector<16xf32>,
      tpu.vector_store %arg31[%swap3A_1033], %select_n3A_1032 {strides = array<i32>} : memref<256xf32, #tpu.memory_space<vmem>>, vector<16xf32>,
      %get3A_1035 = arith.constant 112 : index
      %get3A_1036 = tpu.vector_load %arg25[%get3A_1035] {strides = array<i32>} : memref<256xf32, #tpu.memory_space<vmem>>, vector<16xf32>,
      %jit3A_1037 = arith.constant 0.000000e+00 : f32
      %broadcast_in_dim3A_1038 = vector.broadcast %jit3A_1037 : f32 to vector<16xf32>
      %select_n3A_1039 = arith.select %and3A_1006, %get3A_1036, %broadcast_in_dim3A_1038 : vector<16xi1>, vector<16xf32>
      %swap3A_1040 = arith.constant 112 : index
      %swap3A_1041 = tpu.vector_load %arg32[%swap3A_1040] {strides = array<i32>} : memref<256xf32, #tpu.memory_space<vmem>>, vector<16xf32>,
      tpu.vector_store %arg32[%swap3A_1040], %select_n3A_1039 {strides = array<i32>} : memref<256xf32, #tpu.memory_space<vmem>>, vector<16xf32>,
      %get3A_1042 = arith.constant 128 : index
      %get3A_1043 = tpu.vector_load %arg27[%get3A_1042] {strides = array<i32>} : memref<256xf32, #tpu.memory_space<vmem>>, vector<16xf32>,
      %gt3A_1044 = arith.constant 5.000000e-01 : f32
      %gt3A_1045 = vector.broadcast %gt3A_1044 : f32 to vector<16xf32>
      %gt3A_1046 = arith.cmpf ogt, %get3A_1043, %gt3A_1045 : vector<16xf32>
      %get3A_1047 = arith.constant 128 : index
      %get3A_1048 = tpu.vector_load %arg20[%get3A_1047] {strides = array<i32>} : memref<256xf32, #tpu.memory_space<vmem>>, vector<16xf32>,
      %gt3A_1049 = arith.constant 5.000000e-02 : f32
      %gt3A_1050 = vector.broadcast %gt3A_1049 : f32 to vector<16xf32>
      %gt3A_1051 = arith.cmpf ogt, %get3A_1048, %gt3A_1050 : vector<16xf32>
      %and3A_1052 = arith.andi %gt3A_1046, %gt3A_1051 : vector<16xi1>
      %get3A_1053 = arith.constant 128 : index
      %get3A_1054 = tpu.vector_load %arg20[%get3A_1053] {strides = array<i32>} : memref<256xf32, #tpu.memory_space<vmem>>, vector<16xf32>,
      %jit3A_1055 = arith.constant 0.000000e+00 : f32
      %broadcast_in_dim3A_1056 = vector.broadcast %jit3A_1055 : f32 to vector<16xf32>
      %select_n3A_1057 = arith.select %and3A_1052, %get3A_1054, %broadcast_in_dim3A_1056 : vector<16xi1>, vector<16xf32>
      %swap3A_1058 = arith.constant 128 : index
      %swap3A_1059 = tpu.vector_load %arg28[%swap3A_1058] {strides = array<i32>} : memref<256xf32, #tpu.memory_space<vmem>>, vector<16xf32>,
      tpu.vector_store %arg28[%swap3A_1058], %select_n3A_1057 {strides = array<i32>} : memref<256xf32, #tpu.memory_space<vmem>>, vector<16xf32>,
      %get3A_1060 = arith.constant 128 : index
      %get3A_1061 = tpu.vector_load %arg22[%get3A_1060] {strides = array<i32>} : memref<256xf32, #tpu.memory_space<vmem>>, vector<16xf32>,
      %jit3A_1062 = arith.constant 0.000000e+00 : f32
      %broadcast_in_dim3A_1063 = vector.broadcast %jit3A_1062 : f32 to vector<16xf32>
      %select_n3A_1064 = arith.select %and3A_1052, %get3A_1061, %broadcast_in_dim3A_1063 : vector<16xi1>, vector<16xf32>
      %swap3A_1065 = arith.constant 128 : index
      %swap3A_1066 = tpu.vector_load %arg29[%swap3A_1065] {strides = array<i32>} : memref<256xf32, #tpu.memory_space<vmem>>, vector<16xf32>,
      tpu.vector_store %arg29[%swap3A_1065], %select_n3A_1064 {strides = array<i32>} : memref<256xf32, #tpu.memory_space<vmem>>, vector<16xf32>,
      %get3A_1067 = arith.constant 128 : index
      %get3A_1068 = tpu.vector_load %arg23[%get3A_1067] {strides = array<i32>} : memref<256xf32, #tpu.memory_space<vmem>>, vector<16xf32>,
      %jit3A_1069 = arith.constant 0.000000e+00 : f32
      %broadcast_in_dim3A_1070 = vector.broadcast %jit3A_1069 : f32 to vector<16xf32>
      %select_n3A_1071 = arith.select %and3A_1052, %get3A_1068, %broadcast_in_dim3A_1070 : vector<16xi1>, vector<16xf32>
      %swap3A_1072 = arith.constant 128 : index
      %swap3A_1073 = tpu.vector_load %arg30[%swap3A_1072] {strides = array<i32>} : memref<256xf32, #tpu.memory_space<vmem>>, vector<16xf32>,
      tpu.vector_store %arg30[%swap3A_1072], %select_n3A_1071 {strides = array<i32>} : memref<256xf32, #tpu.memory_space<vmem>>, vector<16xf32>,
      %get3A_1074 = arith.constant 128 : index
      %get3A_1075 = tpu.vector_load %arg24[%get3A_1074] {strides = array<i32>} : memref<256xf32, #tpu.memory_space<vmem>>, vector<16xf32>,
      %jit3A_1076 = arith.constant 0.000000e+00 : f32
      %broadcast_in_dim3A_1077 = vector.broadcast %jit3A_1076 : f32 to vector<16xf32>
      %select_n3A_1078 = arith.select %and3A_1052, %get3A_1075, %broadcast_in_dim3A_1077 : vector<16xi1>, vector<16xf32>
      %swap3A_1079 = arith.constant 128 : index
      %swap3A_1080 = tpu.vector_load %arg31[%swap3A_1079] {strides = array<i32>} : memref<256xf32, #tpu.memory_space<vmem>>, vector<16xf32>,
      tpu.vector_store %arg31[%swap3A_1079], %select_n3A_1078 {strides = array<i32>} : memref<256xf32, #tpu.memory_space<vmem>>, vector<16xf32>,
      %get3A_1081 = arith.constant 128 : index
      %get3A_1082 = tpu.vector_load %arg25[%get3A_1081] {strides = array<i32>} : memref<256xf32, #tpu.memory_space<vmem>>, vector<16xf32>,
      %jit3A_1083 = arith.constant 0.000000e+00 : f32
      %broadcast_in_dim3A_1084 = vector.broadcast %jit3A_1083 : f32 to vector<16xf32>
      %select_n3A_1085 = arith.select %and3A_1052, %get3A_1082, %broadcast_in_dim3A_1084 : vector<16xi1>, vector<16xf32>
      %swap3A_1086 = arith.constant 128 : index
      %swap3A_1087 = tpu.vector_load %arg32[%swap3A_1086] {strides = array<i32>} : memref<256xf32, #tpu.memory_space<vmem>>, vector<16xf32>,
      tpu.vector_store %arg32[%swap3A_1086], %select_n3A_1085 {strides = array<i32>} : memref<256xf32, #tpu.memory_space<vmem>>, vector<16xf32>,
      %get3A_1088 = arith.constant 144 : index
      %get3A_1089 = tpu.vector_load %arg27[%get3A_1088] {strides = array<i32>} : memref<256xf32, #tpu.memory_space<vmem>>, vector<16xf32>,
      %gt3A_1090 = arith.constant 5.000000e-01 : f32
      %gt3A_1091 = vector.broadcast %gt3A_1090 : f32 to vector<16xf32>
      %gt3A_1092 = arith.cmpf ogt, %get3A_1089, %gt3A_1091 : vector<16xf32>
      %get3A_1093 = arith.constant 144 : index
      %get3A_1094 = tpu.vector_load %arg20[%get3A_1093] {strides = array<i32>} : memref<256xf32, #tpu.memory_space<vmem>>, vector<16xf32>,
      %gt3A_1095 = arith.constant 5.000000e-02 : f32
      %gt3A_1096 = vector.broadcast %gt3A_1095 : f32 to vector<16xf32>
      %gt3A_1097 = arith.cmpf ogt, %get3A_1094, %gt3A_1096 : vector<16xf32>
      %and3A_1098 = arith.andi %gt3A_1092, %gt3A_1097 : vector<16xi1>
      %get3A_1099 = arith.constant 144 : index
      %get3A_1100 = tpu.vector_load %arg20[%get3A_1099] {strides = array<i32>} : memref<256xf32, #tpu.memory_space<vmem>>, vector<16xf32>,
      %jit3A_1101 = arith.constant 0.000000e+00 : f32
      %broadcast_in_dim3A_1102 = vector.broadcast %jit3A_1101 : f32 to vector<16xf32>
      %select_n3A_1103 = arith.select %and3A_1098, %get3A_1100, %broadcast_in_dim3A_1102 : vector<16xi1>, vector<16xf32>
      %swap3A_1104 = arith.constant 144 : index
      %swap3A_1105 = tpu.vector_load %arg28[%swap3A_1104] {strides = array<i32>} : memref<256xf32, #tpu.memory_space<vmem>>, vector<16xf32>,
      tpu.vector_store %arg28[%swap3A_1104], %select_n3A_1103 {strides = array<i32>} : memref<256xf32, #tpu.memory_space<vmem>>, vector<16xf32>,
      %get3A_1106 = arith.constant 144 : index
      %get3A_1107 = tpu.vector_load %arg22[%get3A_1106] {strides = array<i32>} : memref<256xf32, #tpu.memory_space<vmem>>, vector<16xf32>,
      %jit3A_1108 = arith.constant 0.000000e+00 : f32
      %broadcast_in_dim3A_1109 = vector.broadcast %jit3A_1108 : f32 to vector<16xf32>
      %select_n3A_1110 = arith.select %and3A_1098, %get3A_1107, %broadcast_in_dim3A_1109 : vector<16xi1>, vector<16xf32>
      %swap3A_1111 = arith.constant 144 : index
      %swap3A_1112 = tpu.vector_load %arg29[%swap3A_1111] {strides = array<i32>} : memref<256xf32, #tpu.memory_space<vmem>>, vector<16xf32>,
      tpu.vector_store %arg29[%swap3A_1111], %select_n3A_1110 {strides = array<i32>} : memref<256xf32, #tpu.memory_space<vmem>>, vector<16xf32>,
      %get3A_1113 = arith.constant 144 : index
      %get3A_1114 = tpu.vector_load %arg23[%get3A_1113] {strides = array<i32>} : memref<256xf32, #tpu.memory_space<vmem>>, vector<16xf32>,
      %jit3A_1115 = arith.constant 0.000000e+00 : f32
      %broadcast_in_dim3A_1116 = vector.broadcast %jit3A_1115 : f32 to vector<16xf32>
      %select_n3A_1117 = arith.select %and3A_1098, %get3A_1114, %broadcast_in_dim3A_1116 : vector<16xi1>, vector<16xf32>
      %swap3A_1118 = arith.constant 144 : index
      %swap3A_1119 = tpu.vector_load %arg30[%swap3A_1118] {strides = array<i32>} : memref<256xf32, #tpu.memory_space<vmem>>, vector<16xf32>,
      tpu.vector_store %arg30[%swap3A_1118], %select_n3A_1117 {strides = array<i32>} : memref<256xf32, #tpu.memory_space<vmem>>, vector<16xf32>,
      %get3A_1120 = arith.constant 144 : index
      %get3A_1121 = tpu.vector_load %arg24[%get3A_1120] {strides = array<i32>} : memref<256xf32, #tpu.memory_space<vmem>>, vector<16xf32>,
      %jit3A_1122 = arith.constant 0.000000e+00 : f32
      %broadcast_in_dim3A_1123 = vector.broadcast %jit3A_1122 : f32 to vector<16xf32>
      %select_n3A_1124 = arith.select %and3A_1098, %get3A_1121, %broadcast_in_dim3A_1123 : vector<16xi1>, vector<16xf32>
      %swap3A_1125 = arith.constant 144 : index
      %swap3A_1126 = tpu.vector_load %arg31[%swap3A_1125] {strides = array<i32>} : memref<256xf32, #tpu.memory_space<vmem>>, vector<16xf32>,
      tpu.vector_store %arg31[%swap3A_1125], %select_n3A_1124 {strides = array<i32>} : memref<256xf32, #tpu.memory_space<vmem>>, vector<16xf32>,
      %get3A_1127 = arith.constant 144 : index
      %get3A_1128 = tpu.vector_load %arg25[%get3A_1127] {strides = array<i32>} : memref<256xf32, #tpu.memory_space<vmem>>, vector<16xf32>,
      %jit3A_1129 = arith.constant 0.000000e+00 : f32
      %broadcast_in_dim3A_1130 = vector.broadcast %jit3A_1129 : f32 to vector<16xf32>
      %select_n3A_1131 = arith.select %and3A_1098, %get3A_1128, %broadcast_in_dim3A_1130 : vector<16xi1>, vector<16xf32>
      %swap3A_1132 = arith.constant 144 : index
      %swap3A_1133 = tpu.vector_load %arg32[%swap3A_1132] {strides = array<i32>} : memref<256xf32, #tpu.memory_space<vmem>>, vector<16xf32>,
      tpu.vector_store %arg32[%swap3A_1132], %select_n3A_1131 {strides = array<i32>} : memref<256xf32, #tpu.memory_space<vmem>>, vector<16xf32>,
      %get3A_1134 = arith.constant 160 : index
      %get3A_1135 = tpu.vector_load %arg27[%get3A_1134] {strides = array<i32>} : memref<256xf32, #tpu.memory_space<vmem>>, vector<16xf32>,
      %gt3A_1136 = arith.constant 5.000000e-01 : f32
      %gt3A_1137 = vector.broadcast %gt3A_1136 : f32 to vector<16xf32>
      %gt3A_1138 = arith.cmpf ogt, %get3A_1135, %gt3A_1137 : vector<16xf32>
      %get3A_1139 = arith.constant 160 : index
      %get3A_1140 = tpu.vector_load %arg20[%get3A_1139] {strides = array<i32>} : memref<256xf32, #tpu.memory_space<vmem>>, vector<16xf32>,
      %gt3A_1141 = arith.constant 5.000000e-02 : f32
      %gt3A_1142 = vector.broadcast %gt3A_1141 : f32 to vector<16xf32>
      %gt3A_1143 = arith.cmpf ogt, %get3A_1140, %gt3A_1142 : vector<16xf32>
      %and3A_1144 = arith.andi %gt3A_1138, %gt3A_1143 : vector<16xi1>
      %get3A_1145 = arith.constant 160 : index
      %get3A_1146 = tpu.vector_load %arg20[%get3A_1145] {strides = array<i32>} : memref<256xf32, #tpu.memory_space<vmem>>, vector<16xf32>,
      %jit3A_1147 = arith.constant 0.000000e+00 : f32
      %broadcast_in_dim3A_1148 = vector.broadcast %jit3A_1147 : f32 to vector<16xf32>
      %select_n3A_1149 = arith.select %and3A_1144, %get3A_1146, %broadcast_in_dim3A_1148 : vector<16xi1>, vector<16xf32>
      %swap3A_1150 = arith.constant 160 : index
      %swap3A_1151 = tpu.vector_load %arg28[%swap3A_1150] {strides = array<i32>} : memref<256xf32, #tpu.memory_space<vmem>>, vector<16xf32>,
      tpu.vector_store %arg28[%swap3A_1150], %select_n3A_1149 {strides = array<i32>} : memref<256xf32, #tpu.memory_space<vmem>>, vector<16xf32>,
      %get3A_1152 = arith.constant 160 : index
      %get3A_1153 = tpu.vector_load %arg22[%get3A_1152] {strides = array<i32>} : memref<256xf32, #tpu.memory_space<vmem>>, vector<16xf32>,
      %jit3A_1154 = arith.constant 0.000000e+00 : f32
      %broadcast_in_dim3A_1155 = vector.broadcast %jit3A_1154 : f32 to vector<16xf32>
      %select_n3A_1156 = arith.select %and3A_1144, %get3A_1153, %broadcast_in_dim3A_1155 : vector<16xi1>, vector<16xf32>
      %swap3A_1157 = arith.constant 160 : index
      %swap3A_1158 = tpu.vector_load %arg29[%swap3A_1157] {strides = array<i32>} : memref<256xf32, #tpu.memory_space<vmem>>, vector<16xf32>,
      tpu.vector_store %arg29[%swap3A_1157], %select_n3A_1156 {strides = array<i32>} : memref<256xf32, #tpu.memory_space<vmem>>, vector<16xf32>,
      %get3A_1159 = arith.constant 160 : index
      %get3A_1160 = tpu.vector_load %arg23[%get3A_1159] {strides = array<i32>} : memref<256xf32, #tpu.memory_space<vmem>>, vector<16xf32>,
      %jit3A_1161 = arith.constant 0.000000e+00 : f32
      %broadcast_in_dim3A_1162 = vector.broadcast %jit3A_1161 : f32 to vector<16xf32>
      %select_n3A_1163 = arith.select %and3A_1144, %get3A_1160, %broadcast_in_dim3A_1162 : vector<16xi1>, vector<16xf32>
      %swap3A_1164 = arith.constant 160 : index
      %swap3A_1165 = tpu.vector_load %arg30[%swap3A_1164] {strides = array<i32>} : memref<256xf32, #tpu.memory_space<vmem>>, vector<16xf32>,
      tpu.vector_store %arg30[%swap3A_1164], %select_n3A_1163 {strides = array<i32>} : memref<256xf32, #tpu.memory_space<vmem>>, vector<16xf32>,
      %get3A_1166 = arith.constant 160 : index
      %get3A_1167 = tpu.vector_load %arg24[%get3A_1166] {strides = array<i32>} : memref<256xf32, #tpu.memory_space<vmem>>, vector<16xf32>,
      %jit3A_1168 = arith.constant 0.000000e+00 : f32
      %broadcast_in_dim3A_1169 = vector.broadcast %jit3A_1168 : f32 to vector<16xf32>
      %select_n3A_1170 = arith.select %and3A_1144, %get3A_1167, %broadcast_in_dim3A_1169 : vector<16xi1>, vector<16xf32>
      %swap3A_1171 = arith.constant 160 : index
      %swap3A_1172 = tpu.vector_load %arg31[%swap3A_1171] {strides = array<i32>} : memref<256xf32, #tpu.memory_space<vmem>>, vector<16xf32>,
      tpu.vector_store %arg31[%swap3A_1171], %select_n3A_1170 {strides = array<i32>} : memref<256xf32, #tpu.memory_space<vmem>>, vector<16xf32>,
      %get3A_1173 = arith.constant 160 : index
      %get3A_1174 = tpu.vector_load %arg25[%get3A_1173] {strides = array<i32>} : memref<256xf32, #tpu.memory_space<vmem>>, vector<16xf32>,
      %jit3A_1175 = arith.constant 0.000000e+00 : f32
      %broadcast_in_dim3A_1176 = vector.broadcast %jit3A_1175 : f32 to vector<16xf32>
      %select_n3A_1177 = arith.select %and3A_1144, %get3A_1174, %broadcast_in_dim3A_1176 : vector<16xi1>, vector<16xf32>
      %swap3A_1178 = arith.constant 160 : index
      %swap3A_1179 = tpu.vector_load %arg32[%swap3A_1178] {strides = array<i32>} : memref<256xf32, #tpu.memory_space<vmem>>, vector<16xf32>,
      tpu.vector_store %arg32[%swap3A_1178], %select_n3A_1177 {strides = array<i32>} : memref<256xf32, #tpu.memory_space<vmem>>, vector<16xf32>,
      %get3A_1180 = arith.constant 176 : index
      %get3A_1181 = tpu.vector_load %arg27[%get3A_1180] {strides = array<i32>} : memref<256xf32, #tpu.memory_space<vmem>>, vector<16xf32>,
      %gt3A_1182 = arith.constant 5.000000e-01 : f32
      %gt3A_1183 = vector.broadcast %gt3A_1182 : f32 to vector<16xf32>
      %gt3A_1184 = arith.cmpf ogt, %get3A_1181, %gt3A_1183 : vector<16xf32>
      %get3A_1185 = arith.constant 176 : index
      %get3A_1186 = tpu.vector_load %arg20[%get3A_1185] {strides = array<i32>} : memref<256xf32, #tpu.memory_space<vmem>>, vector<16xf32>,
      %gt3A_1187 = arith.constant 5.000000e-02 : f32
      %gt3A_1188 = vector.broadcast %gt3A_1187 : f32 to vector<16xf32>
      %gt3A_1189 = arith.cmpf ogt, %get3A_1186, %gt3A_1188 : vector<16xf32>
      %and3A_1190 = arith.andi %gt3A_1184, %gt3A_1189 : vector<16xi1>
      %get3A_1191 = arith.constant 176 : index
      %get3A_1192 = tpu.vector_load %arg20[%get3A_1191] {strides = array<i32>} : memref<256xf32, #tpu.memory_space<vmem>>, vector<16xf32>,
      %jit3A_1193 = arith.constant 0.000000e+00 : f32
      %broadcast_in_dim3A_1194 = vector.broadcast %jit3A_1193 : f32 to vector<16xf32>
      %select_n3A_1195 = arith.select %and3A_1190, %get3A_1192, %broadcast_in_dim3A_1194 : vector<16xi1>, vector<16xf32>
      %swap3A_1196 = arith.constant 176 : index
      %swap3A_1197 = tpu.vector_load %arg28[%swap3A_1196] {strides = array<i32>} : memref<256xf32, #tpu.memory_space<vmem>>, vector<16xf32>,
      tpu.vector_store %arg28[%swap3A_1196], %select_n3A_1195 {strides = array<i32>} : memref<256xf32, #tpu.memory_space<vmem>>, vector<16xf32>,
      %get3A_1198 = arith.constant 176 : index
      %get3A_1199 = tpu.vector_load %arg22[%get3A_1198] {strides = array<i32>} : memref<256xf32, #tpu.memory_space<vmem>>, vector<16xf32>,
      %jit3A_1200 = arith.constant 0.000000e+00 : f32
      %broadcast_in_dim3A_1201 = vector.broadcast %jit3A_1200 : f32 to vector<16xf32>
      %select_n3A_1202 = arith.select %and3A_1190, %get3A_1199, %broadcast_in_dim3A_1201 : vector<16xi1>, vector<16xf32>
      %swap3A_1203 = arith.constant 176 : index
      %swap3A_1204 = tpu.vector_load %arg29[%swap3A_1203] {strides = array<i32>} : memref<256xf32, #tpu.memory_space<vmem>>, vector<16xf32>,
      tpu.vector_store %arg29[%swap3A_1203], %select_n3A_1202 {strides = array<i32>} : memref<256xf32, #tpu.memory_space<vmem>>, vector<16xf32>,
      %get3A_1205 = arith.constant 176 : index
      %get3A_1206 = tpu.vector_load %arg23[%get3A_1205] {strides = array<i32>} : memref<256xf32, #tpu.memory_space<vmem>>, vector<16xf32>,
      %jit3A_1207 = arith.constant 0.000000e+00 : f32
      %broadcast_in_dim3A_1208 = vector.broadcast %jit3A_1207 : f32 to vector<16xf32>
      %select_n3A_1209 = arith.select %and3A_1190, %get3A_1206, %broadcast_in_dim3A_1208 : vector<16xi1>, vector<16xf32>
      %swap3A_1210 = arith.constant 176 : index
      %swap3A_1211 = tpu.vector_load %arg30[%swap3A_1210] {strides = array<i32>} : memref<256xf32, #tpu.memory_space<vmem>>, vector<16xf32>,
      tpu.vector_store %arg30[%swap3A_1210], %select_n3A_1209 {strides = array<i32>} : memref<256xf32, #tpu.memory_space<vmem>>, vector<16xf32>,
      %get3A_1212 = arith.constant 176 : index
      %get3A_1213 = tpu.vector_load %arg24[%get3A_1212] {strides = array<i32>} : memref<256xf32, #tpu.memory_space<vmem>>, vector<16xf32>,
      %jit3A_1214 = arith.constant 0.000000e+00 : f32
      %broadcast_in_dim3A_1215 = vector.broadcast %jit3A_1214 : f32 to vector<16xf32>
      %select_n3A_1216 = arith.select %and3A_1190, %get3A_1213, %broadcast_in_dim3A_1215 : vector<16xi1>, vector<16xf32>
      %swap3A_1217 = arith.constant 176 : index
      %swap3A_1218 = tpu.vector_load %arg31[%swap3A_1217] {strides = array<i32>} : memref<256xf32, #tpu.memory_space<vmem>>, vector<16xf32>,
      tpu.vector_store %arg31[%swap3A_1217], %select_n3A_1216 {strides = array<i32>} : memref<256xf32, #tpu.memory_space<vmem>>, vector<16xf32>,
      %get3A_1219 = arith.constant 176 : index
      %get3A_1220 = tpu.vector_load %arg25[%get3A_1219] {strides = array<i32>} : memref<256xf32, #tpu.memory_space<vmem>>, vector<16xf32>,
      %jit3A_1221 = arith.constant 0.000000e+00 : f32
      %broadcast_in_dim3A_1222 = vector.broadcast %jit3A_1221 : f32 to vector<16xf32>
      %select_n3A_1223 = arith.select %and3A_1190, %get3A_1220, %broadcast_in_dim3A_1222 : vector<16xi1>, vector<16xf32>
      %swap3A_1224 = arith.constant 176 : index
      %swap3A_1225 = tpu.vector_load %arg32[%swap3A_1224] {strides = array<i32>} : memref<256xf32, #tpu.memory_space<vmem>>, vector<16xf32>,
      tpu.vector_store %arg32[%swap3A_1224], %select_n3A_1223 {strides = array<i32>} : memref<256xf32, #tpu.memory_space<vmem>>, vector<16xf32>,
      %get3A_1226 = arith.constant 192 : index
      %get3A_1227 = tpu.vector_load %arg27[%get3A_1226] {strides = array<i32>} : memref<256xf32, #tpu.memory_space<vmem>>, vector<16xf32>,
      %gt3A_1228 = arith.constant 5.000000e-01 : f32
      %gt3A_1229 = vector.broadcast %gt3A_1228 : f32 to vector<16xf32>
      %gt3A_1230 = arith.cmpf ogt, %get3A_1227, %gt3A_1229 : vector<16xf32>
      %get3A_1231 = arith.constant 192 : index
      %get3A_1232 = tpu.vector_load %arg20[%get3A_1231] {strides = array<i32>} : memref<256xf32, #tpu.memory_space<vmem>>, vector<16xf32>,
      %gt3A_1233 = arith.constant 5.000000e-02 : f32
      %gt3A_1234 = vector.broadcast %gt3A_1233 : f32 to vector<16xf32>
      %gt3A_1235 = arith.cmpf ogt, %get3A_1232, %gt3A_1234 : vector<16xf32>
      %and3A_1236 = arith.andi %gt3A_1230, %gt3A_1235 : vector<16xi1>
      %get3A_1237 = arith.constant 192 : index
      %get3A_1238 = tpu.vector_load %arg20[%get3A_1237] {strides = array<i32>} : memref<256xf32, #tpu.memory_space<vmem>>, vector<16xf32>,
      %jit3A_1239 = arith.constant 0.000000e+00 : f32
      %broadcast_in_dim3A_1240 = vector.broadcast %jit3A_1239 : f32 to vector<16xf32>
      %select_n3A_1241 = arith.select %and3A_1236, %get3A_1238, %broadcast_in_dim3A_1240 : vector<16xi1>, vector<16xf32>
      %swap3A_1242 = arith.constant 192 : index
      %swap3A_1243 = tpu.vector_load %arg28[%swap3A_1242] {strides = array<i32>} : memref<256xf32, #tpu.memory_space<vmem>>, vector<16xf32>,
      tpu.vector_store %arg28[%swap3A_1242], %select_n3A_1241 {strides = array<i32>} : memref<256xf32, #tpu.memory_space<vmem>>, vector<16xf32>,
      %get3A_1244 = arith.constant 192 : index
      %get3A_1245 = tpu.vector_load %arg22[%get3A_1244] {strides = array<i32>} : memref<256xf32, #tpu.memory_space<vmem>>, vector<16xf32>,
      %jit3A_1246 = arith.constant 0.000000e+00 : f32
      %broadcast_in_dim3A_1247 = vector.broadcast %jit3A_1246 : f32 to vector<16xf32>
      %select_n3A_1248 = arith.select %and3A_1236, %get3A_1245, %broadcast_in_dim3A_1247 : vector<16xi1>, vector<16xf32>
      %swap3A_1249 = arith.constant 192 : index
      %swap3A_1250 = tpu.vector_load %arg29[%swap3A_1249] {strides = array<i32>} : memref<256xf32, #tpu.memory_space<vmem>>, vector<16xf32>,
      tpu.vector_store %arg29[%swap3A_1249], %select_n3A_1248 {strides = array<i32>} : memref<256xf32, #tpu.memory_space<vmem>>, vector<16xf32>,
      %get3A_1251 = arith.constant 192 : index
      %get3A_1252 = tpu.vector_load %arg23[%get3A_1251] {strides = array<i32>} : memref<256xf32, #tpu.memory_space<vmem>>, vector<16xf32>,
      %jit3A_1253 = arith.constant 0.000000e+00 : f32
      %broadcast_in_dim3A_1254 = vector.broadcast %jit3A_1253 : f32 to vector<16xf32>
      %select_n3A_1255 = arith.select %and3A_1236, %get3A_1252, %broadcast_in_dim3A_1254 : vector<16xi1>, vector<16xf32>
      %swap3A_1256 = arith.constant 192 : index
      %swap3A_1257 = tpu.vector_load %arg30[%swap3A_1256] {strides = array<i32>} : memref<256xf32, #tpu.memory_space<vmem>>, vector<16xf32>,
      tpu.vector_store %arg30[%swap3A_1256], %select_n3A_1255 {strides = array<i32>} : memref<256xf32, #tpu.memory_space<vmem>>, vector<16xf32>,
      %get3A_1258 = arith.constant 192 : index
      %get3A_1259 = tpu.vector_load %arg24[%get3A_1258] {strides = array<i32>} : memref<256xf32, #tpu.memory_space<vmem>>, vector<16xf32>,
      %jit3A_1260 = arith.constant 0.000000e+00 : f32
      %broadcast_in_dim3A_1261 = vector.broadcast %jit3A_1260 : f32 to vector<16xf32>
      %select_n3A_1262 = arith.select %and3A_1236, %get3A_1259, %broadcast_in_dim3A_1261 : vector<16xi1>, vector<16xf32>
      %swap3A_1263 = arith.constant 192 : index
      %swap3A_1264 = tpu.vector_load %arg31[%swap3A_1263] {strides = array<i32>} : memref<256xf32, #tpu.memory_space<vmem>>, vector<16xf32>,
      tpu.vector_store %arg31[%swap3A_1263], %select_n3A_1262 {strides = array<i32>} : memref<256xf32, #tpu.memory_space<vmem>>, vector<16xf32>,
      %get3A_1265 = arith.constant 192 : index
      %get3A_1266 = tpu.vector_load %arg25[%get3A_1265] {strides = array<i32>} : memref<256xf32, #tpu.memory_space<vmem>>, vector<16xf32>,
      %jit3A_1267 = arith.constant 0.000000e+00 : f32
      %broadcast_in_dim3A_1268 = vector.broadcast %jit3A_1267 : f32 to vector<16xf32>
      %select_n3A_1269 = arith.select %and3A_1236, %get3A_1266, %broadcast_in_dim3A_1268 : vector<16xi1>, vector<16xf32>
      %swap3A_1270 = arith.constant 192 : index
      %swap3A_1271 = tpu.vector_load %arg32[%swap3A_1270] {strides = array<i32>} : memref<256xf32, #tpu.memory_space<vmem>>, vector<16xf32>,
      tpu.vector_store %arg32[%swap3A_1270], %select_n3A_1269 {strides = array<i32>} : memref<256xf32, #tpu.memory_space<vmem>>, vector<16xf32>,
      %broadcast_in_dim3A_1272 = arith.constant 0.000000e+00 : f32
      %broadcast_in_dim3A_1273 = vector.broadcast %broadcast_in_dim3A_1272 : f32 to vector<16xf32>
      %swap3A_1274 = arith.constant 208 : index
      %swap3A_1275 = tpu.vector_load %arg28[%swap3A_1274] {strides = array<i32>} : memref<256xf32, #tpu.memory_space<vmem>>, vector<16xf32>,
      tpu.vector_store %arg28[%swap3A_1274], %broadcast_in_dim3A_1273 {strides = array<i32>} : memref<256xf32, #tpu.memory_space<vmem>>, vector<16xf32>,
      %swap3A_1276 = arith.constant 208 : index
      %swap3A_1277 = tpu.vector_load %arg29[%swap3A_1276] {strides = array<i32>} : memref<256xf32, #tpu.memory_space<vmem>>, vector<16xf32>,
      tpu.vector_store %arg29[%swap3A_1276], %broadcast_in_dim3A_1273 {strides = array<i32>} : memref<256xf32, #tpu.memory_space<vmem>>, vector<16xf32>,
      %swap3A_1278 = arith.constant 208 : index
      %swap3A_1279 = tpu.vector_load %arg30[%swap3A_1278] {strides = array<i32>} : memref<256xf32, #tpu.memory_space<vmem>>, vector<16xf32>,
      tpu.vector_store %arg30[%swap3A_1278], %broadcast_in_dim3A_1273 {strides = array<i32>} : memref<256xf32, #tpu.memory_space<vmem>>, vector<16xf32>,
      %swap3A_1280 = arith.constant 208 : index
      %swap3A_1281 = tpu.vector_load %arg31[%swap3A_1280] {strides = array<i32>} : memref<256xf32, #tpu.memory_space<vmem>>, vector<16xf32>,
      tpu.vector_store %arg31[%swap3A_1280], %broadcast_in_dim3A_1273 {strides = array<i32>} : memref<256xf32, #tpu.memory_space<vmem>>, vector<16xf32>,
      %swap3A_1282 = arith.constant 208 : index
      %swap3A_1283 = tpu.vector_load %arg32[%swap3A_1282] {strides = array<i32>} : memref<256xf32, #tpu.memory_space<vmem>>, vector<16xf32>,
      tpu.vector_store %arg32[%swap3A_1282], %broadcast_in_dim3A_1273 {strides = array<i32>} : memref<256xf32, #tpu.memory_space<vmem>>, vector<16xf32>,
      %broadcast_in_dim3A_1284 = arith.constant 0.000000e+00 : f32
      %broadcast_in_dim3A_1285 = vector.broadcast %broadcast_in_dim3A_1284 : f32 to vector<16xf32>
      %swap3A_1286 = arith.constant 224 : index
      %swap3A_1287 = tpu.vector_load %arg28[%swap3A_1286] {strides = array<i32>} : memref<256xf32, #tpu.memory_space<vmem>>, vector<16xf32>,
      tpu.vector_store %arg28[%swap3A_1286], %broadcast_in_dim3A_1285 {strides = array<i32>} : memref<256xf32, #tpu.memory_space<vmem>>, vector<16xf32>,
      %swap3A_1288 = arith.constant 224 : index
      %swap3A_1289 = tpu.vector_load %arg29[%swap3A_1288] {strides = array<i32>} : memref<256xf32, #tpu.memory_space<vmem>>, vector<16xf32>,
      tpu.vector_store %arg29[%swap3A_1288], %broadcast_in_dim3A_1285 {strides = array<i32>} : memref<256xf32, #tpu.memory_space<vmem>>, vector<16xf32>,
      %swap3A_1290 = arith.constant 224 : index
      %swap3A_1291 = tpu.vector_load %arg30[%swap3A_1290] {strides = array<i32>} : memref<256xf32, #tpu.memory_space<vmem>>, vector<16xf32>,
      tpu.vector_store %arg30[%swap3A_1290], %broadcast_in_dim3A_1285 {strides = array<i32>} : memref<256xf32, #tpu.memory_space<vmem>>, vector<16xf32>,
      %swap3A_1292 = arith.constant 224 : index
      %swap3A_1293 = tpu.vector_load %arg31[%swap3A_1292] {strides = array<i32>} : memref<256xf32, #tpu.memory_space<vmem>>, vector<16xf32>,
      tpu.vector_store %arg31[%swap3A_1292], %broadcast_in_dim3A_1285 {strides = array<i32>} : memref<256xf32, #tpu.memory_space<vmem>>, vector<16xf32>,
      %swap3A_1294 = arith.constant 224 : index
      %swap3A_1295 = tpu.vector_load %arg32[%swap3A_1294] {strides = array<i32>} : memref<256xf32, #tpu.memory_space<vmem>>, vector<16xf32>,
      tpu.vector_store %arg32[%swap3A_1294], %broadcast_in_dim3A_1285 {strides = array<i32>} : memref<256xf32, #tpu.memory_space<vmem>>, vector<16xf32>,
      %broadcast_in_dim3A_1296 = arith.constant 0.000000e+00 : f32
      %broadcast_in_dim3A_1297 = vector.broadcast %broadcast_in_dim3A_1296 : f32 to vector<16xf32>
      %swap3A_1298 = arith.constant 240 : index
      %swap3A_1299 = tpu.vector_load %arg28[%swap3A_1298] {strides = array<i32>} : memref<256xf32, #tpu.memory_space<vmem>>, vector<16xf32>,
      tpu.vector_store %arg28[%swap3A_1298], %broadcast_in_dim3A_1297 {strides = array<i32>} : memref<256xf32, #tpu.memory_space<vmem>>, vector<16xf32>,
      %swap3A_1300 = arith.constant 240 : index
      %swap3A_1301 = tpu.vector_load %arg29[%swap3A_1300] {strides = array<i32>} : memref<256xf32, #tpu.memory_space<vmem>>, vector<16xf32>,
      tpu.vector_store %arg29[%swap3A_1300], %broadcast_in_dim3A_1297 {strides = array<i32>} : memref<256xf32, #tpu.memory_space<vmem>>, vector<16xf32>,
      %swap3A_1302 = arith.constant 240 : index
      %swap3A_1303 = tpu.vector_load %arg30[%swap3A_1302] {strides = array<i32>} : memref<256xf32, #tpu.memory_space<vmem>>, vector<16xf32>,
      tpu.vector_store %arg30[%swap3A_1302], %broadcast_in_dim3A_1297 {strides = array<i32>} : memref<256xf32, #tpu.memory_space<vmem>>, vector<16xf32>,
      %swap3A_1304 = arith.constant 240 : index
      %swap3A_1305 = tpu.vector_load %arg31[%swap3A_1304] {strides = array<i32>} : memref<256xf32, #tpu.memory_space<vmem>>, vector<16xf32>,
      tpu.vector_store %arg31[%swap3A_1304], %broadcast_in_dim3A_1297 {strides = array<i32>} : memref<256xf32, #tpu.memory_space<vmem>>, vector<16xf32>,
      %swap3A_1306 = arith.constant 240 : index
      %swap3A_1307 = tpu.vector_load %arg32[%swap3A_1306] {strides = array<i32>} : memref<256xf32, #tpu.memory_space<vmem>>, vector<16xf32>,
      tpu.vector_store %arg32[%swap3A_1306], %broadcast_in_dim3A_1297 {strides = array<i32>} : memref<256xf32, #tpu.memory_space<vmem>>, vector<16xf32>,
      "tpu.region"() ({
        %run_scoped3A = tpu.sem_alloc : memref<!tpu.dma_semaphore, #tpu.memory_space<semaphore_mem>>
        %dma_start3A = arith.constant 0 : i32
        %dma_start3A_1308 = tpu.memref_slice %arg7[%add3A, %dma_start3A] : memref<20x256xf32, #tpu.memory_space<hbm>> -> memref<1x256xf32, #tpu.memory_space<hbm>>
        %dma_start3A_1309 = tpu.memref_squeeze %dma_start3A_1308 : memref<1x256xf32, #tpu.memory_space<hbm>> -> memref<256xf32, #tpu.memory_space<hbm>>
        %dma_start3A_1310 = arith.constant 0 : i32
        %dma_start3A_1311 = tpu.memref_slice %arg7[%add3A, %dma_start3A_1310] : memref<20x256xf32, #tpu.memory_space<hbm>> -> memref<1x256xf32, #tpu.memory_space<hbm>>
        %dma_start3A_1312 = tpu.memref_squeeze %dma_start3A_1311 : memref<1x256xf32, #tpu.memory_space<hbm>> -> memref<256xf32, #tpu.memory_space<hbm>>
        tpu.enqueue_dma source(%arg28 : memref<256xf32, #tpu.memory_space<vmem>>) target(%dma_start3A_1312 : memref<256xf32, #tpu.memory_space<hbm>>) target_semaphore(%run_scoped3A : memref<!tpu.dma_semaphore, #tpu.memory_space<semaphore_mem>>)
        %dma_wait3A = arith.constant 0 : i32
        %dma_wait3A_1313 = tpu.memref_slice %arg7[%add3A, %dma_wait3A] : memref<20x256xf32, #tpu.memory_space<hbm>> -> memref<1x256xf32, #tpu.memory_space<hbm>>
        %dma_wait3A_1314 = tpu.memref_squeeze %dma_wait3A_1313 : memref<1x256xf32, #tpu.memory_space<hbm>> -> memref<256xf32, #tpu.memory_space<hbm>>
        %dma_wait3A_1315 = arith.constant 0 : i32
        %dma_wait3A_1316 = tpu.memref_slice %arg7[%add3A, %dma_wait3A_1315] : memref<20x256xf32, #tpu.memory_space<hbm>> -> memref<1x256xf32, #tpu.memory_space<hbm>>
        %dma_wait3A_1317 = tpu.memref_squeeze %dma_wait3A_1316 : memref<1x256xf32, #tpu.memory_space<hbm>> -> memref<256xf32, #tpu.memory_space<hbm>>
        tpu.wait_dma2 semaphore(%run_scoped3A : memref<!tpu.dma_semaphore, #tpu.memory_space<semaphore_mem>>) src(%arg28 : memref<256xf32, #tpu.memory_space<vmem>>) dst(%dma_wait3A_1317 : memref<256xf32, #tpu.memory_space<hbm>>)
        tpu.yield
      }) : () -> ()
      "tpu.region"() ({
        %run_scoped3A = tpu.sem_alloc : memref<!tpu.dma_semaphore, #tpu.memory_space<semaphore_mem>>
        %dma_start3A = arith.constant 0 : i32
        %dma_start3A_1308 = tpu.memref_slice %arg8[%add3A, %dma_start3A] : memref<20x256xf32, #tpu.memory_space<hbm>> -> memref<1x256xf32, #tpu.memory_space<hbm>>
        %dma_start3A_1309 = tpu.memref_squeeze %dma_start3A_1308 : memref<1x256xf32, #tpu.memory_space<hbm>> -> memref<256xf32, #tpu.memory_space<hbm>>
        %dma_start3A_1310 = arith.constant 0 : i32
        %dma_start3A_1311 = tpu.memref_slice %arg8[%add3A, %dma_start3A_1310] : memref<20x256xf32, #tpu.memory_space<hbm>> -> memref<1x256xf32, #tpu.memory_space<hbm>>
        %dma_start3A_1312 = tpu.memref_squeeze %dma_start3A_1311 : memref<1x256xf32, #tpu.memory_space<hbm>> -> memref<256xf32, #tpu.memory_space<hbm>>
        tpu.enqueue_dma source(%arg29 : memref<256xf32, #tpu.memory_space<vmem>>) target(%dma_start3A_1312 : memref<256xf32, #tpu.memory_space<hbm>>) target_semaphore(%run_scoped3A : memref<!tpu.dma_semaphore, #tpu.memory_space<semaphore_mem>>)
        %dma_wait3A = arith.constant 0 : i32
        %dma_wait3A_1313 = tpu.memref_slice %arg8[%add3A, %dma_wait3A] : memref<20x256xf32, #tpu.memory_space<hbm>> -> memref<1x256xf32, #tpu.memory_space<hbm>>
        %dma_wait3A_1314 = tpu.memref_squeeze %dma_wait3A_1313 : memref<1x256xf32, #tpu.memory_space<hbm>> -> memref<256xf32, #tpu.memory_space<hbm>>
        %dma_wait3A_1315 = arith.constant 0 : i32
        %dma_wait3A_1316 = tpu.memref_slice %arg8[%add3A, %dma_wait3A_1315] : memref<20x256xf32, #tpu.memory_space<hbm>> -> memref<1x256xf32, #tpu.memory_space<hbm>>
        %dma_wait3A_1317 = tpu.memref_squeeze %dma_wait3A_1316 : memref<1x256xf32, #tpu.memory_space<hbm>> -> memref<256xf32, #tpu.memory_space<hbm>>
        tpu.wait_dma2 semaphore(%run_scoped3A : memref<!tpu.dma_semaphore, #tpu.memory_space<semaphore_mem>>) src(%arg29 : memref<256xf32, #tpu.memory_space<vmem>>) dst(%dma_wait3A_1317 : memref<256xf32, #tpu.memory_space<hbm>>)
        tpu.yield
      }) : () -> ()
      "tpu.region"() ({
        %run_scoped3A = tpu.sem_alloc : memref<!tpu.dma_semaphore, #tpu.memory_space<semaphore_mem>>
        %dma_start3A = arith.constant 0 : i32
        %dma_start3A_1308 = tpu.memref_slice %arg9[%add3A, %dma_start3A] : memref<20x256xf32, #tpu.memory_space<hbm>> -> memref<1x256xf32, #tpu.memory_space<hbm>>
        %dma_start3A_1309 = tpu.memref_squeeze %dma_start3A_1308 : memref<1x256xf32, #tpu.memory_space<hbm>> -> memref<256xf32, #tpu.memory_space<hbm>>
        %dma_start3A_1310 = arith.constant 0 : i32
        %dma_start3A_1311 = tpu.memref_slice %arg9[%add3A, %dma_start3A_1310] : memref<20x256xf32, #tpu.memory_space<hbm>> -> memref<1x256xf32, #tpu.memory_space<hbm>>
        %dma_start3A_1312 = tpu.memref_squeeze %dma_start3A_1311 : memref<1x256xf32, #tpu.memory_space<hbm>> -> memref<256xf32, #tpu.memory_space<hbm>>
        tpu.enqueue_dma source(%arg30 : memref<256xf32, #tpu.memory_space<vmem>>) target(%dma_start3A_1312 : memref<256xf32, #tpu.memory_space<hbm>>) target_semaphore(%run_scoped3A : memref<!tpu.dma_semaphore, #tpu.memory_space<semaphore_mem>>)
        %dma_wait3A = arith.constant 0 : i32
        %dma_wait3A_1313 = tpu.memref_slice %arg9[%add3A, %dma_wait3A] : memref<20x256xf32, #tpu.memory_space<hbm>> -> memref<1x256xf32, #tpu.memory_space<hbm>>
        %dma_wait3A_1314 = tpu.memref_squeeze %dma_wait3A_1313 : memref<1x256xf32, #tpu.memory_space<hbm>> -> memref<256xf32, #tpu.memory_space<hbm>>
        %dma_wait3A_1315 = arith.constant 0 : i32
        %dma_wait3A_1316 = tpu.memref_slice %arg9[%add3A, %dma_wait3A_1315] : memref<20x256xf32, #tpu.memory_space<hbm>> -> memref<1x256xf32, #tpu.memory_space<hbm>>
        %dma_wait3A_1317 = tpu.memref_squeeze %dma_wait3A_1316 : memref<1x256xf32, #tpu.memory_space<hbm>> -> memref<256xf32, #tpu.memory_space<hbm>>
        tpu.wait_dma2 semaphore(%run_scoped3A : memref<!tpu.dma_semaphore, #tpu.memory_space<semaphore_mem>>) src(%arg30 : memref<256xf32, #tpu.memory_space<vmem>>) dst(%dma_wait3A_1317 : memref<256xf32, #tpu.memory_space<hbm>>)
        tpu.yield
      }) : () -> ()
      "tpu.region"() ({
        %run_scoped3A = tpu.sem_alloc : memref<!tpu.dma_semaphore, #tpu.memory_space<semaphore_mem>>
        %dma_start3A = arith.constant 0 : i32
        %dma_start3A_1308 = tpu.memref_slice %arg10[%add3A, %dma_start3A] : memref<20x256xf32, #tpu.memory_space<hbm>> -> memref<1x256xf32, #tpu.memory_space<hbm>>
        %dma_start3A_1309 = tpu.memref_squeeze %dma_start3A_1308 : memref<1x256xf32, #tpu.memory_space<hbm>> -> memref<256xf32, #tpu.memory_space<hbm>>
        %dma_start3A_1310 = arith.constant 0 : i32
        %dma_start3A_1311 = tpu.memref_slice %arg10[%add3A, %dma_start3A_1310] : memref<20x256xf32, #tpu.memory_space<hbm>> -> memref<1x256xf32, #tpu.memory_space<hbm>>
        %dma_start3A_1312 = tpu.memref_squeeze %dma_start3A_1311 : memref<1x256xf32, #tpu.memory_space<hbm>> -> memref<256xf32, #tpu.memory_space<hbm>>
        tpu.enqueue_dma source(%arg31 : memref<256xf32, #tpu.memory_space<vmem>>) target(%dma_start3A_1312 : memref<256xf32, #tpu.memory_space<hbm>>) target_semaphore(%run_scoped3A : memref<!tpu.dma_semaphore, #tpu.memory_space<semaphore_mem>>)
        %dma_wait3A = arith.constant 0 : i32
        %dma_wait3A_1313 = tpu.memref_slice %arg10[%add3A, %dma_wait3A] : memref<20x256xf32, #tpu.memory_space<hbm>> -> memref<1x256xf32, #tpu.memory_space<hbm>>
        %dma_wait3A_1314 = tpu.memref_squeeze %dma_wait3A_1313 : memref<1x256xf32, #tpu.memory_space<hbm>> -> memref<256xf32, #tpu.memory_space<hbm>>
        %dma_wait3A_1315 = arith.constant 0 : i32
        %dma_wait3A_1316 = tpu.memref_slice %arg10[%add3A, %dma_wait3A_1315] : memref<20x256xf32, #tpu.memory_space<hbm>> -> memref<1x256xf32, #tpu.memory_space<hbm>>
        %dma_wait3A_1317 = tpu.memref_squeeze %dma_wait3A_1316 : memref<1x256xf32, #tpu.memory_space<hbm>> -> memref<256xf32, #tpu.memory_space<hbm>>
        tpu.wait_dma2 semaphore(%run_scoped3A : memref<!tpu.dma_semaphore, #tpu.memory_space<semaphore_mem>>) src(%arg31 : memref<256xf32, #tpu.memory_space<vmem>>) dst(%dma_wait3A_1317 : memref<256xf32, #tpu.memory_space<hbm>>)
        tpu.yield
      }) : () -> ()
      "tpu.region"() ({
        %run_scoped3A = tpu.sem_alloc : memref<!tpu.dma_semaphore, #tpu.memory_space<semaphore_mem>>
        %dma_start3A = arith.constant 0 : i32
        %dma_start3A_1308 = tpu.memref_slice %arg11[%add3A, %dma_start3A] : memref<20x256xf32, #tpu.memory_space<hbm>> -> memref<1x256xf32, #tpu.memory_space<hbm>>
        %dma_start3A_1309 = tpu.memref_squeeze %dma_start3A_1308 : memref<1x256xf32, #tpu.memory_space<hbm>> -> memref<256xf32, #tpu.memory_space<hbm>>
        %dma_start3A_1310 = arith.constant 0 : i32
        %dma_start3A_1311 = tpu.memref_slice %arg11[%add3A, %dma_start3A_1310] : memref<20x256xf32, #tpu.memory_space<hbm>> -> memref<1x256xf32, #tpu.memory_space<hbm>>
        %dma_start3A_1312 = tpu.memref_squeeze %dma_start3A_1311 : memref<1x256xf32, #tpu.memory_space<hbm>> -> memref<256xf32, #tpu.memory_space<hbm>>
        tpu.enqueue_dma source(%arg32 : memref<256xf32, #tpu.memory_space<vmem>>) target(%dma_start3A_1312 : memref<256xf32, #tpu.memory_space<hbm>>) target_semaphore(%run_scoped3A : memref<!tpu.dma_semaphore, #tpu.memory_space<semaphore_mem>>)
        %dma_wait3A = arith.constant 0 : i32
        %dma_wait3A_1313 = tpu.memref_slice %arg11[%add3A, %dma_wait3A] : memref<20x256xf32, #tpu.memory_space<hbm>> -> memref<1x256xf32, #tpu.memory_space<hbm>>
        %dma_wait3A_1314 = tpu.memref_squeeze %dma_wait3A_1313 : memref<1x256xf32, #tpu.memory_space<hbm>> -> memref<256xf32, #tpu.memory_space<hbm>>
        %dma_wait3A_1315 = arith.constant 0 : i32
        %dma_wait3A_1316 = tpu.memref_slice %arg11[%add3A, %dma_wait3A_1315] : memref<20x256xf32, #tpu.memory_space<hbm>> -> memref<1x256xf32, #tpu.memory_space<hbm>>
        %dma_wait3A_1317 = tpu.memref_squeeze %dma_wait3A_1316 : memref<1x256xf32, #tpu.memory_space<hbm>> -> memref<256xf32, #tpu.memory_space<hbm>>
        tpu.wait_dma2 semaphore(%run_scoped3A : memref<!tpu.dma_semaphore, #tpu.memory_space<semaphore_mem>>) src(%arg32 : memref<256xf32, #tpu.memory_space<vmem>>) dst(%dma_wait3A_1317 : memref<256xf32, #tpu.memory_space<hbm>>)
        tpu.yield
      }) : () -> ()
    } else {
    }
    return
  }
}

module attributes {stable_mosaic.version = 14 : i64} {
  func.func @_dense_body(%arg0: memref<21x5120xf32, #tpu.memory_space<vmem>>, %arg1: memref<4x5120xf32, #tpu.memory_space<vmem>>, %arg2: memref<20x5120xf32, #tpu.memory_space<vmem>>, %arg3: memref<20x5120xf32, #tpu.memory_space<vmem>>, %arg4: memref<20x5120xf32, #tpu.memory_space<vmem>>, %arg5: memref<20x5120xf32, #tpu.memory_space<vmem>>, %arg6: memref<20x5120xf32, #tpu.memory_space<vmem>>, %arg7: memref<20x5120xf32, #tpu.memory_space<vmem>>, %arg8: memref<20x5120xf32, #tpu.memory_space<vmem>>, %arg9: memref<20x5120xf32, #tpu.memory_space<vmem>>, %arg10: memref<20x5120xf32, #tpu.memory_space<vmem>>) attributes {dimension_semantics = [], scalar_prefetch = 0 : i64, scratch_operands = 0 : i64, tpu.core_type = #tpu.core_type<tc>} {
    %get3A = arith.constant 0 : index
    %get3A_0 = arith.constant 0 : index
    %get3A_1 = vector.load %arg0[%get3A, %get3A_0] : memref<21x5120xf32, #tpu.memory_space<vmem>>, vector<21x5120xf32>
    %reduce_max3A = arith.constant dense<0xFF800000> : vector<5120xf32>
    %reduce_max3A_2 = vector.multi_reduction <maximumf>, %get3A_1, %reduce_max3A [0] : vector<21x5120xf32> to vector<5120xf32>
    %broadcast_in_dim3A = vector.shape_cast %reduce_max3A_2 : vector<5120xf32> to vector<1x5120xf32>
    %sub3A = vector.broadcast %broadcast_in_dim3A : vector<1x5120xf32> to vector<21x5120xf32>
    %sub3A_3 = arith.subf %get3A_1, %sub3A : vector<21x5120xf32>
    %exp3A = math.exp %sub3A_3 : vector<21x5120xf32>
    %reduce_sum3A = arith.constant dense<0.000000e+00> : vector<5120xf32>
    %reduce_sum3A_4 = vector.multi_reduction <add>, %exp3A, %reduce_sum3A [0] : vector<21x5120xf32> to vector<5120xf32>
    %broadcast_in_dim3A_5 = vector.shape_cast %reduce_sum3A_4 : vector<5120xf32> to vector<1x5120xf32>
    %div3A = vector.broadcast %broadcast_in_dim3A_5 : vector<1x5120xf32> to vector<21x5120xf32>
    %div3A_6 = arith.divf %exp3A, %div3A : vector<21x5120xf32>
    %iota3A = tpu.iota {dimensions = array<i32: 1>} : vector<20x5120xi32>
    %lt3A = arith.constant 5000 : i32
    %lt3A_7 = vector.broadcast %lt3A : i32 to vector<20x5120xi32>
    %lt3A_8 = arith.cmpi slt, %iota3A, %lt3A_7 : vector<20x5120xi32>
    %slice3A = vector.extract_strided_slice %div3A_6 {offsets = [1, 0], sizes = [20, 5120], strides = [1, 1]} : vector<21x5120xf32> to vector<20x5120xf32>
    %gt3A = arith.constant 5.000000e-02 : f32
    %gt3A_9 = vector.broadcast %gt3A : f32 to vector<20x5120xf32>
    %gt3A_10 = arith.cmpf ogt, %slice3A, %gt3A_9 : vector<20x5120xf32>
    %and3A = arith.andi %gt3A_10, %lt3A_8 : vector<20x5120xi1>
    %jit3A = arith.constant -1.000000e+00 : f32
    %broadcast_in_dim3A_11 = vector.broadcast %jit3A : f32 to vector<20x5120xf32>
    %select_n3A = arith.select %and3A, %slice3A, %broadcast_in_dim3A_11 : vector<20x5120xi1>, vector<20x5120xf32>
    %swap3A = arith.constant 0 : index
    %swap3A_12 = arith.constant 0 : index
    %swap3A_13 = vector.load %arg6[%swap3A, %swap3A_12] : memref<20x5120xf32, #tpu.memory_space<vmem>>, vector<20x5120xf32>
    tpu.vector_store %arg6[%swap3A, %swap3A_12], %select_n3A {strides = array<i32>} : memref<20x5120xf32, #tpu.memory_space<vmem>>, vector<20x5120xf32>,
    %get3A_14 = arith.constant 0 : index
    %get3A_15 = arith.constant 0 : index
    %get3A_16 = vector.load %arg1[%get3A_14, %get3A_15] : memref<4x5120xf32, #tpu.memory_space<vmem>>, vector<4x5120xf32>
    %slice3A_17 = vector.extract_strided_slice %get3A_16 {offsets = [2, 0], sizes = [1, 5120], strides = [1, 1]} : vector<4x5120xf32> to vector<1x5120xf32>
    %slice3A_18 = vector.extract_strided_slice %get3A_16 {offsets = [0, 0], sizes = [1, 5120], strides = [1, 1]} : vector<4x5120xf32> to vector<1x5120xf32>
    %sub3A_19 = arith.subf %slice3A_17, %slice3A_18 : vector<1x5120xf32>
    %slice3A_20 = vector.extract_strided_slice %get3A_16 {offsets = [3, 0], sizes = [1, 5120], strides = [1, 1]} : vector<4x5120xf32> to vector<1x5120xf32>
    %slice3A_21 = vector.extract_strided_slice %get3A_16 {offsets = [1, 0], sizes = [1, 5120], strides = [1, 1]} : vector<4x5120xf32> to vector<1x5120xf32>
    %sub3A_22 = arith.subf %slice3A_20, %slice3A_21 : vector<1x5120xf32>
    %slice3A_23 = vector.extract_strided_slice %get3A_16 {offsets = [0, 0], sizes = [1, 5120], strides = [1, 1]} : vector<4x5120xf32> to vector<1x5120xf32>
    %mul3A = arith.constant 5.000000e-01 : f32
    %mul3A_24 = vector.broadcast %mul3A : f32 to vector<1x5120xf32>
    %mul3A_25 = arith.mulf %mul3A_24, %sub3A_19 : vector<1x5120xf32>
    %add3A = arith.addf %slice3A_23, %mul3A_25 : vector<1x5120xf32>
    %slice3A_26 = vector.extract_strided_slice %get3A_16 {offsets = [1, 0], sizes = [1, 5120], strides = [1, 1]} : vector<4x5120xf32> to vector<1x5120xf32>
    %mul3A_27 = arith.constant 5.000000e-01 : f32
    %mul3A_28 = vector.broadcast %mul3A_27 : f32 to vector<1x5120xf32>
    %mul3A_29 = arith.mulf %mul3A_28, %sub3A_22 : vector<1x5120xf32>
    %add3A_30 = arith.addf %slice3A_26, %mul3A_29 : vector<1x5120xf32>
    %get3A_31 = arith.constant 0 : index
    %get3A_32 = arith.constant 0 : index
    %get3A_33 = vector.load %arg2[%get3A_31, %get3A_32] : memref<20x5120xf32, #tpu.memory_space<vmem>>, vector<20x5120xf32>
    %mul3A_34 = arith.constant 1.000000e-01 : f32
    %mul3A_35 = vector.broadcast %mul3A_34 : f32 to vector<20x5120xf32>
    %mul3A_36 = arith.mulf %get3A_33, %mul3A_35 : vector<20x5120xf32>
    %get3A_37 = arith.constant 0 : index
    %get3A_38 = arith.constant 0 : index
    %get3A_39 = vector.load %arg3[%get3A_37, %get3A_38] : memref<20x5120xf32, #tpu.memory_space<vmem>>, vector<20x5120xf32>
    %mul3A_40 = arith.constant 1.000000e-01 : f32
    %mul3A_41 = vector.broadcast %mul3A_40 : f32 to vector<20x5120xf32>
    %mul3A_42 = arith.mulf %get3A_39, %mul3A_41 : vector<20x5120xf32>
    %get3A_43 = arith.constant 0 : index
    %get3A_44 = arith.constant 0 : index
    %get3A_45 = vector.load %arg4[%get3A_43, %get3A_44] : memref<20x5120xf32, #tpu.memory_space<vmem>>, vector<20x5120xf32>
    %mul3A_46 = arith.constant 2.000000e-01 : f32
    %mul3A_47 = vector.broadcast %mul3A_46 : f32 to vector<20x5120xf32>
    %mul3A_48 = arith.mulf %get3A_45, %mul3A_47 : vector<20x5120xf32>
    %get3A_49 = arith.constant 0 : index
    %get3A_50 = arith.constant 0 : index
    %get3A_51 = vector.load %arg5[%get3A_49, %get3A_50] : memref<20x5120xf32, #tpu.memory_space<vmem>>, vector<20x5120xf32>
    %mul3A_52 = arith.constant 2.000000e-01 : f32
    %mul3A_53 = vector.broadcast %mul3A_52 : f32 to vector<20x5120xf32>
    %mul3A_54 = arith.mulf %get3A_51, %mul3A_53 : vector<20x5120xf32>
    %mul3A_55 = vector.broadcast %sub3A_19 : vector<1x5120xf32> to vector<20x5120xf32>
    %mul3A_56 = arith.mulf %mul3A_36, %mul3A_55 : vector<20x5120xf32>
    %add3A_57 = vector.broadcast %add3A : vector<1x5120xf32> to vector<20x5120xf32>
    %add3A_58 = arith.addf %mul3A_56, %add3A_57 : vector<20x5120xf32>
    %mul3A_59 = vector.broadcast %sub3A_22 : vector<1x5120xf32> to vector<20x5120xf32>
    %mul3A_60 = arith.mulf %mul3A_42, %mul3A_59 : vector<20x5120xf32>
    %add3A_61 = vector.broadcast %add3A_30 : vector<1x5120xf32> to vector<20x5120xf32>
    %add3A_62 = arith.addf %mul3A_60, %add3A_61 : vector<20x5120xf32>
    %exp3A_63 = math.exp %mul3A_48 : vector<20x5120xf32>
    %mul3A_64 = vector.broadcast %sub3A_19 : vector<1x5120xf32> to vector<20x5120xf32>
    %mul3A_65 = arith.mulf %exp3A_63, %mul3A_64 : vector<20x5120xf32>
    %exp3A_66 = math.exp %mul3A_54 : vector<20x5120xf32>
    %mul3A_67 = vector.broadcast %sub3A_22 : vector<1x5120xf32> to vector<20x5120xf32>
    %mul3A_68 = arith.mulf %exp3A_66, %mul3A_67 : vector<20x5120xf32>
    %mul3A_69 = arith.constant 5.000000e-01 : f32
    %mul3A_70 = vector.broadcast %mul3A_69 : f32 to vector<20x5120xf32>
    %mul3A_71 = arith.mulf %mul3A_70, %mul3A_65 : vector<20x5120xf32>
    %sub3A_72 = arith.subf %add3A_58, %mul3A_71 : vector<20x5120xf32>
    %jit3A_73 = arith.constant 0.000000e+00 : f32
    %jit3A_74 = arith.constant 6.000000e+02 : f32
    %max3A = vector.broadcast %jit3A_73 : f32 to vector<20x5120xf32>
    %max3A_75 = arith.maximumf %max3A, %sub3A_72 : vector<20x5120xf32>
    %min3A = vector.broadcast %jit3A_74 : f32 to vector<20x5120xf32>
    %min3A_76 = arith.minimumf %min3A, %max3A_75 : vector<20x5120xf32>
    %swap3A_77 = arith.constant 0 : index
    %swap3A_78 = arith.constant 0 : index
    %swap3A_79 = vector.load %arg7[%swap3A_77, %swap3A_78] : memref<20x5120xf32, #tpu.memory_space<vmem>>, vector<20x5120xf32>
    tpu.vector_store %arg7[%swap3A_77, %swap3A_78], %min3A_76 {strides = array<i32>} : memref<20x5120xf32, #tpu.memory_space<vmem>>, vector<20x5120xf32>,
    %mul3A_80 = arith.constant 5.000000e-01 : f32
    %mul3A_81 = vector.broadcast %mul3A_80 : f32 to vector<20x5120xf32>
    %mul3A_82 = arith.mulf %mul3A_81, %mul3A_68 : vector<20x5120xf32>
    %sub3A_83 = arith.subf %add3A_62, %mul3A_82 : vector<20x5120xf32>
    %jit3A_84 = arith.constant 0.000000e+00 : f32
    %jit3A_85 = arith.constant 8.000000e+02 : f32
    %max3A_86 = vector.broadcast %jit3A_84 : f32 to vector<20x5120xf32>
    %max3A_87 = arith.maximumf %max3A_86, %sub3A_83 : vector<20x5120xf32>
    %min3A_88 = vector.broadcast %jit3A_85 : f32 to vector<20x5120xf32>
    %min3A_89 = arith.minimumf %min3A_88, %max3A_87 : vector<20x5120xf32>
    %swap3A_90 = arith.constant 0 : index
    %swap3A_91 = arith.constant 0 : index
    %swap3A_92 = vector.load %arg8[%swap3A_90, %swap3A_91] : memref<20x5120xf32, #tpu.memory_space<vmem>>, vector<20x5120xf32>
    tpu.vector_store %arg8[%swap3A_90, %swap3A_91], %min3A_89 {strides = array<i32>} : memref<20x5120xf32, #tpu.memory_space<vmem>>, vector<20x5120xf32>,
    %mul3A_93 = arith.constant 5.000000e-01 : f32
    %mul3A_94 = vector.broadcast %mul3A_93 : f32 to vector<20x5120xf32>
    %mul3A_95 = arith.mulf %mul3A_94, %mul3A_65 : vector<20x5120xf32>
    %add3A_96 = arith.addf %add3A_58, %mul3A_95 : vector<20x5120xf32>
    %jit3A_97 = arith.constant 0.000000e+00 : f32
    %jit3A_98 = arith.constant 6.000000e+02 : f32
    %max3A_99 = vector.broadcast %jit3A_97 : f32 to vector<20x5120xf32>
    %max3A_100 = arith.maximumf %max3A_99, %add3A_96 : vector<20x5120xf32>
    %min3A_101 = vector.broadcast %jit3A_98 : f32 to vector<20x5120xf32>
    %min3A_102 = arith.minimumf %min3A_101, %max3A_100 : vector<20x5120xf32>
    %swap3A_103 = arith.constant 0 : index
    %swap3A_104 = arith.constant 0 : index
    %swap3A_105 = vector.load %arg9[%swap3A_103, %swap3A_104] : memref<20x5120xf32, #tpu.memory_space<vmem>>, vector<20x5120xf32>
    tpu.vector_store %arg9[%swap3A_103, %swap3A_104], %min3A_102 {strides = array<i32>} : memref<20x5120xf32, #tpu.memory_space<vmem>>, vector<20x5120xf32>,
    %mul3A_106 = arith.constant 5.000000e-01 : f32
    %mul3A_107 = vector.broadcast %mul3A_106 : f32 to vector<20x5120xf32>
    %mul3A_108 = arith.mulf %mul3A_107, %mul3A_68 : vector<20x5120xf32>
    %add3A_109 = arith.addf %add3A_62, %mul3A_108 : vector<20x5120xf32>
    %jit3A_110 = arith.constant 0.000000e+00 : f32
    %jit3A_111 = arith.constant 8.000000e+02 : f32
    %max3A_112 = vector.broadcast %jit3A_110 : f32 to vector<20x5120xf32>
    %max3A_113 = arith.maximumf %max3A_112, %add3A_109 : vector<20x5120xf32>
    %min3A_114 = vector.broadcast %jit3A_111 : f32 to vector<20x5120xf32>
    %min3A_115 = arith.minimumf %min3A_114, %max3A_113 : vector<20x5120xf32>
    %swap3A_116 = arith.constant 0 : index
    %swap3A_117 = arith.constant 0 : index
    %swap3A_118 = vector.load %arg10[%swap3A_116, %swap3A_117] : memref<20x5120xf32, #tpu.memory_space<vmem>>, vector<20x5120xf32>
    tpu.vector_store %arg10[%swap3A_116, %swap3A_117], %min3A_115 {strides = array<i32>} : memref<20x5120xf32, #tpu.memory_space<vmem>>, vector<20x5120xf32>,
    return
  }
}

</mosaic_0001>

<sc_bundles>
// kernel: kernel.4.cloned.1.call-start
scs
__scs_entry_jumppad:
0x0: {  	(pc) =	sbr.rel $0x88, $3  }
0x1: {  	(tag) =	ssettag $0x0;
	lr =	simm.s32 $0x1  }
0x2: {  	[smem:$0x3F9E] =	sst lr;
	_ =	strace $0xD0000000  }
0x3: {  	_ = 	snop  }
0x4: {  	_ = 	snop  }
0x5: {  	_ = 	snop  }
0x6: {  	_ = 	snop  }
0x7: {  	_ = 	snop  }
__scs_overlays_trampoline_lowered:
0x8: {  	[smem:$0x3FAD] =	sst s0  }
0x9: {  	[smem:$0x3FAE] =	sst s1  }
0xa: {  	[smem:$0x3FAF] =	sst s2  }
0xb: {  	[smem:$0x3FB0] =	sst s3  }
0xc: {  	[smem:$0x3FB1] =	sst s4  }
0xd: {  	[smem:$0x3FB2] =	sst s5  }
0xe: {  	[smem:$0x3FB3] =	sst s6  }
0xf: {  	[smem:$0x3FB4] =	sst s7  }
0x10: {  	[smem:$0x3FB5] =	sst s8  }
0x11: {  	[smem:$0x3FB6] =	sst s9;
	s0 =	simm.s32 @!p0 $0x0  }
0x12: {  	s1 =	sld [smem:$0x3F9C];
	s0 =	simm.s32 @p0 $0x1  }
0x13: {  	[smem:$0x3FB7] =	sst s0;
	s0 =	simm.s32 @!p1 $0x0  }
0x14: {  	s2 =	sld [smem:$0x3F9B];
	s0 =	simm.s32 @p1 $0x1  }
0x15: {  	[smem:$0x3FB8] =	sst s0;
	s0 =	simm.s32 @!p2 $0x0  }
0x16: {  	s3 =	sld [smem:$0x3FDB];
	s0 =	simm.s32 @p2 $0x1  }
0x17: {  	s4 =	simm.s32 $0x1BF5;
	[smem:$0x3FBA] =	sst s0  }
0x18: {  	s0 =	sld [smem:$0x3F9D];
	_ =	swait.ge [sflag:s4], $0x0  }
0x19: {  	s7 =	sld [smem:$0x3F9E]  }
0x1a: {  	s8 =	sadd.s32 $0xFFFFE003, lr  }
0x1b: {  	s9 =	sadd.s32 $0xFFFFFEF7, lr;
	s5 =	simm.s32 $0xFFFFFFFF;
	p2 =	slt.u32 s8, $0xFFFFF086  }
0x1c: {  	p1 =	slt.u32 s9, $0xF7A;
	s5 =	simm.s32 @!p2 $0x0  }
0x1d: {  	s5 =	simm.s32 @p1 $0x1;
	p0 =	seq.s32 s7, s2  }
0x1e: {  	s7 =	smul.u32 @!p0 $0xF7A, s2;
	p2 =	seq.s32 @!p0 s5, $0x0  }
0x1f: {  	s9 =	smul.u32 $0xF7A, s1;
	s8 =	simm.s32 @!p0 $0x1BF5;
	p2 =	por !p2, p0  }
0x20: {  	[sflag:s8] =	ssyncset.s32 @!p0 $0xFFFFF086;
	s6 =	sadd.s32 @!p0 s3, s7;
	s7 =	simm.s32 @!p0 $0x108  }
0x21: {  	s3 =	sadd.s32 s3, s9;
	s6 =	sadd.s32 @!p0 $0x88, s6;
	s7 =	simm.s32 @p2 $0x1082  }
0x22: {  	[simem:s7], [sflag:s8] =	dma.local @!p0 [hbm:s6], $0xF7A  }
0x23: {  	s9 =	sor.u32 $0xD0000000, s2;
	s6 =	simm.s32 $0x108;
	_ =	swait.ge @!p0 [sflag:s8], $0x0  }
0x24: {  	s3 =	sadd.s32 $0x88, s3;
	s6 =	simm.s32 @!p1 $0x1082;
	[sflag:s4] =	ssyncset.s32 $0xFFFFF086  }
0x25: {  	[simem:s6], [sflag:s4] =	dma.local [hbm:s3], $0xF7A  }
0x26: {  	[smem:$0x3F9E] =	sst s1;
	(tag) =	ssettag s2;
	_ =	strace s9  }
0x27: {  	s1 =	sld [smem:$0x3FAE]  }
0x28: {  	s2 =	sld [smem:$0x3FAF]  }
0x29: {  	s4 =	sld [smem:$0x3FB1]  }
0x2a: {  	p0 =	seq.s32 s5, $0x0;
	s5 =	sld [smem:$0x3FB2]  }
0x2b: {  	s6 =	sld [smem:$0x3FB3]  }
0x2c: {  	s7 =	sld [smem:$0x3FB4]  }
0x2d: {  	s3 =	simm.s32 $0x108;
	s8 =	sld [smem:$0x3FB5]  }
0x2e: {  	s3 =	simm.s32 @!p0 $0x1082;
	s9 =	sld [smem:$0x3FB6]  }
0x2f: {  	lr =	sadd.s32 s0, s3;
	s0 =	sld [smem:$0x3FAD]  }
0x30: {  	s3 =	sld [smem:$0x3FB0]  }
0x31: {  	[smem:$0x3FB9] =	sst s10  }
0x32: {  	s10 =	sld [smem:$0x3FB7];
	_ =	sdelay $0x3  }
0x33: {  	p0 =	seq.s32 s10, $0x1;
	s10 =	sld [smem:$0x3FB9];
	_ =	sdelay $0x3  }
0x34: {  	[smem:$0x3FB9] =	sst s10  }
0x35: {  	s10 =	sld [smem:$0x3FB8];
	_ =	sdelay $0x3  }
0x36: {  	p1 =	seq.s32 s10, $0x1;
	s10 =	sld [smem:$0x3FB9];
	_ =	sdelay $0x3  }
0x37: {  	[smem:$0x3FB9] =	sst s10  }
0x38: {  	s10 =	sld [smem:$0x3FBA]  }
0x39: {  	_ = 	snop;
	(pc) =	sbr.ind lr, $3  }
0x3a: {  	_ = 	snop  }
0x3b: {  	_ = 	snop  }
0x3c: {  	p2 =	seq.s32 s10, $0x1;
	s10 =	sld [smem:$0x3FB9]  }
0x3d: {  	_ =	shalt  }
0x3e: {  	_ =	shalt  }
0x3f: {  	_ =	shalt  }
0x40: {  	_ =	shalt  }
0x41: {  	_ =	shalt  }
0x42: {  	_ =	shalt  }
0x43: {  	_ =	shalt  }
0x44: {  	_ =	shalt  }
0x45: {  	_ =	shalt  }
0x46: {  	_ =	shalt  }
0x47: {  	_ =	shalt  }
0x48: {  	_ =	shalt  }
0x49: {  	_ =	shalt  }
0x4a: {  	_ =	shalt  }
0x4b: {  	_ =	shalt  }
0x4c: {  	_ =	shalt  }
0x4d: {  	_ =	shalt  }
0x4e: {  	_ =	shalt  }
0x4f: {  	_ =	shalt  }
0x50: {  	_ =	shalt  }
0x51: {  	_ =	shalt  }
0x52: {  	_ =	shalt  }
0x53: {  	_ =	shalt  }
0x54: {  	_ =	shalt  }
0x55: {  	_ =	shalt  }
0x56: {  	_ =	shalt  }
0x57: {  	_ =	shalt  }
0x58: {  	_ =	shalt  }
0x59: {  	_ =	shalt  }
0x5a: {  	_ =	shalt  }
0x5b: {  	_ =	shalt  }
0x5c: {  	_ =	shalt  }
0x5d: {  	_ =	shalt  }
0x5e: {  	_ =	shalt  }
0x5f: {  	_ =	shalt  }
0x60: {  	_ =	shalt  }
0x61: {  	_ =	shalt  }
0x62: {  	_ =	shalt  }
0x63: {  	_ =	shalt  }
0x64: {  	_ =	shalt  }
0x65: {  	_ =	shalt  }
0x66: {  	_ =	shalt  }
0x67: {  	_ =	shalt  }
0x68: {  	_ =	shalt  }
0x69: {  	_ =	shalt  }
0x6a: {  	_ =	shalt  }
0x6b: {  	_ =	shalt  }
0x6c: {  	_ =	shalt  }
0x6d: {  	_ =	shalt  }
0x6e: {  	_ =	shalt  }
0x6f: {  	_ =	shalt  }
0x70: {  	_ =	shalt  }
0x71: {  	_ =	shalt  }
0x72: {  	_ =	shalt  }
0x73: {  	_ =	shalt  }
0x74: {  	_ =	shalt  }
0x75: {  	_ =	shalt  }
0x76: {  	_ =	shalt  }
0x77: {  	_ =	shalt  }
0x78: {  	_ =	shalt  }
0x79: {  	_ =	shalt  }
0x7a: {  	_ =	shalt  }
0x7b: {  	_ =	shalt  }
0x7c: {  	_ =	shalt  }
0x7d: {  	_ =	shalt  }
0x7e: {  	_ =	shalt  }
0x7f: {  	_ =	shalt  }
0x80: {  	_ =	shalt  }
0x81: {  	_ =	shalt  }
0x82: {  	_ =	shalt  }
0x83: {  	_ =	shalt  }
0x84: {  	_ =	shalt  }
0x85: {  	_ =	shalt  }
0x86: {  	_ =	shalt  }
0x87: {  	_ =	shalt  }
.Lfunc_end0:
.L_simem_size_0:
called_computation_lowered:
.L_overlay_start_0:
0x88: {  	s2 =	sld [smem:$0x3FD9]  }
0x89: {  	s3 =	sld [smem:$0x3FFE];
	_ =	sdelay $0x1  }
0x8a: {  	s1 =	srdreg.scid  }
0x8b: {  	s0 =	sand.u32 $0x1, s1  }
0x8c: {  	s14 =	sshll.u32 s0, $0xA;
	s2 =	sadd.s32 s3, s2  }
0x8d: {  	s2 =	sadd.s32 s2, s14  }
0x8e: {  	[smem:$0x3FC5] =	sst s2  }
0x8f: {  	_ = 	snop  }
0x90: {  	s2 =	sld [smem:$0x3FD0];
	_ =	sdelay $0x2  }
0x91: {  	s15 =	simm.s32 $0xA;
	s4 =	simm.s32 $0x10  }
0x92: {  	[smem:s4], [sflag:s15] =	dma.local [hbm:s2], $0x1  }
0x93: {  	_ =	swait.eq [sflag:s15], $0x1  }
0x94: {  	[sflag:s15] =	ssyncset.done $0x0  }
0x95: {  	[sflag:s15] =	ssyncadd.s32 $0xFFFFFFFF  }
0x96: {  	s16 =	sld [smem:$0x10];
	(tm) =	ssettm $0x1  }
0x97: {  	s17 =	sld [smem:$0x3FFB];
	_ =	sdelay $0x3  }
0x98: {  	_ =	strace s17  }
0x99: {  	s3 =	sld [smem:$0x3FFC];
	_ =	sdelay $0x3  }
0x9a: {  	_ =	strace s3  }
0x9b: {  	s3 =	sld [smem:$0x3FFD];
	_ =	sdelay $0x3  }
0x9c: {  	_ =	strace s3  }
0x9d: {  	_ =	strace $0x8FFFFFFF  }
0x9e: {  	s18 =	sld [smem:$0x3FDB];
	_ =	sdelay $0x1  }
0x9f: {  	s19 =	simm.s32 $_scs_section_size  }
0xa0: {  	s5 =	simm.s32 $_size__tile_overlayer_lowered;
	s6 =	simm.s32 $_tile_overlayer_lowered  }
0xa1: {  	s22 =	simm.s32 $0x1BFF;
	s21 =	sshll.u32 s6, $0x1;
	s3 =	sadd.s32 s19, s18  }
0xa2: {  	s7 =	simm.s32 $0x0;
	s20 =	sshll.u32 s5, $0x1;
	s5 =	sadd.s32 s21, s3  }
0xa3: {  	[timem:s7], [sflag:s22] =	dma.local [hbm:s5], s20  }
0xa4: {  	_ =	swait.ge [sflag:s22], s20  }
0xa5: {  	s4 =	ssub.s32 $0x0, s20;
	[sflag:s22] =	ssyncset.done $0x0  }
0xa6: {  	[sflag:s22] =	ssyncadd.s32 s4;
	_ =	sdelay $0x1  }
0xa7: {  	s23 =	simm.s32 $0x1B8B  }
0xa8: {  	_ =	swait.ge [sflag:s23], $0x1  }
0xa9: {  	[sflag:s23] =	ssyncset.done $0x0  }
0xaa: {  	s25 =	simm.s32 $0x1B8E;
	s24 =	sld [smem:$0x3FFE];
	[sflag:s23] =	ssyncadd.s32 $0xFFFFFFFF  }
0xab: {  	s26 =	simm.s32 $execute0_lowered;
	[smem:$0x3FD2] =	sst s25  }
0xac: {  	s5 =	sshll.u32 s26, $0x1;
	_ =	strace $0x80000046;
	[dreg:$0x1] =	wrdreg $0xFFFFFFFF  }
0xad: {  	s28 =	simm.s32 $_size_execute0_lowered;
	s3 =	sadd.s32 s3, s5;
	[dreg:$0x0] =	wrdreg $0x0  }
0xae: {  	s5 =	sshll.u32 s28, $0x1;
	[dreg:$0x2] =	wrdreg s3  }
0xaf: {  	[dreg:$0x3] =	wrdreg s5  }
0xb0: {  	[dreg:$0x4] =	wrdreg $0xC0  }
0xb1: {  	_ =	task [dreg:s7], $0x5FFFF  }
0xb2: {  	[dreg:$0x1] =	wrdreg $0xFFFFFFFF  }
0xb3: {  	[dreg:$0x0] =	wrdreg $0x60  }
0xb4: {  	[dreg:$0x2] =	wrdreg s24  }
0xb5: {  	[dreg:$0x3] =	wrdreg s16  }
0xb6: {  	[dreg:$0x4] =	wrdreg $0x9  }
0xb7: {  	_ =	task.clear_ibuf [dreg:s7], $0x5FFFF;
	_ =	strace $0x90000046  }
0xb8: {  	s29 =	simm.s32 $0x9;
	_ =	strace $0x80000048  }
0xb9: {  	_ =	swait.ge [sflag:s29], $0x1  }
0xba: {  	[sflag:s29] =	ssyncadd.s32 $0xFFFFFFFF  }
0xbb: {  	_ =	strace $0x90000048  }
0xbc: {  	_ =	sfence  }
0xbd: {  	s30 =	sld [smem:$0x0];
	_ =	sdelay $0x2  }
0xbe: {  	s31 =	sshll.u32 s1, $0xD;
	s1 =	sshrl.u32 s1, $0x2  }
0xbf: {  	s3 =	sand.u32 $0x4000, s31;
	s1 =	sadd.s32 s1, s30  }
0xc0: {  	s0 =	sor.u32 s3, s0;
	s1 =	sshll.u32 s1, $0x11  }
0xc1: {  	s0 =	sor.u32 s1, s0  }
0xc2: {  	s0 =	sadd.s32 $0x8F2B, s0  }
0xc3: {  	[sflag:s0] =	ssyncadd.remote.s32 $0x1  }
0xc4: {  	_ =	sfence.sel $0xFFFF  }
0xc5: {  	[dreg:$0x0] =	wrdreg $0xFFFFFFFF;
	(pc) =	sbr.abs _section_cstart, $3  }
0xc6: {  	[dreg:$0x1] =	wrdreg $0xFFFFFFFF  }
0xc7: {  	_ =	task.clear_ibuf [dreg:s7], $0x2FFFF;
	_ =	strace $0x9FFFFFFF  }
0xc8: {  	(tm) =	ssettm $0x7FFFFFFF  }
0xc9: {  	_ =	shalt  }
tec
execute0_lowered:
.L_overlay_start_1:
0x0: {  	(tag) =	ssettag $0x1  }
0x1: {  	s3 =	stileid.u32  }
0x2: {  	p0 =	sgt.u32 s3, $0x9  }
.Ltmp0:
0x3: {  	_ = 	snop;
	(pc) =	sbr.rel @p0 .LBB2_62-.Ltmp0, $4  }
0x4: {  	_ = 	snop  }
0x5: {  	s1 =	rddreg [dreg:$0x0];
	s2 =	simm.s32 $0x0  }
0x6: {  	[smem:$0x7FF] =	sst s2  }
0x7: {  	s0 =	rddreg [dreg:$0x1];
	_ =	strace $0x80000047  }
0x8: {  	s3 =	srdreg.scid  }
0x9: {  	s4 =	stileid.u32;
	s7 =	sadd.s32 $0xDC00, s1;
	s14 =	simm.s32 $0x1  }
0xa: {  	s16 =	simm.s32 $0x2800;
	s17 =	simm.s32 $0x3C00;
	s18 =	simm.s32 $0x5000  }
0xb: {  	s19 =	simm.s32 $0x6400;
	s3 =	sand.u32 $0x1, s3;
	s4 =	sshll.u32 s4, $0x1  }
0xc: {  	s28 =	simm.s32 $0x9340;
	s29 =	simm.s32 $0x0;
	s4 =	sor.u32 s3, s4  }
0xd: {  	s11 =	simm.s32 $0x0;
	s5 =	smul.u32 $0x280, s4;
	s4 =	sshll.u32 s4, $0x5  }
0xe: {  	s24 =	ssub.s32 $0x2, s3;
	s20 =	sadd.s32 s4, s1;
	s0 =	sadd.s32 s0, s4  }
0xf: {  	s3 =	simm.s32 $0x1400;
	s23 =	sadd.s32 $0x11A00, s20;
	[dreg:$0x8] =	wrdreg s0  }
0x10: {  	s30 =	sshrl.u32 s24, $0x1;
	s25 =	sadd.s32 $0x10E00, s20;
	[dreg:$0x7] =	wrdreg s23  }
0x11: {  	s6 =	sadd.s32 s5, s1;
	s26 =	sadd.s32 $0x11200, s20;
	[dreg:$0x9] =	wrdreg s25  }
0x12: {  	s1 =	sadd.s32 $0x11600, s20;
	s0 =	ssub.s32 s24, s30;
	[dreg:$0xa] =	wrdreg s26  }
0x13: {  	s31 =	sadd.s32 s7, s5;
	s20 =	simm.s32 $0x7800;
	[dreg:$0xb] =	wrdreg s1  }
0x14: {  	s24 =	simm.s32 $0x9040;
	s8 =	sadd.s32 $0xAA00, s6;
	[dreg:$0xc] =	wrdreg s31  }
.Ltmp1:
0x15: {  	s21 =	sadd.s32 $0x7800, s6;
	[dreg:$0x3] =	wrdreg s8;
	(pc) =	sbr.rel .LBB2_2-.Ltmp1, $4  }
0x16: {  	s22 =	sadd.s32 $0x4600, s6;
	s6 =	sadd.s32 $0x1400, s6;
	[dreg:$0x4] =	wrdreg s21  }
0x17: {  	v0 =	vlaneseq.u32;
	v2 =	vimm.s32 $0x0;
	v6 =	vimm.f32 $-1.000000020e+30;
	s0 =	smax.u32 s0, $0x1;
	s23 =	simm.s32 $0x8F40;
	[dreg:$0x5] =	wrdreg s22  }
0x18: {  	v7 =	vimm.f32 $0.0e+00;
	v8 =	vimm.f32 $1.000000000e+00;
	v1 =	vor.u32 $0xFFFFFFC8, v0;
	s25 =	simm.s32 $0x9140;
	s26 =	simm.s32 $0x9240;
	[dreg:$0x6] =	wrdreg s6  }
0x19: {  	v3 =	vor.u32 $0xFFFFFFD8, v0;
	v4 =	vor.u32 $0xFFFFFFE8, v0;
	v5 =	vor.u32 $0xFFFFFFF8, v0;
	[dreg:$0xd] =	wrdreg s0;
	s21 =	simm.s32 $0x8C00;
	s22 =	simm.s32 $0x9440  }
.LBB2_61:
0x1a: {  	v9 =	vld [tilespmem:$0x9440]  }
0x1b: {  	v10 =	vld [tilespmem:$0x8D40]  }
0x1c: {  	v11 =	vld [tilespmem:$0x8F40]  }
0x1d: {  	v12 =	vld [tilespmem:$0x9040]  }
0x1e: {  	v13 =	vld [tilespmem:$0x9140]  }
0x1f: {  	v14 =	vld [tilespmem:$0x9240];
	[tilespmem:$0x9610] =	vst v7  }
0x20: {  	v15 =	vld [tilespmem:$0x9450];
	[tilespmem:$0x9710] =	vst v7  }
0x21: {  	v16 =	vld [tilespmem:$0x8D50];
	[tilespmem:$0x9810] =	vst v7  }
0x22: {  	v17 =	vld [tilespmem:$0x8F50];
	[tilespmem:$0x9910] =	vst v7  }
0x23: {  	v18 =	vld [tilespmem:$0x9050];
	[tilespmem:$0x9A10] =	vst v7  }
0x24: {  	v19 =	vld [tilespmem:$0x9150];
	[tilespmem:$0x9620] =	vst v7  }
0x25: {  	v20 =	vld [tilespmem:$0x9250];
	[tilespmem:$0x9720] =	vst v7  }
0x26: {  	v21 =	vld [tilespmem:$0x9460];
	[tilespmem:$0x9820] =	vst v7  }
0x27: {  	v22 =	vld [tilespmem:$0x8D60];
	[tilespmem:$0x9920] =	vst v7  }
0x28: {  	v23 =	vld [tilespmem:$0x8F60];
	[tilespmem:$0x9A20] =	vst v7  }
0x29: {  	v24 =	vld [tilespmem:$0x9060];
	[tilespmem:$0x9630] =	vst v7  }
0x2a: {  	v26 =	vld [tilespmem:$0x9470];
	[tilespmem:$0x9730] =	vst v7  }
0x2b: {  	v27 =	vld [tilespmem:$0x8D70];
	[tilespmem:$0x9830] =	vst v7;
	vm0 =	vgt.f32 v9, $5.000000000e-01;
	vm1 =	vgt.f32 v10, $5.000000070e-02  }
0x2c: {  	[tilespmem:$0x9930] =	vst v7;
	v9 =	vld [tilespmem:$0x9260];
	vm0 =	vmand vm0, vm1  }
0x2d: {  	v25 =	vld [tilespmem:$0x9160];
	[tilespmem:$0x9A30] =	vst v7;
	v10 =	vnsel vm0, $0x0, v10  }
0x2e: {  	v53 =	vld [tilespmem:$0x9070];
	[tilespmem:$0x9540] =	vst v10;
	v10 =	vnsel vm0, $0x0, v11  }
0x2f: {  	v54 =	vld [tilespmem:$0x9170];
	vm7 =	vgt.f32 v21, $5.000000000e-01;
	vm8 =	vgt.f32 v22, $5.000000070e-02;
	[tilespmem:$0x9640] =	vst v10;
	v10 =	vnsel vm0, $0x0, v12  }
0x30: {  	v55 =	vld [tilespmem:$0x9270];
	vm5 =	vgt.f32 v15, $5.000000000e-01;
	vm9 =	vmand vm7, vm8;
	[tilespmem:$0x9740] =	vst v10;
	v10 =	vnsel vm0, $0x0, v13  }
0x31: {  	vm10 =	vgt.f32 v26, $5.000000000e-01;
	vm11 =	vgt.f32 v27, $5.000000070e-02;
	v11 =	vld [tilespmem:$0x8F70];
	v9 =	vnsel vm9, $0x0, v9;
	[tilespmem:$0x9840] =	vst v10  }
0x32: {  	v56 =	vld [tilespmem:$0x9480];
	vm2 =	vgt.f32 v16, $5.000000070e-02;
	vm12 =	vmand vm10, vm11;
	v10 =	vnsel vm0, $0x0, v14;
	[tilespmem:$0x9960] =	vst v9  }
0x33: {  	v57 =	vld [tilespmem:$0x8D80];
	vm6 =	vmand vm5, vm2;
	v9 =	vnsel vm12, $0x0, v27;
	[tilespmem:$0x9940] =	vst v10  }
0x34: {  	v58 =	vld [tilespmem:$0x8F80];
	v10 =	vnsel vm6, $0x0, v16;
	[tilespmem:$0x9570] =	vst v9  }
0x35: {  	v59 =	vld [tilespmem:$0x9080];
	[tilespmem:$0x9550] =	vst v10;
	v10 =	vnsel vm6, $0x0, v17  }
0x36: {  	v60 =	vld [tilespmem:$0x9180];
	v9 =	vnsel vm12, $0x0, v11;
	[tilespmem:$0x9650] =	vst v10  }
0x37: {  	v61 =	vld [tilespmem:$0x9280];
	v10 =	vnsel vm6, $0x0, v18;
	[tilespmem:$0x9670] =	vst v9  }
0x38: {  	v62 =	vld [tilespmem:$0x9490];
	v9 =	vnsel vm12, $0x0, v53;
	[tilespmem:$0x9750] =	vst v10  }
0x39: {  	v63 =	vld [tilespmem:$0x8D90];
	v10 =	vnsel vm6, $0x0, v19;
	[tilespmem:$0x9770] =	vst v9  }
0x3a: {  	v28 =	vld [tilespmem:$0x8F90];
	v9 =	vnsel vm12, $0x0, v54;
	[tilespmem:$0x9850] =	vst v10  }
0x3b: {  	v29 =	vld [tilespmem:$0x9190];
	v10 =	vnsel vm6, $0x0, v20;
	[tilespmem:$0x9870] =	vst v9  }
0x3c: {  	v30 =	vld [tilespmem:$0x94A0];
	vm13 =	vgt.f32 v56, $5.000000000e-01;
	vm14 =	vgt.f32 v57, $5.000000070e-02;
	v9 =	vnsel vm12, $0x0, v55;
	[tilespmem:$0x9950] =	vst v10  }
0x3d: {  	v31 =	vld [tilespmem:$0x8DA0];
	vm15 =	vmand vm13, vm14;
	v10 =	vnsel vm9, $0x0, v22;
	[tilespmem:$0x9970] =	vst v9  }
0x3e: {  	v32 =	vld [tilespmem:$0x8FA0];
	v9 =	vnsel vm15, $0x0, v57;
	[tilespmem:$0x9560] =	vst v10  }
0x3f: {  	v33 =	vld [tilespmem:$0x90A0];
	v10 =	vnsel vm9, $0x0, v23;
	[tilespmem:$0x9580] =	vst v9  }
0x40: {  	v34 =	vld [tilespmem:$0x91A0];
	v9 =	vnsel vm15, $0x0, v58;
	[tilespmem:$0x9660] =	vst v10  }
0x41: {  	v35 =	vld [tilespmem:$0x92A0];
	v10 =	vnsel vm9, $0x0, v24;
	[tilespmem:$0x9680] =	vst v9  }
0x42: {  	v36 =	vld [tilespmem:$0x94B0];
	[tilespmem:$0x9760] =	vst v10;
	v10 =	vnsel vm9, $0x0, v25  }
0x43: {  	v9 =	vnsel vm15, $0x0, v59;
	[tilespmem:$0x9860] =	vst v10;
	v10 =	vld [tilespmem:$0x9090]  }
0x44: {  	v37 =	vld [tilespmem:$0x8DB0];
	vm4 =	vgt.f32 v62, $5.000000000e-01;
	vm5 =	vgt.f32 v63, $5.000000070e-02;
	[tilespmem:$0x9780] =	vst v9;
	v9 =	vnsel vm15, $0x0, v60  }
0x45: {  	v11 =	vld [tilespmem:$0x9290];
	vm6 =	vmand vm4, vm5;
	[tilespmem:$0x9880] =	vst v9;
	v9 =	vnsel vm15, $0x0, v61  }
0x46: {  	v38 =	vld [tilespmem:$0x8FB0];
	[tilespmem:$0x9980] =	vst v9;
	v9 =	vnsel vm6, $0x0, v63  }
0x47: {  	v39 =	vld [tilespmem:$0x90B0];
	[tilespmem:$0x9590] =	vst v9;
	v9 =	vnsel vm6, $0x0, v28  }
0x48: {  	v40 =	vld [tilespmem:$0x92B0];
	[tilespmem:$0x9690] =	vst v9;
	v9 =	vnsel vm6, $0x0, v10  }
0x49: {  	v41 =	vld [tilespmem:$0x8DC0];
	vm7 =	vgt.f32 v30, $5.000000000e-01;
	vm8 =	vgt.f32 v31, $5.000000070e-02;
	[tilespmem:$0x9790] =	vst v9;
	v9 =	vnsel vm6, $0x0, v29  }
0x4a: {  	v42 =	vld [tilespmem:$0x8FC0];
	vm9 =	vmand vm7, vm8;
	[tilespmem:$0x9890] =	vst v9;
	v9 =	vnsel vm6, $0x0, v11  }
0x4b: {  	v43 =	vld [tilespmem:$0x90C0];
	[tilespmem:$0x9990] =	vst v9;
	v9 =	vnsel vm9, $0x0, v31  }
0x4c: {  	v44 =	vld [tilespmem:$0x91C0];
	[tilespmem:$0x95A0] =	vst v9;
	v9 =	vnsel vm9, $0x0, v32  }
0x4d: {  	v10 =	vld [tilespmem:$0x91B0];
	[tilespmem:$0x96A0] =	vst v9;
	v9 =	vnsel vm9, $0x0, v33  }
0x4e: {  	vm10 =	vgt.f32 v36, $5.000000000e-01;
	vm11 =	vgt.f32 v37, $5.000000070e-02;
	v11 =	vld [tilespmem:$0x94C0];
	[tilespmem:$0x97A0] =	vst v9;
	v9 =	vnsel vm9, $0x0, v34  }
0x4f: {  	v45 =	vld [tilespmem:$0x92C0];
	vm12 =	vmand vm10, vm11;
	[tilespmem:$0x98A0] =	vst v9;
	v9 =	vnsel vm9, $0x0, v35  }
0x50: {  	v46 =	vld [tilespmem:$0x94D0];
	[tilespmem:$0x99A0] =	vst v9;
	v9 =	vnsel vm12, $0x0, v37  }
0x51: {  	v47 =	vld [tilespmem:$0x8DD0];
	[tilespmem:$0x95B0] =	vst v9;
	v9 =	vnsel vm12, $0x0, v38  }
0x52: {  	v48 =	vld [tilespmem:$0x8FD0];
	[tilespmem:$0x96B0] =	vst v9;
	v9 =	vnsel vm12, $0x0, v39  }
0x53: {  	v49 =	vld [tilespmem:$0x92D0];
	vm14 =	vgt.f32 v41, $5.000000070e-02;
	vm13 =	vgt.f32 v11, $5.000000000e-01;
	[tilespmem:$0x97B0] =	vst v9;
	v9 =	vnsel vm12, $0x0, v10  }
0x54: {  	v50 =	vld [tilespmem:$0x94E0];
	vm15 =	vmand vm13, vm14;
	[tilespmem:$0x98B0] =	vst v9;
	v9 =	vnsel vm12, $0x0, v40  }
0x55: {  	v51 =	vld [tilespmem:$0x8DE0];
	[tilespmem:$0x99B0] =	vst v9;
	v9 =	vnsel vm15, $0x0, v41  }
0x56: {  	v52 =	vld [tilespmem:$0x8FE0];
	[tilespmem:$0x95C0] =	vst v9;
	v9 =	vnsel vm15, $0x0, v42  }
0x57: {  	v10 =	vld [tilespmem:$0x90D0];
	[tilespmem:$0x96C0] =	vst v9;
	v9 =	vnsel vm15, $0x0, v43  }
0x58: {  	vm4 =	vgt.f32 v46, $5.000000000e-01;
	vm5 =	vgt.f32 v47, $5.000000070e-02;
	v11 =	vld [tilespmem:$0x91D0];
	[tilespmem:$0x97C0] =	vst v9;
	v9 =	vnsel vm15, $0x0, v44  }
0x59: {  	v56 =	vld [tilespmem:$0x8FF0];
	vm6 =	vmand vm4, vm5;
	[tilespmem:$0x98C0] =	vst v9;
	v9 =	vnsel vm15, $0x0, v45  }
0x5a: {  	v53 =	vld [tilespmem:$0x90E0];
	[tilespmem:$0x99C0] =	vst v9;
	v9 =	vnsel vm6, $0x0, v47  }
0x5b: {  	v54 =	vld [tilespmem:$0x91E0];
	[tilespmem:$0x95D0] =	vst v9;
	v9 =	vnsel vm6, $0x0, v48  }
0x5c: {  	[tilespmem:$0x96D0] =	vst v9;
	v9 =	vnsel vm6, $0x0, v10;
	v10 =	vld [tilespmem:$0x94F0]  }
0x5d: {  	vm7 =	vgt.f32 v50, $5.000000000e-01;
	vm8 =	vgt.f32 v51, $5.000000070e-02;
	[tilespmem:$0x97D0] =	vst v9;
	v9 =	vnsel vm6, $0x0, v11;
	v11 =	vld [tilespmem:$0x8DF0]  }
0x5e: {  	v55 =	vld [tilespmem:$0x92E0];
	vm9 =	vmand vm7, vm8;
	[tilespmem:$0x98D0] =	vst v9;
	v9 =	vnsel vm6, $0x0, v49  }
0x5f: {  	v57 =	vld [tilespmem:$0x90F0];
	[tilespmem:$0x99D0] =	vst v9;
	v9 =	vnsel vm9, $0x0, v51  }
0x60: {  	v58 =	vld [tilespmem:$0x91F0];
	[tilespmem:$0x95E0] =	vst v9;
	v9 =	vnsel vm9, $0x0, v52  }
0x61: {  	v59 =	vld [tilespmem:$0x9500];
	[tilespmem:$0x96E0] =	vst v9;
	v9 =	vnsel vm9, $0x0, v53  }
0x62: {  	vm10 =	vgt.f32 v10, $5.000000000e-01;
	v10 =	vld [tilespmem:$0x8E00];
	[tilespmem:$0x97E0] =	vst v9;
	v9 =	vnsel vm9, $0x0, v54;
	vm11 =	vgt.f32 v11, $5.000000070e-02  }
0x63: {  	v60 =	vld [tilespmem:$0x92F0];
	[tilespmem:$0x98E0] =	vst v9;
	v9 =	vnsel vm9, $0x0, v55;
	vm12 =	vmand vm10, vm11  }
0x64: {  	[tilespmem:$0x99E0] =	vst v9;
	v9 =	vnsel vm12, $0x0, v11  }
0x65: {  	v11 =	vld [tilespmem:$0x9000];
	[tilespmem:$0x95F0] =	vst v9;
	v9 =	vnsel vm12, $0x0, v56  }
0x66: {  	v61 =	vld [tilespmem:$0x9100];
	[tilespmem:$0x96F0] =	vst v9;
	v9 =	vnsel vm12, $0x0, v57  }
0x67: {  	v62 =	vld [tilespmem:$0x9200];
	vm13 =	vgt.f32 v59, $5.000000000e-01;
	vm14 =	vgt.f32 v10, $5.000000070e-02;
	[tilespmem:$0x97F0] =	vst v9;
	v9 =	vnsel vm12, $0x0, v58  }
0x68: {  	v63 =	vnsel vm12, $0x0, v60;
	vm15 =	vmand vm13, vm14;
	[tilespmem:$0x98F0] =	vst v9;
	v9 =	vld [tilespmem:$0x9300]  }
0x69: {  	[tilespmem:$0x99F0] =	vst v63;
	v10 =	vnsel vm15, $0x0, v10  }
0x6a: {  	[tilespmem:$0x9600] =	vst v10;
	v10 =	vnsel vm15, $0x0, v11  }
0x6b: {  	[tilespmem:$0x9700] =	vst v10;
	v10 =	vnsel vm15, $0x0, v61  }
0x6c: {  	[tilespmem:$0x9800] =	vst v10;
	v10 =	vnsel vm15, $0x0, v62  }
0x6d: {  	[tilespmem:$0x9900] =	vst v10;
	v9 =	vnsel vm15, $0x0, v9  }
0x6e: {  	s0 =	rddreg [dreg:$0x7];
	s1 =	simm.s32 $0x9540;
	[tilespmem:$0x9A00] =	vst v9  }
0x6f: {  	[hbm4b:s0+s2] =	stream.linear.scatter [tilespmem:s1], [sflag:$0x1], $0x100, $0x38;
	[tilespmem:$0x9A40] =	vst v63  }
0x70: {  	_ =	swait.ge [sflag:s14], $0x100  }
0x71: {  	[sflag:s14] =	ssyncset.done $0x0  }
0x72: {  	s8 =	simm.s32 $0x9640;
	s7 =	rddreg [dreg:$0x8];
	[sflag:s14] =	ssyncadd.s32 $0xFFFFFF00  }
0x73: {  	[hbm4b:s7+s2] =	stream.linear.scatter [tilespmem:s8], [sflag:$0x1], $0x100, $0x38;
	[tilespmem:$0x9A40] =	vst v63  }
0x74: {  	_ =	swait.ge [sflag:s14], $0x100  }
0x75: {  	[sflag:s14] =	ssyncset.done $0x0  }
0x76: {  	s10 =	simm.s32 $0x9740;
	s9 =	rddreg [dreg:$0x9];
	[sflag:s14] =	ssyncadd.s32 $0xFFFFFF00  }
0x77: {  	[hbm4b:s9+s2] =	stream.linear.scatter [tilespmem:s10], [sflag:$0x1], $0x100, $0x38;
	[tilespmem:$0x9A40] =	vst v63  }
0x78: {  	_ =	swait.ge [sflag:s14], $0x100  }
0x79: {  	[sflag:s14] =	ssyncset.done $0x0  }
0x7a: {  	s13 =	simm.s32 $0x9840;
	s12 =	rddreg [dreg:$0xa];
	[sflag:s14] =	ssyncadd.s32 $0xFFFFFF00  }
0x7b: {  	[hbm4b:s12+s2] =	stream.linear.scatter [tilespmem:s13], [sflag:$0x1], $0x100, $0x38;
	[tilespmem:$0x9A40] =	vst v63  }
0x7c: {  	_ =	swait.ge [sflag:s14], $0x100  }
0x7d: {  	[sflag:s14] =	ssyncset.done $0x0  }
0x7e: {  	s30 =	simm.s32 $0x9940;
	s15 =	rddreg [dreg:$0xb];
	[sflag:s14] =	ssyncadd.s32 $0xFFFFFF00  }
0x7f: {  	[hbm4b:s15+s2] =	stream.linear.scatter [tilespmem:s30], [sflag:$0x1], $0x100, $0x38;
	[tilespmem:$0x9A40] =	vst v63  }
0x80: {  	_ =	swait.ge [sflag:s14], $0x100  }
0x81: {  	s29 =	sadd.s32 $0x1, s29;
	s31 =	rddreg [dreg:$0xd]  }
0x82: {  	p0 =	sne.s32 s29, s31  }
.Ltmp2:
0x83: {  	_ = 	snop;
	(pc) =	sbr.rel @!p0 .LBB2_62-.Ltmp2, $3  }
0x84: {  	_ =	sdelay $0x1  }
0x85: {  	[sflag:s14] =	ssyncset.done $0x0  }
0x86: {  	[sflag:s14] =	ssyncadd.s32 $0xFFFFFF00  }
.LBB2_2:
0x87: {  	s0 =	simm.s32 $0x0;
	s1 =	rddreg [dreg:$0xc]  }
0x88: {  	[tilespmem:s0], [sflag:$0x1] =	stream.linear.gather [hbm4b:s1+s0], $0x1400, $0x38;
	[tilespmem:$0x9A40] =	vst v63  }
0x89: {  	_ =	swait.ge [sflag:s14], $0x1400  }
0x8a: {  	[sflag:s14] =	ssyncset.done $0x0  }
0x8b: {  	s31 =	rddreg [dreg:$0x3];
	[sflag:s14] =	ssyncadd.s32 $0xFFFFEC00  }
0x8c: {  	[tilespmem:s3], [sflag:$0x1] =	stream.linear.gather [hbm4b:s31+s0], $0x1400, $0x38;
	[tilespmem:$0x9A40] =	vst v63  }
0x8d: {  	_ =	swait.ge [sflag:s14], $0x1400  }
0x8e: {  	[sflag:s14] =	ssyncset.done $0x0  }
0x8f: {  	s4 =	rddreg [dreg:$0x4];
	[sflag:s14] =	ssyncadd.s32 $0xFFFFEC00  }
0x90: {  	[tilespmem:s16], [sflag:$0x1] =	stream.linear.gather [hbm4b:s4+s0], $0x1400, $0x38;
	[tilespmem:$0x9A40] =	vst v63  }
0x91: {  	_ =	swait.ge [sflag:s14], $0x1400  }
0x92: {  	[sflag:s14] =	ssyncset.done $0x0  }
0x93: {  	s5 =	rddreg [dreg:$0x5];
	[sflag:s14] =	ssyncadd.s32 $0xFFFFEC00  }
0x94: {  	[tilespmem:s17], [sflag:$0x1] =	stream.linear.gather [hbm4b:s5+s0], $0x1400, $0x38;
	[tilespmem:$0x9A40] =	vst v63  }
0x95: {  	s6 =	simm.s32 $0x0;
	_ =	swait.ge [sflag:s14], $0x1400  }
0x96: {  	v9 =	vor.u32 s6, v0;
	[sflag:s14] =	ssyncset.done $0x0  }
0x97: {  	v10 =	vand.u32 v1, v9;
	s7 =	rddreg [dreg:$0x6];
	[sflag:s14] =	ssyncadd.s32 $0xFFFFEC00  }
0x98: {  	[tilespmem:s18], [sflag:$0x1] =	stream.linear.gather [hbm4b:s7+s0], $0x1400, $0x38;
	[tilespmem:$0x9A40] =	vst v63  }
0x99: {  	_ =	swait.ge [sflag:s14], $0x1400  }
0x9a: {  	[sflag:s14] =	ssyncset.done $0x0  }
0x9b: {  	[sflag:s14] =	ssyncadd.s32 $0xFFFFEC00  }
0x9c: {  	v10 =	vld.idx.msk [tilespmem:v10+s2+$0x0], $0xffff;
	_ =	sdelay $0x4  }
0x9d: {  	vm0 =	vgt.f32 v10, $5.000000070e-02  }
0x9e: {  	v11 =	vsel vm0, $0x1, v2;
	v12 =	vmpcnt.ones.xlane vm0  }
0x9f: {  	(xrf0) =	vadd.scan.msk.s32 $0xffff, v11  }
0xa0: {  	v11 =	vxor.u32 $0x80000000, v12  }
0xa1: {  	(xrf0) =	vmax.scan.msk.u32 $0xffff, v11  }
0xa2: {  	v11 =	vmov s0  }
0xa3: {  	v11 =	vadd.s32 $0xFFFFFFFF, v11  }
0xa4: {  	v11 =	vbroadcast v11, $0x0  }
0xa5: {  	v52, _, _ =	vpop (xrf0)  }
0xa6: {  	s8 =	simm.s32 $0x10;
	v11 =	vadd.s32 v52, v11  }
0xa7: {  	v53 =	vor.u32 s8, v0;
	v13, _, _ =	vpop (xrf0)  }
0xa8: {  	v14 =	vand.u32 v3, v53;
	(v2sf) =	vpush v13, $0xF;
	_ =	sdelay $0x2  }
0xa9: {  	[tilespmem:v11+s19+$0x0] =	vst.idx.msk vm0, v10  }
0xaa: {  	[tilespmem:v11+s20+$0x0] =	vst.idx.msk vm0, v9  }
0xab: {  	v9 =	vld.idx.msk [tilespmem:v14+s2+$0x0], $0xffff;
	_ =	sdelay $0x4  }
0xac: {  	vm0 =	vgt.f32 v9, $5.000000070e-02  }
0xad: {  	v10 =	vmpcnt.ones.xlane vm0  }
0xae: {  	v11 =	vsel vm0, $0x1, v2  }
0xaf: {  	(xrf0) =	vadd.scan.msk.s32 $0xffff, v11;
	v10 =	vxor.u32 $0x80000000, v10  }
0xb0: {  	(xrf0) =	vmax.scan.msk.u32 $0xffff, v10  }
0xb1: {  	s9 =	spop (v2sf)  }
0xb2: {  	s0 =	sadd.s32 $0x0, s9  }
0xb3: {  	s0 =	sadd.s32 $0x80000000, s0  }
0xb4: {  	v10 =	vmov s0  }
0xb5: {  	v11, _, _ =	vpop (xrf0);
	v10 =	vadd.s32 $0xFFFFFFFF, v10  }
0xb6: {  	v10 =	vbroadcast v10, $0x0;
	v54, _, _ =	vpop (xrf0)  }
0xb7: {  	(v2sf) =	vpush v54, $0xF  }
0xb8: {  	s10 =	simm.s32 $0x20;
	v10 =	vadd.s32 v11, v10  }
0xb9: {  	v11 =	vor.u32 s10, v0  }
0xba: {  	v55 =	vand.u32 v4, v11;
	_ =	sdelay $0x2  }
0xbb: {  	[tilespmem:v10+s19+$0x0] =	vst.idx.msk vm0, v9  }
0xbc: {  	[tilespmem:v10+s20+$0x0] =	vst.idx.msk vm0, v53  }
0xbd: {  	v9 =	vld.idx.msk [tilespmem:v55+s2+$0x0], $0xffff;
	_ =	sdelay $0x4  }
0xbe: {  	vm0 =	vgt.f32 v9, $5.000000070e-02  }
0xbf: {  	v10 =	vsel vm0, $0x1, v2;
	v56 =	vmpcnt.ones.xlane vm0  }
0xc0: {  	s12 =	spop (v2sf);
	(xrf0) =	vadd.scan.msk.s32 $0xffff, v10  }
0xc1: {  	s0 =	sadd.s32 s12, s0;
	v10 =	vxor.u32 $0x80000000, v56  }
0xc2: {  	s0 =	sadd.s32 $0x80000000, s0;
	(xrf0) =	vmax.scan.msk.u32 $0xffff, v10  }
0xc3: {  	v10 =	vmov s0  }
0xc4: {  	v10 =	vadd.s32 $0xFFFFFFFF, v10  }
0xc5: {  	v10 =	vbroadcast v10, $0x0  }
0xc6: {  	v57, _, _ =	vpop (xrf0)  }
0xc7: {  	s13 =	simm.s32 $0x30;
	v10 =	vadd.s32 v57, v10  }
0xc8: {  	v58 =	vor.u32 s13, v0;
	v59, _, _ =	vpop (xrf0)  }
0xc9: {  	v60 =	vand.u32 v5, v58;
	(v2sf) =	vpush v59, $0xF;
	_ =	sdelay $0x2  }
0xca: {  	[tilespmem:v10+s19+$0x0] =	vst.idx.msk vm0, v9  }
0xcb: {  	[tilespmem:v10+s20+$0x0] =	vst.idx.msk vm0, v11  }
0xcc: {  	v10 =	vld.idx.msk [tilespmem:v60+s2+$0x0], $0xffff;
	_ =	sdelay $0x4  }
0xcd: {  	vm0 =	vgt.f32 v10, $5.000000070e-02  }
0xce: {  	v9 =	vmpcnt.ones.xlane vm0  }
0xcf: {  	v11 =	vsel vm0, $0x1, v2  }
0xd0: {  	(xrf0) =	vadd.scan.msk.s32 $0xffff, v11;
	v9 =	vxor.u32 $0x80000000, v9  }
0xd1: {  	(xrf0) =	vmax.scan.msk.u32 $0xffff, v9  }
0xd2: {  	s15 =	spop (v2sf)  }
0xd3: {  	s0 =	sadd.s32 s15, s0  }
0xd4: {  	s30 =	sadd.s32 $0x80000000, s0  }
0xd5: {  	v9 =	vmov s30  }
0xd6: {  	v11, _, _ =	vpop (xrf0);
	v9 =	vadd.s32 $0xFFFFFFFF, v9  }
0xd7: {  	v9 =	vbroadcast v9, $0x0;
	v61, _, _ =	vpop (xrf0)  }
0xd8: {  	(v2sf) =	vpush v61, $0xF  }
0xd9: {  	s31 =	simm.s32 $0x40;
	v11 =	vadd.s32 v11, v9  }
0xda: {  	v9 =	vor.u32 s31, v0  }
0xdb: {  	v62 =	vand.u32 v1, v9;
	_ =	sdelay $0x2  }
0xdc: {  	[tilespmem:v11+s19+$0x0] =	vst.idx.msk vm0, v10  }
0xdd: {  	[tilespmem:v11+s20+$0x0] =	vst.idx.msk vm0, v58  }
0xde: {  	v10 =	vld.idx.msk [tilespmem:v62+s2+$0x0], $0xffff;
	_ =	sdelay $0x4  }
0xdf: {  	vm0 =	vgt.f32 v10, $5.000000070e-02  }
0xe0: {  	v11 =	vmpcnt.ones.xlane vm0  }
0xe1: {  	v63 =	vsel vm0, $0x1, v2;
	s4 =	spop (v2sf)  }
0xe2: {  	s1 =	simm.s32 $0xB0;
	s0 =	simm.s32 $0x70;
	(xrf0) =	vadd.scan.msk.s32 $0xffff, v63;
	v11 =	vxor.u32 $0x80000000, v11;
	s3 =	sadd.s32 s4, s30  }
.LBB2_3:
0xe3: {  	p0 =	sne.s32 s1, $0x13F0  }
0xe4: {  	(xrf0) =	vmax.scan.msk.u32 $0xffff, v11;
	s4 =	sadd.s32 $0x80000000, s3;
	s3 =	smov.u32 s1;
	s1 =	sadd.s32 $0x40, s1  }
0xe5: {  	v11 =	vmov s4  }
0xe6: {  	v11 =	vadd.s32 $0xFFFFFFFF, v11  }
0xe7: {  	v11 =	vbroadcast v11, $0x0  }
0xe8: {  	v12, _, _ =	vpop (xrf0)  }
0xe9: {  	s5 =	sadd.s32 $0xFFFFFFE0, s0;
	v11 =	vadd.s32 v12, v11  }
0xea: {  	v12 =	vor.u32 s5, v0;
	v13, _, _ =	vpop (xrf0)  }
0xeb: {  	v14 =	vand.u32 v3, v12;
	(v2sf) =	vpush v13, $0xF;
	_ =	sdelay $0x2  }
0xec: {  	[tilespmem:v11+s19+$0x0] =	vst.idx.msk vm0, v10  }
0xed: {  	[tilespmem:v11+s20+$0x0] =	vst.idx.msk vm0, v9  }
0xee: {  	v9 =	vld.idx.msk [tilespmem:v14+s2+$0x0], $0xffff;
	_ =	sdelay $0x5  }
0xef: {  	vm0 =	vgt.f32 v9, $5.000000070e-02  }
0xf0: {  	v10 =	vsel vm0, $0x1, v2;
	v11 =	vmpcnt.ones.xlane vm0;
	_ =	sdelay $0x1  }
0xf1: {  	v11 =	vxor.u32 $0x80000000, v11;
	(xrf0) =	vadd.scan.msk.s32 $0xffff, v10  }
0xf2: {  	s5 =	spop (v2sf);
	(xrf0) =	vmax.scan.msk.u32 $0xffff, v11  }
0xf3: {  	s4 =	sadd.s32 s5, s4  }
0xf4: {  	s4 =	sadd.s32 $0x80000000, s4  }
0xf5: {  	v10 =	vmov s4  }
0xf6: {  	v10 =	vadd.s32 $0xFFFFFFFF, v10  }
0xf7: {  	v10 =	vbroadcast v10, $0x0;
	v11, _, _ =	vpop (xrf0)  }
0xf8: {  	v13, _, _ =	vpop (xrf0)  }
0xf9: {  	s5 =	sadd.s32 $0xFFFFFFF0, s0;
	v10 =	vadd.s32 v11, v10;
	(v2sf) =	vpush v13, $0xF  }
0xfa: {  	v11 =	vor.u32 s5, v0  }
0xfb: {  	v13 =	vand.u32 v4, v11;
	_ =	sdelay $0x2  }
0xfc: {  	[tilespmem:v10+s19+$0x0] =	vst.idx.msk vm0, v9  }
0xfd: {  	[tilespmem:v10+s20+$0x0] =	vst.idx.msk vm0, v12  }
0xfe: {  	v9 =	vld.idx.msk [tilespmem:v13+s2+$0x0], $0xffff;
	_ =	sdelay $0x5  }
0xff: {  	vm0 =	vgt.f32 v9, $5.000000070e-02  }
0x100: {  	v10 =	vsel vm0, $0x1, v2;
	v12 =	vmpcnt.ones.xlane vm0  }
0x101: {  	s5 =	spop (v2sf);
	(xrf0) =	vadd.scan.msk.s32 $0xffff, v10  }
0x102: {  	v10 =	vxor.u32 $0x80000000, v12;
	s4 =	sadd.s32 s5, s4  }
0x103: {  	s4 =	sadd.s32 $0x80000000, s4;
	(xrf0) =	vmax.scan.msk.u32 $0xffff, v10  }
0x104: {  	v10 =	vmov s4  }
0x105: {  	v10 =	vadd.s32 $0xFFFFFFFF, v10  }
0x106: {  	v10 =	vbroadcast v10, $0x0  }
0x107: {  	v12, _, _ =	vpop (xrf0)  }
0x108: {  	v10 =	vadd.s32 v12, v10  }
0x109: {  	v12 =	vor.u32 s0, v0;
	s0 =	smov.u32 s3;
	v13, _, _ =	vpop (xrf0)  }
0x10a: {  	v14 =	vand.u32 v5, v12;
	(v2sf) =	vpush v13, $0xF;
	_ =	sdelay $0x2  }
0x10b: {  	[tilespmem:v10+s19+$0x0] =	vst.idx.msk vm0, v9  }
0x10c: {  	[tilespmem:v10+s20+$0x0] =	vst.idx.msk vm0, v11  }
0x10d: {  	v10 =	vld.idx.msk [tilespmem:v14+s2+$0x0], $0xffff;
	_ =	sdelay $0x5  }
0x10e: {  	vm0 =	vgt.f32 v10, $5.000000070e-02  }
0x10f: {  	v9 =	vsel vm0, $0x1, v2;
	v11 =	vmpcnt.ones.xlane vm0;
	_ =	sdelay $0x1  }
0x110: {  	v11 =	vxor.u32 $0x80000000, v11;
	(xrf0) =	vadd.scan.msk.s32 $0xffff, v9  }
0x111: {  	s3 =	spop (v2sf);
	(xrf0) =	vmax.scan.msk.u32 $0xffff, v11  }
0x112: {  	s3 =	sadd.s32 s3, s4  }
0x113: {  	s3 =	sadd.s32 $0x80000000, s3  }
0x114: {  	v9 =	vmov s3  }
0x115: {  	v9 =	vadd.s32 $0xFFFFFFFF, v9  }
0x116: {  	v9 =	vbroadcast v9, $0x0;
	v11, _, _ =	vpop (xrf0)  }
0x117: {  	v13, _, _ =	vpop (xrf0)  }
0x118: {  	s4 =	sadd.s32 $0xFFFFFFD0, s0;
	v11 =	vadd.s32 v11, v9;
	(v2sf) =	vpush v13, $0xF  }
0x119: {  	v9 =	vor.u32 s4, v0  }
0x11a: {  	v13 =	vand.u32 v1, v9;
	_ =	sdelay $0x2  }
0x11b: {  	[tilespmem:v11+s19+$0x0] =	vst.idx.msk vm0, v10  }
0x11c: {  	[tilespmem:v11+s20+$0x0] =	vst.idx.msk vm0, v12  }
0x11d: {  	v10 =	vld.idx.msk [tilespmem:v13+s2+$0x0], $0xffff;
	_ =	sdelay $0x4  }
.Ltmp3:
0x11e: {  	(pc) =	sbr.rel @p0 .LBB2_3-.Ltmp3, $4  }
0x11f: {  	vm0 =	vgt.f32 v10, $5.000000070e-02  }
0x120: {  	v11 =	vsel vm0, $0x1, v2;
	v12 =	vmpcnt.ones.xlane vm0  }
0x121: {  	(xrf0) =	vadd.scan.msk.s32 $0xffff, v11;
	s4 =	spop (v2sf)  }
0x122: {  	v11 =	vxor.u32 $0x80000000, v12;
	s3 =	sadd.s32 s4, s3  }
0x123: {  	(xrf0) =	vmax.scan.msk.u32 $0xffff, v11;
	s1 =	sadd.s32 $0x80000000, s3  }
0x124: {  	v11 =	vmov s1  }
0x125: {  	v11 =	vadd.s32 $0xFFFFFFFF, v11  }
0x126: {  	v11 =	vbroadcast v11, $0x0  }
0x127: {  	v12, _, _ =	vpop (xrf0)  }
0x128: {  	s7 =	sadd.s32 $0xFFFFFFE0, s0;
	v11 =	vadd.s32 v12, v11  }
0x129: {  	v58 =	vor.u32 s7, v0;
	v13, _, _ =	vpop (xrf0)  }
0x12a: {  	v14 =	vand.u32 v3, v58;
	(v2sf) =	vpush v13, $0xF;
	_ =	sdelay $0x2  }
0x12b: {  	[tilespmem:v11+s19+$0x0] =	vst.idx.msk vm0, v10  }
0x12c: {  	[tilespmem:v11+s20+$0x0] =	vst.idx.msk vm0, v9  }
0x12d: {  	v9 =	vld.idx.msk [tilespmem:v14+s2+$0x0], $0xffff;
	_ =	sdelay $0x4  }
0x12e: {  	vm13 =	vgt.f32 v9, $5.000000070e-02  }
0x12f: {  	v10 =	vmpcnt.ones.xlane vm13  }
0x130: {  	v11 =	vsel vm13, $0x1, v2  }
0x131: {  	(xrf0) =	vadd.scan.msk.s32 $0xffff, v11;
	v10 =	vxor.u32 $0x80000000, v10  }
0x132: {  	(xrf0) =	vmax.scan.msk.u32 $0xffff, v10  }
0x133: {  	s8 =	spop (v2sf)  }
0x134: {  	s1 =	sadd.s32 s8, s1  }
0x135: {  	s1 =	sadd.s32 $0x80000000, s1  }
0x136: {  	v10 =	vmov s1  }
0x137: {  	v11, _, _ =	vpop (xrf0);
	v10 =	vadd.s32 $0xFFFFFFFF, v10  }
0x138: {  	v10 =	vbroadcast v10, $0x0;
	v59, _, _ =	vpop (xrf0)  }
0x139: {  	(v2sf) =	vpush v59, $0xF  }
0x13a: {  	s9 =	sadd.s32 $0xFFFFFFF0, s0;
	v10 =	vadd.s32 v11, v10  }
0x13b: {  	v11 =	vor.u32 s9, v0  }
0x13c: {  	v60 =	vand.u32 v4, v11;
	_ =	sdelay $0x2  }
0x13d: {  	[tilespmem:v10+s19+$0x0] =	vst.idx.msk vm13, v9  }
0x13e: {  	[tilespmem:v10+s20+$0x0] =	vst.idx.msk vm13, v58  }
0x13f: {  	v9 =	vld.idx.msk [tilespmem:v60+s2+$0x0], $0xffff;
	_ =	sdelay $0x4  }
0x140: {  	vm14 =	vgt.f32 v9, $5.000000070e-02  }
0x141: {  	v10 =	vsel vm14, $0x1, v2  }
0x142: {  	s10 =	spop (v2sf);
	(xrf0) =	vadd.scan.msk.s32 $0xffff, v10  }
0x143: {  	s1 =	sadd.s32 s10, s1  }
0x144: {  	s1 =	sadd.s32 $0x80000000, s1  }
0x145: {  	v10 =	vmov s1  }
0x146: {  	v10 =	vadd.s32 $0xFFFFFFFF, v10  }
0x147: {  	v10 =	vbroadcast v10, $0x0  }
0x148: {  	v61, _, _ =	vpop (xrf0)  }
0x149: {  	v10 =	vadd.s32 v61, v10  }
0x14a: {  	v62 =	vor.u32 s0, v0  }
0x14b: {  	v63 =	vand.u32 v5, v62;
	_ =	sdelay $0x2  }
0x14c: {  	[tilespmem:v10+s19+$0x0] =	vst.idx.msk vm14, v9  }
0x14d: {  	[tilespmem:v10+s20+$0x0] =	vst.idx.msk vm14, v11  }
0x14e: {  	v9 =	vld.idx.msk [tilespmem:v63+s2+$0x0], $0xffff;
	_ =	sdelay $0x1  }
0x14f: {  	v10 =	vmpcnt.ones.xlane vm14;
	_ =	sdelay $0x1  }
0x150: {  	v10 =	vxor.u32 $0x80000000, v10  }
0x151: {  	(xrf0) =	vmax.scan.msk.u32 $0xffff, v10;
	vm15 =	vgt.f32 v9, $5.000000070e-02  }
0x152: {  	v10 =	vmpcnt.ones.xlane vm15  }
0x153: {  	v11 =	vsel vm15, $0x1, v2  }
0x154: {  	(xrf0) =	vadd.scan.msk.s32 $0xffff, v11;
	v10 =	vxor.u32 $0x80000000, v10  }
0x155: {  	(xrf0) =	vmax.scan.msk.u32 $0xffff, v10;
	_ =	sdelay $0x1  }
0x156: {  	v10, _, _ =	vpop (xrf0)  }
0x157: {  	(v2sf) =	vpush v10, $0xF;
	_ =	sdelay $0x1  }
0x158: {  	v10, _, _ =	vpop (xrf0)  }
0x159: {  	v11, _, _ =	vpop (xrf0)  }
0x15a: {  	(v2sf) =	vpush v11, $0xF;
	_ =	sdelay $0xa  }
0x15b: {  	s12 =	spop (v2sf)  }
0x15c: {  	s0 =	sadd.s32 s12, s1  }
0x15d: {  	s0 =	sadd.s32 $0x80000000, s0  }
0x15e: {  	v11 =	vmov s0  }
0x15f: {  	v11 =	vadd.s32 $0xFFFFFFFF, v11;
	s13 =	spop (v2sf)  }
0x160: {  	v11 =	vbroadcast v11, $0x0;
	s0 =	sadd.s32 s13, s0  }
0x161: {  	s0 =	sadd.s32 $0x80000000, s0  }
0x162: {  	v10 =	vadd.s32 v10, v11;
	v11 =	vadd.s32 s0, v0  }
0x163: {  	vm1 =	vlt.s32 v11, $0x1400;
	_ =	sdelay $0x3  }
0x164: {  	[tilespmem:v10+s19+$0x0] =	vst.idx.msk vm15, v9  }
0x165: {  	[tilespmem:v10+s20+$0x0] =	vst.idx.msk vm15, v62  }
0x166: {  	[tilespmem:v11+s19+$0x0] =	vst.idx.msk vm1, v6  }
0x167: {  	[tilespmem:$0x8D40] =	vst v7  }
0x168: {  	[tilespmem:$0x8E40] =	vst v2  }
0x169: {  	[tilespmem:$0x9440] =	vst v8  }
0x16a: {  	[tilespmem:$0x8D50] =	vst v7  }
0x16b: {  	[tilespmem:$0x8E50] =	vst v2  }
0x16c: {  	[tilespmem:$0x9450] =	vst v8  }
0x16d: {  	[tilespmem:$0x8D60] =	vst v7  }
0x16e: {  	[tilespmem:$0x8E60] =	vst v2  }
0x16f: {  	[tilespmem:$0x9460] =	vst v8  }
0x170: {  	[tilespmem:$0x8D70] =	vst v7  }
0x171: {  	[tilespmem:$0x8E70] =	vst v2  }
0x172: {  	[tilespmem:$0x9470] =	vst v8  }
0x173: {  	[tilespmem:$0x8D80] =	vst v7  }
0x174: {  	[tilespmem:$0x8E80] =	vst v2  }
0x175: {  	[tilespmem:$0x9480] =	vst v8  }
0x176: {  	[tilespmem:$0x8D90] =	vst v7  }
0x177: {  	[tilespmem:$0x8E90] =	vst v2  }
0x178: {  	[tilespmem:$0x9490] =	vst v8  }
0x179: {  	[tilespmem:$0x8DA0] =	vst v7  }
0x17a: {  	[tilespmem:$0x8EA0] =	vst v2  }
0x17b: {  	[tilespmem:$0x94A0] =	vst v8  }
0x17c: {  	[tilespmem:$0x8DB0] =	vst v7  }
0x17d: {  	[tilespmem:$0x8EB0] =	vst v2  }
0x17e: {  	[tilespmem:$0x94B0] =	vst v8  }
0x17f: {  	[tilespmem:$0x8DC0] =	vst v7  }
0x180: {  	[tilespmem:$0x8EC0] =	vst v2  }
0x181: {  	[tilespmem:$0x94C0] =	vst v8  }
0x182: {  	[tilespmem:$0x8DD0] =	vst v7  }
0x183: {  	[tilespmem:$0x8ED0] =	vst v2  }
0x184: {  	[tilespmem:$0x94D0] =	vst v8  }
0x185: {  	[tilespmem:$0x8DE0] =	vst v7  }
0x186: {  	[tilespmem:$0x8EE0] =	vst v2  }
0x187: {  	[tilespmem:$0x94E0] =	vst v8  }
0x188: {  	[tilespmem:$0x8DF0] =	vst v7  }
0x189: {  	[tilespmem:$0x8EF0] =	vst v2  }
0x18a: {  	[tilespmem:$0x94F0] =	vst v8  }
0x18b: {  	[tilespmem:$0x8E00] =	vst v7  }
0x18c: {  	[tilespmem:$0x8F00] =	vst v2  }
0x18d: {  	[tilespmem:$0x9500] =	vst v8  }
0x18e: {  	[tilespmem:$0x8E10] =	vst v7  }
0x18f: {  	[tilespmem:$0x8F10] =	vst v2  }
0x190: {  	[tilespmem:$0x9510] =	vst v8  }
0x191: {  	[tilespmem:$0x8E20] =	vst v7  }
0x192: {  	[tilespmem:$0x8F20] =	vst v2  }
0x193: {  	[tilespmem:$0x9520] =	vst v8  }
0x194: {  	[tilespmem:$0x8E30] =	vst v7  }
0x195: {  	[tilespmem:$0x8F30] =	vst v2  }
0x196: {  	[tilespmem:$0x9530] =	vst v8  }
0x197: {  	[tilespmem:$0x8C00] =	vst v6  }
0x198: {  	[tilespmem:$0x8C10] =	vst v6  }
0x199: {  	[tilespmem:$0x8C20] =	vst v6  }
0x19a: {  	[tilespmem:$0x8C30] =	vst v6  }
0x19b: {  	[tilespmem:$0x8C40] =	vst v6  }
0x19c: {  	[tilespmem:$0x8C50] =	vst v6  }
0x19d: {  	[tilespmem:$0x8C60] =	vst v6  }
0x19e: {  	s0 =	sadd.s32 $0xF, s0;
	[tilespmem:$0x8C70] =	vst v6  }
0x19f: {  	s15 =	sand.u32 $0xF, s0;
	[tilespmem:$0x8C80] =	vst v6  }
0x1a0: {  	s30 =	sshra.s32 s0, $0x1F;
	p0 =	slt.s32 s0, $0x1;
	p1 =	sne.s32 s15, $0x0;
	[tilespmem:$0x8C90] =	vst v6  }
0x1a1: {  	s31 =	sshrl.u32 s30, $0x1C;
	p0 =	por !p0, !p1;
	[tilespmem:$0x8CA0] =	vst v6  }
0x1a2: {  	s1 =	simm.s32 $0x1;
	s0 =	sadd.s32 s31, s0;
	p0 =	por !p0, !p0;
	[tilespmem:$0x8CB0] =	vst v6  }
0x1a3: {  	s0 =	sshra.s32 s0, $0x4;
	s1 =	simm.s32 @!p0 $0x0;
	[tilespmem:$0x8CC0] =	vst v6  }
0x1a4: {  	s0 =	ssub.s32 s0, s1;
	[tilespmem:$0x8CD0] =	vst v6  }
0x1a5: {  	p0 =	sgt.s32 s0, $0x0;
	[tilespmem:$0x8CE0] =	vst v6  }
.Ltmp4:
0x1a6: {  	[tilespmem:$0x8CF0] =	vst v6;
	(pc) =	sbr.rel @!p0 .LBB2_5-.Ltmp4, $4  }
0x1a7: {  	[tilespmem:$0x8D00] =	vst v6  }
0x1a8: {  	[tilespmem:$0x8D10] =	vst v6  }
0x1a9: {  	[tilespmem:$0x8D20] =	vst v6  }
0x1aa: {  	[tilespmem:$0x8D30] =	vst v6  }
0x1ab: {  	v9 =	vor.u32 s11, v0;
	_ =	sdelay $0x4  }
0x1ac: {  	v9 =	vld.idx.msk [tilespmem:v9+s19+$0x0], $0xffff;
	_ =	sdelay $0x3  }
0x1ad: {  	p0 =	seq.s32 s0, $0x1  }
.Ltmp5:
0x1ae: {  	(xrf0) =	vmax.scan.msk.f32 $0xffff, v9;
	(pc) =	sbr.rel @p0 .LBB2_11-.Ltmp5, $2  }
0x1af: {  	_ =	sdelay $0x2  }
0x1b0: {  	s1 =	simm.s32 $0x1;
	s3 =	simm.s32 $0x10;
	v9 =	vmov s11  }
.LBB2_10:
0x1b1: {  	v10 =	vor.u32 s3, v0;
	s4 =	smov.u32 s1;
	s1 =	sadd.s32 $0x1, s1  }
0x1b2: {  	p0 =	seq.s32 s0, s1;
	v11, _, _ =	vpop (xrf0)  }
0x1b3: {  	v11 =	vbroadcast v11, $0xF;
	_ =	sdelay $0x1  }
0x1b4: {  	[tilespmem:v9+s21+$0x0] =	vst.idx.msk $0x1, v11  }
0x1b5: {  	v9 =	vld.idx.msk [tilespmem:v10+s19+$0x0], $0xffff;
	_ =	sdelay $0x5  }
.Ltmp6:
0x1b6: {  	(xrf0) =	vmax.scan.msk.f32 $0xffff, v9;
	(pc) =	sbr.rel @!p0 .LBB2_10-.Ltmp6, $2  }
0x1b7: {  	_ =	sdelay $0x2  }
0x1b8: {  	s3 =	sadd.s32 $0x10, s3;
	v9 =	vmov s4  }
.LBB2_11:
0x1b9: {  	_ = 	snop  }
0x1ba: {  	v10, _, _ =	vpop (xrf0)  }
0x1bb: {  	v10 =	vbroadcast v10, $0xF;
	_ =	sdelay $0x1  }
0x1bc: {  	[tilespmem:v9+s21+$0x0] =	vst.idx.msk $0x1, v10  }
.LBB2_5:
0x1bd: {  	s1 =	sadd.s32 $0xF, s0  }
0x1be: {  	s3 =	sand.u32 $0xF, s1  }
0x1bf: {  	p0 =	slt.s32 s0, $0xFFFFFFF2;
	s4 =	sshra.s32 s1, $0x1F;
	p1 =	sne.s32 s3, $0x0  }
0x1c0: {  	s30 =	sshrl.u32 s4, $0x1C;
	p0 =	por !p0, !p1  }
0x1c1: {  	s0 =	sadd.s32 s30, s1;
	s1 =	simm.s32 $0x1;
	p0 =	por !p0, !p0  }
0x1c2: {  	s0 =	sshra.s32 s0, $0x4;
	s1 =	simm.s32 @!p0 $0x0  }
.Ltmp7:
0x1c3: {  	s31 =	ssub.s32 s0, s1;
	(pc) =	sbr.rel .LBB2_6-.Ltmp7, $4  }
0x1c4: {  	p0 =	slt.s32 s31, $0x1  }
0x1c5: {  	s0 =	simm.s32 @!p0 $0x0  }
0x1c6: {  	s0 =	simm.s32 @p0 $0x1  }
0x1c7: {  	[smem:$0x7FD] =	sst s0;
	s0 =	simm.s32 $0x0  }
.LBB2_8:
0x1c8: {  	s8 =	simm.f32 $-1.000000020e+30;
	s6 =	smov.u32 s11;
	s30 =	smov.u32 s11  }
.LBB2_21:
0x1c9: {  	v10, _, _ =	vpop @p1 (xrf0);
	(xrf0) =	vmax.scan.msk.f32 $0xffff, v9  }
0x1ca: {  	(v2sf) =	vpush @p1 v10, $0xF  }
0x1cb: {  	p5 =	por !p5, !p4  }
0x1cc: {  	s10 =	smov.u32 @p5 s8;
	s8 =	simm.f32 $-1.000000020e+30  }
0x1cd: {  	s8 =	smov.u32 @p4 s10;
	s10 =	spop @p3 (v2sf)  }
0x1ce: {  	p6 =	sgt.f32 @p3 s10, s8  }
0x1cf: {  	v9, _, _ =	vpop (xrf0)  }
0x1d0: {  	p6 =	por @!p3 p0, p0;
	(v2sf) =	vpush v9, $0xF  }
0x1d1: {  	s10 =	smov.u32 @p3 s10;
	p6 =	por !p6, !p3  }
0x1d2: {  	s10 =	smov.u32 @p6 s8;
	s8 =	simm.f32 $-1.000000020e+30  }
0x1d3: {  	s8 =	smov.u32 @p3 s10;
	s10 =	spop @p2 (v2sf)  }
0x1d4: {  	p0 =	sgt.f32 @p2 s10, s8;
	_ =	sdelay $0x1  }
0x1d5: {  	s7 =	smov.u32 @p5 s6;
	s6 =	smov.u32 @p3 s9;
	p0 =	por @!p2 p0, p0  }
0x1d6: {  	s9 =	smov.u32 s11;
	s10 =	smov.u32 @p2 s10;
	p5 =	por !p0, !p2  }
0x1d7: {  	s9 =	smov.u32 @p4 s7;
	s7 =	simm.f32 $-1.000000020e+30;
	s10 =	smov.u32 @p5 s8  }
0x1d8: {  	s7 =	smov.u32 @p2 s10;
	s10 =	spop @p1 (v2sf)  }
0x1d9: {  	s6 =	smov.u32 @p3 s6;
	p0 =	sgt.f32 @p1 s10, s7  }
0x1da: {  	s3 =	smov.u32 @p1 s5;
	s5 =	smov.u32 s11;
	s6 =	smov.u32 @p6 s9  }
0x1db: {  	s5 =	smov.u32 @p3 s6;
	s8 =	smov.u32 s11;
	p0 =	por @!p1 p0, p0  }
0x1dc: {  	s8 =	smov.u32 @p2 s4;
	s6 =	smov.u32 @p1 s10;
	p0 =	por !p0, !p1  }
0x1dd: {  	s3 =	smov.u32 @p1 s3;
	s4 =	smov.u32 @p2 s8;
	s6 =	smov.u32 @p0 s7  }
0x1de: {  	s4 =	smov.u32 @p2 s4;
	s7 =	spop (v2sf);
	s1 =	smov.u32 @p1 s6  }
0x1df: {  	s4 =	smov.u32 @p5 s5;
	s5 =	smov.u32 s11;
	p3 =	sgt.f32 s7, s1  }
0x1e0: {  	s3 =	smov.u32 @p1 s3;
	s5 =	smov.u32 @p2 s4  }
0x1e1: {  	s4 =	smov.u32 s11;
	s3 =	smov.u32 @p0 s5;
	s1 =	smov.u32 @p3 s7  }
0x1e2: {  	s4 =	smov.u32 @p1 s3;
	p1 =	sgt.f32 s1, $5.000000070e-02  }
0x1e3: {  	s4 =	smov.u32 @p3 s30  }
0x1e4: {  	s3 =	sshll.u32 @p1 s4, $0x4;
	v9 =	vlaneseq.u32 @p1  }
0x1e5: {  	v10 =	vor.u32 @p1 s3, v9;
	_ =	sdelay $0x3  }
0x1e6: {  	s4 =	simm.s32 @p1 $0x8C00  }
0x1e7: {  	v10 =	vld.idx.msk @p1 [tilespmem:v10+s4+$0x0], $0xffff;
	_ =	sdelay $0x4  }
0x1e8: {  	vm0 =	veq.f32 @p1 v10, s1  }
0x1e9: {  	v10 =	vmctz.xlane @p1 vm0;
	_ =	sdelay $0x1  }
0x1ea: {  	v10 =	vxor.u32 @p1 $0x80000000, v10  }
0x1eb: {  	(xrf0) =	vmax.scan.msk.u32 @p1 $0xffff, v10;
	_ =	sdelay $0x5  }
0x1ec: {  	v10, _, _ =	vpop @p1 (xrf0)  }
0x1ed: {  	(v2sf) =	vpush @p1 v10, $0xF;
	_ =	sdelay $0xe  }
0x1ee: {  	s5 =	spop @p1 (v2sf)  }
0x1ef: {  	s3 =	sadd.s32 @p1 s5, s3  }
0x1f0: {  	s3 =	sadd.s32 @p1 $0x80000000, s3  }
0x1f1: {  	s5 =	sshll.u32 @p1 s3, $0x4  }
0x1f2: {  	v10 =	vor.u32 @p1 s5, v9;
	_ =	sdelay $0x3  }
0x1f3: {  	s6 =	simm.s32 @p1 $0x6400  }
0x1f4: {  	v11 =	vld.idx.msk @p1 [tilespmem:v10+s6+$0x0], $0xffff;
	_ =	sdelay $0x4  }
0x1f5: {  	vm0 =	veq.f32 @p1 v11, s1  }
0x1f6: {  	v12 =	vmctz.xlane @p1 vm0;
	_ =	sdelay $0x1  }
0x1f7: {  	v12 =	vxor.u32 @p1 $0x80000000, v12  }
0x1f8: {  	(xrf0) =	vmax.scan.msk.u32 @p1 $0xffff, v12;
	_ =	sdelay $0x5  }
0x1f9: {  	v12, _, _ =	vpop @p1 (xrf0)  }
0x1fa: {  	(v2sf) =	vpush @p1 v12, $0xF;
	_ =	sdelay $0xe  }
0x1fb: {  	s7 =	spop @p1 (v2sf)  }
0x1fc: {  	s7 =	sxor.u32 @p1 $0x80000000, s7  }
0x1fd: {  	s5 =	sadd.s32 @p1 s7, s5  }
0x1fe: {  	v12 =	vmov @p1 s5;
	_ =	sdelay $0x3  }
0x1ff: {  	s5 =	simm.s32 @p1 $0x7800  }
0x200: {  	v12 =	vld.idx.msk @p1 [tilespmem:v12+s5+$0x0], $0xffff;
	_ =	sdelay $0x4  }
0x201: {  	v12 =	vxor.u32 @p1 $0x80000000, v12  }
0x202: {  	(xrf0) =	vmax.scan.msk.u32 @p1 $0xffff, v12;
	_ =	sdelay $0x5  }
0x203: {  	v12, _, _ =	vpop @p1 (xrf0)  }
0x204: {  	(v2sf) =	vpush @p1 v12, $0xF;
	_ =	sdelay $0x7  }
0x205: {  	v12 =	vmov @p1 s7  }
0x206: {  	vm0 =	veq.s32 @p1 v12, v9  }
0x207: {  	v9 =	vsel @p1 vm0, $0xF149F2CA, v11  }
0x208: {  	(xrf0) =	vmax.scan.msk.f32 @p1 $0xffff, v9  }
0x209: {  	v11 =	vmov @p1 s0;
	_ =	sdelay $0x2  }
0x20a: {  	v12 =	vmov @p1 s3;
	s5 =	spop @p1 (v2sf)  }
0x20b: {  	v13 =	vmov @p1 s1;
	s3 =	simm.s32 @p1 $0x8D40;
	s1 =	sxor.u32 @p1 $0x80000000, s5  }
0x20c: {  	[tilespmem:v11+s3+$0x0] =	vst.idx.msk @p1 $0x1, v13;
	v14, _, _ =	vpop @p1 (xrf0);
	v13 =	vmov @p1 s1;
	s1 =	simm.s32 @p1 $0x8E40  }
0x20d: {  	[tilespmem:v11+s1+$0x0] =	vst.idx.msk @p1 $0x1, v13;
	v11 =	vbroadcast @p1 v14, $0xF  }
0x20e: {  	[tilespmem:v10+s6+$0x0] =	vst.idx.msk @p1 $0xffff, v9  }
0x20f: {  	[tilespmem:v12+s4+$0x0] =	vst.idx.msk @p1 $0x1, v11  }
.LBB2_22:
0x210: {  	s0 =	sadd.s32 $0x1, s0  }
0x211: {  	p0 =	sne.s32 s0, $0xC8  }
.Ltmp8:
0x212: {  	_ = 	snop;
	(pc) =	sbr.rel @!p0 .LBB2_23-.Ltmp8, $1  }
0x213: {  	_ =	sdelay $0x3  }
.LBB2_6:
0x214: {  	s3 =	sld [smem:$0x7FD];
	_ =	sdelay $0x2  }
0x215: {  	p0 =	seq.s32 s3, $0x1  }
.Ltmp9:
0x216: {  	_ = 	snop;
	(pc) =	sbr.rel @p0 .LBB2_22-.Ltmp9, $2  }
0x217: {  	_ =	sdelay $0x2  }
0x218: {  	s1 =	simm.f32 $-1.000000020e+30  }
0x219: {  	v9 =	vor.u32 s11, v0;
	_ =	sdelay $0x3  }
0x21a: {  	p5 =	sne.s32 s31, $0x1  }
.Ltmp10:
0x21b: {  	v9 =	vld.idx.msk [tilespmem:v9+s21+$0x0], $0xffff;
	(pc) =	sbr.rel @!p5 .LBB2_8-.Ltmp10, $3  }
0x21c: {  	_ =	sdelay $0x1  }
0x21d: {  	s3 =	simm.s32 $0x1;
	s4 =	simm.s32 $0x10;
	p1 =	por $0x0, $0x0  }
0x21e: {  	p2 =	por $0x0, $0x0;
	p3 =	por $0x0, $0x0;
	p4 =	por $0x0, $0x0  }
0x21f: {  	v10 =	vor.u32 s4, v0;
	_ =	sdelay $0x3  }
0x220: {  	p5 =	sne.s32 s31, $0x2;
	(xrf0) =	vmax.scan.msk.f32 $0xffff, v9  }
.Ltmp11:
0x221: {  	v9 =	vld.idx.msk [tilespmem:v10+s21+$0x0], $0xffff;
	(pc) =	sbr.rel @!p5 .LBB2_13-.Ltmp11, $2  }
0x222: {  	_ =	sdelay $0x2  }
0x223: {  	s4 =	simm.s32 $0x2;
	s5 =	simm.s32 $0x20;
	p1 =	por $0x1, $0x1  }
0x224: {  	v10 =	vor.u32 s5, v0;
	_ =	sdelay $0x3  }
0x225: {  	v11, _, _ =	vpop (xrf0);
	p5 =	sne.s32 s31, $0x3;
	(xrf0) =	vmax.scan.msk.f32 $0xffff, v9  }
.Ltmp12:
0x226: {  	v9 =	vld.idx.msk [tilespmem:v10+s21+$0x0], $0xffff;
	(pc) =	sbr.rel @!p5 .LBB2_15-.Ltmp12, $2  }
0x227: {  	_ =	sdelay $0x2  }
0x228: {  	s5 =	simm.s32 $0x3;
	s6 =	simm.s32 $0x30;
	p2 =	por $0x1, $0x1;
	(v2sf) =	vpush v11, $0xF  }
0x229: {  	v11, _, _ =	vpop (xrf0)  }
0x22a: {  	(v2sf) =	vpush v11, $0xF  }
0x22b: {  	v10 =	vor.u32 s6, v0;
	_ =	sdelay $0x3  }
0x22c: {  	p5 =	sne.s32 s31, $0x4;
	(xrf0) =	vmax.scan.msk.f32 $0xffff, v9  }
.Ltmp13:
0x22d: {  	v9 =	vld.idx.msk [tilespmem:v10+s21+$0x0], $0xffff;
	(pc) =	sbr.rel @!p5 .LBB2_17-.Ltmp13, $2  }
0x22e: {  	_ =	sdelay $0x2  }
0x22f: {  	s30 =	simm.s32 $0x4;
	s6 =	simm.s32 $0x40;
	p3 =	por $0x1, $0x1  }
0x230: {  	v10 =	vor.u32 s6, v0;
	_ =	sdelay $0x3  }
0x231: {  	p6 =	sne.s32 s31, $0x5;
	v11, _, _ =	vpop (xrf0);
	(xrf0) =	vmax.scan.msk.f32 $0xffff, v9  }
.Ltmp14:
0x232: {  	(v2sf) =	vpush v11, $0xF;
	v9 =	vld.idx.msk [tilespmem:v10+s21+$0x0], $0xffff;
	(pc) =	sbr.rel @!p6 .LBB2_19-.Ltmp14, $4  }
0x233: {  	_ = 	snop  }
0x234: {  	s12 =	simm.s32 $0x5;
	s13 =	simm.s32 $0x50;
	s10 =	spop (v2sf)  }
0x235: {  	p4 =	por $0x1, $0x1;
	s8 =	simm.f32 $-1.000000020e+30;
	p5 =	sgt.f32 s10, s1  }
0x236: {  	s7 =	simm.s32 $0x0;
	s6 =	simm.s32 $0x0;
	s9 =	simm.s32 $0x1  }
.LBB2_20:
0x237: {  	v10 =	vor.u32 s13, v0;
	s15 =	smov.u32 s12;
	s12 =	sadd.s32 $0x1, s12;
	s8 =	smov.u32 @p5 s10  }
0x238: {  	s6 =	smov.u32 @p5 s7;
	s7 =	smov.u32 s9;
	p6 =	sne.s32 s31, s12  }
.Ltmp15:
0x239: {  	s9 =	smov.u32 s4;
	s4 =	smov.u32 s5;
	(pc) =	sbr.rel @p6 .LBB2_20-.Ltmp15, $4  }
0x23a: {  	s5 =	smov.u32 s30;
	s30 =	smov.u32 s15;
	v11, _, _ =	vpop (xrf0)  }
0x23b: {  	(xrf0) =	vmax.scan.msk.f32 $0xffff, v9;
	(v2sf) =	vpush v11, $0xF  }
0x23c: {  	v9 =	vld.idx.msk [tilespmem:v10+s21+$0x0], $0xffff;
	s10 =	spop (v2sf)  }
0x23d: {  	s13 =	sadd.s32 $0x10, s13;
	p5 =	sgt.f32 s10, s8  }
.Ltmp16:
0x23e: {  	_ = 	snop;
	(pc) =	sbr.rel .LBB2_21-.Ltmp16, $1  }
0x23f: {  	_ =	sdelay $0x3  }
.LBB2_13:
.Ltmp17:
0x240: {  	(pc) =	sbr.rel .LBB2_21-.Ltmp17, $3  }
0x241: {  	_ =	sdelay $0x1  }
0x242: {  	s8 =	simm.f32 $-1.000000020e+30  }
0x243: {  	s6 =	smov.u32 s11;
	s5 =	smov.u32 s11;
	s30 =	simm.s32 $0x1  }
.LBB2_15:
.Ltmp18:
0x244: {  	(pc) =	sbr.rel .LBB2_21-.Ltmp18, $3  }
0x245: {  	_ =	sdelay $0x1  }
0x246: {  	s8 =	simm.f32 $-1.000000020e+30;
	s6 =	smov.u32 s11  }
0x247: {  	s4 =	smov.u32 s11;
	s5 =	simm.s32 $0x1;
	s30 =	simm.s32 $0x2  }
.LBB2_17:
.Ltmp19:
0x248: {  	(pc) =	sbr.rel .LBB2_21-.Ltmp19, $3  }
0x249: {  	_ =	sdelay $0x1  }
0x24a: {  	s8 =	simm.f32 $-1.000000020e+30;
	s6 =	smov.u32 s11;
	s9 =	smov.u32 s11  }
0x24b: {  	s4 =	simm.s32 $0x1;
	s5 =	simm.s32 $0x2;
	s30 =	simm.s32 $0x3  }
0x24c: {  	_ = 	snop  }
.LBB2_19:
.Ltmp20:
0x24d: {  	(pc) =	sbr.rel .LBB2_21-.Ltmp20, $3  }
0x24e: {  	_ =	sdelay $0x1  }
0x24f: {  	s8 =	simm.f32 $-1.000000020e+30;
	s7 =	simm.s32 $0x0;
	s6 =	simm.s32 $0x0  }
0x250: {  	s9 =	simm.s32 $0x1;
	s4 =	simm.s32 $0x2;
	s5 =	simm.s32 $0x3  }
.LBB2_23:
0x251: {  	v9 =	vld [tilespmem:$0x8E40];
	_ =	sdelay $0x6  }
0x252: {  	s3 =	simm.s32 $0x1400  }
0x253: {  	v10 =	vld.idx.msk [tilespmem:v9+s3+$0x0], $0xffff  }
0x254: {  	v11 =	vld.idx.msk [tilespmem:v9+s16+$0x0], $0xffff  }
0x255: {  	v12 =	vld.idx.msk [tilespmem:v9+s17+$0x0], $0xffff  }
0x256: {  	v9 =	vld.idx.msk [tilespmem:v9+s18+$0x0], $0xffff;
	_ =	sdelay $0x2  }
0x257: {  	v13 =	vld [tilespmem:$0x8E50];
	_ =	sdelay $0x1  }
0x258: {  	v14 =	vsub.f32 v12, v10;
	v15 =	vsub.f32 v9, v11  }
0x259: {  	[tilespmem:$0x8F40] =	vst v10  }
0x25a: {  	[tilespmem:$0x9040] =	vst v11;
	v10 =	vmax.f32 v14, $0.0e+00;
	v11 =	vmax.f32 v15, $0.0e+00  }
0x25b: {  	[tilespmem:$0x9140] =	vst v12;
	v10 =	vmul.f32 v11, v10  }
0x25c: {  	[tilespmem:$0x9240] =	vst v9  }
0x25d: {  	[tilespmem:$0x9340] =	vst v10  }
0x25e: {  	v9 =	vld.idx.msk [tilespmem:v13+s3+$0x0], $0xffff  }
0x25f: {  	v10 =	vld.idx.msk [tilespmem:v13+s16+$0x0], $0xffff  }
0x260: {  	v11 =	vld.idx.msk [tilespmem:v13+s17+$0x0], $0xffff  }
0x261: {  	v12 =	vld.idx.msk [tilespmem:v13+s18+$0x0], $0xffff;
	_ =	sdelay $0x2  }
0x262: {  	v29 =	vld [tilespmem:$0x8E60];
	_ =	sdelay $0x1  }
0x263: {  	v30 =	vsub.f32 v11, v9;
	v31 =	vsub.f32 v12, v10  }
0x264: {  	[tilespmem:$0x8F50] =	vst v9  }
0x265: {  	[tilespmem:$0x9050] =	vst v10;
	v9 =	vmax.f32 v30, $0.0e+00;
	v10 =	vmax.f32 v31, $0.0e+00  }
0x266: {  	[tilespmem:$0x9150] =	vst v11;
	v9 =	vmul.f32 v10, v9  }
0x267: {  	[tilespmem:$0x9250] =	vst v12  }
0x268: {  	[tilespmem:$0x9350] =	vst v9  }
0x269: {  	v9 =	vld.idx.msk [tilespmem:v29+s3+$0x0], $0xffff  }
0x26a: {  	v10 =	vld.idx.msk [tilespmem:v29+s16+$0x0], $0xffff  }
0x26b: {  	v11 =	vld.idx.msk [tilespmem:v29+s17+$0x0], $0xffff  }
0x26c: {  	v12 =	vld.idx.msk [tilespmem:v29+s18+$0x0], $0xffff;
	_ =	sdelay $0x2  }
0x26d: {  	v32 =	vld [tilespmem:$0x8E70];
	_ =	sdelay $0x1  }
0x26e: {  	v33 =	vsub.f32 v11, v9;
	v34 =	vsub.f32 v12, v10  }
0x26f: {  	[tilespmem:$0x8F60] =	vst v9  }
0x270: {  	[tilespmem:$0x9060] =	vst v10;
	v9 =	vmax.f32 v33, $0.0e+00;
	v10 =	vmax.f32 v34, $0.0e+00  }
0x271: {  	[tilespmem:$0x9160] =	vst v11;
	v9 =	vmul.f32 v10, v9  }
0x272: {  	[tilespmem:$0x9260] =	vst v12  }
0x273: {  	[tilespmem:$0x9360] =	vst v9  }
0x274: {  	v9 =	vld.idx.msk [tilespmem:v32+s3+$0x0], $0xffff  }
0x275: {  	v10 =	vld.idx.msk [tilespmem:v32+s16+$0x0], $0xffff  }
0x276: {  	v11 =	vld.idx.msk [tilespmem:v32+s17+$0x0], $0xffff  }
0x277: {  	v12 =	vld.idx.msk [tilespmem:v32+s18+$0x0], $0xffff;
	_ =	sdelay $0x2  }
0x278: {  	v35 =	vld [tilespmem:$0x8E80];
	_ =	sdelay $0x1  }
0x279: {  	v36 =	vsub.f32 v11, v9;
	v37 =	vsub.f32 v12, v10  }
0x27a: {  	[tilespmem:$0x8F70] =	vst v9  }
0x27b: {  	[tilespmem:$0x9070] =	vst v10;
	v9 =	vmax.f32 v36, $0.0e+00;
	v10 =	vmax.f32 v37, $0.0e+00  }
0x27c: {  	[tilespmem:$0x9170] =	vst v11;
	v9 =	vmul.f32 v10, v9  }
0x27d: {  	[tilespmem:$0x9270] =	vst v12  }
0x27e: {  	[tilespmem:$0x9370] =	vst v9  }
0x27f: {  	v9 =	vld.idx.msk [tilespmem:v35+s3+$0x0], $0xffff  }
0x280: {  	v10 =	vld.idx.msk [tilespmem:v35+s16+$0x0], $0xffff  }
0x281: {  	v11 =	vld.idx.msk [tilespmem:v35+s17+$0x0], $0xffff  }
0x282: {  	v12 =	vld.idx.msk [tilespmem:v35+s18+$0x0], $0xffff;
	_ =	sdelay $0x2  }
0x283: {  	v38 =	vld [tilespmem:$0x8E90];
	_ =	sdelay $0x1  }
0x284: {  	v39 =	vsub.f32 v11, v9;
	v40 =	vsub.f32 v12, v10  }
0x285: {  	[tilespmem:$0x8F80] =	vst v9  }
0x286: {  	[tilespmem:$0x9080] =	vst v10;
	v9 =	vmax.f32 v39, $0.0e+00;
	v10 =	vmax.f32 v40, $0.0e+00  }
0x287: {  	[tilespmem:$0x9180] =	vst v11;
	v9 =	vmul.f32 v10, v9  }
0x288: {  	[tilespmem:$0x9280] =	vst v12  }
0x289: {  	[tilespmem:$0x9380] =	vst v9  }
0x28a: {  	v9 =	vld.idx.msk [tilespmem:v38+s3+$0x0], $0xffff  }
0x28b: {  	v10 =	vld.idx.msk [tilespmem:v38+s16+$0x0], $0xffff  }
0x28c: {  	v11 =	vld.idx.msk [tilespmem:v38+s17+$0x0], $0xffff  }
0x28d: {  	v12 =	vld.idx.msk [tilespmem:v38+s18+$0x0], $0xffff;
	_ =	sdelay $0x2  }
0x28e: {  	v41 =	vld [tilespmem:$0x8EA0];
	_ =	sdelay $0x1  }
0x28f: {  	v42 =	vsub.f32 v11, v9;
	v43 =	vsub.f32 v12, v10  }
0x290: {  	[tilespmem:$0x8F90] =	vst v9  }
0x291: {  	[tilespmem:$0x9090] =	vst v10;
	v9 =	vmax.f32 v42, $0.0e+00;
	v10 =	vmax.f32 v43, $0.0e+00  }
0x292: {  	[tilespmem:$0x9190] =	vst v11;
	v9 =	vmul.f32 v10, v9  }
0x293: {  	[tilespmem:$0x9290] =	vst v12  }
0x294: {  	[tilespmem:$0x9390] =	vst v9  }
0x295: {  	v9 =	vld.idx.msk [tilespmem:v41+s3+$0x0], $0xffff  }
0x296: {  	v10 =	vld.idx.msk [tilespmem:v41+s16+$0x0], $0xffff  }
0x297: {  	v11 =	vld.idx.msk [tilespmem:v41+s17+$0x0], $0xffff  }
0x298: {  	v12 =	vld.idx.msk [tilespmem:v41+s18+$0x0], $0xffff;
	_ =	sdelay $0x2  }
0x299: {  	v44 =	vld [tilespmem:$0x8EB0];
	_ =	sdelay $0x1  }
0x29a: {  	v45 =	vsub.f32 v11, v9;
	v46 =	vsub.f32 v12, v10  }
0x29b: {  	[tilespmem:$0x8FA0] =	vst v9  }
0x29c: {  	[tilespmem:$0x90A0] =	vst v10;
	v9 =	vmax.f32 v45, $0.0e+00;
	v10 =	vmax.f32 v46, $0.0e+00  }
0x29d: {  	[tilespmem:$0x91A0] =	vst v11;
	v9 =	vmul.f32 v10, v9  }
0x29e: {  	[tilespmem:$0x92A0] =	vst v12  }
0x29f: {  	[tilespmem:$0x93A0] =	vst v9  }
0x2a0: {  	v9 =	vld.idx.msk [tilespmem:v44+s3+$0x0], $0xffff  }
0x2a1: {  	v10 =	vld.idx.msk [tilespmem:v44+s16+$0x0], $0xffff  }
0x2a2: {  	v11 =	vld.idx.msk [tilespmem:v44+s17+$0x0], $0xffff  }
0x2a3: {  	v12 =	vld.idx.msk [tilespmem:v44+s18+$0x0], $0xffff;
	_ =	sdelay $0x2  }
0x2a4: {  	v47 =	vld [tilespmem:$0x8EC0];
	_ =	sdelay $0x1  }
0x2a5: {  	v48 =	vsub.f32 v11, v9;
	v49 =	vsub.f32 v12, v10  }
0x2a6: {  	[tilespmem:$0x8FB0] =	vst v9  }
0x2a7: {  	[tilespmem:$0x90B0] =	vst v10;
	v9 =	vmax.f32 v48, $0.0e+00;
	v10 =	vmax.f32 v49, $0.0e+00  }
0x2a8: {  	[tilespmem:$0x91B0] =	vst v11;
	v9 =	vmul.f32 v10, v9  }
0x2a9: {  	[tilespmem:$0x92B0] =	vst v12  }
0x2aa: {  	[tilespmem:$0x93B0] =	vst v9  }
0x2ab: {  	v9 =	vld.idx.msk [tilespmem:v47+s3+$0x0], $0xffff  }
0x2ac: {  	v10 =	vld.idx.msk [tilespmem:v47+s16+$0x0], $0xffff  }
0x2ad: {  	v11 =	vld.idx.msk [tilespmem:v47+s17+$0x0], $0xffff  }
0x2ae: {  	v12 =	vld.idx.msk [tilespmem:v47+s18+$0x0], $0xffff;
	_ =	sdelay $0x2  }
0x2af: {  	v50 =	vld [tilespmem:$0x8ED0];
	_ =	sdelay $0x1  }
0x2b0: {  	v51 =	vsub.f32 v11, v9;
	v52 =	vsub.f32 v12, v10  }
0x2b1: {  	[tilespmem:$0x8FC0] =	vst v9  }
0x2b2: {  	[tilespmem:$0x90C0] =	vst v10;
	v9 =	vmax.f32 v51, $0.0e+00;
	v10 =	vmax.f32 v52, $0.0e+00  }
0x2b3: {  	[tilespmem:$0x91C0] =	vst v11;
	v9 =	vmul.f32 v10, v9  }
0x2b4: {  	[tilespmem:$0x92C0] =	vst v12  }
0x2b5: {  	[tilespmem:$0x93C0] =	vst v9  }
0x2b6: {  	v9 =	vld.idx.msk [tilespmem:v50+s3+$0x0], $0xffff  }
0x2b7: {  	v10 =	vld.idx.msk [tilespmem:v50+s16+$0x0], $0xffff  }
0x2b8: {  	v11 =	vld.idx.msk [tilespmem:v50+s17+$0x0], $0xffff  }
0x2b9: {  	v12 =	vld.idx.msk [tilespmem:v50+s18+$0x0], $0xffff;
	_ =	sdelay $0x2  }
0x2ba: {  	v53 =	vld [tilespmem:$0x8EE0];
	_ =	sdelay $0x1  }
0x2bb: {  	v54 =	vsub.f32 v11, v9;
	v55 =	vsub.f32 v12, v10  }
0x2bc: {  	[tilespmem:$0x8FD0] =	vst v9  }
0x2bd: {  	[tilespmem:$0x90D0] =	vst v10;
	v9 =	vmax.f32 v54, $0.0e+00;
	v10 =	vmax.f32 v55, $0.0e+00  }
0x2be: {  	[tilespmem:$0x91D0] =	vst v11;
	v9 =	vmul.f32 v10, v9  }
0x2bf: {  	[tilespmem:$0x92D0] =	vst v12  }
0x2c0: {  	[tilespmem:$0x93D0] =	vst v9  }
0x2c1: {  	v9 =	vld.idx.msk [tilespmem:v53+s3+$0x0], $0xffff  }
0x2c2: {  	v10 =	vld.idx.msk [tilespmem:v53+s16+$0x0], $0xffff  }
0x2c3: {  	v11 =	vld.idx.msk [tilespmem:v53+s17+$0x0], $0xffff  }
0x2c4: {  	v12 =	vld.idx.msk [tilespmem:v53+s18+$0x0], $0xffff;
	_ =	sdelay $0x2  }
0x2c5: {  	v56 =	vld [tilespmem:$0x8EF0];
	_ =	sdelay $0x1  }
0x2c6: {  	v57 =	vsub.f32 v11, v9;
	v58 =	vsub.f32 v12, v10  }
0x2c7: {  	[tilespmem:$0x8FE0] =	vst v9  }
0x2c8: {  	[tilespmem:$0x90E0] =	vst v10;
	v9 =	vmax.f32 v57, $0.0e+00;
	v10 =	vmax.f32 v58, $0.0e+00  }
0x2c9: {  	[tilespmem:$0x91E0] =	vst v11;
	v9 =	vmul.f32 v10, v9  }
0x2ca: {  	[tilespmem:$0x92E0] =	vst v12  }
0x2cb: {  	[tilespmem:$0x93E0] =	vst v9  }
0x2cc: {  	v9 =	vld.idx.msk [tilespmem:v56+s3+$0x0], $0xffff  }
0x2cd: {  	v10 =	vld.idx.msk [tilespmem:v56+s16+$0x0], $0xffff  }
0x2ce: {  	v11 =	vld.idx.msk [tilespmem:v56+s17+$0x0], $0xffff  }
0x2cf: {  	v12 =	vld.idx.msk [tilespmem:v56+s18+$0x0], $0xffff;
	_ =	sdelay $0x2  }
0x2d0: {  	v59 =	vld [tilespmem:$0x8F00];
	_ =	sdelay $0x1  }
0x2d1: {  	v60 =	vsub.f32 v11, v9;
	v61 =	vsub.f32 v12, v10  }
0x2d2: {  	[tilespmem:$0x8FF0] =	vst v9  }
0x2d3: {  	[tilespmem:$0x90F0] =	vst v10;
	v9 =	vmax.f32 v60, $0.0e+00;
	v10 =	vmax.f32 v61, $0.0e+00  }
0x2d4: {  	[tilespmem:$0x91F0] =	vst v11;
	v9 =	vmul.f32 v10, v9  }
0x2d5: {  	[tilespmem:$0x92F0] =	vst v12  }
0x2d6: {  	[tilespmem:$0x93F0] =	vst v9  }
0x2d7: {  	v9 =	vld.idx.msk [tilespmem:v59+s3+$0x0], $0xffff  }
0x2d8: {  	v10 =	vld.idx.msk [tilespmem:v59+s16+$0x0], $0xffff  }
0x2d9: {  	v11 =	vld.idx.msk [tilespmem:v59+s17+$0x0], $0xffff  }
0x2da: {  	v12 =	vld.idx.msk [tilespmem:v59+s18+$0x0], $0xffff;
	_ =	sdelay $0x4  }
0x2db: {  	v62 =	vsub.f32 v11, v9;
	v63 =	vsub.f32 v12, v10  }
.Ltmp21:
0x2dc: {  	[tilespmem:$0x9000] =	vst v9;
	(pc) =	sbr.rel .LBB2_24-.Ltmp21, $4  }
0x2dd: {  	[tilespmem:$0x9100] =	vst v10;
	v9 =	vmax.f32 v62, $0.0e+00;
	v10 =	vmax.f32 v63, $0.0e+00  }
0x2de: {  	[tilespmem:$0x9200] =	vst v11;
	v9 =	vmul.f32 v10, v9  }
0x2df: {  	[tilespmem:$0x9300] =	vst v12  }
0x2e0: {  	s30 =	simm.s32 $0x0;
	[tilespmem:$0x9400] =	vst v9  }
.LBB2_26:
0x2e1: {  	v15 =	vld [tilespmem:$0x8F40]  }
0x2e2: {  	v16 =	vld [tilespmem:$0x9040]  }
0x2e3: {  	v17 =	vld [tilespmem:$0x9140]  }
0x2e4: {  	v18 =	vld [tilespmem:$0x9240];
	_ =	sdelay $0x1  }
0x2e5: {  	v10 =	vbroadcast v10, $0xF;
	v11 =	vbroadcast v11, $0xF  }
0x2e6: {  	v12 =	vbroadcast v12, $0xF;
	v13 =	vbroadcast v13, $0xF  }
0x2e7: {  	v19 =	vld [tilespmem:$0x9340];
	v15 =	vmax.f32 v10, v15  }
0x2e8: {  	v16 =	vmax.f32 v11, v16;
	v17 =	vmin.f32 v12, v17;
	v18 =	vmin.f32 v13, v18  }
0x2e9: {  	v15 =	vsub.f32 v17, v15;
	v16 =	vsub.f32 v18, v16  }
0x2ea: {  	v14 =	vbroadcast v14, $0xF  }
0x2eb: {  	v15 =	vmax.f32 v15, $0.0e+00;
	v16 =	vmax.f32 v16, $0.0e+00  }
0x2ec: {  	v62 =	vadd.f32 v19, v14;
	v15 =	vmul.f32 v16, v15;
	_ =	sdelay $0x1  }
0x2ed: {  	v16 =	vsub.f32 v62, v15;
	_ =	sdelay $0x1  }
0x2ee: {  	v16 =	vadd.f32 $9.999999710e-10, v16;
	_ =	sdelay $0x1  }
0x2ef: {  	(erf) = vrcp.f32 v16;
	_ =	sdelay $0x8  }
0x2f0: {  	v63 =	vld [tilespmem:$0x9440];
	v16 =	vpop (erf)  }
0x2f1: {  	v15 =	vmul.f32 v16, v15;
	_ =	sdelay $0x1  }
0x2f2: {  	vm1 =	vlt.u32 v9, v0;
	vm0 =	vgt.f32 v15, $3.000000120e-01  }
0x2f3: {  	vm0 =	vmand vm1, vm0  }
0x2f4: {  	v15 =	vsel vm0, $0x0, v63  }
0x2f5: {  	[tilespmem:$0x9440] =	vst v15  }
.LBB2_29:
0x2f6: {  	v15 =	vld [tilespmem:$0x8F50]  }
0x2f7: {  	v16 =	vld [tilespmem:$0x9050]  }
0x2f8: {  	v17 =	vld [tilespmem:$0x9150]  }
0x2f9: {  	v18 =	vld [tilespmem:$0x9250];
	_ =	sdelay $0x3  }
0x2fa: {  	v19 =	vld [tilespmem:$0x9350];
	v15 =	vmax.f32 v10, v15  }
0x2fb: {  	v16 =	vmax.f32 v11, v16;
	v17 =	vmin.f32 v12, v17;
	v18 =	vmin.f32 v13, v18  }
0x2fc: {  	v15 =	vsub.f32 v17, v15;
	v16 =	vsub.f32 v18, v16;
	_ =	sdelay $0x1  }
0x2fd: {  	v15 =	vmax.f32 v15, $0.0e+00;
	v16 =	vmax.f32 v16, $0.0e+00  }
0x2fe: {  	v61 =	vadd.f32 v19, v14;
	v15 =	vmul.f32 v16, v15;
	_ =	sdelay $0x1  }
0x2ff: {  	v16 =	vsub.f32 v61, v15;
	_ =	sdelay $0x1  }
0x300: {  	v16 =	vadd.f32 $9.999999710e-10, v16;
	_ =	sdelay $0x1  }
0x301: {  	(erf) = vrcp.f32 v16;
	_ =	sdelay $0x8  }
0x302: {  	v62 =	vld [tilespmem:$0x9450];
	v16 =	vpop (erf)  }
0x303: {  	v15 =	vmul.f32 v16, v15  }
0x304: {  	v63 =	vor.u32 $0x10, v0  }
0x305: {  	vm1 =	vlt.u32 v9, v63;
	vm0 =	vgt.f32 v15, $3.000000120e-01  }
0x306: {  	vm0 =	vmand vm1, vm0  }
0x307: {  	v15 =	vsel vm0, $0x0, v62  }
0x308: {  	[tilespmem:$0x9450] =	vst v15  }
.LBB2_32:
0x309: {  	v15 =	vld [tilespmem:$0x8F60]  }
0x30a: {  	v16 =	vld [tilespmem:$0x9060]  }
0x30b: {  	v17 =	vld [tilespmem:$0x9160]  }
0x30c: {  	v18 =	vld [tilespmem:$0x9260];
	_ =	sdelay $0x3  }
0x30d: {  	v19 =	vld [tilespmem:$0x9360];
	v15 =	vmax.f32 v10, v15  }
0x30e: {  	v16 =	vmax.f32 v11, v16;
	v17 =	vmin.f32 v12, v17;
	v18 =	vmin.f32 v13, v18  }
0x30f: {  	v15 =	vsub.f32 v17, v15;
	v16 =	vsub.f32 v18, v16;
	_ =	sdelay $0x1  }
0x310: {  	v15 =	vmax.f32 v15, $0.0e+00;
	v16 =	vmax.f32 v16, $0.0e+00  }
0x311: {  	v61 =	vadd.f32 v19, v14;
	v15 =	vmul.f32 v16, v15;
	_ =	sdelay $0x1  }
0x312: {  	v16 =	vsub.f32 v61, v15;
	_ =	sdelay $0x1  }
0x313: {  	v16 =	vadd.f32 $9.999999710e-10, v16;
	_ =	sdelay $0x1  }
0x314: {  	(erf) = vrcp.f32 v16;
	_ =	sdelay $0x8  }
0x315: {  	v62 =	vld [tilespmem:$0x9460];
	v16 =	vpop (erf)  }
0x316: {  	v15 =	vmul.f32 v16, v15  }
0x317: {  	v63 =	vor.u32 $0x20, v0  }
0x318: {  	vm1 =	vlt.u32 v9, v63;
	vm0 =	vgt.f32 v15, $3.000000120e-01  }
0x319: {  	vm0 =	vmand vm1, vm0  }
0x31a: {  	v15 =	vsel vm0, $0x0, v62  }
0x31b: {  	[tilespmem:$0x9460] =	vst v15  }
.LBB2_35:
0x31c: {  	v15 =	vld [tilespmem:$0x8F70]  }
0x31d: {  	v16 =	vld [tilespmem:$0x9070]  }
0x31e: {  	v17 =	vld [tilespmem:$0x9170]  }
0x31f: {  	v18 =	vld [tilespmem:$0x9270];
	_ =	sdelay $0x3  }
0x320: {  	v19 =	vld [tilespmem:$0x9370];
	v15 =	vmax.f32 v10, v15  }
0x321: {  	v16 =	vmax.f32 v11, v16;
	v17 =	vmin.f32 v12, v17;
	v18 =	vmin.f32 v13, v18  }
0x322: {  	v15 =	vsub.f32 v17, v15;
	v16 =	vsub.f32 v18, v16;
	_ =	sdelay $0x1  }
0x323: {  	v15 =	vmax.f32 v15, $0.0e+00;
	v16 =	vmax.f32 v16, $0.0e+00  }
0x324: {  	v61 =	vadd.f32 v19, v14;
	v15 =	vmul.f32 v16, v15;
	_ =	sdelay $0x1  }
0x325: {  	v16 =	vsub.f32 v61, v15;
	_ =	sdelay $0x1  }
0x326: {  	v16 =	vadd.f32 $9.999999710e-10, v16;
	_ =	sdelay $0x1  }
0x327: {  	(erf) = vrcp.f32 v16;
	_ =	sdelay $0x8  }
0x328: {  	v62 =	vld [tilespmem:$0x9470];
	v16 =	vpop (erf)  }
0x329: {  	v15 =	vmul.f32 v16, v15  }
0x32a: {  	v63 =	vor.u32 $0x30, v0  }
0x32b: {  	vm1 =	vlt.u32 v9, v63;
	vm0 =	vgt.f32 v15, $3.000000120e-01  }
0x32c: {  	vm0 =	vmand vm1, vm0  }
0x32d: {  	v15 =	vsel vm0, $0x0, v62  }
0x32e: {  	[tilespmem:$0x9470] =	vst v15  }
.LBB2_38:
0x32f: {  	v15 =	vld [tilespmem:$0x8F80]  }
0x330: {  	v16 =	vld [tilespmem:$0x9080]  }
0x331: {  	v17 =	vld [tilespmem:$0x9180]  }
0x332: {  	v18 =	vld [tilespmem:$0x9280];
	_ =	sdelay $0x3  }
0x333: {  	v19 =	vld [tilespmem:$0x9380];
	v15 =	vmax.f32 v10, v15  }
0x334: {  	v16 =	vmax.f32 v11, v16;
	v17 =	vmin.f32 v12, v17;
	v18 =	vmin.f32 v13, v18  }
0x335: {  	v15 =	vsub.f32 v17, v15;
	v16 =	vsub.f32 v18, v16;
	_ =	sdelay $0x1  }
0x336: {  	v15 =	vmax.f32 v15, $0.0e+00;
	v16 =	vmax.f32 v16, $0.0e+00  }
0x337: {  	v61 =	vadd.f32 v19, v14;
	v15 =	vmul.f32 v16, v15;
	_ =	sdelay $0x1  }
0x338: {  	v16 =	vsub.f32 v61, v15;
	_ =	sdelay $0x1  }
0x339: {  	v16 =	vadd.f32 $9.999999710e-10, v16;
	_ =	sdelay $0x1  }
0x33a: {  	(erf) = vrcp.f32 v16;
	_ =	sdelay $0x8  }
0x33b: {  	v62 =	vld [tilespmem:$0x9480];
	v16 =	vpop (erf)  }
0x33c: {  	v15 =	vmul.f32 v16, v15  }
0x33d: {  	v63 =	vor.u32 $0x40, v0  }
0x33e: {  	vm1 =	vlt.u32 v9, v63;
	vm0 =	vgt.f32 v15, $3.000000120e-01  }
0x33f: {  	vm0 =	vmand vm1, vm0  }
0x340: {  	v15 =	vsel vm0, $0x0, v62  }
0x341: {  	[tilespmem:$0x9480] =	vst v15  }
.LBB2_41:
0x342: {  	v15 =	vld [tilespmem:$0x8F90]  }
0x343: {  	v16 =	vld [tilespmem:$0x9090]  }
0x344: {  	v17 =	vld [tilespmem:$0x9190]  }
0x345: {  	v18 =	vld [tilespmem:$0x9290];
	_ =	sdelay $0x3  }
0x346: {  	v19 =	vld [tilespmem:$0x9390];
	v15 =	vmax.f32 v10, v15  }
0x347: {  	v16 =	vmax.f32 v11, v16;
	v17 =	vmin.f32 v12, v17;
	v18 =	vmin.f32 v13, v18  }
0x348: {  	v15 =	vsub.f32 v17, v15;
	v16 =	vsub.f32 v18, v16;
	_ =	sdelay $0x1  }
0x349: {  	v15 =	vmax.f32 v15, $0.0e+00;
	v16 =	vmax.f32 v16, $0.0e+00  }
0x34a: {  	v61 =	vadd.f32 v19, v14;
	v15 =	vmul.f32 v16, v15;
	_ =	sdelay $0x1  }
0x34b: {  	v16 =	vsub.f32 v61, v15;
	_ =	sdelay $0x1  }
0x34c: {  	v16 =	vadd.f32 $9.999999710e-10, v16;
	_ =	sdelay $0x1  }
0x34d: {  	(erf) = vrcp.f32 v16;
	_ =	sdelay $0x8  }
0x34e: {  	v62 =	vld [tilespmem:$0x9490];
	v16 =	vpop (erf)  }
0x34f: {  	v15 =	vmul.f32 v16, v15  }
0x350: {  	v63 =	vor.u32 $0x50, v0  }
0x351: {  	vm1 =	vlt.u32 v9, v63;
	vm0 =	vgt.f32 v15, $3.000000120e-01  }
0x352: {  	vm0 =	vmand vm1, vm0  }
0x353: {  	v15 =	vsel vm0, $0x0, v62  }
0x354: {  	[tilespmem:$0x9490] =	vst v15  }
.LBB2_44:
0x355: {  	v15 =	vld [tilespmem:$0x8FA0]  }
0x356: {  	v16 =	vld [tilespmem:$0x90A0]  }
0x357: {  	v17 =	vld [tilespmem:$0x91A0]  }
0x358: {  	v18 =	vld [tilespmem:$0x92A0];
	_ =	sdelay $0x3  }
0x359: {  	v19 =	vld [tilespmem:$0x93A0];
	v15 =	vmax.f32 v10, v15  }
0x35a: {  	v16 =	vmax.f32 v11, v16;
	v17 =	vmin.f32 v12, v17;
	v18 =	vmin.f32 v13, v18  }
0x35b: {  	v15 =	vsub.f32 v17, v15;
	v16 =	vsub.f32 v18, v16;
	_ =	sdelay $0x1  }
0x35c: {  	v15 =	vmax.f32 v15, $0.0e+00;
	v16 =	vmax.f32 v16, $0.0e+00  }
0x35d: {  	v61 =	vadd.f32 v19, v14;
	v15 =	vmul.f32 v16, v15;
	_ =	sdelay $0x1  }
0x35e: {  	v16 =	vsub.f32 v61, v15;
	_ =	sdelay $0x1  }
0x35f: {  	v16 =	vadd.f32 $9.999999710e-10, v16;
	_ =	sdelay $0x1  }
0x360: {  	(erf) = vrcp.f32 v16;
	_ =	sdelay $0x8  }
0x361: {  	v62 =	vld [tilespmem:$0x94A0];
	v16 =	vpop (erf)  }
0x362: {  	v15 =	vmul.f32 v16, v15  }
0x363: {  	v63 =	vor.u32 $0x60, v0  }
0x364: {  	vm1 =	vlt.u32 v9, v63;
	vm0 =	vgt.f32 v15, $3.000000120e-01  }
0x365: {  	vm0 =	vmand vm1, vm0  }
0x366: {  	v15 =	vsel vm0, $0x0, v62  }
0x367: {  	[tilespmem:$0x94A0] =	vst v15  }
.LBB2_47:
0x368: {  	v15 =	vld [tilespmem:$0x8FB0]  }
0x369: {  	v16 =	vld [tilespmem:$0x90B0]  }
0x36a: {  	v17 =	vld [tilespmem:$0x91B0]  }
0x36b: {  	v18 =	vld [tilespmem:$0x92B0];
	_ =	sdelay $0x3  }
0x36c: {  	v19 =	vld [tilespmem:$0x93B0];
	v15 =	vmax.f32 v10, v15  }
0x36d: {  	v16 =	vmax.f32 v11, v16;
	v17 =	vmin.f32 v12, v17;
	v18 =	vmin.f32 v13, v18  }
0x36e: {  	v15 =	vsub.f32 v17, v15;
	v16 =	vsub.f32 v18, v16;
	_ =	sdelay $0x1  }
0x36f: {  	v15 =	vmax.f32 v15, $0.0e+00;
	v16 =	vmax.f32 v16, $0.0e+00  }
0x370: {  	v61 =	vadd.f32 v19, v14;
	v15 =	vmul.f32 v16, v15;
	_ =	sdelay $0x1  }
0x371: {  	v16 =	vsub.f32 v61, v15;
	_ =	sdelay $0x1  }
0x372: {  	v16 =	vadd.f32 $9.999999710e-10, v16;
	_ =	sdelay $0x1  }
0x373: {  	(erf) = vrcp.f32 v16;
	_ =	sdelay $0x8  }
0x374: {  	v62 =	vld [tilespmem:$0x94B0];
	v16 =	vpop (erf)  }
0x375: {  	v15 =	vmul.f32 v16, v15  }
0x376: {  	v63 =	vor.u32 $0x70, v0  }
0x377: {  	vm1 =	vlt.u32 v9, v63;
	vm0 =	vgt.f32 v15, $3.000000120e-01  }
0x378: {  	vm0 =	vmand vm1, vm0  }
0x379: {  	v15 =	vsel vm0, $0x0, v62  }
0x37a: {  	[tilespmem:$0x94B0] =	vst v15  }
.LBB2_50:
0x37b: {  	v15 =	vld [tilespmem:$0x8FC0]  }
0x37c: {  	v16 =	vld [tilespmem:$0x90C0]  }
0x37d: {  	v17 =	vld [tilespmem:$0x91C0]  }
0x37e: {  	v18 =	vld [tilespmem:$0x92C0];
	_ =	sdelay $0x3  }
0x37f: {  	v19 =	vld [tilespmem:$0x93C0];
	v15 =	vmax.f32 v10, v15  }
0x380: {  	v16 =	vmax.f32 v11, v16;
	v17 =	vmin.f32 v12, v17;
	v18 =	vmin.f32 v13, v18  }
0x381: {  	v15 =	vsub.f32 v17, v15;
	v16 =	vsub.f32 v18, v16;
	_ =	sdelay $0x1  }
0x382: {  	v15 =	vmax.f32 v15, $0.0e+00;
	v16 =	vmax.f32 v16, $0.0e+00  }
0x383: {  	v61 =	vadd.f32 v19, v14;
	v15 =	vmul.f32 v16, v15;
	_ =	sdelay $0x1  }
0x384: {  	v16 =	vsub.f32 v61, v15;
	_ =	sdelay $0x1  }
0x385: {  	v16 =	vadd.f32 $9.999999710e-10, v16;
	_ =	sdelay $0x1  }
0x386: {  	(erf) = vrcp.f32 v16;
	_ =	sdelay $0x8  }
0x387: {  	v62 =	vld [tilespmem:$0x94C0];
	v16 =	vpop (erf)  }
0x388: {  	v15 =	vmul.f32 v16, v15  }
0x389: {  	v63 =	vor.u32 $0x80, v0  }
0x38a: {  	vm1 =	vlt.u32 v9, v63;
	vm0 =	vgt.f32 v15, $3.000000120e-01  }
0x38b: {  	vm0 =	vmand vm1, vm0  }
0x38c: {  	v15 =	vsel vm0, $0x0, v62  }
0x38d: {  	[tilespmem:$0x94C0] =	vst v15  }
.LBB2_53:
0x38e: {  	v15 =	vld [tilespmem:$0x8FD0]  }
0x38f: {  	v16 =	vld [tilespmem:$0x90D0]  }
0x390: {  	v17 =	vld [tilespmem:$0x91D0]  }
0x391: {  	v18 =	vld [tilespmem:$0x92D0];
	_ =	sdelay $0x3  }
0x392: {  	v19 =	vld [tilespmem:$0x93D0];
	v15 =	vmax.f32 v10, v15  }
0x393: {  	v16 =	vmax.f32 v11, v16;
	v17 =	vmin.f32 v12, v17;
	v18 =	vmin.f32 v13, v18  }
0x394: {  	v15 =	vsub.f32 v17, v15;
	v16 =	vsub.f32 v18, v16;
	_ =	sdelay $0x1  }
0x395: {  	v15 =	vmax.f32 v15, $0.0e+00;
	v16 =	vmax.f32 v16, $0.0e+00  }
0x396: {  	v61 =	vadd.f32 v19, v14;
	v15 =	vmul.f32 v16, v15;
	_ =	sdelay $0x1  }
0x397: {  	v16 =	vsub.f32 v61, v15;
	_ =	sdelay $0x1  }
0x398: {  	v16 =	vadd.f32 $9.999999710e-10, v16;
	_ =	sdelay $0x1  }
0x399: {  	(erf) = vrcp.f32 v16;
	_ =	sdelay $0x8  }
0x39a: {  	v62 =	vld [tilespmem:$0x94D0];
	v16 =	vpop (erf)  }
0x39b: {  	v15 =	vmul.f32 v16, v15  }
0x39c: {  	v63 =	vor.u32 $0x90, v0  }
0x39d: {  	vm1 =	vlt.u32 v9, v63;
	vm0 =	vgt.f32 v15, $3.000000120e-01  }
0x39e: {  	vm0 =	vmand vm1, vm0  }
0x39f: {  	v15 =	vsel vm0, $0x0, v62  }
0x3a0: {  	[tilespmem:$0x94D0] =	vst v15  }
.LBB2_56:
0x3a1: {  	v15 =	vld [tilespmem:$0x8FE0]  }
0x3a2: {  	v16 =	vld [tilespmem:$0x90E0]  }
0x3a3: {  	v17 =	vld [tilespmem:$0x91E0]  }
0x3a4: {  	v18 =	vld [tilespmem:$0x92E0];
	_ =	sdelay $0x3  }
0x3a5: {  	v19 =	vld [tilespmem:$0x93E0];
	v15 =	vmax.f32 v10, v15  }
0x3a6: {  	v16 =	vmax.f32 v11, v16;
	v17 =	vmin.f32 v12, v17;
	v18 =	vmin.f32 v13, v18  }
0x3a7: {  	v15 =	vsub.f32 v17, v15;
	v16 =	vsub.f32 v18, v16;
	_ =	sdelay $0x1  }
0x3a8: {  	v15 =	vmax.f32 v15, $0.0e+00;
	v16 =	vmax.f32 v16, $0.0e+00  }
0x3a9: {  	v61 =	vadd.f32 v19, v14;
	v15 =	vmul.f32 v16, v15;
	_ =	sdelay $0x1  }
0x3aa: {  	v16 =	vsub.f32 v61, v15;
	_ =	sdelay $0x1  }
0x3ab: {  	v16 =	vadd.f32 $9.999999710e-10, v16;
	_ =	sdelay $0x1  }
0x3ac: {  	(erf) = vrcp.f32 v16;
	_ =	sdelay $0x8  }
0x3ad: {  	v62 =	vld [tilespmem:$0x94E0];
	v16 =	vpop (erf)  }
0x3ae: {  	v15 =	vmul.f32 v16, v15  }
0x3af: {  	v63 =	vor.u32 $0xA0, v0  }
0x3b0: {  	vm1 =	vlt.u32 v9, v63;
	vm0 =	vgt.f32 v15, $3.000000120e-01  }
0x3b1: {  	vm0 =	vmand vm1, vm0  }
0x3b2: {  	v15 =	vsel vm0, $0x0, v62  }
0x3b3: {  	[tilespmem:$0x94E0] =	vst v15  }
.LBB2_58:
0x3b4: {  	v15 =	vld [tilespmem:$0x8FF0]  }
0x3b5: {  	v16 =	vld [tilespmem:$0x90F0]  }
0x3b6: {  	v17 =	vld [tilespmem:$0x91F0]  }
0x3b7: {  	v18 =	vld [tilespmem:$0x92F0];
	_ =	sdelay $0x3  }
0x3b8: {  	v19 =	vld [tilespmem:$0x93F0];
	v15 =	vmax.f32 v10, v15  }
0x3b9: {  	v16 =	vmax.f32 v11, v16;
	v17 =	vmin.f32 v12, v17;
	v18 =	vmin.f32 v13, v18  }
0x3ba: {  	v15 =	vsub.f32 v17, v15;
	v16 =	vsub.f32 v18, v16;
	_ =	sdelay $0x1  }
0x3bb: {  	v15 =	vmax.f32 v15, $0.0e+00;
	v16 =	vmax.f32 v16, $0.0e+00  }
0x3bc: {  	v61 =	vadd.f32 v19, v14;
	v15 =	vmul.f32 v16, v15;
	_ =	sdelay $0x1  }
0x3bd: {  	v16 =	vsub.f32 v61, v15;
	_ =	sdelay $0x1  }
0x3be: {  	v16 =	vadd.f32 $9.999999710e-10, v16;
	_ =	sdelay $0x1  }
0x3bf: {  	(erf) = vrcp.f32 v16;
	_ =	sdelay $0x8  }
0x3c0: {  	v62 =	vld [tilespmem:$0x94F0];
	v16 =	vpop (erf)  }
0x3c1: {  	v15 =	vmul.f32 v16, v15  }
0x3c2: {  	v63 =	vor.u32 $0xB0, v0  }
0x3c3: {  	vm1 =	vlt.u32 v9, v63;
	vm0 =	vgt.f32 v15, $3.000000120e-01  }
0x3c4: {  	vm0 =	vmand vm1, vm0  }
0x3c5: {  	v15 =	vsel vm0, $0x0, v62  }
0x3c6: {  	[tilespmem:$0x94F0] =	vst v15  }
.LBB2_59:
0x3c7: {  	v15 =	vld [tilespmem:$0x9000]  }
0x3c8: {  	v16 =	vld [tilespmem:$0x9100]  }
0x3c9: {  	v17 =	vld [tilespmem:$0x9200]  }
0x3ca: {  	v18 =	vld [tilespmem:$0x9300];
	_ =	sdelay $0x3  }
0x3cb: {  	v62 =	vld [tilespmem:$0x9400];
	v10 =	vmax.f32 v10, v15  }
0x3cc: {  	v11 =	vmax.f32 v11, v16;
	v12 =	vmin.f32 v12, v17;
	v13 =	vmin.f32 v13, v18  }
0x3cd: {  	v10 =	vsub.f32 v12, v10;
	v11 =	vsub.f32 v13, v11;
	_ =	sdelay $0x1  }
0x3ce: {  	v10 =	vmax.f32 v10, $0.0e+00;
	v11 =	vmax.f32 v11, $0.0e+00  }
0x3cf: {  	v10 =	vmul.f32 v11, v10;
	v11 =	vadd.f32 v62, v14;
	_ =	sdelay $0x1  }
0x3d0: {  	v11 =	vsub.f32 v11, v10;
	_ =	sdelay $0x1  }
0x3d1: {  	v11 =	vadd.f32 $9.999999710e-10, v11;
	_ =	sdelay $0x1  }
0x3d2: {  	(erf) = vrcp.f32 v11;
	_ =	sdelay $0x8  }
0x3d3: {  	v63 =	vld [tilespmem:$0x9500];
	v11 =	vpop (erf)  }
0x3d4: {  	v10 =	vmul.f32 v11, v10  }
0x3d5: {  	v11 =	vor.u32 $0xC0, v0  }
0x3d6: {  	vm1 =	vlt.u32 v9, v11;
	vm0 =	vgt.f32 v10, $3.000000120e-01  }
0x3d7: {  	vm0 =	vmand vm1, vm0  }
0x3d8: {  	v9 =	vsel vm0, $0x0, v63  }
0x3d9: {  	[tilespmem:$0x9500] =	vst v9  }
.LBB2_60:
0x3da: {  	s30 =	sadd.s32 $0x1, s30  }
0x3db: {  	p0 =	sne.s32 s30, $0xC8  }
.Ltmp22:
0x3dc: {  	_ = 	snop;
	(pc) =	sbr.rel @!p0 .LBB2_61-.Ltmp22, $1  }
0x3dd: {  	_ =	sdelay $0x3  }
.LBB2_24:
0x3de: {  	v9 =	vmov s30;
	_ =	sdelay $0x4  }
0x3df: {  	v10 =	vld.idx.msk [tilespmem:v9+s22+$0x0], $0xffff;
	_ =	sdelay $0x4  }
0x3e0: {  	(xrf0) =	vmax.scan.msk.f32 $0xffff, v10;
	_ =	sdelay $0x5  }
0x3e1: {  	v10, _, _ =	vpop (xrf0)  }
0x3e2: {  	(v2sf) =	vpush v10, $0xF;
	_ =	sdelay $0xe  }
0x3e3: {  	s0 =	spop (v2sf)  }
0x3e4: {  	p0 =	sgt.f32 s0, $5.000000000e-01  }
.Ltmp23:
0x3e5: {  	_ = 	snop;
	(pc) =	sbr.rel @!p0 .LBB2_60-.Ltmp23, $1  }
0x3e6: {  	_ =	sdelay $0x3  }
0x3e7: {  	_ =	sdelay $0x3  }
0x3e8: {  	v10 =	vld.idx.msk [tilespmem:v9+s23+$0x0], $0xffff  }
0x3e9: {  	v11 =	vld.idx.msk [tilespmem:v9+s24+$0x0], $0xffff  }
0x3ea: {  	v12 =	vld.idx.msk [tilespmem:v9+s25+$0x0], $0xffff  }
0x3eb: {  	v13 =	vld.idx.msk [tilespmem:v9+s26+$0x0], $0xffff  }
0x3ec: {  	v14 =	vld.idx.msk [tilespmem:v9+s28+$0x0], $0xffff  }
0x3ed: {  	(xrf0) =	vmax.scan.msk.f32 $0xffff, v10  }
0x3ee: {  	(xrf0) =	vmax.scan.msk.f32 $0xffff, v11  }
0x3ef: {  	(xrf0) =	vmax.scan.msk.f32 $0xffff, v12  }
0x3f0: {  	(xrf0) =	vmax.scan.msk.f32 $0xffff, v13  }
0x3f1: {  	(xrf0) =	vmax.scan.msk.f32 $0xffff, v14  }
0x3f2: {  	p0 =	sgt.u32 s30, $0xF  }
.Ltmp24:
0x3f3: {  	v10, _, _ =	vpop (xrf0);
	(pc) =	sbr.rel @!p0 .LBB2_26-.Ltmp24, $4  }
0x3f4: {  	v11, _, _ =	vpop (xrf0)  }
0x3f5: {  	v12, _, _ =	vpop (xrf0)  }
0x3f6: {  	v13, _, _ =	vpop (xrf0)  }
0x3f7: {  	v14, _, _ =	vpop (xrf0)  }
0x3f8: {  	p0 =	sgt.u32 s30, $0x1F  }
.Ltmp25:
0x3f9: {  	_ = 	snop;
	(pc) =	sbr.rel @p0 .LBB2_30-.Ltmp25, $3  }
0x3fa: {  	_ =	sdelay $0x1  }
0x3fb: {  	v10 =	vbroadcast v10, $0xF  }
0x3fc: {  	v11 =	vbroadcast v11, $0xF;
	v12 =	vbroadcast v12, $0xF  }
.Ltmp26:
0x3fd: {  	(pc) =	sbr.rel .LBB2_29-.Ltmp26, $2  }
0x3fe: {  	_ =	sdelay $0x2  }
0x3ff: {  	v13 =	vbroadcast v13, $0xF;
	v14 =	vbroadcast v14, $0xF  }
.LBB2_30:
0x400: {  	p0 =	sgt.u32 s30, $0x2F  }
.Ltmp27:
0x401: {  	_ = 	snop;
	(pc) =	sbr.rel @p0 .LBB2_33-.Ltmp27, $1  }
0x402: {  	_ =	sdelay $0x3  }
.Ltmp28:
0x403: {  	(pc) =	sbr.rel .LBB2_32-.Ltmp28, $2  }
0x404: {  	_ =	sdelay $0x2  }
0x405: {  	v13 =	vbroadcast v13, $0xF;
	v14 =	vbroadcast v14, $0xF  }
.LBB2_33:
0x406: {  	p0 =	sgt.u32 s30, $0x3F  }
.Ltmp29:
0x407: {  	_ = 	snop;
	(pc) =	sbr.rel @p0 .LBB2_36-.Ltmp29, $1  }
0x408: {  	_ =	sdelay $0x3  }
.Ltmp30:
0x409: {  	(pc) =	sbr.rel .LBB2_35-.Ltmp30, $2  }
0x40a: {  	_ =	sdelay $0x2  }
0x40b: {  	v13 =	vbroadcast v13, $0xF;
	v14 =	vbroadcast v14, $0xF  }
.LBB2_36:
0x40c: {  	p0 =	sgt.u32 s30, $0x4F  }
.Ltmp31:
0x40d: {  	_ = 	snop;
	(pc) =	sbr.rel @p0 .LBB2_39-.Ltmp31, $1  }
0x40e: {  	_ =	sdelay $0x3  }
.Ltmp32:
0x40f: {  	(pc) =	sbr.rel .LBB2_38-.Ltmp32, $2  }
0x410: {  	_ =	sdelay $0x2  }
0x411: {  	v13 =	vbroadcast v13, $0xF;
	v14 =	vbroadcast v14, $0xF  }
.LBB2_39:
0x412: {  	p0 =	sgt.u32 s30, $0x5F  }
.Ltmp33:
0x413: {  	_ = 	snop;
	(pc) =	sbr.rel @p0 .LBB2_42-.Ltmp33, $1  }
0x414: {  	_ =	sdelay $0x3  }
.Ltmp34:
0x415: {  	(pc) =	sbr.rel .LBB2_41-.Ltmp34, $2  }
0x416: {  	_ =	sdelay $0x2  }
0x417: {  	v13 =	vbroadcast v13, $0xF;
	v14 =	vbroadcast v14, $0xF  }
.LBB2_42:
0x418: {  	p0 =	sgt.u32 s30, $0x6F  }
.Ltmp35:
0x419: {  	_ = 	snop;
	(pc) =	sbr.rel @p0 .LBB2_45-.Ltmp35, $1  }
0x41a: {  	_ =	sdelay $0x3  }
.Ltmp36:
0x41b: {  	(pc) =	sbr.rel .LBB2_44-.Ltmp36, $2  }
0x41c: {  	_ =	sdelay $0x2  }
0x41d: {  	v13 =	vbroadcast v13, $0xF;
	v14 =	vbroadcast v14, $0xF  }
.LBB2_45:
0x41e: {  	p0 =	sgt.u32 s30, $0x7F  }
.Ltmp37:
0x41f: {  	_ = 	snop;
	(pc) =	sbr.rel @p0 .LBB2_48-.Ltmp37, $1  }
0x420: {  	_ =	sdelay $0x3  }
.Ltmp38:
0x421: {  	(pc) =	sbr.rel .LBB2_47-.Ltmp38, $2  }
0x422: {  	_ =	sdelay $0x2  }
0x423: {  	v13 =	vbroadcast v13, $0xF;
	v14 =	vbroadcast v14, $0xF  }
.LBB2_48:
0x424: {  	p0 =	sgt.u32 s30, $0x8F  }
.Ltmp39:
0x425: {  	_ = 	snop;
	(pc) =	sbr.rel @p0 .LBB2_51-.Ltmp39, $1  }
0x426: {  	_ =	sdelay $0x3  }
.Ltmp40:
0x427: {  	(pc) =	sbr.rel .LBB2_50-.Ltmp40, $2  }
0x428: {  	_ =	sdelay $0x2  }
0x429: {  	v13 =	vbroadcast v13, $0xF;
	v14 =	vbroadcast v14, $0xF  }
.LBB2_51:
0x42a: {  	p0 =	sgt.u32 s30, $0x9F  }
.Ltmp41:
0x42b: {  	_ = 	snop;
	(pc) =	sbr.rel @p0 .LBB2_54-.Ltmp41, $1  }
0x42c: {  	_ =	sdelay $0x3  }
.Ltmp42:
0x42d: {  	(pc) =	sbr.rel .LBB2_53-.Ltmp42, $2  }
0x42e: {  	_ =	sdelay $0x2  }
0x42f: {  	v13 =	vbroadcast v13, $0xF;
	v14 =	vbroadcast v14, $0xF  }
.LBB2_54:
0x430: {  	p0 =	sgt.u32 s30, $0xAF  }
.Ltmp43:
0x431: {  	_ = 	snop;
	(pc) =	sbr.rel @p0 .LBB2_57-.Ltmp43, $1  }
0x432: {  	_ =	sdelay $0x3  }
.Ltmp44:
0x433: {  	(pc) =	sbr.rel .LBB2_56-.Ltmp44, $2  }
0x434: {  	_ =	sdelay $0x2  }
0x435: {  	v13 =	vbroadcast v13, $0xF;
	v14 =	vbroadcast v14, $0xF  }
.LBB2_57:
0x436: {  	p0 =	sgt.u32 s30, $0xBF  }
.Ltmp45:
0x437: {  	_ = 	snop;
	(pc) =	sbr.rel @p0 .LBB2_59-.Ltmp45, $4  }
.Ltmp46:
0x438: {  	_ = 	snop;
	(pc) =	sbr.rel @!p0 .LBB2_58-.Ltmp46, $4  }
0x439: {  	_ = 	snop  }
0x43a: {  	_ = 	snop  }
0x43b: {  	v13 =	vbroadcast v13, $0xF;
	v14 =	vbroadcast v14, $0xF  }
0x43c: {  	_ = 	snop  }
.LBB2_62:
0x43d: {  	_ =	sfence.sel $0x180000  }
0x43e: {  	[bflag:$0x0] =	sbarrier.arrive $0xFFFF  }
0x43f: {  	_ =	strace $0x90000047  }
0x440: {  	s0 =	stileid.u32;
	[bflag:$0x2] =	sbarrier.arrive $0xFFFF  }
0x441: {  	p0 =	sne.s32 s0, $0x0;
	s0 =	rddreg [dreg:$0x2]  }
0x442: {  	s0 =	sadd.s32 @!p0 $0x100000, s0  }
0x443: {  	[sflag:s0] =	ssyncadd.tile.s32 @!p0 $0x1;
	_ =	shalt  }
.Lfunc_end2:
_tile_overlayer_lowered:
.L_overlay_start_2:
0x444: {  	(tag) =	ssettag $0x2  }
0x445: {  	s0 =	rddreg [dreg:$0x0];
	s2 =	stileid.u32  }
0x446: {  	s1 =	rddreg [dreg:$0x1];
	p0 =	sne.s32 s2, $0x0  }
0x447: {  	s3 =	rddreg [dreg:$0x2];
	[bflag:$0x3] =	sbarrier.arrive $0xFFFF;
	s2 =	simm.s32 @!p0 $0x1C01  }
0x448: {  	[timem:s3], [sflag:s2] =	dma.local @!p0 [hbm:s0], s1  }
0x449: {  	s0 =	simm.s32 @!p0 $0x1  }
0x44a: {  	_ =	swait.ge @!p0 [sflag:s0], s1  }
0x44b: {  	s1 =	ssub.s32 @!p0 $0x0, s1;
	[sflag:s0] =	ssyncset.done @!p0 $0x0  }
0x44c: {  	[sflag:s0] =	ssyncadd.s32 @!p0 s1  }
0x44d: {  	[bflag:$0x3] =	sbarrier.arrive $0xFFFF  }
0x44e: {  	_ =	shalt  }

</sc_bundles>
